<compile_context>
chip_gen: v7x
topology: tpu7x:2x2x1
jax: 0.10.2.dev20260603
libtpu: 0.0.44.dev20260713+nightly
codegen_flags: <defaults>
</compile_context>

<pallas_src>
import functools

import jax
import jax.numpy as jnp
from jax import lax
from jax.experimental import pallas as pl
from jax.experimental.pallas import tpu as pltpu
from jax.experimental.pallas import tpu_sc as plsc

WORD_DIM = 128
NER_DIM_1 = 32
NER_DIM_2 = 16
NER_SIZE_1 = 64
NER_SIZE_2 = 32
NER_DIM = NER_DIM_1 + NER_DIM_2
OUT_DIM = WORD_DIM + NER_DIM
BATCH = 4096
SEQ = 200
CH0 = 96
CH1 = 104

NUM_CORES = 2
NUM_SUBCORES = 16
NW = NUM_CORES * NUM_SUBCORES
B_PER_W = BATCH // NW


@functools.partial(
    pl.kernel,
    out_type=jax.ShapeDtypeStruct((BATCH, SEQ, OUT_DIM), jnp.float32),
    mesh=plsc.VectorSubcoreMesh(
        core_axis_name="c",
        subcore_axis_name="s",
        num_cores=NUM_CORES,
        num_subcores=NUM_SUBCORES,
    ),
    compiler_params=pltpu.CompilerParams(use_tc_tiling_on_sc=True,
                                         needs_layout_passes=False),
    scratch_types=[
        pltpu.VMEM((SEQ,), jnp.int32),
        pltpu.VMEM((SEQ,), jnp.int32),
        pltpu.VMEM((208,), jnp.int32),
        pltpu.VMEM((208,), jnp.int32),
        pltpu.VMEM((NER_SIZE_1, NER_DIM_1), jnp.float32),
        pltpu.VMEM((NER_SIZE_2, NER_DIM_2), jnp.float32),
        pltpu.VMEM((2, 2, CH1, WORD_DIM), jnp.float32),
        pltpu.VMEM((2, 2, 112, NER_DIM), jnp.float32),
        pltpu.SemaphoreType.DMA((2,)),
        pltpu.SemaphoreType.DMA((2, 2)),
        pltpu.SemaphoreType.DMA((2, 2)),
    ],
)
def _emb_kernel(docs, nidx, wmat, nmat1, nmat2, out,
                idx_w0, idx_w1, idx_n0, idx_n1, t1, t2, buf_w, buf_n,
                isem, gsem, wsem):
    wid = lax.axis_index("s") * NUM_CORES + lax.axis_index("c")
    seq0 = wid * B_PER_W

    def idx_descs(b, par):
        iw = idx_w1 if par else idx_w0
        inr = idx_n1 if par else idx_n0
        return (
            pltpu.make_async_copy(docs.at[pl.ds(b * SEQ, SEQ)], iw,
                                  isem.at[par]),
            pltpu.make_async_copy(nidx.at[pl.ds(b * SEQ, SEQ)],
                                  inr.at[pl.ds(0, SEQ)], isem.at[par]),
        )

    def word_gather_desc(par, j):
        iw = idx_w1 if par else idx_w0
        if j == 0:
            return pltpu.make_async_copy(
                wmat.at[iw.at[pl.ds(0, CH0)]],
                buf_w.at[par, 0, pl.ds(0, CH0)], gsem.at[par, 0])
        return pltpu.make_async_copy(
            wmat.at[iw.at[pl.ds(CH0, CH1)]], buf_w.at[par, 1],
            gsem.at[par, 1])

    def write_descs(b, par, j):
        if j == 0:
            rows = pl.ds(0, CH0)
            sw, sn = buf_w.at[par, 0, rows], buf_n.at[par, 0, rows]
        else:
            rows = pl.ds(CH0, CH1)
            sw, sn = buf_w.at[par, 1], buf_n.at[par, 1, pl.ds(0, CH1)]
        return (
            pltpu.make_async_copy(
                sw, out.at[b, rows, pl.ds(0, WORD_DIM)], wsem.at[par, j]),
            pltpu.make_async_copy(
                sn, out.at[b, rows, pl.ds(WORD_DIM, NER_DIM)],
                wsem.at[par, j]),
        )

    lanes = lax.iota(jnp.int32, 16)

    def ner_fill(par, j):
        inr = idx_n1 if par else idx_n0
        if j == 0:
            g_lo, g_hi = 0, 6
        else:
            g_lo, g_hi = 6, 13

        @pl.loop(g_lo, g_hi)
        def _(g):
            fused = lax.bitwise_and(inr[pl.ds(g * 16, 16)], 2047)
            n1 = lax.shift_right_logical(fused, 5)
            n2 = lax.bitwise_and(fused, 31)
            row = g * 16 - j * CH0 + lanes
            for c in range(NER_DIM_1):
                rc = lax.bitwise_and(lanes + c, NER_DIM_1 - 1)
                v = plsc.load_gather(t1, [n1, rc])
                plsc.store_scatter(buf_n.at[par, j], [row, rc], v)
            for c in range(NER_DIM_2):
                rc = lax.bitwise_and(lanes + c, NER_DIM_2 - 1)
                v = plsc.load_gather(t2, [n2, rc])
                plsc.store_scatter(buf_n.at[par, j], [row, rc + NER_DIM_1],
                                   v)

    pltpu.sync_copy(nmat1, t1)
    pltpu.sync_copy(nmat2, t2)
    for d in idx_descs(seq0, 0):
        d.start()

    @pl.loop(0, B_PER_W // 2)
    def _(s2):
        for par in range(2):
            b = seq0 + 2 * s2 + par

            @pl.when(b + 1 < seq0 + B_PER_W)
            def _():
                for d in idx_descs(b + 1, 1 - par):
                    d.start()

            for d in idx_descs(b, par):
                d.wait()
            for j in range(2):
                @pl.when(b >= seq0 + 2)
                def _():
                    for d in write_descs(b, par, j):
                        d.wait()

                word_gather_desc(par, j).start()
                ner_fill(par, j)
            for j in range(2):
                word_gather_desc(par, j).wait()
                for d in write_descs(b, par, j):
                    d.start()

    for par in range(2):
        for j in range(2):
            for d in write_descs(seq0 + B_PER_W - 2 + par, par, j):
                d.wait()


def kernel(input_docs, ner_docs_1, ner_docs_2, word_emb_mat, ner_mat_1, ner_mat_2):
    docs = input_docs.reshape(BATCH * SEQ).astype(jnp.int32)
    nidx = (ner_docs_1.astype(jnp.int32) * NER_SIZE_2
            + ner_docs_2.astype(jnp.int32)).reshape(BATCH * SEQ)
    return _emb_kernel(docs, nidx, word_emb_mat, ner_mat_1, ner_mat_2)

# --- scband reference (transcript-rebuilt; emitter-appended) ---
"""Pipeline reference for scband-embedding-layer-69638599737530 (READ-ONLY COPY).

The authoritative reference and input builder live on the scoring server;
editing this copy changes nothing except your own understanding.
"""

import jax, jax.numpy as jnp
import numpy as np

VOCAB = 100000
WORD_DIM = 128
NER_SIZE_1 = 64
NER_DIM_1 = 32
NER_SIZE_2 = 32
NER_DIM_2 = 16
BATCH = 4096
SEQ = 200


def setup_inputs(seed: int = 0) -> dict:
    key = jax.random.key(seed)
    k1, k2, k3, k4, k5, k6 = jax.random.split(key, 6)
    input_docs = jax.random.randint(k1, (BATCH, SEQ), 0, VOCAB, dtype=jnp.int64 if jax.config.jax_enable_x64 else jnp.int32)
    ner_docs_1 = jax.random.randint(k2, (BATCH, SEQ), 0, NER_SIZE_1, dtype=jnp.int32)
    ner_docs_2 = jax.random.randint(k3, (BATCH, SEQ), 0, NER_SIZE_2, dtype=jnp.int32)
    word_emb_mat = jax.random.normal(k4, (VOCAB, WORD_DIM), dtype=jnp.float32) * 0.02
    # xavier_uniform-like init for NER tables
    lim1 = float(np.sqrt(6.0 / (NER_SIZE_1 + NER_DIM_1)))
    ner_mat_1 = jax.random.uniform(k5, (NER_SIZE_1, NER_DIM_1), dtype=jnp.float32, minval=-lim1, maxval=lim1)
    lim2 = float(np.sqrt(6.0 / (NER_SIZE_2 + NER_DIM_2)))
    ner_mat_2 = jax.random.uniform(k6, (NER_SIZE_2, NER_DIM_2), dtype=jnp.float32, minval=-lim2, maxval=lim2)
    return {
        "input_docs": input_docs,
        "ner_docs_1": ner_docs_1,
        "ner_docs_2": ner_docs_2,
        "word_emb_mat": word_emb_mat,
        "ner_mat_1": ner_mat_1,
        "ner_mat_2": ner_mat_2,
    }


def reference(input_docs, ner_docs_1, ner_docs_2, word_emb_mat, ner_mat_1, ner_mat_2):
    # word embedding lookup
    embedding_tmp = jnp.take(word_emb_mat, input_docs, axis=0)
    # NER embedding 1 lookup + concat
    emb_ner1_tmp = jnp.take(ner_mat_1, ner_docs_1, axis=0)
    embedding_tmp = jnp.concatenate((embedding_tmp, emb_ner1_tmp), axis=-1)
    # NER embedding 2 lookup + concat
    emb_ner2_tmp = jnp.take(ner_mat_2, ner_docs_2, axis=0)
    embedding_tmp = jnp.concatenate((embedding_tmp, emb_ner2_tmp), axis=-1)
    return embedding_tmp

if __name__ == "__main__":
    import jax
    _d = setup_inputs()
    print(jax.jit(kernel)(*tuple(_d.values())))

</pallas_src>

<mosaic_0001>
#map = affine_map<(d0, d1) -> (0)>
#map1 = affine_map<(d0, d1) -> (0, 0)>
#map2 = affine_map<(d0, d1) -> (0, 0, 0)>
module attributes {stable_mosaic.version = 14 : i64} {
  func.func @_emb_kernel(%arg0: i32, %arg1: i32, %arg2: memref<819200xi32, #tpu.memory_space<hbm>>, %arg3: memref<819200xi32, #tpu.memory_space<hbm>>, %arg4: memref<100000x128xf32, #tpu.memory_space<hbm>>, %arg5: memref<64x32xf32, #tpu.memory_space<hbm>>, %arg6: memref<32x16xf32, #tpu.memory_space<hbm>>, %arg7: memref<4096x200x176xf32, #tpu.memory_space<hbm>>, %arg8: memref<200xi32, #tpu.memory_space<vmem>>, %arg9: memref<200xi32, #tpu.memory_space<vmem>>, %arg10: memref<208xi32, #tpu.memory_space<vmem>>, %arg11: memref<208xi32, #tpu.memory_space<vmem>>, %arg12: memref<64x32xf32, #tpu.memory_space<vmem>>, %arg13: memref<32x16xf32, #tpu.memory_space<vmem>>, %arg14: memref<2x2x104x128xf32, #tpu.memory_space<vmem>>, %arg15: memref<2x2x112x48xf32, #tpu.memory_space<vmem>>, %arg16: memref<2x!tpu.dma_semaphore, #tpu.memory_space<semaphore_mem>>, %arg17: memref<2x2x!tpu.dma_semaphore, #tpu.memory_space<semaphore_mem>>, %arg18: memref<2x2x!tpu.dma_semaphore, #tpu.memory_space<semaphore_mem>>) attributes {dimension_semantics = [#tpu.dimension_semantics<core_parallel>, #tpu.dimension_semantics<subcore_parallel>], iteration_bounds = array<i64: 2, 16>, scalar_prefetch = 0 : i64, scratch_operands = 11 : i64, tpu.core_type = #tpu.core_type<sc_vector_subcore>, window_params = [{transform_indices = #map}, {transform_indices = #map}, {transform_indices = #map1}, {transform_indices = #map1}, {transform_indices = #map1}, {transform_indices = #map2}]} {
    %mul3A = arith.constant 2 : i32
    %mul3A_0 = arith.muli %arg1, %mul3A : i32
    %add3A = arith.addi %mul3A_0, %arg0 : i32
    %mul3A_1 = arith.constant 128 : i32
    %mul3A_2 = arith.muli %add3A, %mul3A_1 : i32
    %iota3A = tpu.iota {dimensions = array<i32: 0>} : vector<16xi32>
    "tpu.region"() ({
      %run_scoped3A = tpu.sem_alloc : memref<!tpu.dma_semaphore, #tpu.memory_space<semaphore_mem>>
      tpu.enqueue_dma source(%arg5 : memref<64x32xf32, #tpu.memory_space<hbm>>) target(%arg12 : memref<64x32xf32, #tpu.memory_space<vmem>>) target_semaphore(%run_scoped3A : memref<!tpu.dma_semaphore, #tpu.memory_space<semaphore_mem>>)
      tpu.wait_dma2 semaphore(%run_scoped3A : memref<!tpu.dma_semaphore, #tpu.memory_space<semaphore_mem>>) src(%arg5 : memref<64x32xf32, #tpu.memory_space<hbm>>) dst(%arg12 : memref<64x32xf32, #tpu.memory_space<vmem>>)
      tpu.yield
    }) : () -> ()
    "tpu.region"() ({
      %run_scoped3A = tpu.sem_alloc : memref<!tpu.dma_semaphore, #tpu.memory_space<semaphore_mem>>
      tpu.enqueue_dma source(%arg6 : memref<32x16xf32, #tpu.memory_space<hbm>>) target(%arg13 : memref<32x16xf32, #tpu.memory_space<vmem>>) target_semaphore(%run_scoped3A : memref<!tpu.dma_semaphore, #tpu.memory_space<semaphore_mem>>)
      tpu.wait_dma2 semaphore(%run_scoped3A : memref<!tpu.dma_semaphore, #tpu.memory_space<semaphore_mem>>) src(%arg6 : memref<32x16xf32, #tpu.memory_space<hbm>>) dst(%arg13 : memref<32x16xf32, #tpu.memory_space<vmem>>)
      tpu.yield
    }) : () -> ()
    %mul3A_3 = arith.constant 200 : i32
    %mul3A_4 = arith.muli %mul3A_2, %mul3A_3 : i32
    %mul3A_5 = arith.constant 200 : i32
    %mul3A_6 = arith.muli %mul3A_2, %mul3A_5 : i32
    %dma_start3A = arith.constant 0 : i32
    %dma_start3A_7 = tpu.memref_slice %arg2[%mul3A_4] : memref<819200xi32, #tpu.memory_space<hbm>> -> memref<200xi32, #tpu.memory_space<hbm>>
    %dma_start3A_8 = tpu.memref_slice %arg16[%dma_start3A] : memref<2x!tpu.dma_semaphore, #tpu.memory_space<semaphore_mem>> -> memref<1x!tpu.dma_semaphore, #tpu.memory_space<semaphore_mem>>
    %dma_start3A_9 = tpu.memref_squeeze %dma_start3A_8 : memref<1x!tpu.dma_semaphore, #tpu.memory_space<semaphore_mem>> -> memref<!tpu.dma_semaphore, #tpu.memory_space<semaphore_mem>>
    %dma_start3A_10 = tpu.memref_slice %arg2[%mul3A_4] : memref<819200xi32, #tpu.memory_space<hbm>> -> memref<200xi32, #tpu.memory_space<hbm>>
    tpu.enqueue_dma source(%dma_start3A_10 : memref<200xi32, #tpu.memory_space<hbm>>) target(%arg8 : memref<200xi32, #tpu.memory_space<vmem>>) target_semaphore(%dma_start3A_9 : memref<!tpu.dma_semaphore, #tpu.memory_space<semaphore_mem>>)
    %dma_start3A_11 = arith.constant 0 : i32
    %dma_start3A_12 = arith.constant 0 : i32
    %dma_start3A_13 = tpu.memref_slice %arg10[%dma_start3A_12] : memref<208xi32, #tpu.memory_space<vmem>> -> memref<200xi32, #tpu.memory_space<vmem>>
    %dma_start3A_14 = tpu.memref_slice %arg3[%mul3A_6] : memref<819200xi32, #tpu.memory_space<hbm>> -> memref<200xi32, #tpu.memory_space<hbm>>
    %dma_start3A_15 = tpu.memref_slice %arg16[%dma_start3A_11] : memref<2x!tpu.dma_semaphore, #tpu.memory_space<semaphore_mem>> -> memref<1x!tpu.dma_semaphore, #tpu.memory_space<semaphore_mem>>
    %dma_start3A_16 = tpu.memref_squeeze %dma_start3A_15 : memref<1x!tpu.dma_semaphore, #tpu.memory_space<semaphore_mem>> -> memref<!tpu.dma_semaphore, #tpu.memory_space<semaphore_mem>>
    %dma_start3A_17 = arith.constant 0 : i32
    %dma_start3A_18 = tpu.memref_slice %arg10[%dma_start3A_17] : memref<208xi32, #tpu.memory_space<vmem>> -> memref<200xi32, #tpu.memory_space<vmem>>
    %dma_start3A_19 = tpu.memref_slice %arg3[%mul3A_6] : memref<819200xi32, #tpu.memory_space<hbm>> -> memref<200xi32, #tpu.memory_space<hbm>>
    tpu.enqueue_dma source(%dma_start3A_19 : memref<200xi32, #tpu.memory_space<hbm>>) target(%dma_start3A_18 : memref<200xi32, #tpu.memory_space<vmem>>) target_semaphore(%dma_start3A_16 : memref<!tpu.dma_semaphore, #tpu.memory_space<semaphore_mem>>)
    %scan3A = arith.constant 0 : i32
    %scan3A_20 = arith.constant 64 : i32
    %scan3A_21 = arith.addi %scan3A, %scan3A_20 : i32
    %scan3A_22 = arith.constant 1 : i32
    scf.for %scan3A_222 = %scan3A to %scan3A_21 step %scan3A_22  : i32 {
      %mul3A_223 = arith.constant 1 : i32
      %mul3A_224 = arith.muli %scan3A_222, %mul3A_223 : i32
      %add3A_225 = arith.constant 0 : i32
      %add3A_226 = arith.addi %add3A_225, %mul3A_224 : i32
      %mul3A_227 = arith.constant 2 : i32
      %mul3A_228 = arith.muli %mul3A_227, %add3A_226 : i32
      %add3A_229 = arith.addi %mul3A_2, %mul3A_228 : i32
      %add3A_230 = arith.constant 0 : i32
      %add3A_231 = arith.addi %add3A_229, %add3A_230 : i32
      %add3A_232 = arith.constant 1 : i32
      %add3A_233 = arith.addi %add3A_231, %add3A_232 : i32
      %add3A_234 = arith.constant 128 : i32
      %add3A_235 = arith.addi %mul3A_2, %add3A_234 : i32
      %lt3A = arith.cmpi slt, %add3A_233, %add3A_235 : i32
      %convert_element_type3A = arith.extui %lt3A : i1 to i32
      %cond3A = arith.constant 0 : i32
      %cond3A_236 = arith.cmpi ne, %convert_element_type3A, %cond3A : i32
      scf.if %cond3A_236 {
        %add3A_625 = arith.constant 1 : i32
        %add3A_626 = arith.addi %add3A_231, %add3A_625 : i32
        %mul3A_627 = arith.constant 200 : i32
        %mul3A_628 = arith.muli %add3A_626, %mul3A_627 : i32
        %mul3A_629 = arith.constant 200 : i32
        %mul3A_630 = arith.muli %add3A_626, %mul3A_629 : i32
        %dma_start3A_631 = arith.constant 1 : i32
        %dma_start3A_632 = tpu.memref_slice %arg2[%mul3A_628] : memref<819200xi32, #tpu.memory_space<hbm>> -> memref<200xi32, #tpu.memory_space<hbm>>
        %dma_start3A_633 = tpu.memref_slice %arg16[%dma_start3A_631] : memref<2x!tpu.dma_semaphore, #tpu.memory_space<semaphore_mem>> -> memref<1x!tpu.dma_semaphore, #tpu.memory_space<semaphore_mem>>
        %dma_start3A_634 = tpu.memref_squeeze %dma_start3A_633 : memref<1x!tpu.dma_semaphore, #tpu.memory_space<semaphore_mem>> -> memref<!tpu.dma_semaphore, #tpu.memory_space<semaphore_mem>>
        %dma_start3A_635 = tpu.memref_slice %arg2[%mul3A_628] : memref<819200xi32, #tpu.memory_space<hbm>> -> memref<200xi32, #tpu.memory_space<hbm>>
        tpu.enqueue_dma source(%dma_start3A_635 : memref<200xi32, #tpu.memory_space<hbm>>) target(%arg9 : memref<200xi32, #tpu.memory_space<vmem>>) target_semaphore(%dma_start3A_634 : memref<!tpu.dma_semaphore, #tpu.memory_space<semaphore_mem>>)
        %dma_start3A_636 = arith.constant 1 : i32
        %dma_start3A_637 = arith.constant 0 : i32
        %dma_start3A_638 = tpu.memref_slice %arg11[%dma_start3A_637] : memref<208xi32, #tpu.memory_space<vmem>> -> memref<200xi32, #tpu.memory_space<vmem>>
        %dma_start3A_639 = tpu.memref_slice %arg3[%mul3A_630] : memref<819200xi32, #tpu.memory_space<hbm>> -> memref<200xi32, #tpu.memory_space<hbm>>
        %dma_start3A_640 = tpu.memref_slice %arg16[%dma_start3A_636] : memref<2x!tpu.dma_semaphore, #tpu.memory_space<semaphore_mem>> -> memref<1x!tpu.dma_semaphore, #tpu.memory_space<semaphore_mem>>
        %dma_start3A_641 = tpu.memref_squeeze %dma_start3A_640 : memref<1x!tpu.dma_semaphore, #tpu.memory_space<semaphore_mem>> -> memref<!tpu.dma_semaphore, #tpu.memory_space<semaphore_mem>>
        %dma_start3A_642 = arith.constant 0 : i32
        %dma_start3A_643 = tpu.memref_slice %arg11[%dma_start3A_642] : memref<208xi32, #tpu.memory_space<vmem>> -> memref<200xi32, #tpu.memory_space<vmem>>
        %dma_start3A_644 = tpu.memref_slice %arg3[%mul3A_630] : memref<819200xi32, #tpu.memory_space<hbm>> -> memref<200xi32, #tpu.memory_space<hbm>>
        tpu.enqueue_dma source(%dma_start3A_644 : memref<200xi32, #tpu.memory_space<hbm>>) target(%dma_start3A_643 : memref<200xi32, #tpu.memory_space<vmem>>) target_semaphore(%dma_start3A_641 : memref<!tpu.dma_semaphore, #tpu.memory_space<semaphore_mem>>)
      } else {
      }
      %mul3A_237 = arith.constant 200 : i32
      %mul3A_238 = arith.muli %add3A_231, %mul3A_237 : i32
      %mul3A_239 = arith.constant 200 : i32
      %mul3A_240 = arith.muli %add3A_231, %mul3A_239 : i32
      %dma_wait3A_241 = arith.constant 0 : i32
      %dma_wait3A_242 = tpu.memref_slice %arg2[%mul3A_238] : memref<819200xi32, #tpu.memory_space<hbm>> -> memref<200xi32, #tpu.memory_space<hbm>>
      %dma_wait3A_243 = tpu.memref_slice %arg16[%dma_wait3A_241] : memref<2x!tpu.dma_semaphore, #tpu.memory_space<semaphore_mem>> -> memref<1x!tpu.dma_semaphore, #tpu.memory_space<semaphore_mem>>
      %dma_wait3A_244 = tpu.memref_squeeze %dma_wait3A_243 : memref<1x!tpu.dma_semaphore, #tpu.memory_space<semaphore_mem>> -> memref<!tpu.dma_semaphore, #tpu.memory_space<semaphore_mem>>
      %dma_wait3A_245 = tpu.memref_slice %arg2[%mul3A_238] : memref<819200xi32, #tpu.memory_space<hbm>> -> memref<200xi32, #tpu.memory_space<hbm>>
      tpu.wait_dma2 semaphore(%dma_wait3A_244 : memref<!tpu.dma_semaphore, #tpu.memory_space<semaphore_mem>>) src(%dma_wait3A_245 : memref<200xi32, #tpu.memory_space<hbm>>) dst(%arg8 : memref<200xi32, #tpu.memory_space<vmem>>)
      %dma_wait3A_246 = arith.constant 0 : i32
      %dma_wait3A_247 = arith.constant 0 : i32
      %dma_wait3A_248 = tpu.memref_slice %arg10[%dma_wait3A_247] : memref<208xi32, #tpu.memory_space<vmem>> -> memref<200xi32, #tpu.memory_space<vmem>>
      %dma_wait3A_249 = tpu.memref_slice %arg3[%mul3A_240] : memref<819200xi32, #tpu.memory_space<hbm>> -> memref<200xi32, #tpu.memory_space<hbm>>
      %dma_wait3A_250 = tpu.memref_slice %arg16[%dma_wait3A_246] : memref<2x!tpu.dma_semaphore, #tpu.memory_space<semaphore_mem>> -> memref<1x!tpu.dma_semaphore, #tpu.memory_space<semaphore_mem>>
      %dma_wait3A_251 = tpu.memref_squeeze %dma_wait3A_250 : memref<1x!tpu.dma_semaphore, #tpu.memory_space<semaphore_mem>> -> memref<!tpu.dma_semaphore, #tpu.memory_space<semaphore_mem>>
      %dma_wait3A_252 = arith.constant 0 : i32
      %dma_wait3A_253 = tpu.memref_slice %arg10[%dma_wait3A_252] : memref<208xi32, #tpu.memory_space<vmem>> -> memref<200xi32, #tpu.memory_space<vmem>>
      %dma_wait3A_254 = tpu.memref_slice %arg3[%mul3A_240] : memref<819200xi32, #tpu.memory_space<hbm>> -> memref<200xi32, #tpu.memory_space<hbm>>
      tpu.wait_dma2 semaphore(%dma_wait3A_251 : memref<!tpu.dma_semaphore, #tpu.memory_space<semaphore_mem>>) src(%dma_wait3A_254 : memref<200xi32, #tpu.memory_space<hbm>>) dst(%dma_wait3A_253 : memref<200xi32, #tpu.memory_space<vmem>>)
      %add3A_255 = arith.constant 2 : i32
      %add3A_256 = arith.addi %mul3A_2, %add3A_255 : i32
      %ge3A = arith.cmpi sge, %add3A_231, %add3A_256 : i32
      %convert_element_type3A_257 = arith.extui %ge3A : i1 to i32
      %cond3A_258 = arith.constant 0 : i32
      %cond3A_259 = arith.cmpi ne, %convert_element_type3A_257, %cond3A_258 : i32
      scf.if %cond3A_259 {
        %dma_wait3A_625 = arith.constant 0 : i32
        %dma_wait3A_626 = arith.constant 0 : i32
        %dma_wait3A_627 = arith.constant 0 : i32
        %dma_wait3A_628 = arith.constant 0 : i32
        %dma_wait3A_629 = arith.constant 0 : i32
        %dma_wait3A_630 = arith.constant 0 : i32
        %dma_wait3A_631 = tpu.memref_slice %arg14[%dma_wait3A_625, %dma_wait3A_626, %dma_wait3A_629, %dma_wait3A_630] : memref<2x2x104x128xf32, #tpu.memory_space<vmem>> -> memref<1x1x96x128xf32, #tpu.memory_space<vmem>>
        %dma_wait3A_632 = tpu.memref_squeeze %dma_wait3A_631 : memref<1x1x96x128xf32, #tpu.memory_space<vmem>> -> memref<96x128xf32, #tpu.memory_space<vmem>>
        %dma_wait3A_633 = arith.constant 0 : i32
        %dma_wait3A_634 = arith.constant 0 : i32
        %dma_wait3A_635 = tpu.memref_slice %arg7[%add3A_231, %dma_wait3A_633, %dma_wait3A_634] : memref<4096x200x176xf32, #tpu.memory_space<hbm>> -> memref<1x96x128xf32, #tpu.memory_space<hbm>>
        %dma_wait3A_636 = tpu.memref_squeeze %dma_wait3A_635 : memref<1x96x128xf32, #tpu.memory_space<hbm>> -> memref<96x128xf32, #tpu.memory_space<hbm>>
        %dma_wait3A_637 = tpu.memref_slice %arg18[%dma_wait3A_627, %dma_wait3A_628] : memref<2x2x!tpu.dma_semaphore, #tpu.memory_space<semaphore_mem>> -> memref<1x1x!tpu.dma_semaphore, #tpu.memory_space<semaphore_mem>>
        %dma_wait3A_638 = tpu.memref_squeeze %dma_wait3A_637 : memref<1x1x!tpu.dma_semaphore, #tpu.memory_space<semaphore_mem>> -> memref<!tpu.dma_semaphore, #tpu.memory_space<semaphore_mem>>
        %dma_wait3A_639 = arith.constant 0 : i32
        %dma_wait3A_640 = arith.constant 0 : i32
        %dma_wait3A_641 = tpu.memref_slice %arg7[%add3A_231, %dma_wait3A_639, %dma_wait3A_640] : memref<4096x200x176xf32, #tpu.memory_space<hbm>> -> memref<1x96x128xf32, #tpu.memory_space<hbm>>
        %dma_wait3A_642 = tpu.memref_squeeze %dma_wait3A_641 : memref<1x96x128xf32, #tpu.memory_space<hbm>> -> memref<96x128xf32, #tpu.memory_space<hbm>>
        %dma_wait3A_643 = arith.constant 0 : i32
        %dma_wait3A_644 = arith.constant 0 : i32
        %dma_wait3A_645 = tpu.memref_slice %arg14[%dma_wait3A_625, %dma_wait3A_626, %dma_wait3A_643, %dma_wait3A_644] : memref<2x2x104x128xf32, #tpu.memory_space<vmem>> -> memref<1x1x96x128xf32, #tpu.memory_space<vmem>>
        %dma_wait3A_646 = tpu.memref_squeeze %dma_wait3A_645 : memref<1x1x96x128xf32, #tpu.memory_space<vmem>> -> memref<96x128xf32, #tpu.memory_space<vmem>>
        tpu.wait_dma2 semaphore(%dma_wait3A_638 : memref<!tpu.dma_semaphore, #tpu.memory_space<semaphore_mem>>) src(%dma_wait3A_646 : memref<96x128xf32, #tpu.memory_space<vmem>>) dst(%dma_wait3A_642 : memref<96x128xf32, #tpu.memory_space<hbm>>)
        %dma_wait3A_647 = arith.constant 0 : i32
        %dma_wait3A_648 = arith.constant 0 : i32
        %dma_wait3A_649 = arith.constant 0 : i32
        %dma_wait3A_650 = arith.constant 0 : i32
        %dma_wait3A_651 = arith.constant 0 : i32
        %dma_wait3A_652 = arith.constant 0 : i32
        %dma_wait3A_653 = tpu.memref_slice %arg15[%dma_wait3A_647, %dma_wait3A_648, %dma_wait3A_651, %dma_wait3A_652] : memref<2x2x112x48xf32, #tpu.memory_space<vmem>> -> memref<1x1x96x48xf32, #tpu.memory_space<vmem>>
        %dma_wait3A_654 = tpu.memref_squeeze %dma_wait3A_653 : memref<1x1x96x48xf32, #tpu.memory_space<vmem>> -> memref<96x48xf32, #tpu.memory_space<vmem>>
        %dma_wait3A_655 = arith.constant 0 : i32
        %dma_wait3A_656 = arith.constant 128 : i32
        %dma_wait3A_657 = tpu.memref_slice %arg7[%add3A_231, %dma_wait3A_655, %dma_wait3A_656] : memref<4096x200x176xf32, #tpu.memory_space<hbm>> -> memref<1x96x48xf32, #tpu.memory_space<hbm>>
        %dma_wait3A_658 = tpu.memref_squeeze %dma_wait3A_657 : memref<1x96x48xf32, #tpu.memory_space<hbm>> -> memref<96x48xf32, #tpu.memory_space<hbm>>
        %dma_wait3A_659 = tpu.memref_slice %arg18[%dma_wait3A_649, %dma_wait3A_650] : memref<2x2x!tpu.dma_semaphore, #tpu.memory_space<semaphore_mem>> -> memref<1x1x!tpu.dma_semaphore, #tpu.memory_space<semaphore_mem>>
        %dma_wait3A_660 = tpu.memref_squeeze %dma_wait3A_659 : memref<1x1x!tpu.dma_semaphore, #tpu.memory_space<semaphore_mem>> -> memref<!tpu.dma_semaphore, #tpu.memory_space<semaphore_mem>>
        %dma_wait3A_661 = arith.constant 0 : i32
        %dma_wait3A_662 = arith.constant 128 : i32
        %dma_wait3A_663 = tpu.memref_slice %arg7[%add3A_231, %dma_wait3A_661, %dma_wait3A_662] : memref<4096x200x176xf32, #tpu.memory_space<hbm>> -> memref<1x96x48xf32, #tpu.memory_space<hbm>>
        %dma_wait3A_664 = tpu.memref_squeeze %dma_wait3A_663 : memref<1x96x48xf32, #tpu.memory_space<hbm>> -> memref<96x48xf32, #tpu.memory_space<hbm>>
        %dma_wait3A_665 = arith.constant 0 : i32
        %dma_wait3A_666 = arith.constant 0 : i32
        %dma_wait3A_667 = tpu.memref_slice %arg15[%dma_wait3A_647, %dma_wait3A_648, %dma_wait3A_665, %dma_wait3A_666] : memref<2x2x112x48xf32, #tpu.memory_space<vmem>> -> memref<1x1x96x48xf32, #tpu.memory_space<vmem>>
        %dma_wait3A_668 = tpu.memref_squeeze %dma_wait3A_667 : memref<1x1x96x48xf32, #tpu.memory_space<vmem>> -> memref<96x48xf32, #tpu.memory_space<vmem>>
        tpu.wait_dma2 semaphore(%dma_wait3A_660 : memref<!tpu.dma_semaphore, #tpu.memory_space<semaphore_mem>>) src(%dma_wait3A_668 : memref<96x48xf32, #tpu.memory_space<vmem>>) dst(%dma_wait3A_664 : memref<96x48xf32, #tpu.memory_space<hbm>>)
      } else {
      }
      %dma_start3A_260 = arith.constant 0 : i32
      %dma_start3A_261 = arith.constant 0 : i32
      %dma_start3A_262 = arith.constant 0 : i32
      %dma_start3A_263 = arith.constant 0 : i32
      %dma_start3A_264 = arith.constant 0 : i32
      %dma_start3A_265 = arith.constant 0 : i32
      %dma_start3A_266 = tpu.memref_slice %arg14[%dma_start3A_260, %dma_start3A_261, %dma_start3A_264, %dma_start3A_265] : memref<2x2x104x128xf32, #tpu.memory_space<vmem>> -> memref<1x1x96x128xf32, #tpu.memory_space<vmem>>
      %dma_start3A_267 = tpu.memref_squeeze %dma_start3A_266 : memref<1x1x96x128xf32, #tpu.memory_space<vmem>> -> memref<96x128xf32, #tpu.memory_space<vmem>>
      %dma_start3A_268 = arith.constant 0 : i32
      %dma_start3A_269 = tpu.memref_slice %arg8[%dma_start3A_268] : memref<200xi32, #tpu.memory_space<vmem>> -> memref<96xi32, #tpu.memory_space<vmem>>
      %dma_start3A_270 = arith.constant 0 : i32
      %dma_start3A_271 = arith.constant 0 : i32
      %dma_start3A_272 = tpu.memref_slice %arg4[%dma_start3A_270, %dma_start3A_271] : memref<100000x128xf32, #tpu.memory_space<hbm>> -> memref<100000x128xf32, #tpu.memory_space<hbm>>
      %dma_start3A_273 = tpu.memref_slice %arg17[%dma_start3A_262, %dma_start3A_263] : memref<2x2x!tpu.dma_semaphore, #tpu.memory_space<semaphore_mem>> -> memref<1x1x!tpu.dma_semaphore, #tpu.memory_space<semaphore_mem>>
      %dma_start3A_274 = tpu.memref_squeeze %dma_start3A_273 : memref<1x1x!tpu.dma_semaphore, #tpu.memory_space<semaphore_mem>> -> memref<!tpu.dma_semaphore, #tpu.memory_space<semaphore_mem>>
      tpu.enqueue_indirect_dma source(%dma_start3A_272 : memref<100000x128xf32, #tpu.memory_space<hbm>>) target(%dma_start3A_267 : memref<96x128xf32, #tpu.memory_space<vmem>>) offsets(%dma_start3A_269 : memref<96xi32, #tpu.memory_space<vmem>>) semaphore(%dma_start3A_274 : memref<!tpu.dma_semaphore, #tpu.memory_space<semaphore_mem>>)
      %scan3A_275 = arith.constant 0 : i32
      %scan3A_276 = arith.constant 6 : i32
      %scan3A_277 = arith.addi %scan3A_275, %scan3A_276 : i32
      %scan3A_278 = arith.constant 1 : i32
      scf.for %scan3A_625 = %scan3A_275 to %scan3A_277 step %scan3A_278  : i32 {
        %mul3A_626 = arith.constant 1 : i32
        %mul3A_627 = arith.muli %scan3A_625, %mul3A_626 : i32
        %add3A_628 = arith.constant 0 : i32
        %add3A_629 = arith.addi %add3A_628, %mul3A_627 : i32
        %mul3A_630 = arith.constant 16 : i32
        %mul3A_631 = arith.muli %add3A_629, %mul3A_630 : i32
        %get3A = arith.index_cast %mul3A_631 : i32 to index
        %get3A_632 = tpu.vector_load %arg10[%get3A] {strides = array<i32>} : memref<208xi32, #tpu.memory_space<vmem>>, vector<16xi32>,
        %and3A = arith.constant 2047 : i32
        %and3A_633 = vector.broadcast %and3A : i32 to vector<16xi32>
        %and3A_634 = arith.andi %get3A_632, %and3A_633 : vector<16xi32>
        %shift_right_logical3A = arith.constant 5 : i32
        %shift_right_logical3A_635 = vector.broadcast %shift_right_logical3A : i32 to vector<16xi32>
        %shift_right_logical3A_636 = arith.shrui %and3A_634, %shift_right_logical3A_635 : vector<16xi32>
        %and3A_637 = arith.constant 31 : i32
        %and3A_638 = vector.broadcast %and3A_637 : i32 to vector<16xi32>
        %and3A_639 = arith.andi %and3A_634, %and3A_638 : vector<16xi32>
        %mul3A_640 = arith.constant 16 : i32
        %mul3A_641 = arith.muli %add3A_629, %mul3A_640 : i32
        %sub3A_642 = arith.constant 0 : i32
        %sub3A_643 = arith.subi %mul3A_641, %sub3A_642 : i32
        %add3A_644 = vector.broadcast %sub3A_643 : i32 to vector<16xi32>
        %add3A_645 = arith.addi %add3A_644, %iota3A : vector<16xi32>
        %add3A_646 = arith.constant 0 : i32
        %add3A_647 = vector.broadcast %add3A_646 : i32 to vector<16xi32>
        %add3A_648 = arith.addi %iota3A, %add3A_647 : vector<16xi32>
        %and3A_649 = arith.constant 31 : i32
        %and3A_650 = vector.broadcast %and3A_649 : i32 to vector<16xi32>
        %and3A_651 = arith.andi %add3A_648, %and3A_650 : vector<16xi32>
        %gather3A = tpu.vector_load_idx %arg12[%shift_right_logical3A_636, %and3A_651] : memref<64x32xf32, #tpu.memory_space<vmem>>[vector<16xi32>, vector<16xi32>], vector<16xf32>,
        %scatter3A = arith.constant 0 : i32
        %scatter3A_652 = arith.constant 0 : i32
        %scatter3A_653 = arith.constant 0 : i32
        %scatter3A_654 = arith.constant 0 : i32
        %scatter3A_655 = tpu.memref_slice %arg15[%scatter3A, %scatter3A_652, %scatter3A_653, %scatter3A_654] : memref<2x2x112x48xf32, #tpu.memory_space<vmem>> -> memref<1x1x112x48xf32, #tpu.memory_space<vmem>>
        %scatter3A_656 = tpu.memref_squeeze %scatter3A_655 : memref<1x1x112x48xf32, #tpu.memory_space<vmem>> -> memref<112x48xf32, #tpu.memory_space<vmem>>
        tpu.vector_store_idx %scatter3A_656[%add3A_645, %and3A_651], %gather3A : memref<112x48xf32, #tpu.memory_space<vmem>>[vector<16xi32>, vector<16xi32>], vector<16xf32>,
        %add3A_657 = arith.constant 1 : i32
        %add3A_658 = vector.broadcast %add3A_657 : i32 to vector<16xi32>
        %add3A_659 = arith.addi %iota3A, %add3A_658 : vector<16xi32>
        %and3A_660 = arith.constant 31 : i32
        %and3A_661 = vector.broadcast %and3A_660 : i32 to vector<16xi32>
        %and3A_662 = arith.andi %add3A_659, %and3A_661 : vector<16xi32>
        %gather3A_663 = tpu.vector_load_idx %arg12[%shift_right_logical3A_636, %and3A_662] : memref<64x32xf32, #tpu.memory_space<vmem>>[vector<16xi32>, vector<16xi32>], vector<16xf32>,
        %scatter3A_664 = arith.constant 0 : i32
        %scatter3A_665 = arith.constant 0 : i32
        %scatter3A_666 = arith.constant 0 : i32
        %scatter3A_667 = arith.constant 0 : i32
        %scatter3A_668 = tpu.memref_slice %arg15[%scatter3A_664, %scatter3A_665, %scatter3A_666, %scatter3A_667] : memref<2x2x112x48xf32, #tpu.memory_space<vmem>> -> memref<1x1x112x48xf32, #tpu.memory_space<vmem>>
        %scatter3A_669 = tpu.memref_squeeze %scatter3A_668 : memref<1x1x112x48xf32, #tpu.memory_space<vmem>> -> memref<112x48xf32, #tpu.memory_space<vmem>>
        tpu.vector_store_idx %scatter3A_669[%add3A_645, %and3A_662], %gather3A_663 : memref<112x48xf32, #tpu.memory_space<vmem>>[vector<16xi32>, vector<16xi32>], vector<16xf32>,
        %add3A_670 = arith.constant 2 : i32
        %add3A_671 = vector.broadcast %add3A_670 : i32 to vector<16xi32>
        %add3A_672 = arith.addi %iota3A, %add3A_671 : vector<16xi32>
        %and3A_673 = arith.constant 31 : i32
        %and3A_674 = vector.broadcast %and3A_673 : i32 to vector<16xi32>
        %and3A_675 = arith.andi %add3A_672, %and3A_674 : vector<16xi32>
        %gather3A_676 = tpu.vector_load_idx %arg12[%shift_right_logical3A_636, %and3A_675] : memref<64x32xf32, #tpu.memory_space<vmem>>[vector<16xi32>, vector<16xi32>], vector<16xf32>,
        %scatter3A_677 = arith.constant 0 : i32
        %scatter3A_678 = arith.constant 0 : i32
        %scatter3A_679 = arith.constant 0 : i32
        %scatter3A_680 = arith.constant 0 : i32
        %scatter3A_681 = tpu.memref_slice %arg15[%scatter3A_677, %scatter3A_678, %scatter3A_679, %scatter3A_680] : memref<2x2x112x48xf32, #tpu.memory_space<vmem>> -> memref<1x1x112x48xf32, #tpu.memory_space<vmem>>
        %scatter3A_682 = tpu.memref_squeeze %scatter3A_681 : memref<1x1x112x48xf32, #tpu.memory_space<vmem>> -> memref<112x48xf32, #tpu.memory_space<vmem>>
        tpu.vector_store_idx %scatter3A_682[%add3A_645, %and3A_675], %gather3A_676 : memref<112x48xf32, #tpu.memory_space<vmem>>[vector<16xi32>, vector<16xi32>], vector<16xf32>,
        %add3A_683 = arith.constant 3 : i32
        %add3A_684 = vector.broadcast %add3A_683 : i32 to vector<16xi32>
        %add3A_685 = arith.addi %iota3A, %add3A_684 : vector<16xi32>
        %and3A_686 = arith.constant 31 : i32
        %and3A_687 = vector.broadcast %and3A_686 : i32 to vector<16xi32>
        %and3A_688 = arith.andi %add3A_685, %and3A_687 : vector<16xi32>
        %gather3A_689 = tpu.vector_load_idx %arg12[%shift_right_logical3A_636, %and3A_688] : memref<64x32xf32, #tpu.memory_space<vmem>>[vector<16xi32>, vector<16xi32>], vector<16xf32>,
        %scatter3A_690 = arith.constant 0 : i32
        %scatter3A_691 = arith.constant 0 : i32
        %scatter3A_692 = arith.constant 0 : i32
        %scatter3A_693 = arith.constant 0 : i32
        %scatter3A_694 = tpu.memref_slice %arg15[%scatter3A_690, %scatter3A_691, %scatter3A_692, %scatter3A_693] : memref<2x2x112x48xf32, #tpu.memory_space<vmem>> -> memref<1x1x112x48xf32, #tpu.memory_space<vmem>>
        %scatter3A_695 = tpu.memref_squeeze %scatter3A_694 : memref<1x1x112x48xf32, #tpu.memory_space<vmem>> -> memref<112x48xf32, #tpu.memory_space<vmem>>
        tpu.vector_store_idx %scatter3A_695[%add3A_645, %and3A_688], %gather3A_689 : memref<112x48xf32, #tpu.memory_space<vmem>>[vector<16xi32>, vector<16xi32>], vector<16xf32>,
        %add3A_696 = arith.constant 4 : i32
        %add3A_697 = vector.broadcast %add3A_696 : i32 to vector<16xi32>
        %add3A_698 = arith.addi %iota3A, %add3A_697 : vector<16xi32>
        %and3A_699 = arith.constant 31 : i32
        %and3A_700 = vector.broadcast %and3A_699 : i32 to vector<16xi32>
        %and3A_701 = arith.andi %add3A_698, %and3A_700 : vector<16xi32>
        %gather3A_702 = tpu.vector_load_idx %arg12[%shift_right_logical3A_636, %and3A_701] : memref<64x32xf32, #tpu.memory_space<vmem>>[vector<16xi32>, vector<16xi32>], vector<16xf32>,
        %scatter3A_703 = arith.constant 0 : i32
        %scatter3A_704 = arith.constant 0 : i32
        %scatter3A_705 = arith.constant 0 : i32
        %scatter3A_706 = arith.constant 0 : i32
        %scatter3A_707 = tpu.memref_slice %arg15[%scatter3A_703, %scatter3A_704, %scatter3A_705, %scatter3A_706] : memref<2x2x112x48xf32, #tpu.memory_space<vmem>> -> memref<1x1x112x48xf32, #tpu.memory_space<vmem>>
        %scatter3A_708 = tpu.memref_squeeze %scatter3A_707 : memref<1x1x112x48xf32, #tpu.memory_space<vmem>> -> memref<112x48xf32, #tpu.memory_space<vmem>>
        tpu.vector_store_idx %scatter3A_708[%add3A_645, %and3A_701], %gather3A_702 : memref<112x48xf32, #tpu.memory_space<vmem>>[vector<16xi32>, vector<16xi32>], vector<16xf32>,
        %add3A_709 = arith.constant 5 : i32
        %add3A_710 = vector.broadcast %add3A_709 : i32 to vector<16xi32>
        %add3A_711 = arith.addi %iota3A, %add3A_710 : vector<16xi32>
        %and3A_712 = arith.constant 31 : i32
        %and3A_713 = vector.broadcast %and3A_712 : i32 to vector<16xi32>
        %and3A_714 = arith.andi %add3A_711, %and3A_713 : vector<16xi32>
        %gather3A_715 = tpu.vector_load_idx %arg12[%shift_right_logical3A_636, %and3A_714] : memref<64x32xf32, #tpu.memory_space<vmem>>[vector<16xi32>, vector<16xi32>], vector<16xf32>,
        %scatter3A_716 = arith.constant 0 : i32
        %scatter3A_717 = arith.constant 0 : i32
        %scatter3A_718 = arith.constant 0 : i32
        %scatter3A_719 = arith.constant 0 : i32
        %scatter3A_720 = tpu.memref_slice %arg15[%scatter3A_716, %scatter3A_717, %scatter3A_718, %scatter3A_719] : memref<2x2x112x48xf32, #tpu.memory_space<vmem>> -> memref<1x1x112x48xf32, #tpu.memory_space<vmem>>
        %scatter3A_721 = tpu.memref_squeeze %scatter3A_720 : memref<1x1x112x48xf32, #tpu.memory_space<vmem>> -> memref<112x48xf32, #tpu.memory_space<vmem>>
        tpu.vector_store_idx %scatter3A_721[%add3A_645, %and3A_714], %gather3A_715 : memref<112x48xf32, #tpu.memory_space<vmem>>[vector<16xi32>, vector<16xi32>], vector<16xf32>,
        %add3A_722 = arith.constant 6 : i32
        %add3A_723 = vector.broadcast %add3A_722 : i32 to vector<16xi32>
        %add3A_724 = arith.addi %iota3A, %add3A_723 : vector<16xi32>
        %and3A_725 = arith.constant 31 : i32
        %and3A_726 = vector.broadcast %and3A_725 : i32 to vector<16xi32>
        %and3A_727 = arith.andi %add3A_724, %and3A_726 : vector<16xi32>
        %gather3A_728 = tpu.vector_load_idx %arg12[%shift_right_logical3A_636, %and3A_727] : memref<64x32xf32, #tpu.memory_space<vmem>>[vector<16xi32>, vector<16xi32>], vector<16xf32>,
        %scatter3A_729 = arith.constant 0 : i32
        %scatter3A_730 = arith.constant 0 : i32
        %scatter3A_731 = arith.constant 0 : i32
        %scatter3A_732 = arith.constant 0 : i32
        %scatter3A_733 = tpu.memref_slice %arg15[%scatter3A_729, %scatter3A_730, %scatter3A_731, %scatter3A_732] : memref<2x2x112x48xf32, #tpu.memory_space<vmem>> -> memref<1x1x112x48xf32, #tpu.memory_space<vmem>>
        %scatter3A_734 = tpu.memref_squeeze %scatter3A_733 : memref<1x1x112x48xf32, #tpu.memory_space<vmem>> -> memref<112x48xf32, #tpu.memory_space<vmem>>
        tpu.vector_store_idx %scatter3A_734[%add3A_645, %and3A_727], %gather3A_728 : memref<112x48xf32, #tpu.memory_space<vmem>>[vector<16xi32>, vector<16xi32>], vector<16xf32>,
        %add3A_735 = arith.constant 7 : i32
        %add3A_736 = vector.broadcast %add3A_735 : i32 to vector<16xi32>
        %add3A_737 = arith.addi %iota3A, %add3A_736 : vector<16xi32>
        %and3A_738 = arith.constant 31 : i32
        %and3A_739 = vector.broadcast %and3A_738 : i32 to vector<16xi32>
        %and3A_740 = arith.andi %add3A_737, %and3A_739 : vector<16xi32>
        %gather3A_741 = tpu.vector_load_idx %arg12[%shift_right_logical3A_636, %and3A_740] : memref<64x32xf32, #tpu.memory_space<vmem>>[vector<16xi32>, vector<16xi32>], vector<16xf32>,
        %scatter3A_742 = arith.constant 0 : i32
        %scatter3A_743 = arith.constant 0 : i32
        %scatter3A_744 = arith.constant 0 : i32
        %scatter3A_745 = arith.constant 0 : i32
        %scatter3A_746 = tpu.memref_slice %arg15[%scatter3A_742, %scatter3A_743, %scatter3A_744, %scatter3A_745] : memref<2x2x112x48xf32, #tpu.memory_space<vmem>> -> memref<1x1x112x48xf32, #tpu.memory_space<vmem>>
        %scatter3A_747 = tpu.memref_squeeze %scatter3A_746 : memref<1x1x112x48xf32, #tpu.memory_space<vmem>> -> memref<112x48xf32, #tpu.memory_space<vmem>>
        tpu.vector_store_idx %scatter3A_747[%add3A_645, %and3A_740], %gather3A_741 : memref<112x48xf32, #tpu.memory_space<vmem>>[vector<16xi32>, vector<16xi32>], vector<16xf32>,
        %add3A_748 = arith.constant 8 : i32
        %add3A_749 = vector.broadcast %add3A_748 : i32 to vector<16xi32>
        %add3A_750 = arith.addi %iota3A, %add3A_749 : vector<16xi32>
        %and3A_751 = arith.constant 31 : i32
        %and3A_752 = vector.broadcast %and3A_751 : i32 to vector<16xi32>
        %and3A_753 = arith.andi %add3A_750, %and3A_752 : vector<16xi32>
        %gather3A_754 = tpu.vector_load_idx %arg12[%shift_right_logical3A_636, %and3A_753] : memref<64x32xf32, #tpu.memory_space<vmem>>[vector<16xi32>, vector<16xi32>], vector<16xf32>,
        %scatter3A_755 = arith.constant 0 : i32
        %scatter3A_756 = arith.constant 0 : i32
        %scatter3A_757 = arith.constant 0 : i32
        %scatter3A_758 = arith.constant 0 : i32
        %scatter3A_759 = tpu.memref_slice %arg15[%scatter3A_755, %scatter3A_756, %scatter3A_757, %scatter3A_758] : memref<2x2x112x48xf32, #tpu.memory_space<vmem>> -> memref<1x1x112x48xf32, #tpu.memory_space<vmem>>
        %scatter3A_760 = tpu.memref_squeeze %scatter3A_759 : memref<1x1x112x48xf32, #tpu.memory_space<vmem>> -> memref<112x48xf32, #tpu.memory_space<vmem>>
        tpu.vector_store_idx %scatter3A_760[%add3A_645, %and3A_753], %gather3A_754 : memref<112x48xf32, #tpu.memory_space<vmem>>[vector<16xi32>, vector<16xi32>], vector<16xf32>,
        %add3A_761 = arith.constant 9 : i32
        %add3A_762 = vector.broadcast %add3A_761 : i32 to vector<16xi32>
        %add3A_763 = arith.addi %iota3A, %add3A_762 : vector<16xi32>
        %and3A_764 = arith.constant 31 : i32
        %and3A_765 = vector.broadcast %and3A_764 : i32 to vector<16xi32>
        %and3A_766 = arith.andi %add3A_763, %and3A_765 : vector<16xi32>
        %gather3A_767 = tpu.vector_load_idx %arg12[%shift_right_logical3A_636, %and3A_766] : memref<64x32xf32, #tpu.memory_space<vmem>>[vector<16xi32>, vector<16xi32>], vector<16xf32>,
        %scatter3A_768 = arith.constant 0 : i32
        %scatter3A_769 = arith.constant 0 : i32
        %scatter3A_770 = arith.constant 0 : i32
        %scatter3A_771 = arith.constant 0 : i32
        %scatter3A_772 = tpu.memref_slice %arg15[%scatter3A_768, %scatter3A_769, %scatter3A_770, %scatter3A_771] : memref<2x2x112x48xf32, #tpu.memory_space<vmem>> -> memref<1x1x112x48xf32, #tpu.memory_space<vmem>>
        %scatter3A_773 = tpu.memref_squeeze %scatter3A_772 : memref<1x1x112x48xf32, #tpu.memory_space<vmem>> -> memref<112x48xf32, #tpu.memory_space<vmem>>
        tpu.vector_store_idx %scatter3A_773[%add3A_645, %and3A_766], %gather3A_767 : memref<112x48xf32, #tpu.memory_space<vmem>>[vector<16xi32>, vector<16xi32>], vector<16xf32>,
        %add3A_774 = arith.constant 10 : i32
        %add3A_775 = vector.broadcast %add3A_774 : i32 to vector<16xi32>
        %add3A_776 = arith.addi %iota3A, %add3A_775 : vector<16xi32>
        %and3A_777 = arith.constant 31 : i32
        %and3A_778 = vector.broadcast %and3A_777 : i32 to vector<16xi32>
        %and3A_779 = arith.andi %add3A_776, %and3A_778 : vector<16xi32>
        %gather3A_780 = tpu.vector_load_idx %arg12[%shift_right_logical3A_636, %and3A_779] : memref<64x32xf32, #tpu.memory_space<vmem>>[vector<16xi32>, vector<16xi32>], vector<16xf32>,
        %scatter3A_781 = arith.constant 0 : i32
        %scatter3A_782 = arith.constant 0 : i32
        %scatter3A_783 = arith.constant 0 : i32
        %scatter3A_784 = arith.constant 0 : i32
        %scatter3A_785 = tpu.memref_slice %arg15[%scatter3A_781, %scatter3A_782, %scatter3A_783, %scatter3A_784] : memref<2x2x112x48xf32, #tpu.memory_space<vmem>> -> memref<1x1x112x48xf32, #tpu.memory_space<vmem>>
        %scatter3A_786 = tpu.memref_squeeze %scatter3A_785 : memref<1x1x112x48xf32, #tpu.memory_space<vmem>> -> memref<112x48xf32, #tpu.memory_space<vmem>>
        tpu.vector_store_idx %scatter3A_786[%add3A_645, %and3A_779], %gather3A_780 : memref<112x48xf32, #tpu.memory_space<vmem>>[vector<16xi32>, vector<16xi32>], vector<16xf32>,
        %add3A_787 = arith.constant 11 : i32
        %add3A_788 = vector.broadcast %add3A_787 : i32 to vector<16xi32>
        %add3A_789 = arith.addi %iota3A, %add3A_788 : vector<16xi32>
        %and3A_790 = arith.constant 31 : i32
        %and3A_791 = vector.broadcast %and3A_790 : i32 to vector<16xi32>
        %and3A_792 = arith.andi %add3A_789, %and3A_791 : vector<16xi32>
        %gather3A_793 = tpu.vector_load_idx %arg12[%shift_right_logical3A_636, %and3A_792] : memref<64x32xf32, #tpu.memory_space<vmem>>[vector<16xi32>, vector<16xi32>], vector<16xf32>,
        %scatter3A_794 = arith.constant 0 : i32
        %scatter3A_795 = arith.constant 0 : i32
        %scatter3A_796 = arith.constant 0 : i32
        %scatter3A_797 = arith.constant 0 : i32
        %scatter3A_798 = tpu.memref_slice %arg15[%scatter3A_794, %scatter3A_795, %scatter3A_796, %scatter3A_797] : memref<2x2x112x48xf32, #tpu.memory_space<vmem>> -> memref<1x1x112x48xf32, #tpu.memory_space<vmem>>
        %scatter3A_799 = tpu.memref_squeeze %scatter3A_798 : memref<1x1x112x48xf32, #tpu.memory_space<vmem>> -> memref<112x48xf32, #tpu.memory_space<vmem>>
        tpu.vector_store_idx %scatter3A_799[%add3A_645, %and3A_792], %gather3A_793 : memref<112x48xf32, #tpu.memory_space<vmem>>[vector<16xi32>, vector<16xi32>], vector<16xf32>,
        %add3A_800 = arith.constant 12 : i32
        %add3A_801 = vector.broadcast %add3A_800 : i32 to vector<16xi32>
        %add3A_802 = arith.addi %iota3A, %add3A_801 : vector<16xi32>
        %and3A_803 = arith.constant 31 : i32
        %and3A_804 = vector.broadcast %and3A_803 : i32 to vector<16xi32>
        %and3A_805 = arith.andi %add3A_802, %and3A_804 : vector<16xi32>
        %gather3A_806 = tpu.vector_load_idx %arg12[%shift_right_logical3A_636, %and3A_805] : memref<64x32xf32, #tpu.memory_space<vmem>>[vector<16xi32>, vector<16xi32>], vector<16xf32>,
        %scatter3A_807 = arith.constant 0 : i32
        %scatter3A_808 = arith.constant 0 : i32
        %scatter3A_809 = arith.constant 0 : i32
        %scatter3A_810 = arith.constant 0 : i32
        %scatter3A_811 = tpu.memref_slice %arg15[%scatter3A_807, %scatter3A_808, %scatter3A_809, %scatter3A_810] : memref<2x2x112x48xf32, #tpu.memory_space<vmem>> -> memref<1x1x112x48xf32, #tpu.memory_space<vmem>>
        %scatter3A_812 = tpu.memref_squeeze %scatter3A_811 : memref<1x1x112x48xf32, #tpu.memory_space<vmem>> -> memref<112x48xf32, #tpu.memory_space<vmem>>
        tpu.vector_store_idx %scatter3A_812[%add3A_645, %and3A_805], %gather3A_806 : memref<112x48xf32, #tpu.memory_space<vmem>>[vector<16xi32>, vector<16xi32>], vector<16xf32>,
        %add3A_813 = arith.constant 13 : i32
        %add3A_814 = vector.broadcast %add3A_813 : i32 to vector<16xi32>
        %add3A_815 = arith.addi %iota3A, %add3A_814 : vector<16xi32>
        %and3A_816 = arith.constant 31 : i32
        %and3A_817 = vector.broadcast %and3A_816 : i32 to vector<16xi32>
        %and3A_818 = arith.andi %add3A_815, %and3A_817 : vector<16xi32>
        %gather3A_819 = tpu.vector_load_idx %arg12[%shift_right_logical3A_636, %and3A_818] : memref<64x32xf32, #tpu.memory_space<vmem>>[vector<16xi32>, vector<16xi32>], vector<16xf32>,
        %scatter3A_820 = arith.constant 0 : i32
        %scatter3A_821 = arith.constant 0 : i32
        %scatter3A_822 = arith.constant 0 : i32
        %scatter3A_823 = arith.constant 0 : i32
        %scatter3A_824 = tpu.memref_slice %arg15[%scatter3A_820, %scatter3A_821, %scatter3A_822, %scatter3A_823] : memref<2x2x112x48xf32, #tpu.memory_space<vmem>> -> memref<1x1x112x48xf32, #tpu.memory_space<vmem>>
        %scatter3A_825 = tpu.memref_squeeze %scatter3A_824 : memref<1x1x112x48xf32, #tpu.memory_space<vmem>> -> memref<112x48xf32, #tpu.memory_space<vmem>>
        tpu.vector_store_idx %scatter3A_825[%add3A_645, %and3A_818], %gather3A_819 : memref<112x48xf32, #tpu.memory_space<vmem>>[vector<16xi32>, vector<16xi32>], vector<16xf32>,
        %add3A_826 = arith.constant 14 : i32
        %add3A_827 = vector.broadcast %add3A_826 : i32 to vector<16xi32>
        %add3A_828 = arith.addi %iota3A, %add3A_827 : vector<16xi32>
        %and3A_829 = arith.constant 31 : i32
        %and3A_830 = vector.broadcast %and3A_829 : i32 to vector<16xi32>
        %and3A_831 = arith.andi %add3A_828, %and3A_830 : vector<16xi32>
        %gather3A_832 = tpu.vector_load_idx %arg12[%shift_right_logical3A_636, %and3A_831] : memref<64x32xf32, #tpu.memory_space<vmem>>[vector<16xi32>, vector<16xi32>], vector<16xf32>,
        %scatter3A_833 = arith.constant 0 : i32
        %scatter3A_834 = arith.constant 0 : i32
        %scatter3A_835 = arith.constant 0 : i32
        %scatter3A_836 = arith.constant 0 : i32
        %scatter3A_837 = tpu.memref_slice %arg15[%scatter3A_833, %scatter3A_834, %scatter3A_835, %scatter3A_836] : memref<2x2x112x48xf32, #tpu.memory_space<vmem>> -> memref<1x1x112x48xf32, #tpu.memory_space<vmem>>
        %scatter3A_838 = tpu.memref_squeeze %scatter3A_837 : memref<1x1x112x48xf32, #tpu.memory_space<vmem>> -> memref<112x48xf32, #tpu.memory_space<vmem>>
        tpu.vector_store_idx %scatter3A_838[%add3A_645, %and3A_831], %gather3A_832 : memref<112x48xf32, #tpu.memory_space<vmem>>[vector<16xi32>, vector<16xi32>], vector<16xf32>,
        %add3A_839 = arith.constant 15 : i32
        %add3A_840 = vector.broadcast %add3A_839 : i32 to vector<16xi32>
        %add3A_841 = arith.addi %iota3A, %add3A_840 : vector<16xi32>
        %and3A_842 = arith.constant 31 : i32
        %and3A_843 = vector.broadcast %and3A_842 : i32 to vector<16xi32>
        %and3A_844 = arith.andi %add3A_841, %and3A_843 : vector<16xi32>
        %gather3A_845 = tpu.vector_load_idx %arg12[%shift_right_logical3A_636, %and3A_844] : memref<64x32xf32, #tpu.memory_space<vmem>>[vector<16xi32>, vector<16xi32>], vector<16xf32>,
        %scatter3A_846 = arith.constant 0 : i32
        %scatter3A_847 = arith.constant 0 : i32
        %scatter3A_848 = arith.constant 0 : i32
        %scatter3A_849 = arith.constant 0 : i32
        %scatter3A_850 = tpu.memref_slice %arg15[%scatter3A_846, %scatter3A_847, %scatter3A_848, %scatter3A_849] : memref<2x2x112x48xf32, #tpu.memory_space<vmem>> -> memref<1x1x112x48xf32, #tpu.memory_space<vmem>>
        %scatter3A_851 = tpu.memref_squeeze %scatter3A_850 : memref<1x1x112x48xf32, #tpu.memory_space<vmem>> -> memref<112x48xf32, #tpu.memory_space<vmem>>
        tpu.vector_store_idx %scatter3A_851[%add3A_645, %and3A_844], %gather3A_845 : memref<112x48xf32, #tpu.memory_space<vmem>>[vector<16xi32>, vector<16xi32>], vector<16xf32>,
        %add3A_852 = arith.constant 16 : i32
        %add3A_853 = vector.broadcast %add3A_852 : i32 to vector<16xi32>
        %add3A_854 = arith.addi %iota3A, %add3A_853 : vector<16xi32>
        %and3A_855 = arith.constant 31 : i32
        %and3A_856 = vector.broadcast %and3A_855 : i32 to vector<16xi32>
        %and3A_857 = arith.andi %add3A_854, %and3A_856 : vector<16xi32>
        %gather3A_858 = tpu.vector_load_idx %arg12[%shift_right_logical3A_636, %and3A_857] : memref<64x32xf32, #tpu.memory_space<vmem>>[vector<16xi32>, vector<16xi32>], vector<16xf32>,
        %scatter3A_859 = arith.constant 0 : i32
        %scatter3A_860 = arith.constant 0 : i32
        %scatter3A_861 = arith.constant 0 : i32
        %scatter3A_862 = arith.constant 0 : i32
        %scatter3A_863 = tpu.memref_slice %arg15[%scatter3A_859, %scatter3A_860, %scatter3A_861, %scatter3A_862] : memref<2x2x112x48xf32, #tpu.memory_space<vmem>> -> memref<1x1x112x48xf32, #tpu.memory_space<vmem>>
        %scatter3A_864 = tpu.memref_squeeze %scatter3A_863 : memref<1x1x112x48xf32, #tpu.memory_space<vmem>> -> memref<112x48xf32, #tpu.memory_space<vmem>>
        tpu.vector_store_idx %scatter3A_864[%add3A_645, %and3A_857], %gather3A_858 : memref<112x48xf32, #tpu.memory_space<vmem>>[vector<16xi32>, vector<16xi32>], vector<16xf32>,
        %add3A_865 = arith.constant 17 : i32
        %add3A_866 = vector.broadcast %add3A_865 : i32 to vector<16xi32>
        %add3A_867 = arith.addi %iota3A, %add3A_866 : vector<16xi32>
        %and3A_868 = arith.constant 31 : i32
        %and3A_869 = vector.broadcast %and3A_868 : i32 to vector<16xi32>
        %and3A_870 = arith.andi %add3A_867, %and3A_869 : vector<16xi32>
        %gather3A_871 = tpu.vector_load_idx %arg12[%shift_right_logical3A_636, %and3A_870] : memref<64x32xf32, #tpu.memory_space<vmem>>[vector<16xi32>, vector<16xi32>], vector<16xf32>,
        %scatter3A_872 = arith.constant 0 : i32
        %scatter3A_873 = arith.constant 0 : i32
        %scatter3A_874 = arith.constant 0 : i32
        %scatter3A_875 = arith.constant 0 : i32
        %scatter3A_876 = tpu.memref_slice %arg15[%scatter3A_872, %scatter3A_873, %scatter3A_874, %scatter3A_875] : memref<2x2x112x48xf32, #tpu.memory_space<vmem>> -> memref<1x1x112x48xf32, #tpu.memory_space<vmem>>
        %scatter3A_877 = tpu.memref_squeeze %scatter3A_876 : memref<1x1x112x48xf32, #tpu.memory_space<vmem>> -> memref<112x48xf32, #tpu.memory_space<vmem>>
        tpu.vector_store_idx %scatter3A_877[%add3A_645, %and3A_870], %gather3A_871 : memref<112x48xf32, #tpu.memory_space<vmem>>[vector<16xi32>, vector<16xi32>], vector<16xf32>,
        %add3A_878 = arith.constant 18 : i32
        %add3A_879 = vector.broadcast %add3A_878 : i32 to vector<16xi32>
        %add3A_880 = arith.addi %iota3A, %add3A_879 : vector<16xi32>
        %and3A_881 = arith.constant 31 : i32
        %and3A_882 = vector.broadcast %and3A_881 : i32 to vector<16xi32>
        %and3A_883 = arith.andi %add3A_880, %and3A_882 : vector<16xi32>
        %gather3A_884 = tpu.vector_load_idx %arg12[%shift_right_logical3A_636, %and3A_883] : memref<64x32xf32, #tpu.memory_space<vmem>>[vector<16xi32>, vector<16xi32>], vector<16xf32>,
        %scatter3A_885 = arith.constant 0 : i32
        %scatter3A_886 = arith.constant 0 : i32
        %scatter3A_887 = arith.constant 0 : i32
        %scatter3A_888 = arith.constant 0 : i32
        %scatter3A_889 = tpu.memref_slice %arg15[%scatter3A_885, %scatter3A_886, %scatter3A_887, %scatter3A_888] : memref<2x2x112x48xf32, #tpu.memory_space<vmem>> -> memref<1x1x112x48xf32, #tpu.memory_space<vmem>>
        %scatter3A_890 = tpu.memref_squeeze %scatter3A_889 : memref<1x1x112x48xf32, #tpu.memory_space<vmem>> -> memref<112x48xf32, #tpu.memory_space<vmem>>
        tpu.vector_store_idx %scatter3A_890[%add3A_645, %and3A_883], %gather3A_884 : memref<112x48xf32, #tpu.memory_space<vmem>>[vector<16xi32>, vector<16xi32>], vector<16xf32>,
        %add3A_891 = arith.constant 19 : i32
        %add3A_892 = vector.broadcast %add3A_891 : i32 to vector<16xi32>
        %add3A_893 = arith.addi %iota3A, %add3A_892 : vector<16xi32>
        %and3A_894 = arith.constant 31 : i32
        %and3A_895 = vector.broadcast %and3A_894 : i32 to vector<16xi32>
        %and3A_896 = arith.andi %add3A_893, %and3A_895 : vector<16xi32>
        %gather3A_897 = tpu.vector_load_idx %arg12[%shift_right_logical3A_636, %and3A_896] : memref<64x32xf32, #tpu.memory_space<vmem>>[vector<16xi32>, vector<16xi32>], vector<16xf32>,
        %scatter3A_898 = arith.constant 0 : i32
        %scatter3A_899 = arith.constant 0 : i32
        %scatter3A_900 = arith.constant 0 : i32
        %scatter3A_901 = arith.constant 0 : i32
        %scatter3A_902 = tpu.memref_slice %arg15[%scatter3A_898, %scatter3A_899, %scatter3A_900, %scatter3A_901] : memref<2x2x112x48xf32, #tpu.memory_space<vmem>> -> memref<1x1x112x48xf32, #tpu.memory_space<vmem>>
        %scatter3A_903 = tpu.memref_squeeze %scatter3A_902 : memref<1x1x112x48xf32, #tpu.memory_space<vmem>> -> memref<112x48xf32, #tpu.memory_space<vmem>>
        tpu.vector_store_idx %scatter3A_903[%add3A_645, %and3A_896], %gather3A_897 : memref<112x48xf32, #tpu.memory_space<vmem>>[vector<16xi32>, vector<16xi32>], vector<16xf32>,
        %add3A_904 = arith.constant 20 : i32
        %add3A_905 = vector.broadcast %add3A_904 : i32 to vector<16xi32>
        %add3A_906 = arith.addi %iota3A, %add3A_905 : vector<16xi32>
        %and3A_907 = arith.constant 31 : i32
        %and3A_908 = vector.broadcast %and3A_907 : i32 to vector<16xi32>
        %and3A_909 = arith.andi %add3A_906, %and3A_908 : vector<16xi32>
        %gather3A_910 = tpu.vector_load_idx %arg12[%shift_right_logical3A_636, %and3A_909] : memref<64x32xf32, #tpu.memory_space<vmem>>[vector<16xi32>, vector<16xi32>], vector<16xf32>,
        %scatter3A_911 = arith.constant 0 : i32
        %scatter3A_912 = arith.constant 0 : i32
        %scatter3A_913 = arith.constant 0 : i32
        %scatter3A_914 = arith.constant 0 : i32
        %scatter3A_915 = tpu.memref_slice %arg15[%scatter3A_911, %scatter3A_912, %scatter3A_913, %scatter3A_914] : memref<2x2x112x48xf32, #tpu.memory_space<vmem>> -> memref<1x1x112x48xf32, #tpu.memory_space<vmem>>
        %scatter3A_916 = tpu.memref_squeeze %scatter3A_915 : memref<1x1x112x48xf32, #tpu.memory_space<vmem>> -> memref<112x48xf32, #tpu.memory_space<vmem>>
        tpu.vector_store_idx %scatter3A_916[%add3A_645, %and3A_909], %gather3A_910 : memref<112x48xf32, #tpu.memory_space<vmem>>[vector<16xi32>, vector<16xi32>], vector<16xf32>,
        %add3A_917 = arith.constant 21 : i32
        %add3A_918 = vector.broadcast %add3A_917 : i32 to vector<16xi32>
        %add3A_919 = arith.addi %iota3A, %add3A_918 : vector<16xi32>
        %and3A_920 = arith.constant 31 : i32
        %and3A_921 = vector.broadcast %and3A_920 : i32 to vector<16xi32>
        %and3A_922 = arith.andi %add3A_919, %and3A_921 : vector<16xi32>
        %gather3A_923 = tpu.vector_load_idx %arg12[%shift_right_logical3A_636, %and3A_922] : memref<64x32xf32, #tpu.memory_space<vmem>>[vector<16xi32>, vector<16xi32>], vector<16xf32>,
        %scatter3A_924 = arith.constant 0 : i32
        %scatter3A_925 = arith.constant 0 : i32
        %scatter3A_926 = arith.constant 0 : i32
        %scatter3A_927 = arith.constant 0 : i32
        %scatter3A_928 = tpu.memref_slice %arg15[%scatter3A_924, %scatter3A_925, %scatter3A_926, %scatter3A_927] : memref<2x2x112x48xf32, #tpu.memory_space<vmem>> -> memref<1x1x112x48xf32, #tpu.memory_space<vmem>>
        %scatter3A_929 = tpu.memref_squeeze %scatter3A_928 : memref<1x1x112x48xf32, #tpu.memory_space<vmem>> -> memref<112x48xf32, #tpu.memory_space<vmem>>
        tpu.vector_store_idx %scatter3A_929[%add3A_645, %and3A_922], %gather3A_923 : memref<112x48xf32, #tpu.memory_space<vmem>>[vector<16xi32>, vector<16xi32>], vector<16xf32>,
        %add3A_930 = arith.constant 22 : i32
        %add3A_931 = vector.broadcast %add3A_930 : i32 to vector<16xi32>
        %add3A_932 = arith.addi %iota3A, %add3A_931 : vector<16xi32>
        %and3A_933 = arith.constant 31 : i32
        %and3A_934 = vector.broadcast %and3A_933 : i32 to vector<16xi32>
        %and3A_935 = arith.andi %add3A_932, %and3A_934 : vector<16xi32>
        %gather3A_936 = tpu.vector_load_idx %arg12[%shift_right_logical3A_636, %and3A_935] : memref<64x32xf32, #tpu.memory_space<vmem>>[vector<16xi32>, vector<16xi32>], vector<16xf32>,
        %scatter3A_937 = arith.constant 0 : i32
        %scatter3A_938 = arith.constant 0 : i32
        %scatter3A_939 = arith.constant 0 : i32
        %scatter3A_940 = arith.constant 0 : i32
        %scatter3A_941 = tpu.memref_slice %arg15[%scatter3A_937, %scatter3A_938, %scatter3A_939, %scatter3A_940] : memref<2x2x112x48xf32, #tpu.memory_space<vmem>> -> memref<1x1x112x48xf32, #tpu.memory_space<vmem>>
        %scatter3A_942 = tpu.memref_squeeze %scatter3A_941 : memref<1x1x112x48xf32, #tpu.memory_space<vmem>> -> memref<112x48xf32, #tpu.memory_space<vmem>>
        tpu.vector_store_idx %scatter3A_942[%add3A_645, %and3A_935], %gather3A_936 : memref<112x48xf32, #tpu.memory_space<vmem>>[vector<16xi32>, vector<16xi32>], vector<16xf32>,
        %add3A_943 = arith.constant 23 : i32
        %add3A_944 = vector.broadcast %add3A_943 : i32 to vector<16xi32>
        %add3A_945 = arith.addi %iota3A, %add3A_944 : vector<16xi32>
        %and3A_946 = arith.constant 31 : i32
        %and3A_947 = vector.broadcast %and3A_946 : i32 to vector<16xi32>
        %and3A_948 = arith.andi %add3A_945, %and3A_947 : vector<16xi32>
        %gather3A_949 = tpu.vector_load_idx %arg12[%shift_right_logical3A_636, %and3A_948] : memref<64x32xf32, #tpu.memory_space<vmem>>[vector<16xi32>, vector<16xi32>], vector<16xf32>,
        %scatter3A_950 = arith.constant 0 : i32
        %scatter3A_951 = arith.constant 0 : i32
        %scatter3A_952 = arith.constant 0 : i32
        %scatter3A_953 = arith.constant 0 : i32
        %scatter3A_954 = tpu.memref_slice %arg15[%scatter3A_950, %scatter3A_951, %scatter3A_952, %scatter3A_953] : memref<2x2x112x48xf32, #tpu.memory_space<vmem>> -> memref<1x1x112x48xf32, #tpu.memory_space<vmem>>
        %scatter3A_955 = tpu.memref_squeeze %scatter3A_954 : memref<1x1x112x48xf32, #tpu.memory_space<vmem>> -> memref<112x48xf32, #tpu.memory_space<vmem>>
        tpu.vector_store_idx %scatter3A_955[%add3A_645, %and3A_948], %gather3A_949 : memref<112x48xf32, #tpu.memory_space<vmem>>[vector<16xi32>, vector<16xi32>], vector<16xf32>,
        %add3A_956 = arith.constant 24 : i32
        %add3A_957 = vector.broadcast %add3A_956 : i32 to vector<16xi32>
        %add3A_958 = arith.addi %iota3A, %add3A_957 : vector<16xi32>
        %and3A_959 = arith.constant 31 : i32
        %and3A_960 = vector.broadcast %and3A_959 : i32 to vector<16xi32>
        %and3A_961 = arith.andi %add3A_958, %and3A_960 : vector<16xi32>
        %gather3A_962 = tpu.vector_load_idx %arg12[%shift_right_logical3A_636, %and3A_961] : memref<64x32xf32, #tpu.memory_space<vmem>>[vector<16xi32>, vector<16xi32>], vector<16xf32>,
        %scatter3A_963 = arith.constant 0 : i32
        %scatter3A_964 = arith.constant 0 : i32
        %scatter3A_965 = arith.constant 0 : i32
        %scatter3A_966 = arith.constant 0 : i32
        %scatter3A_967 = tpu.memref_slice %arg15[%scatter3A_963, %scatter3A_964, %scatter3A_965, %scatter3A_966] : memref<2x2x112x48xf32, #tpu.memory_space<vmem>> -> memref<1x1x112x48xf32, #tpu.memory_space<vmem>>
        %scatter3A_968 = tpu.memref_squeeze %scatter3A_967 : memref<1x1x112x48xf32, #tpu.memory_space<vmem>> -> memref<112x48xf32, #tpu.memory_space<vmem>>
        tpu.vector_store_idx %scatter3A_968[%add3A_645, %and3A_961], %gather3A_962 : memref<112x48xf32, #tpu.memory_space<vmem>>[vector<16xi32>, vector<16xi32>], vector<16xf32>,
        %add3A_969 = arith.constant 25 : i32
        %add3A_970 = vector.broadcast %add3A_969 : i32 to vector<16xi32>
        %add3A_971 = arith.addi %iota3A, %add3A_970 : vector<16xi32>
        %and3A_972 = arith.constant 31 : i32
        %and3A_973 = vector.broadcast %and3A_972 : i32 to vector<16xi32>
        %and3A_974 = arith.andi %add3A_971, %and3A_973 : vector<16xi32>
        %gather3A_975 = tpu.vector_load_idx %arg12[%shift_right_logical3A_636, %and3A_974] : memref<64x32xf32, #tpu.memory_space<vmem>>[vector<16xi32>, vector<16xi32>], vector<16xf32>,
        %scatter3A_976 = arith.constant 0 : i32
        %scatter3A_977 = arith.constant 0 : i32
        %scatter3A_978 = arith.constant 0 : i32
        %scatter3A_979 = arith.constant 0 : i32
        %scatter3A_980 = tpu.memref_slice %arg15[%scatter3A_976, %scatter3A_977, %scatter3A_978, %scatter3A_979] : memref<2x2x112x48xf32, #tpu.memory_space<vmem>> -> memref<1x1x112x48xf32, #tpu.memory_space<vmem>>
        %scatter3A_981 = tpu.memref_squeeze %scatter3A_980 : memref<1x1x112x48xf32, #tpu.memory_space<vmem>> -> memref<112x48xf32, #tpu.memory_space<vmem>>
        tpu.vector_store_idx %scatter3A_981[%add3A_645, %and3A_974], %gather3A_975 : memref<112x48xf32, #tpu.memory_space<vmem>>[vector<16xi32>, vector<16xi32>], vector<16xf32>,
        %add3A_982 = arith.constant 26 : i32
        %add3A_983 = vector.broadcast %add3A_982 : i32 to vector<16xi32>
        %add3A_984 = arith.addi %iota3A, %add3A_983 : vector<16xi32>
        %and3A_985 = arith.constant 31 : i32
        %and3A_986 = vector.broadcast %and3A_985 : i32 to vector<16xi32>
        %and3A_987 = arith.andi %add3A_984, %and3A_986 : vector<16xi32>
        %gather3A_988 = tpu.vector_load_idx %arg12[%shift_right_logical3A_636, %and3A_987] : memref<64x32xf32, #tpu.memory_space<vmem>>[vector<16xi32>, vector<16xi32>], vector<16xf32>,
        %scatter3A_989 = arith.constant 0 : i32
        %scatter3A_990 = arith.constant 0 : i32
        %scatter3A_991 = arith.constant 0 : i32
        %scatter3A_992 = arith.constant 0 : i32
        %scatter3A_993 = tpu.memref_slice %arg15[%scatter3A_989, %scatter3A_990, %scatter3A_991, %scatter3A_992] : memref<2x2x112x48xf32, #tpu.memory_space<vmem>> -> memref<1x1x112x48xf32, #tpu.memory_space<vmem>>
        %scatter3A_994 = tpu.memref_squeeze %scatter3A_993 : memref<1x1x112x48xf32, #tpu.memory_space<vmem>> -> memref<112x48xf32, #tpu.memory_space<vmem>>
        tpu.vector_store_idx %scatter3A_994[%add3A_645, %and3A_987], %gather3A_988 : memref<112x48xf32, #tpu.memory_space<vmem>>[vector<16xi32>, vector<16xi32>], vector<16xf32>,
        %add3A_995 = arith.constant 27 : i32
        %add3A_996 = vector.broadcast %add3A_995 : i32 to vector<16xi32>
        %add3A_997 = arith.addi %iota3A, %add3A_996 : vector<16xi32>
        %and3A_998 = arith.constant 31 : i32
        %and3A_999 = vector.broadcast %and3A_998 : i32 to vector<16xi32>
        %and3A_1000 = arith.andi %add3A_997, %and3A_999 : vector<16xi32>
        %gather3A_1001 = tpu.vector_load_idx %arg12[%shift_right_logical3A_636, %and3A_1000] : memref<64x32xf32, #tpu.memory_space<vmem>>[vector<16xi32>, vector<16xi32>], vector<16xf32>,
        %scatter3A_1002 = arith.constant 0 : i32
        %scatter3A_1003 = arith.constant 0 : i32
        %scatter3A_1004 = arith.constant 0 : i32
        %scatter3A_1005 = arith.constant 0 : i32
        %scatter3A_1006 = tpu.memref_slice %arg15[%scatter3A_1002, %scatter3A_1003, %scatter3A_1004, %scatter3A_1005] : memref<2x2x112x48xf32, #tpu.memory_space<vmem>> -> memref<1x1x112x48xf32, #tpu.memory_space<vmem>>
        %scatter3A_1007 = tpu.memref_squeeze %scatter3A_1006 : memref<1x1x112x48xf32, #tpu.memory_space<vmem>> -> memref<112x48xf32, #tpu.memory_space<vmem>>
        tpu.vector_store_idx %scatter3A_1007[%add3A_645, %and3A_1000], %gather3A_1001 : memref<112x48xf32, #tpu.memory_space<vmem>>[vector<16xi32>, vector<16xi32>], vector<16xf32>,
        %add3A_1008 = arith.constant 28 : i32
        %add3A_1009 = vector.broadcast %add3A_1008 : i32 to vector<16xi32>
        %add3A_1010 = arith.addi %iota3A, %add3A_1009 : vector<16xi32>
        %and3A_1011 = arith.constant 31 : i32
        %and3A_1012 = vector.broadcast %and3A_1011 : i32 to vector<16xi32>
        %and3A_1013 = arith.andi %add3A_1010, %and3A_1012 : vector<16xi32>
        %gather3A_1014 = tpu.vector_load_idx %arg12[%shift_right_logical3A_636, %and3A_1013] : memref<64x32xf32, #tpu.memory_space<vmem>>[vector<16xi32>, vector<16xi32>], vector<16xf32>,
        %scatter3A_1015 = arith.constant 0 : i32
        %scatter3A_1016 = arith.constant 0 : i32
        %scatter3A_1017 = arith.constant 0 : i32
        %scatter3A_1018 = arith.constant 0 : i32
        %scatter3A_1019 = tpu.memref_slice %arg15[%scatter3A_1015, %scatter3A_1016, %scatter3A_1017, %scatter3A_1018] : memref<2x2x112x48xf32, #tpu.memory_space<vmem>> -> memref<1x1x112x48xf32, #tpu.memory_space<vmem>>
        %scatter3A_1020 = tpu.memref_squeeze %scatter3A_1019 : memref<1x1x112x48xf32, #tpu.memory_space<vmem>> -> memref<112x48xf32, #tpu.memory_space<vmem>>
        tpu.vector_store_idx %scatter3A_1020[%add3A_645, %and3A_1013], %gather3A_1014 : memref<112x48xf32, #tpu.memory_space<vmem>>[vector<16xi32>, vector<16xi32>], vector<16xf32>,
        %add3A_1021 = arith.constant 29 : i32
        %add3A_1022 = vector.broadcast %add3A_1021 : i32 to vector<16xi32>
        %add3A_1023 = arith.addi %iota3A, %add3A_1022 : vector<16xi32>
        %and3A_1024 = arith.constant 31 : i32
        %and3A_1025 = vector.broadcast %and3A_1024 : i32 to vector<16xi32>
        %and3A_1026 = arith.andi %add3A_1023, %and3A_1025 : vector<16xi32>
        %gather3A_1027 = tpu.vector_load_idx %arg12[%shift_right_logical3A_636, %and3A_1026] : memref<64x32xf32, #tpu.memory_space<vmem>>[vector<16xi32>, vector<16xi32>], vector<16xf32>,
        %scatter3A_1028 = arith.constant 0 : i32
        %scatter3A_1029 = arith.constant 0 : i32
        %scatter3A_1030 = arith.constant 0 : i32
        %scatter3A_1031 = arith.constant 0 : i32
        %scatter3A_1032 = tpu.memref_slice %arg15[%scatter3A_1028, %scatter3A_1029, %scatter3A_1030, %scatter3A_1031] : memref<2x2x112x48xf32, #tpu.memory_space<vmem>> -> memref<1x1x112x48xf32, #tpu.memory_space<vmem>>
        %scatter3A_1033 = tpu.memref_squeeze %scatter3A_1032 : memref<1x1x112x48xf32, #tpu.memory_space<vmem>> -> memref<112x48xf32, #tpu.memory_space<vmem>>
        tpu.vector_store_idx %scatter3A_1033[%add3A_645, %and3A_1026], %gather3A_1027 : memref<112x48xf32, #tpu.memory_space<vmem>>[vector<16xi32>, vector<16xi32>], vector<16xf32>,
        %add3A_1034 = arith.constant 30 : i32
        %add3A_1035 = vector.broadcast %add3A_1034 : i32 to vector<16xi32>
        %add3A_1036 = arith.addi %iota3A, %add3A_1035 : vector<16xi32>
        %and3A_1037 = arith.constant 31 : i32
        %and3A_1038 = vector.broadcast %and3A_1037 : i32 to vector<16xi32>
        %and3A_1039 = arith.andi %add3A_1036, %and3A_1038 : vector<16xi32>
        %gather3A_1040 = tpu.vector_load_idx %arg12[%shift_right_logical3A_636, %and3A_1039] : memref<64x32xf32, #tpu.memory_space<vmem>>[vector<16xi32>, vector<16xi32>], vector<16xf32>,
        %scatter3A_1041 = arith.constant 0 : i32
        %scatter3A_1042 = arith.constant 0 : i32
        %scatter3A_1043 = arith.constant 0 : i32
        %scatter3A_1044 = arith.constant 0 : i32
        %scatter3A_1045 = tpu.memref_slice %arg15[%scatter3A_1041, %scatter3A_1042, %scatter3A_1043, %scatter3A_1044] : memref<2x2x112x48xf32, #tpu.memory_space<vmem>> -> memref<1x1x112x48xf32, #tpu.memory_space<vmem>>
        %scatter3A_1046 = tpu.memref_squeeze %scatter3A_1045 : memref<1x1x112x48xf32, #tpu.memory_space<vmem>> -> memref<112x48xf32, #tpu.memory_space<vmem>>
        tpu.vector_store_idx %scatter3A_1046[%add3A_645, %and3A_1039], %gather3A_1040 : memref<112x48xf32, #tpu.memory_space<vmem>>[vector<16xi32>, vector<16xi32>], vector<16xf32>,
        %add3A_1047 = arith.constant 31 : i32
        %add3A_1048 = vector.broadcast %add3A_1047 : i32 to vector<16xi32>
        %add3A_1049 = arith.addi %iota3A, %add3A_1048 : vector<16xi32>
        %and3A_1050 = arith.constant 31 : i32
        %and3A_1051 = vector.broadcast %and3A_1050 : i32 to vector<16xi32>
        %and3A_1052 = arith.andi %add3A_1049, %and3A_1051 : vector<16xi32>
        %gather3A_1053 = tpu.vector_load_idx %arg12[%shift_right_logical3A_636, %and3A_1052] : memref<64x32xf32, #tpu.memory_space<vmem>>[vector<16xi32>, vector<16xi32>], vector<16xf32>,
        %scatter3A_1054 = arith.constant 0 : i32
        %scatter3A_1055 = arith.constant 0 : i32
        %scatter3A_1056 = arith.constant 0 : i32
        %scatter3A_1057 = arith.constant 0 : i32
        %scatter3A_1058 = tpu.memref_slice %arg15[%scatter3A_1054, %scatter3A_1055, %scatter3A_1056, %scatter3A_1057] : memref<2x2x112x48xf32, #tpu.memory_space<vmem>> -> memref<1x1x112x48xf32, #tpu.memory_space<vmem>>
        %scatter3A_1059 = tpu.memref_squeeze %scatter3A_1058 : memref<1x1x112x48xf32, #tpu.memory_space<vmem>> -> memref<112x48xf32, #tpu.memory_space<vmem>>
        tpu.vector_store_idx %scatter3A_1059[%add3A_645, %and3A_1052], %gather3A_1053 : memref<112x48xf32, #tpu.memory_space<vmem>>[vector<16xi32>, vector<16xi32>], vector<16xf32>,
        %add3A_1060 = arith.constant 0 : i32
        %add3A_1061 = vector.broadcast %add3A_1060 : i32 to vector<16xi32>
        %add3A_1062 = arith.addi %iota3A, %add3A_1061 : vector<16xi32>
        %and3A_1063 = arith.constant 15 : i32
        %and3A_1064 = vector.broadcast %and3A_1063 : i32 to vector<16xi32>
        %and3A_1065 = arith.andi %add3A_1062, %and3A_1064 : vector<16xi32>
        %gather3A_1066 = tpu.vector_load_idx %arg13[%and3A_639, %and3A_1065] : memref<32x16xf32, #tpu.memory_space<vmem>>[vector<16xi32>, vector<16xi32>], vector<16xf32>,
        %add3A_1067 = arith.constant 32 : i32
        %add3A_1068 = vector.broadcast %add3A_1067 : i32 to vector<16xi32>
        %add3A_1069 = arith.addi %and3A_1065, %add3A_1068 : vector<16xi32>
        %scatter3A_1070 = arith.constant 0 : i32
        %scatter3A_1071 = arith.constant 0 : i32
        %scatter3A_1072 = arith.constant 0 : i32
        %scatter3A_1073 = arith.constant 0 : i32
        %scatter3A_1074 = tpu.memref_slice %arg15[%scatter3A_1070, %scatter3A_1071, %scatter3A_1072, %scatter3A_1073] : memref<2x2x112x48xf32, #tpu.memory_space<vmem>> -> memref<1x1x112x48xf32, #tpu.memory_space<vmem>>
        %scatter3A_1075 = tpu.memref_squeeze %scatter3A_1074 : memref<1x1x112x48xf32, #tpu.memory_space<vmem>> -> memref<112x48xf32, #tpu.memory_space<vmem>>
        tpu.vector_store_idx %scatter3A_1075[%add3A_645, %add3A_1069], %gather3A_1066 : memref<112x48xf32, #tpu.memory_space<vmem>>[vector<16xi32>, vector<16xi32>], vector<16xf32>,
        %add3A_1076 = arith.constant 1 : i32
        %add3A_1077 = vector.broadcast %add3A_1076 : i32 to vector<16xi32>
        %add3A_1078 = arith.addi %iota3A, %add3A_1077 : vector<16xi32>
        %and3A_1079 = arith.constant 15 : i32
        %and3A_1080 = vector.broadcast %and3A_1079 : i32 to vector<16xi32>
        %and3A_1081 = arith.andi %add3A_1078, %and3A_1080 : vector<16xi32>
        %gather3A_1082 = tpu.vector_load_idx %arg13[%and3A_639, %and3A_1081] : memref<32x16xf32, #tpu.memory_space<vmem>>[vector<16xi32>, vector<16xi32>], vector<16xf32>,
        %add3A_1083 = arith.constant 32 : i32
        %add3A_1084 = vector.broadcast %add3A_1083 : i32 to vector<16xi32>
        %add3A_1085 = arith.addi %and3A_1081, %add3A_1084 : vector<16xi32>
        %scatter3A_1086 = arith.constant 0 : i32
        %scatter3A_1087 = arith.constant 0 : i32
        %scatter3A_1088 = arith.constant 0 : i32
        %scatter3A_1089 = arith.constant 0 : i32
        %scatter3A_1090 = tpu.memref_slice %arg15[%scatter3A_1086, %scatter3A_1087, %scatter3A_1088, %scatter3A_1089] : memref<2x2x112x48xf32, #tpu.memory_space<vmem>> -> memref<1x1x112x48xf32, #tpu.memory_space<vmem>>
        %scatter3A_1091 = tpu.memref_squeeze %scatter3A_1090 : memref<1x1x112x48xf32, #tpu.memory_space<vmem>> -> memref<112x48xf32, #tpu.memory_space<vmem>>
        tpu.vector_store_idx %scatter3A_1091[%add3A_645, %add3A_1085], %gather3A_1082 : memref<112x48xf32, #tpu.memory_space<vmem>>[vector<16xi32>, vector<16xi32>], vector<16xf32>,
        %add3A_1092 = arith.constant 2 : i32
        %add3A_1093 = vector.broadcast %add3A_1092 : i32 to vector<16xi32>
        %add3A_1094 = arith.addi %iota3A, %add3A_1093 : vector<16xi32>
        %and3A_1095 = arith.constant 15 : i32
        %and3A_1096 = vector.broadcast %and3A_1095 : i32 to vector<16xi32>
        %and3A_1097 = arith.andi %add3A_1094, %and3A_1096 : vector<16xi32>
        %gather3A_1098 = tpu.vector_load_idx %arg13[%and3A_639, %and3A_1097] : memref<32x16xf32, #tpu.memory_space<vmem>>[vector<16xi32>, vector<16xi32>], vector<16xf32>,
        %add3A_1099 = arith.constant 32 : i32
        %add3A_1100 = vector.broadcast %add3A_1099 : i32 to vector<16xi32>
        %add3A_1101 = arith.addi %and3A_1097, %add3A_1100 : vector<16xi32>
        %scatter3A_1102 = arith.constant 0 : i32
        %scatter3A_1103 = arith.constant 0 : i32
        %scatter3A_1104 = arith.constant 0 : i32
        %scatter3A_1105 = arith.constant 0 : i32
        %scatter3A_1106 = tpu.memref_slice %arg15[%scatter3A_1102, %scatter3A_1103, %scatter3A_1104, %scatter3A_1105] : memref<2x2x112x48xf32, #tpu.memory_space<vmem>> -> memref<1x1x112x48xf32, #tpu.memory_space<vmem>>
        %scatter3A_1107 = tpu.memref_squeeze %scatter3A_1106 : memref<1x1x112x48xf32, #tpu.memory_space<vmem>> -> memref<112x48xf32, #tpu.memory_space<vmem>>
        tpu.vector_store_idx %scatter3A_1107[%add3A_645, %add3A_1101], %gather3A_1098 : memref<112x48xf32, #tpu.memory_space<vmem>>[vector<16xi32>, vector<16xi32>], vector<16xf32>,
        %add3A_1108 = arith.constant 3 : i32
        %add3A_1109 = vector.broadcast %add3A_1108 : i32 to vector<16xi32>
        %add3A_1110 = arith.addi %iota3A, %add3A_1109 : vector<16xi32>
        %and3A_1111 = arith.constant 15 : i32
        %and3A_1112 = vector.broadcast %and3A_1111 : i32 to vector<16xi32>
        %and3A_1113 = arith.andi %add3A_1110, %and3A_1112 : vector<16xi32>
        %gather3A_1114 = tpu.vector_load_idx %arg13[%and3A_639, %and3A_1113] : memref<32x16xf32, #tpu.memory_space<vmem>>[vector<16xi32>, vector<16xi32>], vector<16xf32>,
        %add3A_1115 = arith.constant 32 : i32
        %add3A_1116 = vector.broadcast %add3A_1115 : i32 to vector<16xi32>
        %add3A_1117 = arith.addi %and3A_1113, %add3A_1116 : vector<16xi32>
        %scatter3A_1118 = arith.constant 0 : i32
        %scatter3A_1119 = arith.constant 0 : i32
        %scatter3A_1120 = arith.constant 0 : i32
        %scatter3A_1121 = arith.constant 0 : i32
        %scatter3A_1122 = tpu.memref_slice %arg15[%scatter3A_1118, %scatter3A_1119, %scatter3A_1120, %scatter3A_1121] : memref<2x2x112x48xf32, #tpu.memory_space<vmem>> -> memref<1x1x112x48xf32, #tpu.memory_space<vmem>>
        %scatter3A_1123 = tpu.memref_squeeze %scatter3A_1122 : memref<1x1x112x48xf32, #tpu.memory_space<vmem>> -> memref<112x48xf32, #tpu.memory_space<vmem>>
        tpu.vector_store_idx %scatter3A_1123[%add3A_645, %add3A_1117], %gather3A_1114 : memref<112x48xf32, #tpu.memory_space<vmem>>[vector<16xi32>, vector<16xi32>], vector<16xf32>,
        %add3A_1124 = arith.constant 4 : i32
        %add3A_1125 = vector.broadcast %add3A_1124 : i32 to vector<16xi32>
        %add3A_1126 = arith.addi %iota3A, %add3A_1125 : vector<16xi32>
        %and3A_1127 = arith.constant 15 : i32
        %and3A_1128 = vector.broadcast %and3A_1127 : i32 to vector<16xi32>
        %and3A_1129 = arith.andi %add3A_1126, %and3A_1128 : vector<16xi32>
        %gather3A_1130 = tpu.vector_load_idx %arg13[%and3A_639, %and3A_1129] : memref<32x16xf32, #tpu.memory_space<vmem>>[vector<16xi32>, vector<16xi32>], vector<16xf32>,
        %add3A_1131 = arith.constant 32 : i32
        %add3A_1132 = vector.broadcast %add3A_1131 : i32 to vector<16xi32>
        %add3A_1133 = arith.addi %and3A_1129, %add3A_1132 : vector<16xi32>
        %scatter3A_1134 = arith.constant 0 : i32
        %scatter3A_1135 = arith.constant 0 : i32
        %scatter3A_1136 = arith.constant 0 : i32
        %scatter3A_1137 = arith.constant 0 : i32
        %scatter3A_1138 = tpu.memref_slice %arg15[%scatter3A_1134, %scatter3A_1135, %scatter3A_1136, %scatter3A_1137] : memref<2x2x112x48xf32, #tpu.memory_space<vmem>> -> memref<1x1x112x48xf32, #tpu.memory_space<vmem>>
        %scatter3A_1139 = tpu.memref_squeeze %scatter3A_1138 : memref<1x1x112x48xf32, #tpu.memory_space<vmem>> -> memref<112x48xf32, #tpu.memory_space<vmem>>
        tpu.vector_store_idx %scatter3A_1139[%add3A_645, %add3A_1133], %gather3A_1130 : memref<112x48xf32, #tpu.memory_space<vmem>>[vector<16xi32>, vector<16xi32>], vector<16xf32>,
        %add3A_1140 = arith.constant 5 : i32
        %add3A_1141 = vector.broadcast %add3A_1140 : i32 to vector<16xi32>
        %add3A_1142 = arith.addi %iota3A, %add3A_1141 : vector<16xi32>
        %and3A_1143 = arith.constant 15 : i32
        %and3A_1144 = vector.broadcast %and3A_1143 : i32 to vector<16xi32>
        %and3A_1145 = arith.andi %add3A_1142, %and3A_1144 : vector<16xi32>
        %gather3A_1146 = tpu.vector_load_idx %arg13[%and3A_639, %and3A_1145] : memref<32x16xf32, #tpu.memory_space<vmem>>[vector<16xi32>, vector<16xi32>], vector<16xf32>,
        %add3A_1147 = arith.constant 32 : i32
        %add3A_1148 = vector.broadcast %add3A_1147 : i32 to vector<16xi32>
        %add3A_1149 = arith.addi %and3A_1145, %add3A_1148 : vector<16xi32>
        %scatter3A_1150 = arith.constant 0 : i32
        %scatter3A_1151 = arith.constant 0 : i32
        %scatter3A_1152 = arith.constant 0 : i32
        %scatter3A_1153 = arith.constant 0 : i32
        %scatter3A_1154 = tpu.memref_slice %arg15[%scatter3A_1150, %scatter3A_1151, %scatter3A_1152, %scatter3A_1153] : memref<2x2x112x48xf32, #tpu.memory_space<vmem>> -> memref<1x1x112x48xf32, #tpu.memory_space<vmem>>
        %scatter3A_1155 = tpu.memref_squeeze %scatter3A_1154 : memref<1x1x112x48xf32, #tpu.memory_space<vmem>> -> memref<112x48xf32, #tpu.memory_space<vmem>>
        tpu.vector_store_idx %scatter3A_1155[%add3A_645, %add3A_1149], %gather3A_1146 : memref<112x48xf32, #tpu.memory_space<vmem>>[vector<16xi32>, vector<16xi32>], vector<16xf32>,
        %add3A_1156 = arith.constant 6 : i32
        %add3A_1157 = vector.broadcast %add3A_1156 : i32 to vector<16xi32>
        %add3A_1158 = arith.addi %iota3A, %add3A_1157 : vector<16xi32>
        %and3A_1159 = arith.constant 15 : i32
        %and3A_1160 = vector.broadcast %and3A_1159 : i32 to vector<16xi32>
        %and3A_1161 = arith.andi %add3A_1158, %and3A_1160 : vector<16xi32>
        %gather3A_1162 = tpu.vector_load_idx %arg13[%and3A_639, %and3A_1161] : memref<32x16xf32, #tpu.memory_space<vmem>>[vector<16xi32>, vector<16xi32>], vector<16xf32>,
        %add3A_1163 = arith.constant 32 : i32
        %add3A_1164 = vector.broadcast %add3A_1163 : i32 to vector<16xi32>
        %add3A_1165 = arith.addi %and3A_1161, %add3A_1164 : vector<16xi32>
        %scatter3A_1166 = arith.constant 0 : i32
        %scatter3A_1167 = arith.constant 0 : i32
        %scatter3A_1168 = arith.constant 0 : i32
        %scatter3A_1169 = arith.constant 0 : i32
        %scatter3A_1170 = tpu.memref_slice %arg15[%scatter3A_1166, %scatter3A_1167, %scatter3A_1168, %scatter3A_1169] : memref<2x2x112x48xf32, #tpu.memory_space<vmem>> -> memref<1x1x112x48xf32, #tpu.memory_space<vmem>>
        %scatter3A_1171 = tpu.memref_squeeze %scatter3A_1170 : memref<1x1x112x48xf32, #tpu.memory_space<vmem>> -> memref<112x48xf32, #tpu.memory_space<vmem>>
        tpu.vector_store_idx %scatter3A_1171[%add3A_645, %add3A_1165], %gather3A_1162 : memref<112x48xf32, #tpu.memory_space<vmem>>[vector<16xi32>, vector<16xi32>], vector<16xf32>,
        %add3A_1172 = arith.constant 7 : i32
        %add3A_1173 = vector.broadcast %add3A_1172 : i32 to vector<16xi32>
        %add3A_1174 = arith.addi %iota3A, %add3A_1173 : vector<16xi32>
        %and3A_1175 = arith.constant 15 : i32
        %and3A_1176 = vector.broadcast %and3A_1175 : i32 to vector<16xi32>
        %and3A_1177 = arith.andi %add3A_1174, %and3A_1176 : vector<16xi32>
        %gather3A_1178 = tpu.vector_load_idx %arg13[%and3A_639, %and3A_1177] : memref<32x16xf32, #tpu.memory_space<vmem>>[vector<16xi32>, vector<16xi32>], vector<16xf32>,
        %add3A_1179 = arith.constant 32 : i32
        %add3A_1180 = vector.broadcast %add3A_1179 : i32 to vector<16xi32>
        %add3A_1181 = arith.addi %and3A_1177, %add3A_1180 : vector<16xi32>
        %scatter3A_1182 = arith.constant 0 : i32
        %scatter3A_1183 = arith.constant 0 : i32
        %scatter3A_1184 = arith.constant 0 : i32
        %scatter3A_1185 = arith.constant 0 : i32
        %scatter3A_1186 = tpu.memref_slice %arg15[%scatter3A_1182, %scatter3A_1183, %scatter3A_1184, %scatter3A_1185] : memref<2x2x112x48xf32, #tpu.memory_space<vmem>> -> memref<1x1x112x48xf32, #tpu.memory_space<vmem>>
        %scatter3A_1187 = tpu.memref_squeeze %scatter3A_1186 : memref<1x1x112x48xf32, #tpu.memory_space<vmem>> -> memref<112x48xf32, #tpu.memory_space<vmem>>
        tpu.vector_store_idx %scatter3A_1187[%add3A_645, %add3A_1181], %gather3A_1178 : memref<112x48xf32, #tpu.memory_space<vmem>>[vector<16xi32>, vector<16xi32>], vector<16xf32>,
        %add3A_1188 = arith.constant 8 : i32
        %add3A_1189 = vector.broadcast %add3A_1188 : i32 to vector<16xi32>
        %add3A_1190 = arith.addi %iota3A, %add3A_1189 : vector<16xi32>
        %and3A_1191 = arith.constant 15 : i32
        %and3A_1192 = vector.broadcast %and3A_1191 : i32 to vector<16xi32>
        %and3A_1193 = arith.andi %add3A_1190, %and3A_1192 : vector<16xi32>
        %gather3A_1194 = tpu.vector_load_idx %arg13[%and3A_639, %and3A_1193] : memref<32x16xf32, #tpu.memory_space<vmem>>[vector<16xi32>, vector<16xi32>], vector<16xf32>,
        %add3A_1195 = arith.constant 32 : i32
        %add3A_1196 = vector.broadcast %add3A_1195 : i32 to vector<16xi32>
        %add3A_1197 = arith.addi %and3A_1193, %add3A_1196 : vector<16xi32>
        %scatter3A_1198 = arith.constant 0 : i32
        %scatter3A_1199 = arith.constant 0 : i32
        %scatter3A_1200 = arith.constant 0 : i32
        %scatter3A_1201 = arith.constant 0 : i32
        %scatter3A_1202 = tpu.memref_slice %arg15[%scatter3A_1198, %scatter3A_1199, %scatter3A_1200, %scatter3A_1201] : memref<2x2x112x48xf32, #tpu.memory_space<vmem>> -> memref<1x1x112x48xf32, #tpu.memory_space<vmem>>
        %scatter3A_1203 = tpu.memref_squeeze %scatter3A_1202 : memref<1x1x112x48xf32, #tpu.memory_space<vmem>> -> memref<112x48xf32, #tpu.memory_space<vmem>>
        tpu.vector_store_idx %scatter3A_1203[%add3A_645, %add3A_1197], %gather3A_1194 : memref<112x48xf32, #tpu.memory_space<vmem>>[vector<16xi32>, vector<16xi32>], vector<16xf32>,
        %add3A_1204 = arith.constant 9 : i32
        %add3A_1205 = vector.broadcast %add3A_1204 : i32 to vector<16xi32>
        %add3A_1206 = arith.addi %iota3A, %add3A_1205 : vector<16xi32>
        %and3A_1207 = arith.constant 15 : i32
        %and3A_1208 = vector.broadcast %and3A_1207 : i32 to vector<16xi32>
        %and3A_1209 = arith.andi %add3A_1206, %and3A_1208 : vector<16xi32>
        %gather3A_1210 = tpu.vector_load_idx %arg13[%and3A_639, %and3A_1209] : memref<32x16xf32, #tpu.memory_space<vmem>>[vector<16xi32>, vector<16xi32>], vector<16xf32>,
        %add3A_1211 = arith.constant 32 : i32
        %add3A_1212 = vector.broadcast %add3A_1211 : i32 to vector<16xi32>
        %add3A_1213 = arith.addi %and3A_1209, %add3A_1212 : vector<16xi32>
        %scatter3A_1214 = arith.constant 0 : i32
        %scatter3A_1215 = arith.constant 0 : i32
        %scatter3A_1216 = arith.constant 0 : i32
        %scatter3A_1217 = arith.constant 0 : i32
        %scatter3A_1218 = tpu.memref_slice %arg15[%scatter3A_1214, %scatter3A_1215, %scatter3A_1216, %scatter3A_1217] : memref<2x2x112x48xf32, #tpu.memory_space<vmem>> -> memref<1x1x112x48xf32, #tpu.memory_space<vmem>>
        %scatter3A_1219 = tpu.memref_squeeze %scatter3A_1218 : memref<1x1x112x48xf32, #tpu.memory_space<vmem>> -> memref<112x48xf32, #tpu.memory_space<vmem>>
        tpu.vector_store_idx %scatter3A_1219[%add3A_645, %add3A_1213], %gather3A_1210 : memref<112x48xf32, #tpu.memory_space<vmem>>[vector<16xi32>, vector<16xi32>], vector<16xf32>,
        %add3A_1220 = arith.constant 10 : i32
        %add3A_1221 = vector.broadcast %add3A_1220 : i32 to vector<16xi32>
        %add3A_1222 = arith.addi %iota3A, %add3A_1221 : vector<16xi32>
        %and3A_1223 = arith.constant 15 : i32
        %and3A_1224 = vector.broadcast %and3A_1223 : i32 to vector<16xi32>
        %and3A_1225 = arith.andi %add3A_1222, %and3A_1224 : vector<16xi32>
        %gather3A_1226 = tpu.vector_load_idx %arg13[%and3A_639, %and3A_1225] : memref<32x16xf32, #tpu.memory_space<vmem>>[vector<16xi32>, vector<16xi32>], vector<16xf32>,
        %add3A_1227 = arith.constant 32 : i32
        %add3A_1228 = vector.broadcast %add3A_1227 : i32 to vector<16xi32>
        %add3A_1229 = arith.addi %and3A_1225, %add3A_1228 : vector<16xi32>
        %scatter3A_1230 = arith.constant 0 : i32
        %scatter3A_1231 = arith.constant 0 : i32
        %scatter3A_1232 = arith.constant 0 : i32
        %scatter3A_1233 = arith.constant 0 : i32
        %scatter3A_1234 = tpu.memref_slice %arg15[%scatter3A_1230, %scatter3A_1231, %scatter3A_1232, %scatter3A_1233] : memref<2x2x112x48xf32, #tpu.memory_space<vmem>> -> memref<1x1x112x48xf32, #tpu.memory_space<vmem>>
        %scatter3A_1235 = tpu.memref_squeeze %scatter3A_1234 : memref<1x1x112x48xf32, #tpu.memory_space<vmem>> -> memref<112x48xf32, #tpu.memory_space<vmem>>
        tpu.vector_store_idx %scatter3A_1235[%add3A_645, %add3A_1229], %gather3A_1226 : memref<112x48xf32, #tpu.memory_space<vmem>>[vector<16xi32>, vector<16xi32>], vector<16xf32>,
        %add3A_1236 = arith.constant 11 : i32
        %add3A_1237 = vector.broadcast %add3A_1236 : i32 to vector<16xi32>
        %add3A_1238 = arith.addi %iota3A, %add3A_1237 : vector<16xi32>
        %and3A_1239 = arith.constant 15 : i32
        %and3A_1240 = vector.broadcast %and3A_1239 : i32 to vector<16xi32>
        %and3A_1241 = arith.andi %add3A_1238, %and3A_1240 : vector<16xi32>
        %gather3A_1242 = tpu.vector_load_idx %arg13[%and3A_639, %and3A_1241] : memref<32x16xf32, #tpu.memory_space<vmem>>[vector<16xi32>, vector<16xi32>], vector<16xf32>,
        %add3A_1243 = arith.constant 32 : i32
        %add3A_1244 = vector.broadcast %add3A_1243 : i32 to vector<16xi32>
        %add3A_1245 = arith.addi %and3A_1241, %add3A_1244 : vector<16xi32>
        %scatter3A_1246 = arith.constant 0 : i32
        %scatter3A_1247 = arith.constant 0 : i32
        %scatter3A_1248 = arith.constant 0 : i32
        %scatter3A_1249 = arith.constant 0 : i32
        %scatter3A_1250 = tpu.memref_slice %arg15[%scatter3A_1246, %scatter3A_1247, %scatter3A_1248, %scatter3A_1249] : memref<2x2x112x48xf32, #tpu.memory_space<vmem>> -> memref<1x1x112x48xf32, #tpu.memory_space<vmem>>
        %scatter3A_1251 = tpu.memref_squeeze %scatter3A_1250 : memref<1x1x112x48xf32, #tpu.memory_space<vmem>> -> memref<112x48xf32, #tpu.memory_space<vmem>>
        tpu.vector_store_idx %scatter3A_1251[%add3A_645, %add3A_1245], %gather3A_1242 : memref<112x48xf32, #tpu.memory_space<vmem>>[vector<16xi32>, vector<16xi32>], vector<16xf32>,
        %add3A_1252 = arith.constant 12 : i32
        %add3A_1253 = vector.broadcast %add3A_1252 : i32 to vector<16xi32>
        %add3A_1254 = arith.addi %iota3A, %add3A_1253 : vector<16xi32>
        %and3A_1255 = arith.constant 15 : i32
        %and3A_1256 = vector.broadcast %and3A_1255 : i32 to vector<16xi32>
        %and3A_1257 = arith.andi %add3A_1254, %and3A_1256 : vector<16xi32>
        %gather3A_1258 = tpu.vector_load_idx %arg13[%and3A_639, %and3A_1257] : memref<32x16xf32, #tpu.memory_space<vmem>>[vector<16xi32>, vector<16xi32>], vector<16xf32>,
        %add3A_1259 = arith.constant 32 : i32
        %add3A_1260 = vector.broadcast %add3A_1259 : i32 to vector<16xi32>
        %add3A_1261 = arith.addi %and3A_1257, %add3A_1260 : vector<16xi32>
        %scatter3A_1262 = arith.constant 0 : i32
        %scatter3A_1263 = arith.constant 0 : i32
        %scatter3A_1264 = arith.constant 0 : i32
        %scatter3A_1265 = arith.constant 0 : i32
        %scatter3A_1266 = tpu.memref_slice %arg15[%scatter3A_1262, %scatter3A_1263, %scatter3A_1264, %scatter3A_1265] : memref<2x2x112x48xf32, #tpu.memory_space<vmem>> -> memref<1x1x112x48xf32, #tpu.memory_space<vmem>>
        %scatter3A_1267 = tpu.memref_squeeze %scatter3A_1266 : memref<1x1x112x48xf32, #tpu.memory_space<vmem>> -> memref<112x48xf32, #tpu.memory_space<vmem>>
        tpu.vector_store_idx %scatter3A_1267[%add3A_645, %add3A_1261], %gather3A_1258 : memref<112x48xf32, #tpu.memory_space<vmem>>[vector<16xi32>, vector<16xi32>], vector<16xf32>,
        %add3A_1268 = arith.constant 13 : i32
        %add3A_1269 = vector.broadcast %add3A_1268 : i32 to vector<16xi32>
        %add3A_1270 = arith.addi %iota3A, %add3A_1269 : vector<16xi32>
        %and3A_1271 = arith.constant 15 : i32
        %and3A_1272 = vector.broadcast %and3A_1271 : i32 to vector<16xi32>
        %and3A_1273 = arith.andi %add3A_1270, %and3A_1272 : vector<16xi32>
        %gather3A_1274 = tpu.vector_load_idx %arg13[%and3A_639, %and3A_1273] : memref<32x16xf32, #tpu.memory_space<vmem>>[vector<16xi32>, vector<16xi32>], vector<16xf32>,
        %add3A_1275 = arith.constant 32 : i32
        %add3A_1276 = vector.broadcast %add3A_1275 : i32 to vector<16xi32>
        %add3A_1277 = arith.addi %and3A_1273, %add3A_1276 : vector<16xi32>
        %scatter3A_1278 = arith.constant 0 : i32
        %scatter3A_1279 = arith.constant 0 : i32
        %scatter3A_1280 = arith.constant 0 : i32
        %scatter3A_1281 = arith.constant 0 : i32
        %scatter3A_1282 = tpu.memref_slice %arg15[%scatter3A_1278, %scatter3A_1279, %scatter3A_1280, %scatter3A_1281] : memref<2x2x112x48xf32, #tpu.memory_space<vmem>> -> memref<1x1x112x48xf32, #tpu.memory_space<vmem>>
        %scatter3A_1283 = tpu.memref_squeeze %scatter3A_1282 : memref<1x1x112x48xf32, #tpu.memory_space<vmem>> -> memref<112x48xf32, #tpu.memory_space<vmem>>
        tpu.vector_store_idx %scatter3A_1283[%add3A_645, %add3A_1277], %gather3A_1274 : memref<112x48xf32, #tpu.memory_space<vmem>>[vector<16xi32>, vector<16xi32>], vector<16xf32>,
        %add3A_1284 = arith.constant 14 : i32
        %add3A_1285 = vector.broadcast %add3A_1284 : i32 to vector<16xi32>
        %add3A_1286 = arith.addi %iota3A, %add3A_1285 : vector<16xi32>
        %and3A_1287 = arith.constant 15 : i32
        %and3A_1288 = vector.broadcast %and3A_1287 : i32 to vector<16xi32>
        %and3A_1289 = arith.andi %add3A_1286, %and3A_1288 : vector<16xi32>
        %gather3A_1290 = tpu.vector_load_idx %arg13[%and3A_639, %and3A_1289] : memref<32x16xf32, #tpu.memory_space<vmem>>[vector<16xi32>, vector<16xi32>], vector<16xf32>,
        %add3A_1291 = arith.constant 32 : i32
        %add3A_1292 = vector.broadcast %add3A_1291 : i32 to vector<16xi32>
        %add3A_1293 = arith.addi %and3A_1289, %add3A_1292 : vector<16xi32>
        %scatter3A_1294 = arith.constant 0 : i32
        %scatter3A_1295 = arith.constant 0 : i32
        %scatter3A_1296 = arith.constant 0 : i32
        %scatter3A_1297 = arith.constant 0 : i32
        %scatter3A_1298 = tpu.memref_slice %arg15[%scatter3A_1294, %scatter3A_1295, %scatter3A_1296, %scatter3A_1297] : memref<2x2x112x48xf32, #tpu.memory_space<vmem>> -> memref<1x1x112x48xf32, #tpu.memory_space<vmem>>
        %scatter3A_1299 = tpu.memref_squeeze %scatter3A_1298 : memref<1x1x112x48xf32, #tpu.memory_space<vmem>> -> memref<112x48xf32, #tpu.memory_space<vmem>>
        tpu.vector_store_idx %scatter3A_1299[%add3A_645, %add3A_1293], %gather3A_1290 : memref<112x48xf32, #tpu.memory_space<vmem>>[vector<16xi32>, vector<16xi32>], vector<16xf32>,
        %add3A_1300 = arith.constant 15 : i32
        %add3A_1301 = vector.broadcast %add3A_1300 : i32 to vector<16xi32>
        %add3A_1302 = arith.addi %iota3A, %add3A_1301 : vector<16xi32>
        %and3A_1303 = arith.constant 15 : i32
        %and3A_1304 = vector.broadcast %and3A_1303 : i32 to vector<16xi32>
        %and3A_1305 = arith.andi %add3A_1302, %and3A_1304 : vector<16xi32>
        %gather3A_1306 = tpu.vector_load_idx %arg13[%and3A_639, %and3A_1305] : memref<32x16xf32, #tpu.memory_space<vmem>>[vector<16xi32>, vector<16xi32>], vector<16xf32>,
        %add3A_1307 = arith.constant 32 : i32
        %add3A_1308 = vector.broadcast %add3A_1307 : i32 to vector<16xi32>
        %add3A_1309 = arith.addi %and3A_1305, %add3A_1308 : vector<16xi32>
        %scatter3A_1310 = arith.constant 0 : i32
        %scatter3A_1311 = arith.constant 0 : i32
        %scatter3A_1312 = arith.constant 0 : i32
        %scatter3A_1313 = arith.constant 0 : i32
        %scatter3A_1314 = tpu.memref_slice %arg15[%scatter3A_1310, %scatter3A_1311, %scatter3A_1312, %scatter3A_1313] : memref<2x2x112x48xf32, #tpu.memory_space<vmem>> -> memref<1x1x112x48xf32, #tpu.memory_space<vmem>>
        %scatter3A_1315 = tpu.memref_squeeze %scatter3A_1314 : memref<1x1x112x48xf32, #tpu.memory_space<vmem>> -> memref<112x48xf32, #tpu.memory_space<vmem>>
        tpu.vector_store_idx %scatter3A_1315[%add3A_645, %add3A_1309], %gather3A_1306 : memref<112x48xf32, #tpu.memory_space<vmem>>[vector<16xi32>, vector<16xi32>], vector<16xf32>,
      }
      %scan3A_279 = arith.constant 6 : i32
      %add3A_280 = arith.constant 2 : i32
      %add3A_281 = arith.addi %mul3A_2, %add3A_280 : i32
      %ge3A_282 = arith.cmpi sge, %add3A_231, %add3A_281 : i32
      %convert_element_type3A_283 = arith.extui %ge3A_282 : i1 to i32
      %cond3A_284 = arith.constant 0 : i32
      %cond3A_285 = arith.cmpi ne, %convert_element_type3A_283, %cond3A_284 : i32
      scf.if %cond3A_285 {
        %dma_wait3A_625 = arith.constant 0 : i32
        %dma_wait3A_626 = arith.constant 1 : i32
        %dma_wait3A_627 = arith.constant 0 : i32
        %dma_wait3A_628 = arith.constant 1 : i32
        %dma_wait3A_629 = arith.constant 0 : i32
        %dma_wait3A_630 = arith.constant 0 : i32
        %dma_wait3A_631 = tpu.memref_slice %arg14[%dma_wait3A_625, %dma_wait3A_626, %dma_wait3A_629, %dma_wait3A_630] : memref<2x2x104x128xf32, #tpu.memory_space<vmem>> -> memref<1x1x104x128xf32, #tpu.memory_space<vmem>>
        %dma_wait3A_632 = tpu.memref_squeeze %dma_wait3A_631 : memref<1x1x104x128xf32, #tpu.memory_space<vmem>> -> memref<104x128xf32, #tpu.memory_space<vmem>>
        %dma_wait3A_633 = arith.constant 96 : i32
        %dma_wait3A_634 = arith.constant 0 : i32
        %dma_wait3A_635 = tpu.memref_slice %arg7[%add3A_231, %dma_wait3A_633, %dma_wait3A_634] : memref<4096x200x176xf32, #tpu.memory_space<hbm>> -> memref<1x104x128xf32, #tpu.memory_space<hbm>>
        %dma_wait3A_636 = tpu.memref_squeeze %dma_wait3A_635 : memref<1x104x128xf32, #tpu.memory_space<hbm>> -> memref<104x128xf32, #tpu.memory_space<hbm>>
        %dma_wait3A_637 = tpu.memref_slice %arg18[%dma_wait3A_627, %dma_wait3A_628] : memref<2x2x!tpu.dma_semaphore, #tpu.memory_space<semaphore_mem>> -> memref<1x1x!tpu.dma_semaphore, #tpu.memory_space<semaphore_mem>>
        %dma_wait3A_638 = tpu.memref_squeeze %dma_wait3A_637 : memref<1x1x!tpu.dma_semaphore, #tpu.memory_space<semaphore_mem>> -> memref<!tpu.dma_semaphore, #tpu.memory_space<semaphore_mem>>
        %dma_wait3A_639 = arith.constant 96 : i32
        %dma_wait3A_640 = arith.constant 0 : i32
        %dma_wait3A_641 = tpu.memref_slice %arg7[%add3A_231, %dma_wait3A_639, %dma_wait3A_640] : memref<4096x200x176xf32, #tpu.memory_space<hbm>> -> memref<1x104x128xf32, #tpu.memory_space<hbm>>
        %dma_wait3A_642 = tpu.memref_squeeze %dma_wait3A_641 : memref<1x104x128xf32, #tpu.memory_space<hbm>> -> memref<104x128xf32, #tpu.memory_space<hbm>>
        %dma_wait3A_643 = arith.constant 0 : i32
        %dma_wait3A_644 = arith.constant 0 : i32
        %dma_wait3A_645 = tpu.memref_slice %arg14[%dma_wait3A_625, %dma_wait3A_626, %dma_wait3A_643, %dma_wait3A_644] : memref<2x2x104x128xf32, #tpu.memory_space<vmem>> -> memref<1x1x104x128xf32, #tpu.memory_space<vmem>>
        %dma_wait3A_646 = tpu.memref_squeeze %dma_wait3A_645 : memref<1x1x104x128xf32, #tpu.memory_space<vmem>> -> memref<104x128xf32, #tpu.memory_space<vmem>>
        tpu.wait_dma2 semaphore(%dma_wait3A_638 : memref<!tpu.dma_semaphore, #tpu.memory_space<semaphore_mem>>) src(%dma_wait3A_646 : memref<104x128xf32, #tpu.memory_space<vmem>>) dst(%dma_wait3A_642 : memref<104x128xf32, #tpu.memory_space<hbm>>)
        %dma_wait3A_647 = arith.constant 0 : i32
        %dma_wait3A_648 = arith.constant 1 : i32
        %dma_wait3A_649 = arith.constant 0 : i32
        %dma_wait3A_650 = arith.constant 1 : i32
        %dma_wait3A_651 = arith.constant 0 : i32
        %dma_wait3A_652 = arith.constant 0 : i32
        %dma_wait3A_653 = tpu.memref_slice %arg15[%dma_wait3A_647, %dma_wait3A_648, %dma_wait3A_651, %dma_wait3A_652] : memref<2x2x112x48xf32, #tpu.memory_space<vmem>> -> memref<1x1x104x48xf32, #tpu.memory_space<vmem>>
        %dma_wait3A_654 = tpu.memref_squeeze %dma_wait3A_653 : memref<1x1x104x48xf32, #tpu.memory_space<vmem>> -> memref<104x48xf32, #tpu.memory_space<vmem>>
        %dma_wait3A_655 = arith.constant 96 : i32
        %dma_wait3A_656 = arith.constant 128 : i32
        %dma_wait3A_657 = tpu.memref_slice %arg7[%add3A_231, %dma_wait3A_655, %dma_wait3A_656] : memref<4096x200x176xf32, #tpu.memory_space<hbm>> -> memref<1x104x48xf32, #tpu.memory_space<hbm>>
        %dma_wait3A_658 = tpu.memref_squeeze %dma_wait3A_657 : memref<1x104x48xf32, #tpu.memory_space<hbm>> -> memref<104x48xf32, #tpu.memory_space<hbm>>
        %dma_wait3A_659 = tpu.memref_slice %arg18[%dma_wait3A_649, %dma_wait3A_650] : memref<2x2x!tpu.dma_semaphore, #tpu.memory_space<semaphore_mem>> -> memref<1x1x!tpu.dma_semaphore, #tpu.memory_space<semaphore_mem>>
        %dma_wait3A_660 = tpu.memref_squeeze %dma_wait3A_659 : memref<1x1x!tpu.dma_semaphore, #tpu.memory_space<semaphore_mem>> -> memref<!tpu.dma_semaphore, #tpu.memory_space<semaphore_mem>>
        %dma_wait3A_661 = arith.constant 96 : i32
        %dma_wait3A_662 = arith.constant 128 : i32
        %dma_wait3A_663 = tpu.memref_slice %arg7[%add3A_231, %dma_wait3A_661, %dma_wait3A_662] : memref<4096x200x176xf32, #tpu.memory_space<hbm>> -> memref<1x104x48xf32, #tpu.memory_space<hbm>>
        %dma_wait3A_664 = tpu.memref_squeeze %dma_wait3A_663 : memref<1x104x48xf32, #tpu.memory_space<hbm>> -> memref<104x48xf32, #tpu.memory_space<hbm>>
        %dma_wait3A_665 = arith.constant 0 : i32
        %dma_wait3A_666 = arith.constant 0 : i32
        %dma_wait3A_667 = tpu.memref_slice %arg15[%dma_wait3A_647, %dma_wait3A_648, %dma_wait3A_665, %dma_wait3A_666] : memref<2x2x112x48xf32, #tpu.memory_space<vmem>> -> memref<1x1x104x48xf32, #tpu.memory_space<vmem>>
        %dma_wait3A_668 = tpu.memref_squeeze %dma_wait3A_667 : memref<1x1x104x48xf32, #tpu.memory_space<vmem>> -> memref<104x48xf32, #tpu.memory_space<vmem>>
        tpu.wait_dma2 semaphore(%dma_wait3A_660 : memref<!tpu.dma_semaphore, #tpu.memory_space<semaphore_mem>>) src(%dma_wait3A_668 : memref<104x48xf32, #tpu.memory_space<vmem>>) dst(%dma_wait3A_664 : memref<104x48xf32, #tpu.memory_space<hbm>>)
      } else {
      }
      %dma_start3A_286 = arith.constant 0 : i32
      %dma_start3A_287 = arith.constant 1 : i32
      %dma_start3A_288 = arith.constant 0 : i32
      %dma_start3A_289 = arith.constant 1 : i32
      %dma_start3A_290 = arith.constant 0 : i32
      %dma_start3A_291 = arith.constant 0 : i32
      %dma_start3A_292 = tpu.memref_slice %arg14[%dma_start3A_286, %dma_start3A_287, %dma_start3A_290, %dma_start3A_291] : memref<2x2x104x128xf32, #tpu.memory_space<vmem>> -> memref<1x1x104x128xf32, #tpu.memory_space<vmem>>
      %dma_start3A_293 = tpu.memref_squeeze %dma_start3A_292 : memref<1x1x104x128xf32, #tpu.memory_space<vmem>> -> memref<104x128xf32, #tpu.memory_space<vmem>>
      %dma_start3A_294 = arith.constant 96 : i32
      %dma_start3A_295 = tpu.memref_slice %arg8[%dma_start3A_294] : memref<200xi32, #tpu.memory_space<vmem>> -> memref<104xi32, #tpu.memory_space<vmem>>
      %dma_start3A_296 = arith.constant 0 : i32
      %dma_start3A_297 = arith.constant 0 : i32
      %dma_start3A_298 = tpu.memref_slice %arg4[%dma_start3A_296, %dma_start3A_297] : memref<100000x128xf32, #tpu.memory_space<hbm>> -> memref<100000x128xf32, #tpu.memory_space<hbm>>
      %dma_start3A_299 = tpu.memref_slice %arg17[%dma_start3A_288, %dma_start3A_289] : memref<2x2x!tpu.dma_semaphore, #tpu.memory_space<semaphore_mem>> -> memref<1x1x!tpu.dma_semaphore, #tpu.memory_space<semaphore_mem>>
      %dma_start3A_300 = tpu.memref_squeeze %dma_start3A_299 : memref<1x1x!tpu.dma_semaphore, #tpu.memory_space<semaphore_mem>> -> memref<!tpu.dma_semaphore, #tpu.memory_space<semaphore_mem>>
      tpu.enqueue_indirect_dma source(%dma_start3A_298 : memref<100000x128xf32, #tpu.memory_space<hbm>>) target(%dma_start3A_293 : memref<104x128xf32, #tpu.memory_space<vmem>>) offsets(%dma_start3A_295 : memref<104xi32, #tpu.memory_space<vmem>>) semaphore(%dma_start3A_300 : memref<!tpu.dma_semaphore, #tpu.memory_space<semaphore_mem>>)
      %scan3A_301 = arith.constant 0 : i32
      %scan3A_302 = arith.constant 7 : i32
      %scan3A_303 = arith.addi %scan3A_301, %scan3A_302 : i32
      %scan3A_304 = arith.constant 1 : i32
      scf.for %scan3A_625 = %scan3A_301 to %scan3A_303 step %scan3A_304  : i32 {
        %mul3A_626 = arith.constant 1 : i32
        %mul3A_627 = arith.muli %scan3A_625, %mul3A_626 : i32
        %add3A_628 = arith.constant 6 : i32
        %add3A_629 = arith.addi %add3A_628, %mul3A_627 : i32
        %mul3A_630 = arith.constant 16 : i32
        %mul3A_631 = arith.muli %add3A_629, %mul3A_630 : i32
        %get3A = arith.index_cast %mul3A_631 : i32 to index
        %get3A_632 = tpu.vector_load %arg10[%get3A] {strides = array<i32>} : memref<208xi32, #tpu.memory_space<vmem>>, vector<16xi32>,
        %and3A = arith.constant 2047 : i32
        %and3A_633 = vector.broadcast %and3A : i32 to vector<16xi32>
        %and3A_634 = arith.andi %get3A_632, %and3A_633 : vector<16xi32>
        %shift_right_logical3A = arith.constant 5 : i32
        %shift_right_logical3A_635 = vector.broadcast %shift_right_logical3A : i32 to vector<16xi32>
        %shift_right_logical3A_636 = arith.shrui %and3A_634, %shift_right_logical3A_635 : vector<16xi32>
        %and3A_637 = arith.constant 31 : i32
        %and3A_638 = vector.broadcast %and3A_637 : i32 to vector<16xi32>
        %and3A_639 = arith.andi %and3A_634, %and3A_638 : vector<16xi32>
        %mul3A_640 = arith.constant 16 : i32
        %mul3A_641 = arith.muli %add3A_629, %mul3A_640 : i32
        %sub3A_642 = arith.constant 96 : i32
        %sub3A_643 = arith.subi %mul3A_641, %sub3A_642 : i32
        %add3A_644 = vector.broadcast %sub3A_643 : i32 to vector<16xi32>
        %add3A_645 = arith.addi %add3A_644, %iota3A : vector<16xi32>
        %add3A_646 = arith.constant 0 : i32
        %add3A_647 = vector.broadcast %add3A_646 : i32 to vector<16xi32>
        %add3A_648 = arith.addi %iota3A, %add3A_647 : vector<16xi32>
        %and3A_649 = arith.constant 31 : i32
        %and3A_650 = vector.broadcast %and3A_649 : i32 to vector<16xi32>
        %and3A_651 = arith.andi %add3A_648, %and3A_650 : vector<16xi32>
        %gather3A = tpu.vector_load_idx %arg12[%shift_right_logical3A_636, %and3A_651] : memref<64x32xf32, #tpu.memory_space<vmem>>[vector<16xi32>, vector<16xi32>], vector<16xf32>,
        %scatter3A = arith.constant 0 : i32
        %scatter3A_652 = arith.constant 1 : i32
        %scatter3A_653 = arith.constant 0 : i32
        %scatter3A_654 = arith.constant 0 : i32
        %scatter3A_655 = tpu.memref_slice %arg15[%scatter3A, %scatter3A_652, %scatter3A_653, %scatter3A_654] : memref<2x2x112x48xf32, #tpu.memory_space<vmem>> -> memref<1x1x112x48xf32, #tpu.memory_space<vmem>>
        %scatter3A_656 = tpu.memref_squeeze %scatter3A_655 : memref<1x1x112x48xf32, #tpu.memory_space<vmem>> -> memref<112x48xf32, #tpu.memory_space<vmem>>
        tpu.vector_store_idx %scatter3A_656[%add3A_645, %and3A_651], %gather3A : memref<112x48xf32, #tpu.memory_space<vmem>>[vector<16xi32>, vector<16xi32>], vector<16xf32>,
        %add3A_657 = arith.constant 1 : i32
        %add3A_658 = vector.broadcast %add3A_657 : i32 to vector<16xi32>
        %add3A_659 = arith.addi %iota3A, %add3A_658 : vector<16xi32>
        %and3A_660 = arith.constant 31 : i32
        %and3A_661 = vector.broadcast %and3A_660 : i32 to vector<16xi32>
        %and3A_662 = arith.andi %add3A_659, %and3A_661 : vector<16xi32>
        %gather3A_663 = tpu.vector_load_idx %arg12[%shift_right_logical3A_636, %and3A_662] : memref<64x32xf32, #tpu.memory_space<vmem>>[vector<16xi32>, vector<16xi32>], vector<16xf32>,
        %scatter3A_664 = arith.constant 0 : i32
        %scatter3A_665 = arith.constant 1 : i32
        %scatter3A_666 = arith.constant 0 : i32
        %scatter3A_667 = arith.constant 0 : i32
        %scatter3A_668 = tpu.memref_slice %arg15[%scatter3A_664, %scatter3A_665, %scatter3A_666, %scatter3A_667] : memref<2x2x112x48xf32, #tpu.memory_space<vmem>> -> memref<1x1x112x48xf32, #tpu.memory_space<vmem>>
        %scatter3A_669 = tpu.memref_squeeze %scatter3A_668 : memref<1x1x112x48xf32, #tpu.memory_space<vmem>> -> memref<112x48xf32, #tpu.memory_space<vmem>>
        tpu.vector_store_idx %scatter3A_669[%add3A_645, %and3A_662], %gather3A_663 : memref<112x48xf32, #tpu.memory_space<vmem>>[vector<16xi32>, vector<16xi32>], vector<16xf32>,
        %add3A_670 = arith.constant 2 : i32
        %add3A_671 = vector.broadcast %add3A_670 : i32 to vector<16xi32>
        %add3A_672 = arith.addi %iota3A, %add3A_671 : vector<16xi32>
        %and3A_673 = arith.constant 31 : i32
        %and3A_674 = vector.broadcast %and3A_673 : i32 to vector<16xi32>
        %and3A_675 = arith.andi %add3A_672, %and3A_674 : vector<16xi32>
        %gather3A_676 = tpu.vector_load_idx %arg12[%shift_right_logical3A_636, %and3A_675] : memref<64x32xf32, #tpu.memory_space<vmem>>[vector<16xi32>, vector<16xi32>], vector<16xf32>,
        %scatter3A_677 = arith.constant 0 : i32
        %scatter3A_678 = arith.constant 1 : i32
        %scatter3A_679 = arith.constant 0 : i32
        %scatter3A_680 = arith.constant 0 : i32
        %scatter3A_681 = tpu.memref_slice %arg15[%scatter3A_677, %scatter3A_678, %scatter3A_679, %scatter3A_680] : memref<2x2x112x48xf32, #tpu.memory_space<vmem>> -> memref<1x1x112x48xf32, #tpu.memory_space<vmem>>
        %scatter3A_682 = tpu.memref_squeeze %scatter3A_681 : memref<1x1x112x48xf32, #tpu.memory_space<vmem>> -> memref<112x48xf32, #tpu.memory_space<vmem>>
        tpu.vector_store_idx %scatter3A_682[%add3A_645, %and3A_675], %gather3A_676 : memref<112x48xf32, #tpu.memory_space<vmem>>[vector<16xi32>, vector<16xi32>], vector<16xf32>,
        %add3A_683 = arith.constant 3 : i32
        %add3A_684 = vector.broadcast %add3A_683 : i32 to vector<16xi32>
        %add3A_685 = arith.addi %iota3A, %add3A_684 : vector<16xi32>
        %and3A_686 = arith.constant 31 : i32
        %and3A_687 = vector.broadcast %and3A_686 : i32 to vector<16xi32>
        %and3A_688 = arith.andi %add3A_685, %and3A_687 : vector<16xi32>
        %gather3A_689 = tpu.vector_load_idx %arg12[%shift_right_logical3A_636, %and3A_688] : memref<64x32xf32, #tpu.memory_space<vmem>>[vector<16xi32>, vector<16xi32>], vector<16xf32>,
        %scatter3A_690 = arith.constant 0 : i32
        %scatter3A_691 = arith.constant 1 : i32
        %scatter3A_692 = arith.constant 0 : i32
        %scatter3A_693 = arith.constant 0 : i32
        %scatter3A_694 = tpu.memref_slice %arg15[%scatter3A_690, %scatter3A_691, %scatter3A_692, %scatter3A_693] : memref<2x2x112x48xf32, #tpu.memory_space<vmem>> -> memref<1x1x112x48xf32, #tpu.memory_space<vmem>>
        %scatter3A_695 = tpu.memref_squeeze %scatter3A_694 : memref<1x1x112x48xf32, #tpu.memory_space<vmem>> -> memref<112x48xf32, #tpu.memory_space<vmem>>
        tpu.vector_store_idx %scatter3A_695[%add3A_645, %and3A_688], %gather3A_689 : memref<112x48xf32, #tpu.memory_space<vmem>>[vector<16xi32>, vector<16xi32>], vector<16xf32>,
        %add3A_696 = arith.constant 4 : i32
        %add3A_697 = vector.broadcast %add3A_696 : i32 to vector<16xi32>
        %add3A_698 = arith.addi %iota3A, %add3A_697 : vector<16xi32>
        %and3A_699 = arith.constant 31 : i32
        %and3A_700 = vector.broadcast %and3A_699 : i32 to vector<16xi32>
        %and3A_701 = arith.andi %add3A_698, %and3A_700 : vector<16xi32>
        %gather3A_702 = tpu.vector_load_idx %arg12[%shift_right_logical3A_636, %and3A_701] : memref<64x32xf32, #tpu.memory_space<vmem>>[vector<16xi32>, vector<16xi32>], vector<16xf32>,
        %scatter3A_703 = arith.constant 0 : i32
        %scatter3A_704 = arith.constant 1 : i32
        %scatter3A_705 = arith.constant 0 : i32
        %scatter3A_706 = arith.constant 0 : i32
        %scatter3A_707 = tpu.memref_slice %arg15[%scatter3A_703, %scatter3A_704, %scatter3A_705, %scatter3A_706] : memref<2x2x112x48xf32, #tpu.memory_space<vmem>> -> memref<1x1x112x48xf32, #tpu.memory_space<vmem>>
        %scatter3A_708 = tpu.memref_squeeze %scatter3A_707 : memref<1x1x112x48xf32, #tpu.memory_space<vmem>> -> memref<112x48xf32, #tpu.memory_space<vmem>>
        tpu.vector_store_idx %scatter3A_708[%add3A_645, %and3A_701], %gather3A_702 : memref<112x48xf32, #tpu.memory_space<vmem>>[vector<16xi32>, vector<16xi32>], vector<16xf32>,
        %add3A_709 = arith.constant 5 : i32
        %add3A_710 = vector.broadcast %add3A_709 : i32 to vector<16xi32>
        %add3A_711 = arith.addi %iota3A, %add3A_710 : vector<16xi32>
        %and3A_712 = arith.constant 31 : i32
        %and3A_713 = vector.broadcast %and3A_712 : i32 to vector<16xi32>
        %and3A_714 = arith.andi %add3A_711, %and3A_713 : vector<16xi32>
        %gather3A_715 = tpu.vector_load_idx %arg12[%shift_right_logical3A_636, %and3A_714] : memref<64x32xf32, #tpu.memory_space<vmem>>[vector<16xi32>, vector<16xi32>], vector<16xf32>,
        %scatter3A_716 = arith.constant 0 : i32
        %scatter3A_717 = arith.constant 1 : i32
        %scatter3A_718 = arith.constant 0 : i32
        %scatter3A_719 = arith.constant 0 : i32
        %scatter3A_720 = tpu.memref_slice %arg15[%scatter3A_716, %scatter3A_717, %scatter3A_718, %scatter3A_719] : memref<2x2x112x48xf32, #tpu.memory_space<vmem>> -> memref<1x1x112x48xf32, #tpu.memory_space<vmem>>
        %scatter3A_721 = tpu.memref_squeeze %scatter3A_720 : memref<1x1x112x48xf32, #tpu.memory_space<vmem>> -> memref<112x48xf32, #tpu.memory_space<vmem>>
        tpu.vector_store_idx %scatter3A_721[%add3A_645, %and3A_714], %gather3A_715 : memref<112x48xf32, #tpu.memory_space<vmem>>[vector<16xi32>, vector<16xi32>], vector<16xf32>,
        %add3A_722 = arith.constant 6 : i32
        %add3A_723 = vector.broadcast %add3A_722 : i32 to vector<16xi32>
        %add3A_724 = arith.addi %iota3A, %add3A_723 : vector<16xi32>
        %and3A_725 = arith.constant 31 : i32
        %and3A_726 = vector.broadcast %and3A_725 : i32 to vector<16xi32>
        %and3A_727 = arith.andi %add3A_724, %and3A_726 : vector<16xi32>
        %gather3A_728 = tpu.vector_load_idx %arg12[%shift_right_logical3A_636, %and3A_727] : memref<64x32xf32, #tpu.memory_space<vmem>>[vector<16xi32>, vector<16xi32>], vector<16xf32>,
        %scatter3A_729 = arith.constant 0 : i32
        %scatter3A_730 = arith.constant 1 : i32
        %scatter3A_731 = arith.constant 0 : i32
        %scatter3A_732 = arith.constant 0 : i32
        %scatter3A_733 = tpu.memref_slice %arg15[%scatter3A_729, %scatter3A_730, %scatter3A_731, %scatter3A_732] : memref<2x2x112x48xf32, #tpu.memory_space<vmem>> -> memref<1x1x112x48xf32, #tpu.memory_space<vmem>>
        %scatter3A_734 = tpu.memref_squeeze %scatter3A_733 : memref<1x1x112x48xf32, #tpu.memory_space<vmem>> -> memref<112x48xf32, #tpu.memory_space<vmem>>
        tpu.vector_store_idx %scatter3A_734[%add3A_645, %and3A_727], %gather3A_728 : memref<112x48xf32, #tpu.memory_space<vmem>>[vector<16xi32>, vector<16xi32>], vector<16xf32>,
        %add3A_735 = arith.constant 7 : i32
        %add3A_736 = vector.broadcast %add3A_735 : i32 to vector<16xi32>
        %add3A_737 = arith.addi %iota3A, %add3A_736 : vector<16xi32>
        %and3A_738 = arith.constant 31 : i32
        %and3A_739 = vector.broadcast %and3A_738 : i32 to vector<16xi32>
        %and3A_740 = arith.andi %add3A_737, %and3A_739 : vector<16xi32>
        %gather3A_741 = tpu.vector_load_idx %arg12[%shift_right_logical3A_636, %and3A_740] : memref<64x32xf32, #tpu.memory_space<vmem>>[vector<16xi32>, vector<16xi32>], vector<16xf32>,
        %scatter3A_742 = arith.constant 0 : i32
        %scatter3A_743 = arith.constant 1 : i32
        %scatter3A_744 = arith.constant 0 : i32
        %scatter3A_745 = arith.constant 0 : i32
        %scatter3A_746 = tpu.memref_slice %arg15[%scatter3A_742, %scatter3A_743, %scatter3A_744, %scatter3A_745] : memref<2x2x112x48xf32, #tpu.memory_space<vmem>> -> memref<1x1x112x48xf32, #tpu.memory_space<vmem>>
        %scatter3A_747 = tpu.memref_squeeze %scatter3A_746 : memref<1x1x112x48xf32, #tpu.memory_space<vmem>> -> memref<112x48xf32, #tpu.memory_space<vmem>>
        tpu.vector_store_idx %scatter3A_747[%add3A_645, %and3A_740], %gather3A_741 : memref<112x48xf32, #tpu.memory_space<vmem>>[vector<16xi32>, vector<16xi32>], vector<16xf32>,
        %add3A_748 = arith.constant 8 : i32
        %add3A_749 = vector.broadcast %add3A_748 : i32 to vector<16xi32>
        %add3A_750 = arith.addi %iota3A, %add3A_749 : vector<16xi32>
        %and3A_751 = arith.constant 31 : i32
        %and3A_752 = vector.broadcast %and3A_751 : i32 to vector<16xi32>
        %and3A_753 = arith.andi %add3A_750, %and3A_752 : vector<16xi32>
        %gather3A_754 = tpu.vector_load_idx %arg12[%shift_right_logical3A_636, %and3A_753] : memref<64x32xf32, #tpu.memory_space<vmem>>[vector<16xi32>, vector<16xi32>], vector<16xf32>,
        %scatter3A_755 = arith.constant 0 : i32
        %scatter3A_756 = arith.constant 1 : i32
        %scatter3A_757 = arith.constant 0 : i32
        %scatter3A_758 = arith.constant 0 : i32
        %scatter3A_759 = tpu.memref_slice %arg15[%scatter3A_755, %scatter3A_756, %scatter3A_757, %scatter3A_758] : memref<2x2x112x48xf32, #tpu.memory_space<vmem>> -> memref<1x1x112x48xf32, #tpu.memory_space<vmem>>
        %scatter3A_760 = tpu.memref_squeeze %scatter3A_759 : memref<1x1x112x48xf32, #tpu.memory_space<vmem>> -> memref<112x48xf32, #tpu.memory_space<vmem>>
        tpu.vector_store_idx %scatter3A_760[%add3A_645, %and3A_753], %gather3A_754 : memref<112x48xf32, #tpu.memory_space<vmem>>[vector<16xi32>, vector<16xi32>], vector<16xf32>,
        %add3A_761 = arith.constant 9 : i32
        %add3A_762 = vector.broadcast %add3A_761 : i32 to vector<16xi32>
        %add3A_763 = arith.addi %iota3A, %add3A_762 : vector<16xi32>
        %and3A_764 = arith.constant 31 : i32
        %and3A_765 = vector.broadcast %and3A_764 : i32 to vector<16xi32>
        %and3A_766 = arith.andi %add3A_763, %and3A_765 : vector<16xi32>
        %gather3A_767 = tpu.vector_load_idx %arg12[%shift_right_logical3A_636, %and3A_766] : memref<64x32xf32, #tpu.memory_space<vmem>>[vector<16xi32>, vector<16xi32>], vector<16xf32>,
        %scatter3A_768 = arith.constant 0 : i32
        %scatter3A_769 = arith.constant 1 : i32
        %scatter3A_770 = arith.constant 0 : i32
        %scatter3A_771 = arith.constant 0 : i32
        %scatter3A_772 = tpu.memref_slice %arg15[%scatter3A_768, %scatter3A_769, %scatter3A_770, %scatter3A_771] : memref<2x2x112x48xf32, #tpu.memory_space<vmem>> -> memref<1x1x112x48xf32, #tpu.memory_space<vmem>>
        %scatter3A_773 = tpu.memref_squeeze %scatter3A_772 : memref<1x1x112x48xf32, #tpu.memory_space<vmem>> -> memref<112x48xf32, #tpu.memory_space<vmem>>
        tpu.vector_store_idx %scatter3A_773[%add3A_645, %and3A_766], %gather3A_767 : memref<112x48xf32, #tpu.memory_space<vmem>>[vector<16xi32>, vector<16xi32>], vector<16xf32>,
        %add3A_774 = arith.constant 10 : i32
        %add3A_775 = vector.broadcast %add3A_774 : i32 to vector<16xi32>
        %add3A_776 = arith.addi %iota3A, %add3A_775 : vector<16xi32>
        %and3A_777 = arith.constant 31 : i32
        %and3A_778 = vector.broadcast %and3A_777 : i32 to vector<16xi32>
        %and3A_779 = arith.andi %add3A_776, %and3A_778 : vector<16xi32>
        %gather3A_780 = tpu.vector_load_idx %arg12[%shift_right_logical3A_636, %and3A_779] : memref<64x32xf32, #tpu.memory_space<vmem>>[vector<16xi32>, vector<16xi32>], vector<16xf32>,
        %scatter3A_781 = arith.constant 0 : i32
        %scatter3A_782 = arith.constant 1 : i32
        %scatter3A_783 = arith.constant 0 : i32
        %scatter3A_784 = arith.constant 0 : i32
        %scatter3A_785 = tpu.memref_slice %arg15[%scatter3A_781, %scatter3A_782, %scatter3A_783, %scatter3A_784] : memref<2x2x112x48xf32, #tpu.memory_space<vmem>> -> memref<1x1x112x48xf32, #tpu.memory_space<vmem>>
        %scatter3A_786 = tpu.memref_squeeze %scatter3A_785 : memref<1x1x112x48xf32, #tpu.memory_space<vmem>> -> memref<112x48xf32, #tpu.memory_space<vmem>>
        tpu.vector_store_idx %scatter3A_786[%add3A_645, %and3A_779], %gather3A_780 : memref<112x48xf32, #tpu.memory_space<vmem>>[vector<16xi32>, vector<16xi32>], vector<16xf32>,
        %add3A_787 = arith.constant 11 : i32
        %add3A_788 = vector.broadcast %add3A_787 : i32 to vector<16xi32>
        %add3A_789 = arith.addi %iota3A, %add3A_788 : vector<16xi32>
        %and3A_790 = arith.constant 31 : i32
        %and3A_791 = vector.broadcast %and3A_790 : i32 to vector<16xi32>
        %and3A_792 = arith.andi %add3A_789, %and3A_791 : vector<16xi32>
        %gather3A_793 = tpu.vector_load_idx %arg12[%shift_right_logical3A_636, %and3A_792] : memref<64x32xf32, #tpu.memory_space<vmem>>[vector<16xi32>, vector<16xi32>], vector<16xf32>,
        %scatter3A_794 = arith.constant 0 : i32
        %scatter3A_795 = arith.constant 1 : i32
        %scatter3A_796 = arith.constant 0 : i32
        %scatter3A_797 = arith.constant 0 : i32
        %scatter3A_798 = tpu.memref_slice %arg15[%scatter3A_794, %scatter3A_795, %scatter3A_796, %scatter3A_797] : memref<2x2x112x48xf32, #tpu.memory_space<vmem>> -> memref<1x1x112x48xf32, #tpu.memory_space<vmem>>
        %scatter3A_799 = tpu.memref_squeeze %scatter3A_798 : memref<1x1x112x48xf32, #tpu.memory_space<vmem>> -> memref<112x48xf32, #tpu.memory_space<vmem>>
        tpu.vector_store_idx %scatter3A_799[%add3A_645, %and3A_792], %gather3A_793 : memref<112x48xf32, #tpu.memory_space<vmem>>[vector<16xi32>, vector<16xi32>], vector<16xf32>,
        %add3A_800 = arith.constant 12 : i32
        %add3A_801 = vector.broadcast %add3A_800 : i32 to vector<16xi32>
        %add3A_802 = arith.addi %iota3A, %add3A_801 : vector<16xi32>
        %and3A_803 = arith.constant 31 : i32
        %and3A_804 = vector.broadcast %and3A_803 : i32 to vector<16xi32>
        %and3A_805 = arith.andi %add3A_802, %and3A_804 : vector<16xi32>
        %gather3A_806 = tpu.vector_load_idx %arg12[%shift_right_logical3A_636, %and3A_805] : memref<64x32xf32, #tpu.memory_space<vmem>>[vector<16xi32>, vector<16xi32>], vector<16xf32>,
        %scatter3A_807 = arith.constant 0 : i32
        %scatter3A_808 = arith.constant 1 : i32
        %scatter3A_809 = arith.constant 0 : i32
        %scatter3A_810 = arith.constant 0 : i32
        %scatter3A_811 = tpu.memref_slice %arg15[%scatter3A_807, %scatter3A_808, %scatter3A_809, %scatter3A_810] : memref<2x2x112x48xf32, #tpu.memory_space<vmem>> -> memref<1x1x112x48xf32, #tpu.memory_space<vmem>>
        %scatter3A_812 = tpu.memref_squeeze %scatter3A_811 : memref<1x1x112x48xf32, #tpu.memory_space<vmem>> -> memref<112x48xf32, #tpu.memory_space<vmem>>
        tpu.vector_store_idx %scatter3A_812[%add3A_645, %and3A_805], %gather3A_806 : memref<112x48xf32, #tpu.memory_space<vmem>>[vector<16xi32>, vector<16xi32>], vector<16xf32>,
        %add3A_813 = arith.constant 13 : i32
        %add3A_814 = vector.broadcast %add3A_813 : i32 to vector<16xi32>
        %add3A_815 = arith.addi %iota3A, %add3A_814 : vector<16xi32>
        %and3A_816 = arith.constant 31 : i32
        %and3A_817 = vector.broadcast %and3A_816 : i32 to vector<16xi32>
        %and3A_818 = arith.andi %add3A_815, %and3A_817 : vector<16xi32>
        %gather3A_819 = tpu.vector_load_idx %arg12[%shift_right_logical3A_636, %and3A_818] : memref<64x32xf32, #tpu.memory_space<vmem>>[vector<16xi32>, vector<16xi32>], vector<16xf32>,
        %scatter3A_820 = arith.constant 0 : i32
        %scatter3A_821 = arith.constant 1 : i32
        %scatter3A_822 = arith.constant 0 : i32
        %scatter3A_823 = arith.constant 0 : i32
        %scatter3A_824 = tpu.memref_slice %arg15[%scatter3A_820, %scatter3A_821, %scatter3A_822, %scatter3A_823] : memref<2x2x112x48xf32, #tpu.memory_space<vmem>> -> memref<1x1x112x48xf32, #tpu.memory_space<vmem>>
        %scatter3A_825 = tpu.memref_squeeze %scatter3A_824 : memref<1x1x112x48xf32, #tpu.memory_space<vmem>> -> memref<112x48xf32, #tpu.memory_space<vmem>>
        tpu.vector_store_idx %scatter3A_825[%add3A_645, %and3A_818], %gather3A_819 : memref<112x48xf32, #tpu.memory_space<vmem>>[vector<16xi32>, vector<16xi32>], vector<16xf32>,
        %add3A_826 = arith.constant 14 : i32
        %add3A_827 = vector.broadcast %add3A_826 : i32 to vector<16xi32>
        %add3A_828 = arith.addi %iota3A, %add3A_827 : vector<16xi32>
        %and3A_829 = arith.constant 31 : i32
        %and3A_830 = vector.broadcast %and3A_829 : i32 to vector<16xi32>
        %and3A_831 = arith.andi %add3A_828, %and3A_830 : vector<16xi32>
        %gather3A_832 = tpu.vector_load_idx %arg12[%shift_right_logical3A_636, %and3A_831] : memref<64x32xf32, #tpu.memory_space<vmem>>[vector<16xi32>, vector<16xi32>], vector<16xf32>,
        %scatter3A_833 = arith.constant 0 : i32
        %scatter3A_834 = arith.constant 1 : i32
        %scatter3A_835 = arith.constant 0 : i32
        %scatter3A_836 = arith.constant 0 : i32
        %scatter3A_837 = tpu.memref_slice %arg15[%scatter3A_833, %scatter3A_834, %scatter3A_835, %scatter3A_836] : memref<2x2x112x48xf32, #tpu.memory_space<vmem>> -> memref<1x1x112x48xf32, #tpu.memory_space<vmem>>
        %scatter3A_838 = tpu.memref_squeeze %scatter3A_837 : memref<1x1x112x48xf32, #tpu.memory_space<vmem>> -> memref<112x48xf32, #tpu.memory_space<vmem>>
        tpu.vector_store_idx %scatter3A_838[%add3A_645, %and3A_831], %gather3A_832 : memref<112x48xf32, #tpu.memory_space<vmem>>[vector<16xi32>, vector<16xi32>], vector<16xf32>,
        %add3A_839 = arith.constant 15 : i32
        %add3A_840 = vector.broadcast %add3A_839 : i32 to vector<16xi32>
        %add3A_841 = arith.addi %iota3A, %add3A_840 : vector<16xi32>
        %and3A_842 = arith.constant 31 : i32
        %and3A_843 = vector.broadcast %and3A_842 : i32 to vector<16xi32>
        %and3A_844 = arith.andi %add3A_841, %and3A_843 : vector<16xi32>
        %gather3A_845 = tpu.vector_load_idx %arg12[%shift_right_logical3A_636, %and3A_844] : memref<64x32xf32, #tpu.memory_space<vmem>>[vector<16xi32>, vector<16xi32>], vector<16xf32>,
        %scatter3A_846 = arith.constant 0 : i32
        %scatter3A_847 = arith.constant 1 : i32
        %scatter3A_848 = arith.constant 0 : i32
        %scatter3A_849 = arith.constant 0 : i32
        %scatter3A_850 = tpu.memref_slice %arg15[%scatter3A_846, %scatter3A_847, %scatter3A_848, %scatter3A_849] : memref<2x2x112x48xf32, #tpu.memory_space<vmem>> -> memref<1x1x112x48xf32, #tpu.memory_space<vmem>>
        %scatter3A_851 = tpu.memref_squeeze %scatter3A_850 : memref<1x1x112x48xf32, #tpu.memory_space<vmem>> -> memref<112x48xf32, #tpu.memory_space<vmem>>
        tpu.vector_store_idx %scatter3A_851[%add3A_645, %and3A_844], %gather3A_845 : memref<112x48xf32, #tpu.memory_space<vmem>>[vector<16xi32>, vector<16xi32>], vector<16xf32>,
        %add3A_852 = arith.constant 16 : i32
        %add3A_853 = vector.broadcast %add3A_852 : i32 to vector<16xi32>
        %add3A_854 = arith.addi %iota3A, %add3A_853 : vector<16xi32>
        %and3A_855 = arith.constant 31 : i32
        %and3A_856 = vector.broadcast %and3A_855 : i32 to vector<16xi32>
        %and3A_857 = arith.andi %add3A_854, %and3A_856 : vector<16xi32>
        %gather3A_858 = tpu.vector_load_idx %arg12[%shift_right_logical3A_636, %and3A_857] : memref<64x32xf32, #tpu.memory_space<vmem>>[vector<16xi32>, vector<16xi32>], vector<16xf32>,
        %scatter3A_859 = arith.constant 0 : i32
        %scatter3A_860 = arith.constant 1 : i32
        %scatter3A_861 = arith.constant 0 : i32
        %scatter3A_862 = arith.constant 0 : i32
        %scatter3A_863 = tpu.memref_slice %arg15[%scatter3A_859, %scatter3A_860, %scatter3A_861, %scatter3A_862] : memref<2x2x112x48xf32, #tpu.memory_space<vmem>> -> memref<1x1x112x48xf32, #tpu.memory_space<vmem>>
        %scatter3A_864 = tpu.memref_squeeze %scatter3A_863 : memref<1x1x112x48xf32, #tpu.memory_space<vmem>> -> memref<112x48xf32, #tpu.memory_space<vmem>>
        tpu.vector_store_idx %scatter3A_864[%add3A_645, %and3A_857], %gather3A_858 : memref<112x48xf32, #tpu.memory_space<vmem>>[vector<16xi32>, vector<16xi32>], vector<16xf32>,
        %add3A_865 = arith.constant 17 : i32
        %add3A_866 = vector.broadcast %add3A_865 : i32 to vector<16xi32>
        %add3A_867 = arith.addi %iota3A, %add3A_866 : vector<16xi32>
        %and3A_868 = arith.constant 31 : i32
        %and3A_869 = vector.broadcast %and3A_868 : i32 to vector<16xi32>
        %and3A_870 = arith.andi %add3A_867, %and3A_869 : vector<16xi32>
        %gather3A_871 = tpu.vector_load_idx %arg12[%shift_right_logical3A_636, %and3A_870] : memref<64x32xf32, #tpu.memory_space<vmem>>[vector<16xi32>, vector<16xi32>], vector<16xf32>,
        %scatter3A_872 = arith.constant 0 : i32
        %scatter3A_873 = arith.constant 1 : i32
        %scatter3A_874 = arith.constant 0 : i32
        %scatter3A_875 = arith.constant 0 : i32
        %scatter3A_876 = tpu.memref_slice %arg15[%scatter3A_872, %scatter3A_873, %scatter3A_874, %scatter3A_875] : memref<2x2x112x48xf32, #tpu.memory_space<vmem>> -> memref<1x1x112x48xf32, #tpu.memory_space<vmem>>
        %scatter3A_877 = tpu.memref_squeeze %scatter3A_876 : memref<1x1x112x48xf32, #tpu.memory_space<vmem>> -> memref<112x48xf32, #tpu.memory_space<vmem>>
        tpu.vector_store_idx %scatter3A_877[%add3A_645, %and3A_870], %gather3A_871 : memref<112x48xf32, #tpu.memory_space<vmem>>[vector<16xi32>, vector<16xi32>], vector<16xf32>,
        %add3A_878 = arith.constant 18 : i32
        %add3A_879 = vector.broadcast %add3A_878 : i32 to vector<16xi32>
        %add3A_880 = arith.addi %iota3A, %add3A_879 : vector<16xi32>
        %and3A_881 = arith.constant 31 : i32
        %and3A_882 = vector.broadcast %and3A_881 : i32 to vector<16xi32>
        %and3A_883 = arith.andi %add3A_880, %and3A_882 : vector<16xi32>
        %gather3A_884 = tpu.vector_load_idx %arg12[%shift_right_logical3A_636, %and3A_883] : memref<64x32xf32, #tpu.memory_space<vmem>>[vector<16xi32>, vector<16xi32>], vector<16xf32>,
        %scatter3A_885 = arith.constant 0 : i32
        %scatter3A_886 = arith.constant 1 : i32
        %scatter3A_887 = arith.constant 0 : i32
        %scatter3A_888 = arith.constant 0 : i32
        %scatter3A_889 = tpu.memref_slice %arg15[%scatter3A_885, %scatter3A_886, %scatter3A_887, %scatter3A_888] : memref<2x2x112x48xf32, #tpu.memory_space<vmem>> -> memref<1x1x112x48xf32, #tpu.memory_space<vmem>>
        %scatter3A_890 = tpu.memref_squeeze %scatter3A_889 : memref<1x1x112x48xf32, #tpu.memory_space<vmem>> -> memref<112x48xf32, #tpu.memory_space<vmem>>
        tpu.vector_store_idx %scatter3A_890[%add3A_645, %and3A_883], %gather3A_884 : memref<112x48xf32, #tpu.memory_space<vmem>>[vector<16xi32>, vector<16xi32>], vector<16xf32>,
        %add3A_891 = arith.constant 19 : i32
        %add3A_892 = vector.broadcast %add3A_891 : i32 to vector<16xi32>
        %add3A_893 = arith.addi %iota3A, %add3A_892 : vector<16xi32>
        %and3A_894 = arith.constant 31 : i32
        %and3A_895 = vector.broadcast %and3A_894 : i32 to vector<16xi32>
        %and3A_896 = arith.andi %add3A_893, %and3A_895 : vector<16xi32>
        %gather3A_897 = tpu.vector_load_idx %arg12[%shift_right_logical3A_636, %and3A_896] : memref<64x32xf32, #tpu.memory_space<vmem>>[vector<16xi32>, vector<16xi32>], vector<16xf32>,
        %scatter3A_898 = arith.constant 0 : i32
        %scatter3A_899 = arith.constant 1 : i32
        %scatter3A_900 = arith.constant 0 : i32
        %scatter3A_901 = arith.constant 0 : i32
        %scatter3A_902 = tpu.memref_slice %arg15[%scatter3A_898, %scatter3A_899, %scatter3A_900, %scatter3A_901] : memref<2x2x112x48xf32, #tpu.memory_space<vmem>> -> memref<1x1x112x48xf32, #tpu.memory_space<vmem>>
        %scatter3A_903 = tpu.memref_squeeze %scatter3A_902 : memref<1x1x112x48xf32, #tpu.memory_space<vmem>> -> memref<112x48xf32, #tpu.memory_space<vmem>>
        tpu.vector_store_idx %scatter3A_903[%add3A_645, %and3A_896], %gather3A_897 : memref<112x48xf32, #tpu.memory_space<vmem>>[vector<16xi32>, vector<16xi32>], vector<16xf32>,
        %add3A_904 = arith.constant 20 : i32
        %add3A_905 = vector.broadcast %add3A_904 : i32 to vector<16xi32>
        %add3A_906 = arith.addi %iota3A, %add3A_905 : vector<16xi32>
        %and3A_907 = arith.constant 31 : i32
        %and3A_908 = vector.broadcast %and3A_907 : i32 to vector<16xi32>
        %and3A_909 = arith.andi %add3A_906, %and3A_908 : vector<16xi32>
        %gather3A_910 = tpu.vector_load_idx %arg12[%shift_right_logical3A_636, %and3A_909] : memref<64x32xf32, #tpu.memory_space<vmem>>[vector<16xi32>, vector<16xi32>], vector<16xf32>,
        %scatter3A_911 = arith.constant 0 : i32
        %scatter3A_912 = arith.constant 1 : i32
        %scatter3A_913 = arith.constant 0 : i32
        %scatter3A_914 = arith.constant 0 : i32
        %scatter3A_915 = tpu.memref_slice %arg15[%scatter3A_911, %scatter3A_912, %scatter3A_913, %scatter3A_914] : memref<2x2x112x48xf32, #tpu.memory_space<vmem>> -> memref<1x1x112x48xf32, #tpu.memory_space<vmem>>
        %scatter3A_916 = tpu.memref_squeeze %scatter3A_915 : memref<1x1x112x48xf32, #tpu.memory_space<vmem>> -> memref<112x48xf32, #tpu.memory_space<vmem>>
        tpu.vector_store_idx %scatter3A_916[%add3A_645, %and3A_909], %gather3A_910 : memref<112x48xf32, #tpu.memory_space<vmem>>[vector<16xi32>, vector<16xi32>], vector<16xf32>,
        %add3A_917 = arith.constant 21 : i32
        %add3A_918 = vector.broadcast %add3A_917 : i32 to vector<16xi32>
        %add3A_919 = arith.addi %iota3A, %add3A_918 : vector<16xi32>
        %and3A_920 = arith.constant 31 : i32
        %and3A_921 = vector.broadcast %and3A_920 : i32 to vector<16xi32>
        %and3A_922 = arith.andi %add3A_919, %and3A_921 : vector<16xi32>
        %gather3A_923 = tpu.vector_load_idx %arg12[%shift_right_logical3A_636, %and3A_922] : memref<64x32xf32, #tpu.memory_space<vmem>>[vector<16xi32>, vector<16xi32>], vector<16xf32>,
        %scatter3A_924 = arith.constant 0 : i32
        %scatter3A_925 = arith.constant 1 : i32
        %scatter3A_926 = arith.constant 0 : i32
        %scatter3A_927 = arith.constant 0 : i32
        %scatter3A_928 = tpu.memref_slice %arg15[%scatter3A_924, %scatter3A_925, %scatter3A_926, %scatter3A_927] : memref<2x2x112x48xf32, #tpu.memory_space<vmem>> -> memref<1x1x112x48xf32, #tpu.memory_space<vmem>>
        %scatter3A_929 = tpu.memref_squeeze %scatter3A_928 : memref<1x1x112x48xf32, #tpu.memory_space<vmem>> -> memref<112x48xf32, #tpu.memory_space<vmem>>
        tpu.vector_store_idx %scatter3A_929[%add3A_645, %and3A_922], %gather3A_923 : memref<112x48xf32, #tpu.memory_space<vmem>>[vector<16xi32>, vector<16xi32>], vector<16xf32>,
        %add3A_930 = arith.constant 22 : i32
        %add3A_931 = vector.broadcast %add3A_930 : i32 to vector<16xi32>
        %add3A_932 = arith.addi %iota3A, %add3A_931 : vector<16xi32>
        %and3A_933 = arith.constant 31 : i32
        %and3A_934 = vector.broadcast %and3A_933 : i32 to vector<16xi32>
        %and3A_935 = arith.andi %add3A_932, %and3A_934 : vector<16xi32>
        %gather3A_936 = tpu.vector_load_idx %arg12[%shift_right_logical3A_636, %and3A_935] : memref<64x32xf32, #tpu.memory_space<vmem>>[vector<16xi32>, vector<16xi32>], vector<16xf32>,
        %scatter3A_937 = arith.constant 0 : i32
        %scatter3A_938 = arith.constant 1 : i32
        %scatter3A_939 = arith.constant 0 : i32
        %scatter3A_940 = arith.constant 0 : i32
        %scatter3A_941 = tpu.memref_slice %arg15[%scatter3A_937, %scatter3A_938, %scatter3A_939, %scatter3A_940] : memref<2x2x112x48xf32, #tpu.memory_space<vmem>> -> memref<1x1x112x48xf32, #tpu.memory_space<vmem>>
        %scatter3A_942 = tpu.memref_squeeze %scatter3A_941 : memref<1x1x112x48xf32, #tpu.memory_space<vmem>> -> memref<112x48xf32, #tpu.memory_space<vmem>>
        tpu.vector_store_idx %scatter3A_942[%add3A_645, %and3A_935], %gather3A_936 : memref<112x48xf32, #tpu.memory_space<vmem>>[vector<16xi32>, vector<16xi32>], vector<16xf32>,
        %add3A_943 = arith.constant 23 : i32
        %add3A_944 = vector.broadcast %add3A_943 : i32 to vector<16xi32>
        %add3A_945 = arith.addi %iota3A, %add3A_944 : vector<16xi32>
        %and3A_946 = arith.constant 31 : i32
        %and3A_947 = vector.broadcast %and3A_946 : i32 to vector<16xi32>
        %and3A_948 = arith.andi %add3A_945, %and3A_947 : vector<16xi32>
        %gather3A_949 = tpu.vector_load_idx %arg12[%shift_right_logical3A_636, %and3A_948] : memref<64x32xf32, #tpu.memory_space<vmem>>[vector<16xi32>, vector<16xi32>], vector<16xf32>,
        %scatter3A_950 = arith.constant 0 : i32
        %scatter3A_951 = arith.constant 1 : i32
        %scatter3A_952 = arith.constant 0 : i32
        %scatter3A_953 = arith.constant 0 : i32
        %scatter3A_954 = tpu.memref_slice %arg15[%scatter3A_950, %scatter3A_951, %scatter3A_952, %scatter3A_953] : memref<2x2x112x48xf32, #tpu.memory_space<vmem>> -> memref<1x1x112x48xf32, #tpu.memory_space<vmem>>
        %scatter3A_955 = tpu.memref_squeeze %scatter3A_954 : memref<1x1x112x48xf32, #tpu.memory_space<vmem>> -> memref<112x48xf32, #tpu.memory_space<vmem>>
        tpu.vector_store_idx %scatter3A_955[%add3A_645, %and3A_948], %gather3A_949 : memref<112x48xf32, #tpu.memory_space<vmem>>[vector<16xi32>, vector<16xi32>], vector<16xf32>,
        %add3A_956 = arith.constant 24 : i32
        %add3A_957 = vector.broadcast %add3A_956 : i32 to vector<16xi32>
        %add3A_958 = arith.addi %iota3A, %add3A_957 : vector<16xi32>
        %and3A_959 = arith.constant 31 : i32
        %and3A_960 = vector.broadcast %and3A_959 : i32 to vector<16xi32>
        %and3A_961 = arith.andi %add3A_958, %and3A_960 : vector<16xi32>
        %gather3A_962 = tpu.vector_load_idx %arg12[%shift_right_logical3A_636, %and3A_961] : memref<64x32xf32, #tpu.memory_space<vmem>>[vector<16xi32>, vector<16xi32>], vector<16xf32>,
        %scatter3A_963 = arith.constant 0 : i32
        %scatter3A_964 = arith.constant 1 : i32
        %scatter3A_965 = arith.constant 0 : i32
        %scatter3A_966 = arith.constant 0 : i32
        %scatter3A_967 = tpu.memref_slice %arg15[%scatter3A_963, %scatter3A_964, %scatter3A_965, %scatter3A_966] : memref<2x2x112x48xf32, #tpu.memory_space<vmem>> -> memref<1x1x112x48xf32, #tpu.memory_space<vmem>>
        %scatter3A_968 = tpu.memref_squeeze %scatter3A_967 : memref<1x1x112x48xf32, #tpu.memory_space<vmem>> -> memref<112x48xf32, #tpu.memory_space<vmem>>
        tpu.vector_store_idx %scatter3A_968[%add3A_645, %and3A_961], %gather3A_962 : memref<112x48xf32, #tpu.memory_space<vmem>>[vector<16xi32>, vector<16xi32>], vector<16xf32>,
        %add3A_969 = arith.constant 25 : i32
        %add3A_970 = vector.broadcast %add3A_969 : i32 to vector<16xi32>
        %add3A_971 = arith.addi %iota3A, %add3A_970 : vector<16xi32>
        %and3A_972 = arith.constant 31 : i32
        %and3A_973 = vector.broadcast %and3A_972 : i32 to vector<16xi32>
        %and3A_974 = arith.andi %add3A_971, %and3A_973 : vector<16xi32>
        %gather3A_975 = tpu.vector_load_idx %arg12[%shift_right_logical3A_636, %and3A_974] : memref<64x32xf32, #tpu.memory_space<vmem>>[vector<16xi32>, vector<16xi32>], vector<16xf32>,
        %scatter3A_976 = arith.constant 0 : i32
        %scatter3A_977 = arith.constant 1 : i32
        %scatter3A_978 = arith.constant 0 : i32
        %scatter3A_979 = arith.constant 0 : i32
        %scatter3A_980 = tpu.memref_slice %arg15[%scatter3A_976, %scatter3A_977, %scatter3A_978, %scatter3A_979] : memref<2x2x112x48xf32, #tpu.memory_space<vmem>> -> memref<1x1x112x48xf32, #tpu.memory_space<vmem>>
        %scatter3A_981 = tpu.memref_squeeze %scatter3A_980 : memref<1x1x112x48xf32, #tpu.memory_space<vmem>> -> memref<112x48xf32, #tpu.memory_space<vmem>>
        tpu.vector_store_idx %scatter3A_981[%add3A_645, %and3A_974], %gather3A_975 : memref<112x48xf32, #tpu.memory_space<vmem>>[vector<16xi32>, vector<16xi32>], vector<16xf32>,
        %add3A_982 = arith.constant 26 : i32
        %add3A_983 = vector.broadcast %add3A_982 : i32 to vector<16xi32>
        %add3A_984 = arith.addi %iota3A, %add3A_983 : vector<16xi32>
        %and3A_985 = arith.constant 31 : i32
        %and3A_986 = vector.broadcast %and3A_985 : i32 to vector<16xi32>
        %and3A_987 = arith.andi %add3A_984, %and3A_986 : vector<16xi32>
        %gather3A_988 = tpu.vector_load_idx %arg12[%shift_right_logical3A_636, %and3A_987] : memref<64x32xf32, #tpu.memory_space<vmem>>[vector<16xi32>, vector<16xi32>], vector<16xf32>,
        %scatter3A_989 = arith.constant 0 : i32
        %scatter3A_990 = arith.constant 1 : i32
        %scatter3A_991 = arith.constant 0 : i32
        %scatter3A_992 = arith.constant 0 : i32
        %scatter3A_993 = tpu.memref_slice %arg15[%scatter3A_989, %scatter3A_990, %scatter3A_991, %scatter3A_992] : memref<2x2x112x48xf32, #tpu.memory_space<vmem>> -> memref<1x1x112x48xf32, #tpu.memory_space<vmem>>
        %scatter3A_994 = tpu.memref_squeeze %scatter3A_993 : memref<1x1x112x48xf32, #tpu.memory_space<vmem>> -> memref<112x48xf32, #tpu.memory_space<vmem>>
        tpu.vector_store_idx %scatter3A_994[%add3A_645, %and3A_987], %gather3A_988 : memref<112x48xf32, #tpu.memory_space<vmem>>[vector<16xi32>, vector<16xi32>], vector<16xf32>,
        %add3A_995 = arith.constant 27 : i32
        %add3A_996 = vector.broadcast %add3A_995 : i32 to vector<16xi32>
        %add3A_997 = arith.addi %iota3A, %add3A_996 : vector<16xi32>
        %and3A_998 = arith.constant 31 : i32
        %and3A_999 = vector.broadcast %and3A_998 : i32 to vector<16xi32>
        %and3A_1000 = arith.andi %add3A_997, %and3A_999 : vector<16xi32>
        %gather3A_1001 = tpu.vector_load_idx %arg12[%shift_right_logical3A_636, %and3A_1000] : memref<64x32xf32, #tpu.memory_space<vmem>>[vector<16xi32>, vector<16xi32>], vector<16xf32>,
        %scatter3A_1002 = arith.constant 0 : i32
        %scatter3A_1003 = arith.constant 1 : i32
        %scatter3A_1004 = arith.constant 0 : i32
        %scatter3A_1005 = arith.constant 0 : i32
        %scatter3A_1006 = tpu.memref_slice %arg15[%scatter3A_1002, %scatter3A_1003, %scatter3A_1004, %scatter3A_1005] : memref<2x2x112x48xf32, #tpu.memory_space<vmem>> -> memref<1x1x112x48xf32, #tpu.memory_space<vmem>>
        %scatter3A_1007 = tpu.memref_squeeze %scatter3A_1006 : memref<1x1x112x48xf32, #tpu.memory_space<vmem>> -> memref<112x48xf32, #tpu.memory_space<vmem>>
        tpu.vector_store_idx %scatter3A_1007[%add3A_645, %and3A_1000], %gather3A_1001 : memref<112x48xf32, #tpu.memory_space<vmem>>[vector<16xi32>, vector<16xi32>], vector<16xf32>,
        %add3A_1008 = arith.constant 28 : i32
        %add3A_1009 = vector.broadcast %add3A_1008 : i32 to vector<16xi32>
        %add3A_1010 = arith.addi %iota3A, %add3A_1009 : vector<16xi32>
        %and3A_1011 = arith.constant 31 : i32
        %and3A_1012 = vector.broadcast %and3A_1011 : i32 to vector<16xi32>
        %and3A_1013 = arith.andi %add3A_1010, %and3A_1012 : vector<16xi32>
        %gather3A_1014 = tpu.vector_load_idx %arg12[%shift_right_logical3A_636, %and3A_1013] : memref<64x32xf32, #tpu.memory_space<vmem>>[vector<16xi32>, vector<16xi32>], vector<16xf32>,
        %scatter3A_1015 = arith.constant 0 : i32
        %scatter3A_1016 = arith.constant 1 : i32
        %scatter3A_1017 = arith.constant 0 : i32
        %scatter3A_1018 = arith.constant 0 : i32
        %scatter3A_1019 = tpu.memref_slice %arg15[%scatter3A_1015, %scatter3A_1016, %scatter3A_1017, %scatter3A_1018] : memref<2x2x112x48xf32, #tpu.memory_space<vmem>> -> memref<1x1x112x48xf32, #tpu.memory_space<vmem>>
        %scatter3A_1020 = tpu.memref_squeeze %scatter3A_1019 : memref<1x1x112x48xf32, #tpu.memory_space<vmem>> -> memref<112x48xf32, #tpu.memory_space<vmem>>
        tpu.vector_store_idx %scatter3A_1020[%add3A_645, %and3A_1013], %gather3A_1014 : memref<112x48xf32, #tpu.memory_space<vmem>>[vector<16xi32>, vector<16xi32>], vector<16xf32>,
        %add3A_1021 = arith.constant 29 : i32
        %add3A_1022 = vector.broadcast %add3A_1021 : i32 to vector<16xi32>
        %add3A_1023 = arith.addi %iota3A, %add3A_1022 : vector<16xi32>
        %and3A_1024 = arith.constant 31 : i32
        %and3A_1025 = vector.broadcast %and3A_1024 : i32 to vector<16xi32>
        %and3A_1026 = arith.andi %add3A_1023, %and3A_1025 : vector<16xi32>
        %gather3A_1027 = tpu.vector_load_idx %arg12[%shift_right_logical3A_636, %and3A_1026] : memref<64x32xf32, #tpu.memory_space<vmem>>[vector<16xi32>, vector<16xi32>], vector<16xf32>,
        %scatter3A_1028 = arith.constant 0 : i32
        %scatter3A_1029 = arith.constant 1 : i32
        %scatter3A_1030 = arith.constant 0 : i32
        %scatter3A_1031 = arith.constant 0 : i32
        %scatter3A_1032 = tpu.memref_slice %arg15[%scatter3A_1028, %scatter3A_1029, %scatter3A_1030, %scatter3A_1031] : memref<2x2x112x48xf32, #tpu.memory_space<vmem>> -> memref<1x1x112x48xf32, #tpu.memory_space<vmem>>
        %scatter3A_1033 = tpu.memref_squeeze %scatter3A_1032 : memref<1x1x112x48xf32, #tpu.memory_space<vmem>> -> memref<112x48xf32, #tpu.memory_space<vmem>>
        tpu.vector_store_idx %scatter3A_1033[%add3A_645, %and3A_1026], %gather3A_1027 : memref<112x48xf32, #tpu.memory_space<vmem>>[vector<16xi32>, vector<16xi32>], vector<16xf32>,
        %add3A_1034 = arith.constant 30 : i32
        %add3A_1035 = vector.broadcast %add3A_1034 : i32 to vector<16xi32>
        %add3A_1036 = arith.addi %iota3A, %add3A_1035 : vector<16xi32>
        %and3A_1037 = arith.constant 31 : i32
        %and3A_1038 = vector.broadcast %and3A_1037 : i32 to vector<16xi32>
        %and3A_1039 = arith.andi %add3A_1036, %and3A_1038 : vector<16xi32>
        %gather3A_1040 = tpu.vector_load_idx %arg12[%shift_right_logical3A_636, %and3A_1039] : memref<64x32xf32, #tpu.memory_space<vmem>>[vector<16xi32>, vector<16xi32>], vector<16xf32>,
        %scatter3A_1041 = arith.constant 0 : i32
        %scatter3A_1042 = arith.constant 1 : i32
        %scatter3A_1043 = arith.constant 0 : i32
        %scatter3A_1044 = arith.constant 0 : i32
        %scatter3A_1045 = tpu.memref_slice %arg15[%scatter3A_1041, %scatter3A_1042, %scatter3A_1043, %scatter3A_1044] : memref<2x2x112x48xf32, #tpu.memory_space<vmem>> -> memref<1x1x112x48xf32, #tpu.memory_space<vmem>>
        %scatter3A_1046 = tpu.memref_squeeze %scatter3A_1045 : memref<1x1x112x48xf32, #tpu.memory_space<vmem>> -> memref<112x48xf32, #tpu.memory_space<vmem>>
        tpu.vector_store_idx %scatter3A_1046[%add3A_645, %and3A_1039], %gather3A_1040 : memref<112x48xf32, #tpu.memory_space<vmem>>[vector<16xi32>, vector<16xi32>], vector<16xf32>,
        %add3A_1047 = arith.constant 31 : i32
        %add3A_1048 = vector.broadcast %add3A_1047 : i32 to vector<16xi32>
        %add3A_1049 = arith.addi %iota3A, %add3A_1048 : vector<16xi32>
        %and3A_1050 = arith.constant 31 : i32
        %and3A_1051 = vector.broadcast %and3A_1050 : i32 to vector<16xi32>
        %and3A_1052 = arith.andi %add3A_1049, %and3A_1051 : vector<16xi32>
        %gather3A_1053 = tpu.vector_load_idx %arg12[%shift_right_logical3A_636, %and3A_1052] : memref<64x32xf32, #tpu.memory_space<vmem>>[vector<16xi32>, vector<16xi32>], vector<16xf32>,
        %scatter3A_1054 = arith.constant 0 : i32
        %scatter3A_1055 = arith.constant 1 : i32
        %scatter3A_1056 = arith.constant 0 : i32
        %scatter3A_1057 = arith.constant 0 : i32
        %scatter3A_1058 = tpu.memref_slice %arg15[%scatter3A_1054, %scatter3A_1055, %scatter3A_1056, %scatter3A_1057] : memref<2x2x112x48xf32, #tpu.memory_space<vmem>> -> memref<1x1x112x48xf32, #tpu.memory_space<vmem>>
        %scatter3A_1059 = tpu.memref_squeeze %scatter3A_1058 : memref<1x1x112x48xf32, #tpu.memory_space<vmem>> -> memref<112x48xf32, #tpu.memory_space<vmem>>
        tpu.vector_store_idx %scatter3A_1059[%add3A_645, %and3A_1052], %gather3A_1053 : memref<112x48xf32, #tpu.memory_space<vmem>>[vector<16xi32>, vector<16xi32>], vector<16xf32>,
        %add3A_1060 = arith.constant 0 : i32
        %add3A_1061 = vector.broadcast %add3A_1060 : i32 to vector<16xi32>
        %add3A_1062 = arith.addi %iota3A, %add3A_1061 : vector<16xi32>
        %and3A_1063 = arith.constant 15 : i32
        %and3A_1064 = vector.broadcast %and3A_1063 : i32 to vector<16xi32>
        %and3A_1065 = arith.andi %add3A_1062, %and3A_1064 : vector<16xi32>
        %gather3A_1066 = tpu.vector_load_idx %arg13[%and3A_639, %and3A_1065] : memref<32x16xf32, #tpu.memory_space<vmem>>[vector<16xi32>, vector<16xi32>], vector<16xf32>,
        %add3A_1067 = arith.constant 32 : i32
        %add3A_1068 = vector.broadcast %add3A_1067 : i32 to vector<16xi32>
        %add3A_1069 = arith.addi %and3A_1065, %add3A_1068 : vector<16xi32>
        %scatter3A_1070 = arith.constant 0 : i32
        %scatter3A_1071 = arith.constant 1 : i32
        %scatter3A_1072 = arith.constant 0 : i32
        %scatter3A_1073 = arith.constant 0 : i32
        %scatter3A_1074 = tpu.memref_slice %arg15[%scatter3A_1070, %scatter3A_1071, %scatter3A_1072, %scatter3A_1073] : memref<2x2x112x48xf32, #tpu.memory_space<vmem>> -> memref<1x1x112x48xf32, #tpu.memory_space<vmem>>
        %scatter3A_1075 = tpu.memref_squeeze %scatter3A_1074 : memref<1x1x112x48xf32, #tpu.memory_space<vmem>> -> memref<112x48xf32, #tpu.memory_space<vmem>>
        tpu.vector_store_idx %scatter3A_1075[%add3A_645, %add3A_1069], %gather3A_1066 : memref<112x48xf32, #tpu.memory_space<vmem>>[vector<16xi32>, vector<16xi32>], vector<16xf32>,
        %add3A_1076 = arith.constant 1 : i32
        %add3A_1077 = vector.broadcast %add3A_1076 : i32 to vector<16xi32>
        %add3A_1078 = arith.addi %iota3A, %add3A_1077 : vector<16xi32>
        %and3A_1079 = arith.constant 15 : i32
        %and3A_1080 = vector.broadcast %and3A_1079 : i32 to vector<16xi32>
        %and3A_1081 = arith.andi %add3A_1078, %and3A_1080 : vector<16xi32>
        %gather3A_1082 = tpu.vector_load_idx %arg13[%and3A_639, %and3A_1081] : memref<32x16xf32, #tpu.memory_space<vmem>>[vector<16xi32>, vector<16xi32>], vector<16xf32>,
        %add3A_1083 = arith.constant 32 : i32
        %add3A_1084 = vector.broadcast %add3A_1083 : i32 to vector<16xi32>
        %add3A_1085 = arith.addi %and3A_1081, %add3A_1084 : vector<16xi32>
        %scatter3A_1086 = arith.constant 0 : i32
        %scatter3A_1087 = arith.constant 1 : i32
        %scatter3A_1088 = arith.constant 0 : i32
        %scatter3A_1089 = arith.constant 0 : i32
        %scatter3A_1090 = tpu.memref_slice %arg15[%scatter3A_1086, %scatter3A_1087, %scatter3A_1088, %scatter3A_1089] : memref<2x2x112x48xf32, #tpu.memory_space<vmem>> -> memref<1x1x112x48xf32, #tpu.memory_space<vmem>>
        %scatter3A_1091 = tpu.memref_squeeze %scatter3A_1090 : memref<1x1x112x48xf32, #tpu.memory_space<vmem>> -> memref<112x48xf32, #tpu.memory_space<vmem>>
        tpu.vector_store_idx %scatter3A_1091[%add3A_645, %add3A_1085], %gather3A_1082 : memref<112x48xf32, #tpu.memory_space<vmem>>[vector<16xi32>, vector<16xi32>], vector<16xf32>,
        %add3A_1092 = arith.constant 2 : i32
        %add3A_1093 = vector.broadcast %add3A_1092 : i32 to vector<16xi32>
        %add3A_1094 = arith.addi %iota3A, %add3A_1093 : vector<16xi32>
        %and3A_1095 = arith.constant 15 : i32
        %and3A_1096 = vector.broadcast %and3A_1095 : i32 to vector<16xi32>
        %and3A_1097 = arith.andi %add3A_1094, %and3A_1096 : vector<16xi32>
        %gather3A_1098 = tpu.vector_load_idx %arg13[%and3A_639, %and3A_1097] : memref<32x16xf32, #tpu.memory_space<vmem>>[vector<16xi32>, vector<16xi32>], vector<16xf32>,
        %add3A_1099 = arith.constant 32 : i32
        %add3A_1100 = vector.broadcast %add3A_1099 : i32 to vector<16xi32>
        %add3A_1101 = arith.addi %and3A_1097, %add3A_1100 : vector<16xi32>
        %scatter3A_1102 = arith.constant 0 : i32
        %scatter3A_1103 = arith.constant 1 : i32
        %scatter3A_1104 = arith.constant 0 : i32
        %scatter3A_1105 = arith.constant 0 : i32
        %scatter3A_1106 = tpu.memref_slice %arg15[%scatter3A_1102, %scatter3A_1103, %scatter3A_1104, %scatter3A_1105] : memref<2x2x112x48xf32, #tpu.memory_space<vmem>> -> memref<1x1x112x48xf32, #tpu.memory_space<vmem>>
        %scatter3A_1107 = tpu.memref_squeeze %scatter3A_1106 : memref<1x1x112x48xf32, #tpu.memory_space<vmem>> -> memref<112x48xf32, #tpu.memory_space<vmem>>
        tpu.vector_store_idx %scatter3A_1107[%add3A_645, %add3A_1101], %gather3A_1098 : memref<112x48xf32, #tpu.memory_space<vmem>>[vector<16xi32>, vector<16xi32>], vector<16xf32>,
        %add3A_1108 = arith.constant 3 : i32
        %add3A_1109 = vector.broadcast %add3A_1108 : i32 to vector<16xi32>
        %add3A_1110 = arith.addi %iota3A, %add3A_1109 : vector<16xi32>
        %and3A_1111 = arith.constant 15 : i32
        %and3A_1112 = vector.broadcast %and3A_1111 : i32 to vector<16xi32>
        %and3A_1113 = arith.andi %add3A_1110, %and3A_1112 : vector<16xi32>
        %gather3A_1114 = tpu.vector_load_idx %arg13[%and3A_639, %and3A_1113] : memref<32x16xf32, #tpu.memory_space<vmem>>[vector<16xi32>, vector<16xi32>], vector<16xf32>,
        %add3A_1115 = arith.constant 32 : i32
        %add3A_1116 = vector.broadcast %add3A_1115 : i32 to vector<16xi32>
        %add3A_1117 = arith.addi %and3A_1113, %add3A_1116 : vector<16xi32>
        %scatter3A_1118 = arith.constant 0 : i32
        %scatter3A_1119 = arith.constant 1 : i32
        %scatter3A_1120 = arith.constant 0 : i32
        %scatter3A_1121 = arith.constant 0 : i32
        %scatter3A_1122 = tpu.memref_slice %arg15[%scatter3A_1118, %scatter3A_1119, %scatter3A_1120, %scatter3A_1121] : memref<2x2x112x48xf32, #tpu.memory_space<vmem>> -> memref<1x1x112x48xf32, #tpu.memory_space<vmem>>
        %scatter3A_1123 = tpu.memref_squeeze %scatter3A_1122 : memref<1x1x112x48xf32, #tpu.memory_space<vmem>> -> memref<112x48xf32, #tpu.memory_space<vmem>>
        tpu.vector_store_idx %scatter3A_1123[%add3A_645, %add3A_1117], %gather3A_1114 : memref<112x48xf32, #tpu.memory_space<vmem>>[vector<16xi32>, vector<16xi32>], vector<16xf32>,
        %add3A_1124 = arith.constant 4 : i32
        %add3A_1125 = vector.broadcast %add3A_1124 : i32 to vector<16xi32>
        %add3A_1126 = arith.addi %iota3A, %add3A_1125 : vector<16xi32>
        %and3A_1127 = arith.constant 15 : i32
        %and3A_1128 = vector.broadcast %and3A_1127 : i32 to vector<16xi32>
        %and3A_1129 = arith.andi %add3A_1126, %and3A_1128 : vector<16xi32>
        %gather3A_1130 = tpu.vector_load_idx %arg13[%and3A_639, %and3A_1129] : memref<32x16xf32, #tpu.memory_space<vmem>>[vector<16xi32>, vector<16xi32>], vector<16xf32>,
        %add3A_1131 = arith.constant 32 : i32
        %add3A_1132 = vector.broadcast %add3A_1131 : i32 to vector<16xi32>
        %add3A_1133 = arith.addi %and3A_1129, %add3A_1132 : vector<16xi32>
        %scatter3A_1134 = arith.constant 0 : i32
        %scatter3A_1135 = arith.constant 1 : i32
        %scatter3A_1136 = arith.constant 0 : i32
        %scatter3A_1137 = arith.constant 0 : i32
        %scatter3A_1138 = tpu.memref_slice %arg15[%scatter3A_1134, %scatter3A_1135, %scatter3A_1136, %scatter3A_1137] : memref<2x2x112x48xf32, #tpu.memory_space<vmem>> -> memref<1x1x112x48xf32, #tpu.memory_space<vmem>>
        %scatter3A_1139 = tpu.memref_squeeze %scatter3A_1138 : memref<1x1x112x48xf32, #tpu.memory_space<vmem>> -> memref<112x48xf32, #tpu.memory_space<vmem>>
        tpu.vector_store_idx %scatter3A_1139[%add3A_645, %add3A_1133], %gather3A_1130 : memref<112x48xf32, #tpu.memory_space<vmem>>[vector<16xi32>, vector<16xi32>], vector<16xf32>,
        %add3A_1140 = arith.constant 5 : i32
        %add3A_1141 = vector.broadcast %add3A_1140 : i32 to vector<16xi32>
        %add3A_1142 = arith.addi %iota3A, %add3A_1141 : vector<16xi32>
        %and3A_1143 = arith.constant 15 : i32
        %and3A_1144 = vector.broadcast %and3A_1143 : i32 to vector<16xi32>
        %and3A_1145 = arith.andi %add3A_1142, %and3A_1144 : vector<16xi32>
        %gather3A_1146 = tpu.vector_load_idx %arg13[%and3A_639, %and3A_1145] : memref<32x16xf32, #tpu.memory_space<vmem>>[vector<16xi32>, vector<16xi32>], vector<16xf32>,
        %add3A_1147 = arith.constant 32 : i32
        %add3A_1148 = vector.broadcast %add3A_1147 : i32 to vector<16xi32>
        %add3A_1149 = arith.addi %and3A_1145, %add3A_1148 : vector<16xi32>
        %scatter3A_1150 = arith.constant 0 : i32
        %scatter3A_1151 = arith.constant 1 : i32
        %scatter3A_1152 = arith.constant 0 : i32
        %scatter3A_1153 = arith.constant 0 : i32
        %scatter3A_1154 = tpu.memref_slice %arg15[%scatter3A_1150, %scatter3A_1151, %scatter3A_1152, %scatter3A_1153] : memref<2x2x112x48xf32, #tpu.memory_space<vmem>> -> memref<1x1x112x48xf32, #tpu.memory_space<vmem>>
        %scatter3A_1155 = tpu.memref_squeeze %scatter3A_1154 : memref<1x1x112x48xf32, #tpu.memory_space<vmem>> -> memref<112x48xf32, #tpu.memory_space<vmem>>
        tpu.vector_store_idx %scatter3A_1155[%add3A_645, %add3A_1149], %gather3A_1146 : memref<112x48xf32, #tpu.memory_space<vmem>>[vector<16xi32>, vector<16xi32>], vector<16xf32>,
        %add3A_1156 = arith.constant 6 : i32
        %add3A_1157 = vector.broadcast %add3A_1156 : i32 to vector<16xi32>
        %add3A_1158 = arith.addi %iota3A, %add3A_1157 : vector<16xi32>
        %and3A_1159 = arith.constant 15 : i32
        %and3A_1160 = vector.broadcast %and3A_1159 : i32 to vector<16xi32>
        %and3A_1161 = arith.andi %add3A_1158, %and3A_1160 : vector<16xi32>
        %gather3A_1162 = tpu.vector_load_idx %arg13[%and3A_639, %and3A_1161] : memref<32x16xf32, #tpu.memory_space<vmem>>[vector<16xi32>, vector<16xi32>], vector<16xf32>,
        %add3A_1163 = arith.constant 32 : i32
        %add3A_1164 = vector.broadcast %add3A_1163 : i32 to vector<16xi32>
        %add3A_1165 = arith.addi %and3A_1161, %add3A_1164 : vector<16xi32>
        %scatter3A_1166 = arith.constant 0 : i32
        %scatter3A_1167 = arith.constant 1 : i32
        %scatter3A_1168 = arith.constant 0 : i32
        %scatter3A_1169 = arith.constant 0 : i32
        %scatter3A_1170 = tpu.memref_slice %arg15[%scatter3A_1166, %scatter3A_1167, %scatter3A_1168, %scatter3A_1169] : memref<2x2x112x48xf32, #tpu.memory_space<vmem>> -> memref<1x1x112x48xf32, #tpu.memory_space<vmem>>
        %scatter3A_1171 = tpu.memref_squeeze %scatter3A_1170 : memref<1x1x112x48xf32, #tpu.memory_space<vmem>> -> memref<112x48xf32, #tpu.memory_space<vmem>>
        tpu.vector_store_idx %scatter3A_1171[%add3A_645, %add3A_1165], %gather3A_1162 : memref<112x48xf32, #tpu.memory_space<vmem>>[vector<16xi32>, vector<16xi32>], vector<16xf32>,
        %add3A_1172 = arith.constant 7 : i32
        %add3A_1173 = vector.broadcast %add3A_1172 : i32 to vector<16xi32>
        %add3A_1174 = arith.addi %iota3A, %add3A_1173 : vector<16xi32>
        %and3A_1175 = arith.constant 15 : i32
        %and3A_1176 = vector.broadcast %and3A_1175 : i32 to vector<16xi32>
        %and3A_1177 = arith.andi %add3A_1174, %and3A_1176 : vector<16xi32>
        %gather3A_1178 = tpu.vector_load_idx %arg13[%and3A_639, %and3A_1177] : memref<32x16xf32, #tpu.memory_space<vmem>>[vector<16xi32>, vector<16xi32>], vector<16xf32>,
        %add3A_1179 = arith.constant 32 : i32
        %add3A_1180 = vector.broadcast %add3A_1179 : i32 to vector<16xi32>
        %add3A_1181 = arith.addi %and3A_1177, %add3A_1180 : vector<16xi32>
        %scatter3A_1182 = arith.constant 0 : i32
        %scatter3A_1183 = arith.constant 1 : i32
        %scatter3A_1184 = arith.constant 0 : i32
        %scatter3A_1185 = arith.constant 0 : i32
        %scatter3A_1186 = tpu.memref_slice %arg15[%scatter3A_1182, %scatter3A_1183, %scatter3A_1184, %scatter3A_1185] : memref<2x2x112x48xf32, #tpu.memory_space<vmem>> -> memref<1x1x112x48xf32, #tpu.memory_space<vmem>>
        %scatter3A_1187 = tpu.memref_squeeze %scatter3A_1186 : memref<1x1x112x48xf32, #tpu.memory_space<vmem>> -> memref<112x48xf32, #tpu.memory_space<vmem>>
        tpu.vector_store_idx %scatter3A_1187[%add3A_645, %add3A_1181], %gather3A_1178 : memref<112x48xf32, #tpu.memory_space<vmem>>[vector<16xi32>, vector<16xi32>], vector<16xf32>,
        %add3A_1188 = arith.constant 8 : i32
        %add3A_1189 = vector.broadcast %add3A_1188 : i32 to vector<16xi32>
        %add3A_1190 = arith.addi %iota3A, %add3A_1189 : vector<16xi32>
        %and3A_1191 = arith.constant 15 : i32
        %and3A_1192 = vector.broadcast %and3A_1191 : i32 to vector<16xi32>
        %and3A_1193 = arith.andi %add3A_1190, %and3A_1192 : vector<16xi32>
        %gather3A_1194 = tpu.vector_load_idx %arg13[%and3A_639, %and3A_1193] : memref<32x16xf32, #tpu.memory_space<vmem>>[vector<16xi32>, vector<16xi32>], vector<16xf32>,
        %add3A_1195 = arith.constant 32 : i32
        %add3A_1196 = vector.broadcast %add3A_1195 : i32 to vector<16xi32>
        %add3A_1197 = arith.addi %and3A_1193, %add3A_1196 : vector<16xi32>
        %scatter3A_1198 = arith.constant 0 : i32
        %scatter3A_1199 = arith.constant 1 : i32
        %scatter3A_1200 = arith.constant 0 : i32
        %scatter3A_1201 = arith.constant 0 : i32
        %scatter3A_1202 = tpu.memref_slice %arg15[%scatter3A_1198, %scatter3A_1199, %scatter3A_1200, %scatter3A_1201] : memref<2x2x112x48xf32, #tpu.memory_space<vmem>> -> memref<1x1x112x48xf32, #tpu.memory_space<vmem>>
        %scatter3A_1203 = tpu.memref_squeeze %scatter3A_1202 : memref<1x1x112x48xf32, #tpu.memory_space<vmem>> -> memref<112x48xf32, #tpu.memory_space<vmem>>
        tpu.vector_store_idx %scatter3A_1203[%add3A_645, %add3A_1197], %gather3A_1194 : memref<112x48xf32, #tpu.memory_space<vmem>>[vector<16xi32>, vector<16xi32>], vector<16xf32>,
        %add3A_1204 = arith.constant 9 : i32
        %add3A_1205 = vector.broadcast %add3A_1204 : i32 to vector<16xi32>
        %add3A_1206 = arith.addi %iota3A, %add3A_1205 : vector<16xi32>
        %and3A_1207 = arith.constant 15 : i32
        %and3A_1208 = vector.broadcast %and3A_1207 : i32 to vector<16xi32>
        %and3A_1209 = arith.andi %add3A_1206, %and3A_1208 : vector<16xi32>
        %gather3A_1210 = tpu.vector_load_idx %arg13[%and3A_639, %and3A_1209] : memref<32x16xf32, #tpu.memory_space<vmem>>[vector<16xi32>, vector<16xi32>], vector<16xf32>,
        %add3A_1211 = arith.constant 32 : i32
        %add3A_1212 = vector.broadcast %add3A_1211 : i32 to vector<16xi32>
        %add3A_1213 = arith.addi %and3A_1209, %add3A_1212 : vector<16xi32>
        %scatter3A_1214 = arith.constant 0 : i32
        %scatter3A_1215 = arith.constant 1 : i32
        %scatter3A_1216 = arith.constant 0 : i32
        %scatter3A_1217 = arith.constant 0 : i32
        %scatter3A_1218 = tpu.memref_slice %arg15[%scatter3A_1214, %scatter3A_1215, %scatter3A_1216, %scatter3A_1217] : memref<2x2x112x48xf32, #tpu.memory_space<vmem>> -> memref<1x1x112x48xf32, #tpu.memory_space<vmem>>
        %scatter3A_1219 = tpu.memref_squeeze %scatter3A_1218 : memref<1x1x112x48xf32, #tpu.memory_space<vmem>> -> memref<112x48xf32, #tpu.memory_space<vmem>>
        tpu.vector_store_idx %scatter3A_1219[%add3A_645, %add3A_1213], %gather3A_1210 : memref<112x48xf32, #tpu.memory_space<vmem>>[vector<16xi32>, vector<16xi32>], vector<16xf32>,
        %add3A_1220 = arith.constant 10 : i32
        %add3A_1221 = vector.broadcast %add3A_1220 : i32 to vector<16xi32>
        %add3A_1222 = arith.addi %iota3A, %add3A_1221 : vector<16xi32>
        %and3A_1223 = arith.constant 15 : i32
        %and3A_1224 = vector.broadcast %and3A_1223 : i32 to vector<16xi32>
        %and3A_1225 = arith.andi %add3A_1222, %and3A_1224 : vector<16xi32>
        %gather3A_1226 = tpu.vector_load_idx %arg13[%and3A_639, %and3A_1225] : memref<32x16xf32, #tpu.memory_space<vmem>>[vector<16xi32>, vector<16xi32>], vector<16xf32>,
        %add3A_1227 = arith.constant 32 : i32
        %add3A_1228 = vector.broadcast %add3A_1227 : i32 to vector<16xi32>
        %add3A_1229 = arith.addi %and3A_1225, %add3A_1228 : vector<16xi32>
        %scatter3A_1230 = arith.constant 0 : i32
        %scatter3A_1231 = arith.constant 1 : i32
        %scatter3A_1232 = arith.constant 0 : i32
        %scatter3A_1233 = arith.constant 0 : i32
        %scatter3A_1234 = tpu.memref_slice %arg15[%scatter3A_1230, %scatter3A_1231, %scatter3A_1232, %scatter3A_1233] : memref<2x2x112x48xf32, #tpu.memory_space<vmem>> -> memref<1x1x112x48xf32, #tpu.memory_space<vmem>>
        %scatter3A_1235 = tpu.memref_squeeze %scatter3A_1234 : memref<1x1x112x48xf32, #tpu.memory_space<vmem>> -> memref<112x48xf32, #tpu.memory_space<vmem>>
        tpu.vector_store_idx %scatter3A_1235[%add3A_645, %add3A_1229], %gather3A_1226 : memref<112x48xf32, #tpu.memory_space<vmem>>[vector<16xi32>, vector<16xi32>], vector<16xf32>,
        %add3A_1236 = arith.constant 11 : i32
        %add3A_1237 = vector.broadcast %add3A_1236 : i32 to vector<16xi32>
        %add3A_1238 = arith.addi %iota3A, %add3A_1237 : vector<16xi32>
        %and3A_1239 = arith.constant 15 : i32
        %and3A_1240 = vector.broadcast %and3A_1239 : i32 to vector<16xi32>
        %and3A_1241 = arith.andi %add3A_1238, %and3A_1240 : vector<16xi32>
        %gather3A_1242 = tpu.vector_load_idx %arg13[%and3A_639, %and3A_1241] : memref<32x16xf32, #tpu.memory_space<vmem>>[vector<16xi32>, vector<16xi32>], vector<16xf32>,
        %add3A_1243 = arith.constant 32 : i32
        %add3A_1244 = vector.broadcast %add3A_1243 : i32 to vector<16xi32>
        %add3A_1245 = arith.addi %and3A_1241, %add3A_1244 : vector<16xi32>
        %scatter3A_1246 = arith.constant 0 : i32
        %scatter3A_1247 = arith.constant 1 : i32
        %scatter3A_1248 = arith.constant 0 : i32
        %scatter3A_1249 = arith.constant 0 : i32
        %scatter3A_1250 = tpu.memref_slice %arg15[%scatter3A_1246, %scatter3A_1247, %scatter3A_1248, %scatter3A_1249] : memref<2x2x112x48xf32, #tpu.memory_space<vmem>> -> memref<1x1x112x48xf32, #tpu.memory_space<vmem>>
        %scatter3A_1251 = tpu.memref_squeeze %scatter3A_1250 : memref<1x1x112x48xf32, #tpu.memory_space<vmem>> -> memref<112x48xf32, #tpu.memory_space<vmem>>
        tpu.vector_store_idx %scatter3A_1251[%add3A_645, %add3A_1245], %gather3A_1242 : memref<112x48xf32, #tpu.memory_space<vmem>>[vector<16xi32>, vector<16xi32>], vector<16xf32>,
        %add3A_1252 = arith.constant 12 : i32
        %add3A_1253 = vector.broadcast %add3A_1252 : i32 to vector<16xi32>
        %add3A_1254 = arith.addi %iota3A, %add3A_1253 : vector<16xi32>
        %and3A_1255 = arith.constant 15 : i32
        %and3A_1256 = vector.broadcast %and3A_1255 : i32 to vector<16xi32>
        %and3A_1257 = arith.andi %add3A_1254, %and3A_1256 : vector<16xi32>
        %gather3A_1258 = tpu.vector_load_idx %arg13[%and3A_639, %and3A_1257] : memref<32x16xf32, #tpu.memory_space<vmem>>[vector<16xi32>, vector<16xi32>], vector<16xf32>,
        %add3A_1259 = arith.constant 32 : i32
        %add3A_1260 = vector.broadcast %add3A_1259 : i32 to vector<16xi32>
        %add3A_1261 = arith.addi %and3A_1257, %add3A_1260 : vector<16xi32>
        %scatter3A_1262 = arith.constant 0 : i32
        %scatter3A_1263 = arith.constant 1 : i32
        %scatter3A_1264 = arith.constant 0 : i32
        %scatter3A_1265 = arith.constant 0 : i32
        %scatter3A_1266 = tpu.memref_slice %arg15[%scatter3A_1262, %scatter3A_1263, %scatter3A_1264, %scatter3A_1265] : memref<2x2x112x48xf32, #tpu.memory_space<vmem>> -> memref<1x1x112x48xf32, #tpu.memory_space<vmem>>
        %scatter3A_1267 = tpu.memref_squeeze %scatter3A_1266 : memref<1x1x112x48xf32, #tpu.memory_space<vmem>> -> memref<112x48xf32, #tpu.memory_space<vmem>>
        tpu.vector_store_idx %scatter3A_1267[%add3A_645, %add3A_1261], %gather3A_1258 : memref<112x48xf32, #tpu.memory_space<vmem>>[vector<16xi32>, vector<16xi32>], vector<16xf32>,
        %add3A_1268 = arith.constant 13 : i32
        %add3A_1269 = vector.broadcast %add3A_1268 : i32 to vector<16xi32>
        %add3A_1270 = arith.addi %iota3A, %add3A_1269 : vector<16xi32>
        %and3A_1271 = arith.constant 15 : i32
        %and3A_1272 = vector.broadcast %and3A_1271 : i32 to vector<16xi32>
        %and3A_1273 = arith.andi %add3A_1270, %and3A_1272 : vector<16xi32>
        %gather3A_1274 = tpu.vector_load_idx %arg13[%and3A_639, %and3A_1273] : memref<32x16xf32, #tpu.memory_space<vmem>>[vector<16xi32>, vector<16xi32>], vector<16xf32>,
        %add3A_1275 = arith.constant 32 : i32
        %add3A_1276 = vector.broadcast %add3A_1275 : i32 to vector<16xi32>
        %add3A_1277 = arith.addi %and3A_1273, %add3A_1276 : vector<16xi32>
        %scatter3A_1278 = arith.constant 0 : i32
        %scatter3A_1279 = arith.constant 1 : i32
        %scatter3A_1280 = arith.constant 0 : i32
        %scatter3A_1281 = arith.constant 0 : i32
        %scatter3A_1282 = tpu.memref_slice %arg15[%scatter3A_1278, %scatter3A_1279, %scatter3A_1280, %scatter3A_1281] : memref<2x2x112x48xf32, #tpu.memory_space<vmem>> -> memref<1x1x112x48xf32, #tpu.memory_space<vmem>>
        %scatter3A_1283 = tpu.memref_squeeze %scatter3A_1282 : memref<1x1x112x48xf32, #tpu.memory_space<vmem>> -> memref<112x48xf32, #tpu.memory_space<vmem>>
        tpu.vector_store_idx %scatter3A_1283[%add3A_645, %add3A_1277], %gather3A_1274 : memref<112x48xf32, #tpu.memory_space<vmem>>[vector<16xi32>, vector<16xi32>], vector<16xf32>,
        %add3A_1284 = arith.constant 14 : i32
        %add3A_1285 = vector.broadcast %add3A_1284 : i32 to vector<16xi32>
        %add3A_1286 = arith.addi %iota3A, %add3A_1285 : vector<16xi32>
        %and3A_1287 = arith.constant 15 : i32
        %and3A_1288 = vector.broadcast %and3A_1287 : i32 to vector<16xi32>
        %and3A_1289 = arith.andi %add3A_1286, %and3A_1288 : vector<16xi32>
        %gather3A_1290 = tpu.vector_load_idx %arg13[%and3A_639, %and3A_1289] : memref<32x16xf32, #tpu.memory_space<vmem>>[vector<16xi32>, vector<16xi32>], vector<16xf32>,
        %add3A_1291 = arith.constant 32 : i32
        %add3A_1292 = vector.broadcast %add3A_1291 : i32 to vector<16xi32>
        %add3A_1293 = arith.addi %and3A_1289, %add3A_1292 : vector<16xi32>
        %scatter3A_1294 = arith.constant 0 : i32
        %scatter3A_1295 = arith.constant 1 : i32
        %scatter3A_1296 = arith.constant 0 : i32
        %scatter3A_1297 = arith.constant 0 : i32
        %scatter3A_1298 = tpu.memref_slice %arg15[%scatter3A_1294, %scatter3A_1295, %scatter3A_1296, %scatter3A_1297] : memref<2x2x112x48xf32, #tpu.memory_space<vmem>> -> memref<1x1x112x48xf32, #tpu.memory_space<vmem>>
        %scatter3A_1299 = tpu.memref_squeeze %scatter3A_1298 : memref<1x1x112x48xf32, #tpu.memory_space<vmem>> -> memref<112x48xf32, #tpu.memory_space<vmem>>
        tpu.vector_store_idx %scatter3A_1299[%add3A_645, %add3A_1293], %gather3A_1290 : memref<112x48xf32, #tpu.memory_space<vmem>>[vector<16xi32>, vector<16xi32>], vector<16xf32>,
        %add3A_1300 = arith.constant 15 : i32
        %add3A_1301 = vector.broadcast %add3A_1300 : i32 to vector<16xi32>
        %add3A_1302 = arith.addi %iota3A, %add3A_1301 : vector<16xi32>
        %and3A_1303 = arith.constant 15 : i32
        %and3A_1304 = vector.broadcast %and3A_1303 : i32 to vector<16xi32>
        %and3A_1305 = arith.andi %add3A_1302, %and3A_1304 : vector<16xi32>
        %gather3A_1306 = tpu.vector_load_idx %arg13[%and3A_639, %and3A_1305] : memref<32x16xf32, #tpu.memory_space<vmem>>[vector<16xi32>, vector<16xi32>], vector<16xf32>,
        %add3A_1307 = arith.constant 32 : i32
        %add3A_1308 = vector.broadcast %add3A_1307 : i32 to vector<16xi32>
        %add3A_1309 = arith.addi %and3A_1305, %add3A_1308 : vector<16xi32>
        %scatter3A_1310 = arith.constant 0 : i32
        %scatter3A_1311 = arith.constant 1 : i32
        %scatter3A_1312 = arith.constant 0 : i32
        %scatter3A_1313 = arith.constant 0 : i32
        %scatter3A_1314 = tpu.memref_slice %arg15[%scatter3A_1310, %scatter3A_1311, %scatter3A_1312, %scatter3A_1313] : memref<2x2x112x48xf32, #tpu.memory_space<vmem>> -> memref<1x1x112x48xf32, #tpu.memory_space<vmem>>
        %scatter3A_1315 = tpu.memref_squeeze %scatter3A_1314 : memref<1x1x112x48xf32, #tpu.memory_space<vmem>> -> memref<112x48xf32, #tpu.memory_space<vmem>>
        tpu.vector_store_idx %scatter3A_1315[%add3A_645, %add3A_1309], %gather3A_1306 : memref<112x48xf32, #tpu.memory_space<vmem>>[vector<16xi32>, vector<16xi32>], vector<16xf32>,
      }
      %scan3A_305 = arith.constant 7 : i32
      %dma_wait3A_306 = arith.constant 0 : i32
      %dma_wait3A_307 = arith.constant 0 : i32
      %dma_wait3A_308 = arith.constant 0 : i32
      %dma_wait3A_309 = arith.constant 0 : i32
      %dma_wait3A_310 = arith.constant 0 : i32
      %dma_wait3A_311 = arith.constant 0 : i32
      %dma_wait3A_312 = tpu.memref_slice %arg14[%dma_wait3A_306, %dma_wait3A_307, %dma_wait3A_310, %dma_wait3A_311] : memref<2x2x104x128xf32, #tpu.memory_space<vmem>> -> memref<1x1x96x128xf32, #tpu.memory_space<vmem>>
      %dma_wait3A_313 = tpu.memref_squeeze %dma_wait3A_312 : memref<1x1x96x128xf32, #tpu.memory_space<vmem>> -> memref<96x128xf32, #tpu.memory_space<vmem>>
      %dma_wait3A_314 = arith.constant 0 : i32
      %dma_wait3A_315 = tpu.memref_slice %arg8[%dma_wait3A_314] : memref<200xi32, #tpu.memory_space<vmem>> -> memref<96xi32, #tpu.memory_space<vmem>>
      %dma_wait3A_316 = arith.constant 0 : i32
      %dma_wait3A_317 = arith.constant 0 : i32
      %dma_wait3A_318 = tpu.memref_slice %arg4[%dma_wait3A_316, %dma_wait3A_317] : memref<100000x128xf32, #tpu.memory_space<hbm>> -> memref<100000x128xf32, #tpu.memory_space<hbm>>
      %dma_wait3A_319 = tpu.memref_slice %arg17[%dma_wait3A_308, %dma_wait3A_309] : memref<2x2x!tpu.dma_semaphore, #tpu.memory_space<semaphore_mem>> -> memref<1x1x!tpu.dma_semaphore, #tpu.memory_space<semaphore_mem>>
      %dma_wait3A_320 = tpu.memref_squeeze %dma_wait3A_319 : memref<1x1x!tpu.dma_semaphore, #tpu.memory_space<semaphore_mem>> -> memref<!tpu.dma_semaphore, #tpu.memory_space<semaphore_mem>>
      tpu.wait_indirect_dma semaphore(%dma_wait3A_320 : memref<!tpu.dma_semaphore, #tpu.memory_space<semaphore_mem>>) src(%dma_wait3A_318 : memref<100000x128xf32, #tpu.memory_space<hbm>>) dst(%dma_wait3A_313 : memref<96x128xf32, #tpu.memory_space<vmem>>)
      %dma_start3A_321 = arith.constant 0 : i32
      %dma_start3A_322 = arith.constant 0 : i32
      %dma_start3A_323 = arith.constant 0 : i32
      %dma_start3A_324 = arith.constant 0 : i32
      %dma_start3A_325 = arith.constant 0 : i32
      %dma_start3A_326 = arith.constant 0 : i32
      %dma_start3A_327 = tpu.memref_slice %arg14[%dma_start3A_321, %dma_start3A_322, %dma_start3A_325, %dma_start3A_326] : memref<2x2x104x128xf32, #tpu.memory_space<vmem>> -> memref<1x1x96x128xf32, #tpu.memory_space<vmem>>
      %dma_start3A_328 = tpu.memref_squeeze %dma_start3A_327 : memref<1x1x96x128xf32, #tpu.memory_space<vmem>> -> memref<96x128xf32, #tpu.memory_space<vmem>>
      %dma_start3A_329 = arith.constant 0 : i32
      %dma_start3A_330 = arith.constant 0 : i32
      %dma_start3A_331 = tpu.memref_slice %arg7[%add3A_231, %dma_start3A_329, %dma_start3A_330] : memref<4096x200x176xf32, #tpu.memory_space<hbm>> -> memref<1x96x128xf32, #tpu.memory_space<hbm>>
      %dma_start3A_332 = tpu.memref_squeeze %dma_start3A_331 : memref<1x96x128xf32, #tpu.memory_space<hbm>> -> memref<96x128xf32, #tpu.memory_space<hbm>>
      %dma_start3A_333 = tpu.memref_slice %arg18[%dma_start3A_323, %dma_start3A_324] : memref<2x2x!tpu.dma_semaphore, #tpu.memory_space<semaphore_mem>> -> memref<1x1x!tpu.dma_semaphore, #tpu.memory_space<semaphore_mem>>
      %dma_start3A_334 = tpu.memref_squeeze %dma_start3A_333 : memref<1x1x!tpu.dma_semaphore, #tpu.memory_space<semaphore_mem>> -> memref<!tpu.dma_semaphore, #tpu.memory_space<semaphore_mem>>
      %dma_start3A_335 = arith.constant 0 : i32
      %dma_start3A_336 = arith.constant 0 : i32
      %dma_start3A_337 = tpu.memref_slice %arg7[%add3A_231, %dma_start3A_335, %dma_start3A_336] : memref<4096x200x176xf32, #tpu.memory_space<hbm>> -> memref<1x96x128xf32, #tpu.memory_space<hbm>>
      %dma_start3A_338 = tpu.memref_squeeze %dma_start3A_337 : memref<1x96x128xf32, #tpu.memory_space<hbm>> -> memref<96x128xf32, #tpu.memory_space<hbm>>
      %dma_start3A_339 = arith.constant 0 : i32
      %dma_start3A_340 = arith.constant 0 : i32
      %dma_start3A_341 = tpu.memref_slice %arg14[%dma_start3A_321, %dma_start3A_322, %dma_start3A_339, %dma_start3A_340] : memref<2x2x104x128xf32, #tpu.memory_space<vmem>> -> memref<1x1x96x128xf32, #tpu.memory_space<vmem>>
      %dma_start3A_342 = tpu.memref_squeeze %dma_start3A_341 : memref<1x1x96x128xf32, #tpu.memory_space<vmem>> -> memref<96x128xf32, #tpu.memory_space<vmem>>
      tpu.enqueue_dma source(%dma_start3A_342 : memref<96x128xf32, #tpu.memory_space<vmem>>) target(%dma_start3A_338 : memref<96x128xf32, #tpu.memory_space<hbm>>) target_semaphore(%dma_start3A_334 : memref<!tpu.dma_semaphore, #tpu.memory_space<semaphore_mem>>)
      %dma_start3A_343 = arith.constant 0 : i32
      %dma_start3A_344 = arith.constant 0 : i32
      %dma_start3A_345 = arith.constant 0 : i32
      %dma_start3A_346 = arith.constant 0 : i32
      %dma_start3A_347 = arith.constant 0 : i32
      %dma_start3A_348 = arith.constant 0 : i32
      %dma_start3A_349 = tpu.memref_slice %arg15[%dma_start3A_343, %dma_start3A_344, %dma_start3A_347, %dma_start3A_348] : memref<2x2x112x48xf32, #tpu.memory_space<vmem>> -> memref<1x1x96x48xf32, #tpu.memory_space<vmem>>
      %dma_start3A_350 = tpu.memref_squeeze %dma_start3A_349 : memref<1x1x96x48xf32, #tpu.memory_space<vmem>> -> memref<96x48xf32, #tpu.memory_space<vmem>>
      %dma_start3A_351 = arith.constant 0 : i32
      %dma_start3A_352 = arith.constant 128 : i32
      %dma_start3A_353 = tpu.memref_slice %arg7[%add3A_231, %dma_start3A_351, %dma_start3A_352] : memref<4096x200x176xf32, #tpu.memory_space<hbm>> -> memref<1x96x48xf32, #tpu.memory_space<hbm>>
      %dma_start3A_354 = tpu.memref_squeeze %dma_start3A_353 : memref<1x96x48xf32, #tpu.memory_space<hbm>> -> memref<96x48xf32, #tpu.memory_space<hbm>>
      %dma_start3A_355 = tpu.memref_slice %arg18[%dma_start3A_345, %dma_start3A_346] : memref<2x2x!tpu.dma_semaphore, #tpu.memory_space<semaphore_mem>> -> memref<1x1x!tpu.dma_semaphore, #tpu.memory_space<semaphore_mem>>
      %dma_start3A_356 = tpu.memref_squeeze %dma_start3A_355 : memref<1x1x!tpu.dma_semaphore, #tpu.memory_space<semaphore_mem>> -> memref<!tpu.dma_semaphore, #tpu.memory_space<semaphore_mem>>
      %dma_start3A_357 = arith.constant 0 : i32
      %dma_start3A_358 = arith.constant 128 : i32
      %dma_start3A_359 = tpu.memref_slice %arg7[%add3A_231, %dma_start3A_357, %dma_start3A_358] : memref<4096x200x176xf32, #tpu.memory_space<hbm>> -> memref<1x96x48xf32, #tpu.memory_space<hbm>>
      %dma_start3A_360 = tpu.memref_squeeze %dma_start3A_359 : memref<1x96x48xf32, #tpu.memory_space<hbm>> -> memref<96x48xf32, #tpu.memory_space<hbm>>
      %dma_start3A_361 = arith.constant 0 : i32
      %dma_start3A_362 = arith.constant 0 : i32
      %dma_start3A_363 = tpu.memref_slice %arg15[%dma_start3A_343, %dma_start3A_344, %dma_start3A_361, %dma_start3A_362] : memref<2x2x112x48xf32, #tpu.memory_space<vmem>> -> memref<1x1x96x48xf32, #tpu.memory_space<vmem>>
      %dma_start3A_364 = tpu.memref_squeeze %dma_start3A_363 : memref<1x1x96x48xf32, #tpu.memory_space<vmem>> -> memref<96x48xf32, #tpu.memory_space<vmem>>
      tpu.enqueue_dma source(%dma_start3A_364 : memref<96x48xf32, #tpu.memory_space<vmem>>) target(%dma_start3A_360 : memref<96x48xf32, #tpu.memory_space<hbm>>) target_semaphore(%dma_start3A_356 : memref<!tpu.dma_semaphore, #tpu.memory_space<semaphore_mem>>)
      %dma_wait3A_365 = arith.constant 0 : i32
      %dma_wait3A_366 = arith.constant 1 : i32
      %dma_wait3A_367 = arith.constant 0 : i32
      %dma_wait3A_368 = arith.constant 1 : i32
      %dma_wait3A_369 = arith.constant 0 : i32
      %dma_wait3A_370 = arith.constant 0 : i32
      %dma_wait3A_371 = tpu.memref_slice %arg14[%dma_wait3A_365, %dma_wait3A_366, %dma_wait3A_369, %dma_wait3A_370] : memref<2x2x104x128xf32, #tpu.memory_space<vmem>> -> memref<1x1x104x128xf32, #tpu.memory_space<vmem>>
      %dma_wait3A_372 = tpu.memref_squeeze %dma_wait3A_371 : memref<1x1x104x128xf32, #tpu.memory_space<vmem>> -> memref<104x128xf32, #tpu.memory_space<vmem>>
      %dma_wait3A_373 = arith.constant 96 : i32
      %dma_wait3A_374 = tpu.memref_slice %arg8[%dma_wait3A_373] : memref<200xi32, #tpu.memory_space<vmem>> -> memref<104xi32, #tpu.memory_space<vmem>>
      %dma_wait3A_375 = arith.constant 0 : i32
      %dma_wait3A_376 = arith.constant 0 : i32
      %dma_wait3A_377 = tpu.memref_slice %arg4[%dma_wait3A_375, %dma_wait3A_376] : memref<100000x128xf32, #tpu.memory_space<hbm>> -> memref<100000x128xf32, #tpu.memory_space<hbm>>
      %dma_wait3A_378 = tpu.memref_slice %arg17[%dma_wait3A_367, %dma_wait3A_368] : memref<2x2x!tpu.dma_semaphore, #tpu.memory_space<semaphore_mem>> -> memref<1x1x!tpu.dma_semaphore, #tpu.memory_space<semaphore_mem>>
      %dma_wait3A_379 = tpu.memref_squeeze %dma_wait3A_378 : memref<1x1x!tpu.dma_semaphore, #tpu.memory_space<semaphore_mem>> -> memref<!tpu.dma_semaphore, #tpu.memory_space<semaphore_mem>>
      tpu.wait_indirect_dma semaphore(%dma_wait3A_379 : memref<!tpu.dma_semaphore, #tpu.memory_space<semaphore_mem>>) src(%dma_wait3A_377 : memref<100000x128xf32, #tpu.memory_space<hbm>>) dst(%dma_wait3A_372 : memref<104x128xf32, #tpu.memory_space<vmem>>)
      %dma_start3A_380 = arith.constant 0 : i32
      %dma_start3A_381 = arith.constant 1 : i32
      %dma_start3A_382 = arith.constant 0 : i32
      %dma_start3A_383 = arith.constant 1 : i32
      %dma_start3A_384 = arith.constant 0 : i32
      %dma_start3A_385 = arith.constant 0 : i32
      %dma_start3A_386 = tpu.memref_slice %arg14[%dma_start3A_380, %dma_start3A_381, %dma_start3A_384, %dma_start3A_385] : memref<2x2x104x128xf32, #tpu.memory_space<vmem>> -> memref<1x1x104x128xf32, #tpu.memory_space<vmem>>
      %dma_start3A_387 = tpu.memref_squeeze %dma_start3A_386 : memref<1x1x104x128xf32, #tpu.memory_space<vmem>> -> memref<104x128xf32, #tpu.memory_space<vmem>>
      %dma_start3A_388 = arith.constant 96 : i32
      %dma_start3A_389 = arith.constant 0 : i32
      %dma_start3A_390 = tpu.memref_slice %arg7[%add3A_231, %dma_start3A_388, %dma_start3A_389] : memref<4096x200x176xf32, #tpu.memory_space<hbm>> -> memref<1x104x128xf32, #tpu.memory_space<hbm>>
      %dma_start3A_391 = tpu.memref_squeeze %dma_start3A_390 : memref<1x104x128xf32, #tpu.memory_space<hbm>> -> memref<104x128xf32, #tpu.memory_space<hbm>>
      %dma_start3A_392 = tpu.memref_slice %arg18[%dma_start3A_382, %dma_start3A_383] : memref<2x2x!tpu.dma_semaphore, #tpu.memory_space<semaphore_mem>> -> memref<1x1x!tpu.dma_semaphore, #tpu.memory_space<semaphore_mem>>
      %dma_start3A_393 = tpu.memref_squeeze %dma_start3A_392 : memref<1x1x!tpu.dma_semaphore, #tpu.memory_space<semaphore_mem>> -> memref<!tpu.dma_semaphore, #tpu.memory_space<semaphore_mem>>
      %dma_start3A_394 = arith.constant 96 : i32
      %dma_start3A_395 = arith.constant 0 : i32
      %dma_start3A_396 = tpu.memref_slice %arg7[%add3A_231, %dma_start3A_394, %dma_start3A_395] : memref<4096x200x176xf32, #tpu.memory_space<hbm>> -> memref<1x104x128xf32, #tpu.memory_space<hbm>>
      %dma_start3A_397 = tpu.memref_squeeze %dma_start3A_396 : memref<1x104x128xf32, #tpu.memory_space<hbm>> -> memref<104x128xf32, #tpu.memory_space<hbm>>
      %dma_start3A_398 = arith.constant 0 : i32
      %dma_start3A_399 = arith.constant 0 : i32
      %dma_start3A_400 = tpu.memref_slice %arg14[%dma_start3A_380, %dma_start3A_381, %dma_start3A_398, %dma_start3A_399] : memref<2x2x104x128xf32, #tpu.memory_space<vmem>> -> memref<1x1x104x128xf32, #tpu.memory_space<vmem>>
      %dma_start3A_401 = tpu.memref_squeeze %dma_start3A_400 : memref<1x1x104x128xf32, #tpu.memory_space<vmem>> -> memref<104x128xf32, #tpu.memory_space<vmem>>
      tpu.enqueue_dma source(%dma_start3A_401 : memref<104x128xf32, #tpu.memory_space<vmem>>) target(%dma_start3A_397 : memref<104x128xf32, #tpu.memory_space<hbm>>) target_semaphore(%dma_start3A_393 : memref<!tpu.dma_semaphore, #tpu.memory_space<semaphore_mem>>)
      %dma_start3A_402 = arith.constant 0 : i32
      %dma_start3A_403 = arith.constant 1 : i32
      %dma_start3A_404 = arith.constant 0 : i32
      %dma_start3A_405 = arith.constant 1 : i32
      %dma_start3A_406 = arith.constant 0 : i32
      %dma_start3A_407 = arith.constant 0 : i32
      %dma_start3A_408 = tpu.memref_slice %arg15[%dma_start3A_402, %dma_start3A_403, %dma_start3A_406, %dma_start3A_407] : memref<2x2x112x48xf32, #tpu.memory_space<vmem>> -> memref<1x1x104x48xf32, #tpu.memory_space<vmem>>
      %dma_start3A_409 = tpu.memref_squeeze %dma_start3A_408 : memref<1x1x104x48xf32, #tpu.memory_space<vmem>> -> memref<104x48xf32, #tpu.memory_space<vmem>>
      %dma_start3A_410 = arith.constant 96 : i32
      %dma_start3A_411 = arith.constant 128 : i32
      %dma_start3A_412 = tpu.memref_slice %arg7[%add3A_231, %dma_start3A_410, %dma_start3A_411] : memref<4096x200x176xf32, #tpu.memory_space<hbm>> -> memref<1x104x48xf32, #tpu.memory_space<hbm>>
      %dma_start3A_413 = tpu.memref_squeeze %dma_start3A_412 : memref<1x104x48xf32, #tpu.memory_space<hbm>> -> memref<104x48xf32, #tpu.memory_space<hbm>>
      %dma_start3A_414 = tpu.memref_slice %arg18[%dma_start3A_404, %dma_start3A_405] : memref<2x2x!tpu.dma_semaphore, #tpu.memory_space<semaphore_mem>> -> memref<1x1x!tpu.dma_semaphore, #tpu.memory_space<semaphore_mem>>
      %dma_start3A_415 = tpu.memref_squeeze %dma_start3A_414 : memref<1x1x!tpu.dma_semaphore, #tpu.memory_space<semaphore_mem>> -> memref<!tpu.dma_semaphore, #tpu.memory_space<semaphore_mem>>
      %dma_start3A_416 = arith.constant 96 : i32
      %dma_start3A_417 = arith.constant 128 : i32
      %dma_start3A_418 = tpu.memref_slice %arg7[%add3A_231, %dma_start3A_416, %dma_start3A_417] : memref<4096x200x176xf32, #tpu.memory_space<hbm>> -> memref<1x104x48xf32, #tpu.memory_space<hbm>>
      %dma_start3A_419 = tpu.memref_squeeze %dma_start3A_418 : memref<1x104x48xf32, #tpu.memory_space<hbm>> -> memref<104x48xf32, #tpu.memory_space<hbm>>
      %dma_start3A_420 = arith.constant 0 : i32
      %dma_start3A_421 = arith.constant 0 : i32
      %dma_start3A_422 = tpu.memref_slice %arg15[%dma_start3A_402, %dma_start3A_403, %dma_start3A_420, %dma_start3A_421] : memref<2x2x112x48xf32, #tpu.memory_space<vmem>> -> memref<1x1x104x48xf32, #tpu.memory_space<vmem>>
      %dma_start3A_423 = tpu.memref_squeeze %dma_start3A_422 : memref<1x1x104x48xf32, #tpu.memory_space<vmem>> -> memref<104x48xf32, #tpu.memory_space<vmem>>
      tpu.enqueue_dma source(%dma_start3A_423 : memref<104x48xf32, #tpu.memory_space<vmem>>) target(%dma_start3A_419 : memref<104x48xf32, #tpu.memory_space<hbm>>) target_semaphore(%dma_start3A_415 : memref<!tpu.dma_semaphore, #tpu.memory_space<semaphore_mem>>)
      %mul3A_424 = arith.constant 2 : i32
      %mul3A_425 = arith.muli %mul3A_424, %add3A_226 : i32
      %add3A_426 = arith.addi %mul3A_2, %mul3A_425 : i32
      %add3A_427 = arith.constant 1 : i32
      %add3A_428 = arith.addi %add3A_426, %add3A_427 : i32
      %add3A_429 = arith.constant 1 : i32
      %add3A_430 = arith.addi %add3A_428, %add3A_429 : i32
      %add3A_431 = arith.constant 128 : i32
      %add3A_432 = arith.addi %mul3A_2, %add3A_431 : i32
      %lt3A_433 = arith.cmpi slt, %add3A_430, %add3A_432 : i32
      %convert_element_type3A_434 = arith.extui %lt3A_433 : i1 to i32
      %cond3A_435 = arith.constant 0 : i32
      %cond3A_436 = arith.cmpi ne, %convert_element_type3A_434, %cond3A_435 : i32
      scf.if %cond3A_436 {
        %add3A_625 = arith.constant 1 : i32
        %add3A_626 = arith.addi %add3A_428, %add3A_625 : i32
        %mul3A_627 = arith.constant 200 : i32
        %mul3A_628 = arith.muli %add3A_626, %mul3A_627 : i32
        %mul3A_629 = arith.constant 200 : i32
        %mul3A_630 = arith.muli %add3A_626, %mul3A_629 : i32
        %dma_start3A_631 = arith.constant 0 : i32
        %dma_start3A_632 = tpu.memref_slice %arg2[%mul3A_628] : memref<819200xi32, #tpu.memory_space<hbm>> -> memref<200xi32, #tpu.memory_space<hbm>>
        %dma_start3A_633 = tpu.memref_slice %arg16[%dma_start3A_631] : memref<2x!tpu.dma_semaphore, #tpu.memory_space<semaphore_mem>> -> memref<1x!tpu.dma_semaphore, #tpu.memory_space<semaphore_mem>>
        %dma_start3A_634 = tpu.memref_squeeze %dma_start3A_633 : memref<1x!tpu.dma_semaphore, #tpu.memory_space<semaphore_mem>> -> memref<!tpu.dma_semaphore, #tpu.memory_space<semaphore_mem>>
        %dma_start3A_635 = tpu.memref_slice %arg2[%mul3A_628] : memref<819200xi32, #tpu.memory_space<hbm>> -> memref<200xi32, #tpu.memory_space<hbm>>
        tpu.enqueue_dma source(%dma_start3A_635 : memref<200xi32, #tpu.memory_space<hbm>>) target(%arg8 : memref<200xi32, #tpu.memory_space<vmem>>) target_semaphore(%dma_start3A_634 : memref<!tpu.dma_semaphore, #tpu.memory_space<semaphore_mem>>)
        %dma_start3A_636 = arith.constant 0 : i32
        %dma_start3A_637 = arith.constant 0 : i32
        %dma_start3A_638 = tpu.memref_slice %arg10[%dma_start3A_637] : memref<208xi32, #tpu.memory_space<vmem>> -> memref<200xi32, #tpu.memory_space<vmem>>
        %dma_start3A_639 = tpu.memref_slice %arg3[%mul3A_630] : memref<819200xi32, #tpu.memory_space<hbm>> -> memref<200xi32, #tpu.memory_space<hbm>>
        %dma_start3A_640 = tpu.memref_slice %arg16[%dma_start3A_636] : memref<2x!tpu.dma_semaphore, #tpu.memory_space<semaphore_mem>> -> memref<1x!tpu.dma_semaphore, #tpu.memory_space<semaphore_mem>>
        %dma_start3A_641 = tpu.memref_squeeze %dma_start3A_640 : memref<1x!tpu.dma_semaphore, #tpu.memory_space<semaphore_mem>> -> memref<!tpu.dma_semaphore, #tpu.memory_space<semaphore_mem>>
        %dma_start3A_642 = arith.constant 0 : i32
        %dma_start3A_643 = tpu.memref_slice %arg10[%dma_start3A_642] : memref<208xi32, #tpu.memory_space<vmem>> -> memref<200xi32, #tpu.memory_space<vmem>>
        %dma_start3A_644 = tpu.memref_slice %arg3[%mul3A_630] : memref<819200xi32, #tpu.memory_space<hbm>> -> memref<200xi32, #tpu.memory_space<hbm>>
        tpu.enqueue_dma source(%dma_start3A_644 : memref<200xi32, #tpu.memory_space<hbm>>) target(%dma_start3A_643 : memref<200xi32, #tpu.memory_space<vmem>>) target_semaphore(%dma_start3A_641 : memref<!tpu.dma_semaphore, #tpu.memory_space<semaphore_mem>>)
      } else {
      }
      %mul3A_437 = arith.constant 200 : i32
      %mul3A_438 = arith.muli %add3A_428, %mul3A_437 : i32
      %mul3A_439 = arith.constant 200 : i32
      %mul3A_440 = arith.muli %add3A_428, %mul3A_439 : i32
      %dma_wait3A_441 = arith.constant 1 : i32
      %dma_wait3A_442 = tpu.memref_slice %arg2[%mul3A_438] : memref<819200xi32, #tpu.memory_space<hbm>> -> memref<200xi32, #tpu.memory_space<hbm>>
      %dma_wait3A_443 = tpu.memref_slice %arg16[%dma_wait3A_441] : memref<2x!tpu.dma_semaphore, #tpu.memory_space<semaphore_mem>> -> memref<1x!tpu.dma_semaphore, #tpu.memory_space<semaphore_mem>>
      %dma_wait3A_444 = tpu.memref_squeeze %dma_wait3A_443 : memref<1x!tpu.dma_semaphore, #tpu.memory_space<semaphore_mem>> -> memref<!tpu.dma_semaphore, #tpu.memory_space<semaphore_mem>>
      %dma_wait3A_445 = tpu.memref_slice %arg2[%mul3A_438] : memref<819200xi32, #tpu.memory_space<hbm>> -> memref<200xi32, #tpu.memory_space<hbm>>
      tpu.wait_dma2 semaphore(%dma_wait3A_444 : memref<!tpu.dma_semaphore, #tpu.memory_space<semaphore_mem>>) src(%dma_wait3A_445 : memref<200xi32, #tpu.memory_space<hbm>>) dst(%arg9 : memref<200xi32, #tpu.memory_space<vmem>>)
      %dma_wait3A_446 = arith.constant 1 : i32
      %dma_wait3A_447 = arith.constant 0 : i32
      %dma_wait3A_448 = tpu.memref_slice %arg11[%dma_wait3A_447] : memref<208xi32, #tpu.memory_space<vmem>> -> memref<200xi32, #tpu.memory_space<vmem>>
      %dma_wait3A_449 = tpu.memref_slice %arg3[%mul3A_440] : memref<819200xi32, #tpu.memory_space<hbm>> -> memref<200xi32, #tpu.memory_space<hbm>>
      %dma_wait3A_450 = tpu.memref_slice %arg16[%dma_wait3A_446] : memref<2x!tpu.dma_semaphore, #tpu.memory_space<semaphore_mem>> -> memref<1x!tpu.dma_semaphore, #tpu.memory_space<semaphore_mem>>
      %dma_wait3A_451 = tpu.memref_squeeze %dma_wait3A_450 : memref<1x!tpu.dma_semaphore, #tpu.memory_space<semaphore_mem>> -> memref<!tpu.dma_semaphore, #tpu.memory_space<semaphore_mem>>
      %dma_wait3A_452 = arith.constant 0 : i32
      %dma_wait3A_453 = tpu.memref_slice %arg11[%dma_wait3A_452] : memref<208xi32, #tpu.memory_space<vmem>> -> memref<200xi32, #tpu.memory_space<vmem>>
      %dma_wait3A_454 = tpu.memref_slice %arg3[%mul3A_440] : memref<819200xi32, #tpu.memory_space<hbm>> -> memref<200xi32, #tpu.memory_space<hbm>>
      tpu.wait_dma2 semaphore(%dma_wait3A_451 : memref<!tpu.dma_semaphore, #tpu.memory_space<semaphore_mem>>) src(%dma_wait3A_454 : memref<200xi32, #tpu.memory_space<hbm>>) dst(%dma_wait3A_453 : memref<200xi32, #tpu.memory_space<vmem>>)
      %add3A_455 = arith.constant 2 : i32
      %add3A_456 = arith.addi %mul3A_2, %add3A_455 : i32
      %ge3A_457 = arith.cmpi sge, %add3A_428, %add3A_456 : i32
      %convert_element_type3A_458 = arith.extui %ge3A_457 : i1 to i32
      %cond3A_459 = arith.constant 0 : i32
      %cond3A_460 = arith.cmpi ne, %convert_element_type3A_458, %cond3A_459 : i32
      scf.if %cond3A_460 {
        %dma_wait3A_625 = arith.constant 1 : i32
        %dma_wait3A_626 = arith.constant 0 : i32
        %dma_wait3A_627 = arith.constant 1 : i32
        %dma_wait3A_628 = arith.constant 0 : i32
        %dma_wait3A_629 = arith.constant 0 : i32
        %dma_wait3A_630 = arith.constant 0 : i32
        %dma_wait3A_631 = tpu.memref_slice %arg14[%dma_wait3A_625, %dma_wait3A_626, %dma_wait3A_629, %dma_wait3A_630] : memref<2x2x104x128xf32, #tpu.memory_space<vmem>> -> memref<1x1x96x128xf32, #tpu.memory_space<vmem>>
        %dma_wait3A_632 = tpu.memref_squeeze %dma_wait3A_631 : memref<1x1x96x128xf32, #tpu.memory_space<vmem>> -> memref<96x128xf32, #tpu.memory_space<vmem>>
        %dma_wait3A_633 = arith.constant 0 : i32
        %dma_wait3A_634 = arith.constant 0 : i32
        %dma_wait3A_635 = tpu.memref_slice %arg7[%add3A_428, %dma_wait3A_633, %dma_wait3A_634] : memref<4096x200x176xf32, #tpu.memory_space<hbm>> -> memref<1x96x128xf32, #tpu.memory_space<hbm>>
        %dma_wait3A_636 = tpu.memref_squeeze %dma_wait3A_635 : memref<1x96x128xf32, #tpu.memory_space<hbm>> -> memref<96x128xf32, #tpu.memory_space<hbm>>
        %dma_wait3A_637 = tpu.memref_slice %arg18[%dma_wait3A_627, %dma_wait3A_628] : memref<2x2x!tpu.dma_semaphore, #tpu.memory_space<semaphore_mem>> -> memref<1x1x!tpu.dma_semaphore, #tpu.memory_space<semaphore_mem>>
        %dma_wait3A_638 = tpu.memref_squeeze %dma_wait3A_637 : memref<1x1x!tpu.dma_semaphore, #tpu.memory_space<semaphore_mem>> -> memref<!tpu.dma_semaphore, #tpu.memory_space<semaphore_mem>>
        %dma_wait3A_639 = arith.constant 0 : i32
        %dma_wait3A_640 = arith.constant 0 : i32
        %dma_wait3A_641 = tpu.memref_slice %arg7[%add3A_428, %dma_wait3A_639, %dma_wait3A_640] : memref<4096x200x176xf32, #tpu.memory_space<hbm>> -> memref<1x96x128xf32, #tpu.memory_space<hbm>>
        %dma_wait3A_642 = tpu.memref_squeeze %dma_wait3A_641 : memref<1x96x128xf32, #tpu.memory_space<hbm>> -> memref<96x128xf32, #tpu.memory_space<hbm>>
        %dma_wait3A_643 = arith.constant 0 : i32
        %dma_wait3A_644 = arith.constant 0 : i32
        %dma_wait3A_645 = tpu.memref_slice %arg14[%dma_wait3A_625, %dma_wait3A_626, %dma_wait3A_643, %dma_wait3A_644] : memref<2x2x104x128xf32, #tpu.memory_space<vmem>> -> memref<1x1x96x128xf32, #tpu.memory_space<vmem>>
        %dma_wait3A_646 = tpu.memref_squeeze %dma_wait3A_645 : memref<1x1x96x128xf32, #tpu.memory_space<vmem>> -> memref<96x128xf32, #tpu.memory_space<vmem>>
        tpu.wait_dma2 semaphore(%dma_wait3A_638 : memref<!tpu.dma_semaphore, #tpu.memory_space<semaphore_mem>>) src(%dma_wait3A_646 : memref<96x128xf32, #tpu.memory_space<vmem>>) dst(%dma_wait3A_642 : memref<96x128xf32, #tpu.memory_space<hbm>>)
        %dma_wait3A_647 = arith.constant 1 : i32
        %dma_wait3A_648 = arith.constant 0 : i32
        %dma_wait3A_649 = arith.constant 1 : i32
        %dma_wait3A_650 = arith.constant 0 : i32
        %dma_wait3A_651 = arith.constant 0 : i32
        %dma_wait3A_652 = arith.constant 0 : i32
        %dma_wait3A_653 = tpu.memref_slice %arg15[%dma_wait3A_647, %dma_wait3A_648, %dma_wait3A_651, %dma_wait3A_652] : memref<2x2x112x48xf32, #tpu.memory_space<vmem>> -> memref<1x1x96x48xf32, #tpu.memory_space<vmem>>
        %dma_wait3A_654 = tpu.memref_squeeze %dma_wait3A_653 : memref<1x1x96x48xf32, #tpu.memory_space<vmem>> -> memref<96x48xf32, #tpu.memory_space<vmem>>
        %dma_wait3A_655 = arith.constant 0 : i32
        %dma_wait3A_656 = arith.constant 128 : i32
        %dma_wait3A_657 = tpu.memref_slice %arg7[%add3A_428, %dma_wait3A_655, %dma_wait3A_656] : memref<4096x200x176xf32, #tpu.memory_space<hbm>> -> memref<1x96x48xf32, #tpu.memory_space<hbm>>
        %dma_wait3A_658 = tpu.memref_squeeze %dma_wait3A_657 : memref<1x96x48xf32, #tpu.memory_space<hbm>> -> memref<96x48xf32, #tpu.memory_space<hbm>>
        %dma_wait3A_659 = tpu.memref_slice %arg18[%dma_wait3A_649, %dma_wait3A_650] : memref<2x2x!tpu.dma_semaphore, #tpu.memory_space<semaphore_mem>> -> memref<1x1x!tpu.dma_semaphore, #tpu.memory_space<semaphore_mem>>
        %dma_wait3A_660 = tpu.memref_squeeze %dma_wait3A_659 : memref<1x1x!tpu.dma_semaphore, #tpu.memory_space<semaphore_mem>> -> memref<!tpu.dma_semaphore, #tpu.memory_space<semaphore_mem>>
        %dma_wait3A_661 = arith.constant 0 : i32
        %dma_wait3A_662 = arith.constant 128 : i32
        %dma_wait3A_663 = tpu.memref_slice %arg7[%add3A_428, %dma_wait3A_661, %dma_wait3A_662] : memref<4096x200x176xf32, #tpu.memory_space<hbm>> -> memref<1x96x48xf32, #tpu.memory_space<hbm>>
        %dma_wait3A_664 = tpu.memref_squeeze %dma_wait3A_663 : memref<1x96x48xf32, #tpu.memory_space<hbm>> -> memref<96x48xf32, #tpu.memory_space<hbm>>
        %dma_wait3A_665 = arith.constant 0 : i32
        %dma_wait3A_666 = arith.constant 0 : i32
        %dma_wait3A_667 = tpu.memref_slice %arg15[%dma_wait3A_647, %dma_wait3A_648, %dma_wait3A_665, %dma_wait3A_666] : memref<2x2x112x48xf32, #tpu.memory_space<vmem>> -> memref<1x1x96x48xf32, #tpu.memory_space<vmem>>
        %dma_wait3A_668 = tpu.memref_squeeze %dma_wait3A_667 : memref<1x1x96x48xf32, #tpu.memory_space<vmem>> -> memref<96x48xf32, #tpu.memory_space<vmem>>
        tpu.wait_dma2 semaphore(%dma_wait3A_660 : memref<!tpu.dma_semaphore, #tpu.memory_space<semaphore_mem>>) src(%dma_wait3A_668 : memref<96x48xf32, #tpu.memory_space<vmem>>) dst(%dma_wait3A_664 : memref<96x48xf32, #tpu.memory_space<hbm>>)
      } else {
      }
      %dma_start3A_461 = arith.constant 1 : i32
      %dma_start3A_462 = arith.constant 0 : i32
      %dma_start3A_463 = arith.constant 1 : i32
      %dma_start3A_464 = arith.constant 0 : i32
      %dma_start3A_465 = arith.constant 0 : i32
      %dma_start3A_466 = arith.constant 0 : i32
      %dma_start3A_467 = tpu.memref_slice %arg14[%dma_start3A_461, %dma_start3A_462, %dma_start3A_465, %dma_start3A_466] : memref<2x2x104x128xf32, #tpu.memory_space<vmem>> -> memref<1x1x96x128xf32, #tpu.memory_space<vmem>>
      %dma_start3A_468 = tpu.memref_squeeze %dma_start3A_467 : memref<1x1x96x128xf32, #tpu.memory_space<vmem>> -> memref<96x128xf32, #tpu.memory_space<vmem>>
      %dma_start3A_469 = arith.constant 0 : i32
      %dma_start3A_470 = tpu.memref_slice %arg9[%dma_start3A_469] : memref<200xi32, #tpu.memory_space<vmem>> -> memref<96xi32, #tpu.memory_space<vmem>>
      %dma_start3A_471 = arith.constant 0 : i32
      %dma_start3A_472 = arith.constant 0 : i32
      %dma_start3A_473 = tpu.memref_slice %arg4[%dma_start3A_471, %dma_start3A_472] : memref<100000x128xf32, #tpu.memory_space<hbm>> -> memref<100000x128xf32, #tpu.memory_space<hbm>>
      %dma_start3A_474 = tpu.memref_slice %arg17[%dma_start3A_463, %dma_start3A_464] : memref<2x2x!tpu.dma_semaphore, #tpu.memory_space<semaphore_mem>> -> memref<1x1x!tpu.dma_semaphore, #tpu.memory_space<semaphore_mem>>
      %dma_start3A_475 = tpu.memref_squeeze %dma_start3A_474 : memref<1x1x!tpu.dma_semaphore, #tpu.memory_space<semaphore_mem>> -> memref<!tpu.dma_semaphore, #tpu.memory_space<semaphore_mem>>
      tpu.enqueue_indirect_dma source(%dma_start3A_473 : memref<100000x128xf32, #tpu.memory_space<hbm>>) target(%dma_start3A_468 : memref<96x128xf32, #tpu.memory_space<vmem>>) offsets(%dma_start3A_470 : memref<96xi32, #tpu.memory_space<vmem>>) semaphore(%dma_start3A_475 : memref<!tpu.dma_semaphore, #tpu.memory_space<semaphore_mem>>)
      %scan3A_476 = arith.constant 0 : i32
      %scan3A_477 = arith.constant 6 : i32
      %scan3A_478 = arith.addi %scan3A_476, %scan3A_477 : i32
      %scan3A_479 = arith.constant 1 : i32
      scf.for %scan3A_625 = %scan3A_476 to %scan3A_478 step %scan3A_479  : i32 {
        %mul3A_626 = arith.constant 1 : i32
        %mul3A_627 = arith.muli %scan3A_625, %mul3A_626 : i32
        %add3A_628 = arith.constant 0 : i32
        %add3A_629 = arith.addi %add3A_628, %mul3A_627 : i32
        %mul3A_630 = arith.constant 16 : i32
        %mul3A_631 = arith.muli %add3A_629, %mul3A_630 : i32
        %get3A = arith.index_cast %mul3A_631 : i32 to index
        %get3A_632 = tpu.vector_load %arg11[%get3A] {strides = array<i32>} : memref<208xi32, #tpu.memory_space<vmem>>, vector<16xi32>,
        %and3A = arith.constant 2047 : i32
        %and3A_633 = vector.broadcast %and3A : i32 to vector<16xi32>
        %and3A_634 = arith.andi %get3A_632, %and3A_633 : vector<16xi32>
        %shift_right_logical3A = arith.constant 5 : i32
        %shift_right_logical3A_635 = vector.broadcast %shift_right_logical3A : i32 to vector<16xi32>
        %shift_right_logical3A_636 = arith.shrui %and3A_634, %shift_right_logical3A_635 : vector<16xi32>
        %and3A_637 = arith.constant 31 : i32
        %and3A_638 = vector.broadcast %and3A_637 : i32 to vector<16xi32>
        %and3A_639 = arith.andi %and3A_634, %and3A_638 : vector<16xi32>
        %mul3A_640 = arith.constant 16 : i32
        %mul3A_641 = arith.muli %add3A_629, %mul3A_640 : i32
        %sub3A_642 = arith.constant 0 : i32
        %sub3A_643 = arith.subi %mul3A_641, %sub3A_642 : i32
        %add3A_644 = vector.broadcast %sub3A_643 : i32 to vector<16xi32>
        %add3A_645 = arith.addi %add3A_644, %iota3A : vector<16xi32>
        %add3A_646 = arith.constant 0 : i32
        %add3A_647 = vector.broadcast %add3A_646 : i32 to vector<16xi32>
        %add3A_648 = arith.addi %iota3A, %add3A_647 : vector<16xi32>
        %and3A_649 = arith.constant 31 : i32
        %and3A_650 = vector.broadcast %and3A_649 : i32 to vector<16xi32>
        %and3A_651 = arith.andi %add3A_648, %and3A_650 : vector<16xi32>
        %gather3A = tpu.vector_load_idx %arg12[%shift_right_logical3A_636, %and3A_651] : memref<64x32xf32, #tpu.memory_space<vmem>>[vector<16xi32>, vector<16xi32>], vector<16xf32>,
        %scatter3A = arith.constant 1 : i32
        %scatter3A_652 = arith.constant 0 : i32
        %scatter3A_653 = arith.constant 0 : i32
        %scatter3A_654 = arith.constant 0 : i32
        %scatter3A_655 = tpu.memref_slice %arg15[%scatter3A, %scatter3A_652, %scatter3A_653, %scatter3A_654] : memref<2x2x112x48xf32, #tpu.memory_space<vmem>> -> memref<1x1x112x48xf32, #tpu.memory_space<vmem>>
        %scatter3A_656 = tpu.memref_squeeze %scatter3A_655 : memref<1x1x112x48xf32, #tpu.memory_space<vmem>> -> memref<112x48xf32, #tpu.memory_space<vmem>>
        tpu.vector_store_idx %scatter3A_656[%add3A_645, %and3A_651], %gather3A : memref<112x48xf32, #tpu.memory_space<vmem>>[vector<16xi32>, vector<16xi32>], vector<16xf32>,
        %add3A_657 = arith.constant 1 : i32
        %add3A_658 = vector.broadcast %add3A_657 : i32 to vector<16xi32>
        %add3A_659 = arith.addi %iota3A, %add3A_658 : vector<16xi32>
        %and3A_660 = arith.constant 31 : i32
        %and3A_661 = vector.broadcast %and3A_660 : i32 to vector<16xi32>
        %and3A_662 = arith.andi %add3A_659, %and3A_661 : vector<16xi32>
        %gather3A_663 = tpu.vector_load_idx %arg12[%shift_right_logical3A_636, %and3A_662] : memref<64x32xf32, #tpu.memory_space<vmem>>[vector<16xi32>, vector<16xi32>], vector<16xf32>,
        %scatter3A_664 = arith.constant 1 : i32
        %scatter3A_665 = arith.constant 0 : i32
        %scatter3A_666 = arith.constant 0 : i32
        %scatter3A_667 = arith.constant 0 : i32
        %scatter3A_668 = tpu.memref_slice %arg15[%scatter3A_664, %scatter3A_665, %scatter3A_666, %scatter3A_667] : memref<2x2x112x48xf32, #tpu.memory_space<vmem>> -> memref<1x1x112x48xf32, #tpu.memory_space<vmem>>
        %scatter3A_669 = tpu.memref_squeeze %scatter3A_668 : memref<1x1x112x48xf32, #tpu.memory_space<vmem>> -> memref<112x48xf32, #tpu.memory_space<vmem>>
        tpu.vector_store_idx %scatter3A_669[%add3A_645, %and3A_662], %gather3A_663 : memref<112x48xf32, #tpu.memory_space<vmem>>[vector<16xi32>, vector<16xi32>], vector<16xf32>,
        %add3A_670 = arith.constant 2 : i32
        %add3A_671 = vector.broadcast %add3A_670 : i32 to vector<16xi32>
        %add3A_672 = arith.addi %iota3A, %add3A_671 : vector<16xi32>
        %and3A_673 = arith.constant 31 : i32
        %and3A_674 = vector.broadcast %and3A_673 : i32 to vector<16xi32>
        %and3A_675 = arith.andi %add3A_672, %and3A_674 : vector<16xi32>
        %gather3A_676 = tpu.vector_load_idx %arg12[%shift_right_logical3A_636, %and3A_675] : memref<64x32xf32, #tpu.memory_space<vmem>>[vector<16xi32>, vector<16xi32>], vector<16xf32>,
        %scatter3A_677 = arith.constant 1 : i32
        %scatter3A_678 = arith.constant 0 : i32
        %scatter3A_679 = arith.constant 0 : i32
        %scatter3A_680 = arith.constant 0 : i32
        %scatter3A_681 = tpu.memref_slice %arg15[%scatter3A_677, %scatter3A_678, %scatter3A_679, %scatter3A_680] : memref<2x2x112x48xf32, #tpu.memory_space<vmem>> -> memref<1x1x112x48xf32, #tpu.memory_space<vmem>>
        %scatter3A_682 = tpu.memref_squeeze %scatter3A_681 : memref<1x1x112x48xf32, #tpu.memory_space<vmem>> -> memref<112x48xf32, #tpu.memory_space<vmem>>
        tpu.vector_store_idx %scatter3A_682[%add3A_645, %and3A_675], %gather3A_676 : memref<112x48xf32, #tpu.memory_space<vmem>>[vector<16xi32>, vector<16xi32>], vector<16xf32>,
        %add3A_683 = arith.constant 3 : i32
        %add3A_684 = vector.broadcast %add3A_683 : i32 to vector<16xi32>
        %add3A_685 = arith.addi %iota3A, %add3A_684 : vector<16xi32>
        %and3A_686 = arith.constant 31 : i32
        %and3A_687 = vector.broadcast %and3A_686 : i32 to vector<16xi32>
        %and3A_688 = arith.andi %add3A_685, %and3A_687 : vector<16xi32>
        %gather3A_689 = tpu.vector_load_idx %arg12[%shift_right_logical3A_636, %and3A_688] : memref<64x32xf32, #tpu.memory_space<vmem>>[vector<16xi32>, vector<16xi32>], vector<16xf32>,
        %scatter3A_690 = arith.constant 1 : i32
        %scatter3A_691 = arith.constant 0 : i32
        %scatter3A_692 = arith.constant 0 : i32
        %scatter3A_693 = arith.constant 0 : i32
        %scatter3A_694 = tpu.memref_slice %arg15[%scatter3A_690, %scatter3A_691, %scatter3A_692, %scatter3A_693] : memref<2x2x112x48xf32, #tpu.memory_space<vmem>> -> memref<1x1x112x48xf32, #tpu.memory_space<vmem>>
        %scatter3A_695 = tpu.memref_squeeze %scatter3A_694 : memref<1x1x112x48xf32, #tpu.memory_space<vmem>> -> memref<112x48xf32, #tpu.memory_space<vmem>>
        tpu.vector_store_idx %scatter3A_695[%add3A_645, %and3A_688], %gather3A_689 : memref<112x48xf32, #tpu.memory_space<vmem>>[vector<16xi32>, vector<16xi32>], vector<16xf32>,
        %add3A_696 = arith.constant 4 : i32
        %add3A_697 = vector.broadcast %add3A_696 : i32 to vector<16xi32>
        %add3A_698 = arith.addi %iota3A, %add3A_697 : vector<16xi32>
        %and3A_699 = arith.constant 31 : i32
        %and3A_700 = vector.broadcast %and3A_699 : i32 to vector<16xi32>
        %and3A_701 = arith.andi %add3A_698, %and3A_700 : vector<16xi32>
        %gather3A_702 = tpu.vector_load_idx %arg12[%shift_right_logical3A_636, %and3A_701] : memref<64x32xf32, #tpu.memory_space<vmem>>[vector<16xi32>, vector<16xi32>], vector<16xf32>,
        %scatter3A_703 = arith.constant 1 : i32
        %scatter3A_704 = arith.constant 0 : i32
        %scatter3A_705 = arith.constant 0 : i32
        %scatter3A_706 = arith.constant 0 : i32
        %scatter3A_707 = tpu.memref_slice %arg15[%scatter3A_703, %scatter3A_704, %scatter3A_705, %scatter3A_706] : memref<2x2x112x48xf32, #tpu.memory_space<vmem>> -> memref<1x1x112x48xf32, #tpu.memory_space<vmem>>
        %scatter3A_708 = tpu.memref_squeeze %scatter3A_707 : memref<1x1x112x48xf32, #tpu.memory_space<vmem>> -> memref<112x48xf32, #tpu.memory_space<vmem>>
        tpu.vector_store_idx %scatter3A_708[%add3A_645, %and3A_701], %gather3A_702 : memref<112x48xf32, #tpu.memory_space<vmem>>[vector<16xi32>, vector<16xi32>], vector<16xf32>,
        %add3A_709 = arith.constant 5 : i32
        %add3A_710 = vector.broadcast %add3A_709 : i32 to vector<16xi32>
        %add3A_711 = arith.addi %iota3A, %add3A_710 : vector<16xi32>
        %and3A_712 = arith.constant 31 : i32
        %and3A_713 = vector.broadcast %and3A_712 : i32 to vector<16xi32>
        %and3A_714 = arith.andi %add3A_711, %and3A_713 : vector<16xi32>
        %gather3A_715 = tpu.vector_load_idx %arg12[%shift_right_logical3A_636, %and3A_714] : memref<64x32xf32, #tpu.memory_space<vmem>>[vector<16xi32>, vector<16xi32>], vector<16xf32>,
        %scatter3A_716 = arith.constant 1 : i32
        %scatter3A_717 = arith.constant 0 : i32
        %scatter3A_718 = arith.constant 0 : i32
        %scatter3A_719 = arith.constant 0 : i32
        %scatter3A_720 = tpu.memref_slice %arg15[%scatter3A_716, %scatter3A_717, %scatter3A_718, %scatter3A_719] : memref<2x2x112x48xf32, #tpu.memory_space<vmem>> -> memref<1x1x112x48xf32, #tpu.memory_space<vmem>>
        %scatter3A_721 = tpu.memref_squeeze %scatter3A_720 : memref<1x1x112x48xf32, #tpu.memory_space<vmem>> -> memref<112x48xf32, #tpu.memory_space<vmem>>
        tpu.vector_store_idx %scatter3A_721[%add3A_645, %and3A_714], %gather3A_715 : memref<112x48xf32, #tpu.memory_space<vmem>>[vector<16xi32>, vector<16xi32>], vector<16xf32>,
        %add3A_722 = arith.constant 6 : i32
        %add3A_723 = vector.broadcast %add3A_722 : i32 to vector<16xi32>
        %add3A_724 = arith.addi %iota3A, %add3A_723 : vector<16xi32>
        %and3A_725 = arith.constant 31 : i32
        %and3A_726 = vector.broadcast %and3A_725 : i32 to vector<16xi32>
        %and3A_727 = arith.andi %add3A_724, %and3A_726 : vector<16xi32>
        %gather3A_728 = tpu.vector_load_idx %arg12[%shift_right_logical3A_636, %and3A_727] : memref<64x32xf32, #tpu.memory_space<vmem>>[vector<16xi32>, vector<16xi32>], vector<16xf32>,
        %scatter3A_729 = arith.constant 1 : i32
        %scatter3A_730 = arith.constant 0 : i32
        %scatter3A_731 = arith.constant 0 : i32
        %scatter3A_732 = arith.constant 0 : i32
        %scatter3A_733 = tpu.memref_slice %arg15[%scatter3A_729, %scatter3A_730, %scatter3A_731, %scatter3A_732] : memref<2x2x112x48xf32, #tpu.memory_space<vmem>> -> memref<1x1x112x48xf32, #tpu.memory_space<vmem>>
        %scatter3A_734 = tpu.memref_squeeze %scatter3A_733 : memref<1x1x112x48xf32, #tpu.memory_space<vmem>> -> memref<112x48xf32, #tpu.memory_space<vmem>>
        tpu.vector_store_idx %scatter3A_734[%add3A_645, %and3A_727], %gather3A_728 : memref<112x48xf32, #tpu.memory_space<vmem>>[vector<16xi32>, vector<16xi32>], vector<16xf32>,
        %add3A_735 = arith.constant 7 : i32
        %add3A_736 = vector.broadcast %add3A_735 : i32 to vector<16xi32>
        %add3A_737 = arith.addi %iota3A, %add3A_736 : vector<16xi32>
        %and3A_738 = arith.constant 31 : i32
        %and3A_739 = vector.broadcast %and3A_738 : i32 to vector<16xi32>
        %and3A_740 = arith.andi %add3A_737, %and3A_739 : vector<16xi32>
        %gather3A_741 = tpu.vector_load_idx %arg12[%shift_right_logical3A_636, %and3A_740] : memref<64x32xf32, #tpu.memory_space<vmem>>[vector<16xi32>, vector<16xi32>], vector<16xf32>,
        %scatter3A_742 = arith.constant 1 : i32
        %scatter3A_743 = arith.constant 0 : i32
        %scatter3A_744 = arith.constant 0 : i32
        %scatter3A_745 = arith.constant 0 : i32
        %scatter3A_746 = tpu.memref_slice %arg15[%scatter3A_742, %scatter3A_743, %scatter3A_744, %scatter3A_745] : memref<2x2x112x48xf32, #tpu.memory_space<vmem>> -> memref<1x1x112x48xf32, #tpu.memory_space<vmem>>
        %scatter3A_747 = tpu.memref_squeeze %scatter3A_746 : memref<1x1x112x48xf32, #tpu.memory_space<vmem>> -> memref<112x48xf32, #tpu.memory_space<vmem>>
        tpu.vector_store_idx %scatter3A_747[%add3A_645, %and3A_740], %gather3A_741 : memref<112x48xf32, #tpu.memory_space<vmem>>[vector<16xi32>, vector<16xi32>], vector<16xf32>,
        %add3A_748 = arith.constant 8 : i32
        %add3A_749 = vector.broadcast %add3A_748 : i32 to vector<16xi32>
        %add3A_750 = arith.addi %iota3A, %add3A_749 : vector<16xi32>
        %and3A_751 = arith.constant 31 : i32
        %and3A_752 = vector.broadcast %and3A_751 : i32 to vector<16xi32>
        %and3A_753 = arith.andi %add3A_750, %and3A_752 : vector<16xi32>
        %gather3A_754 = tpu.vector_load_idx %arg12[%shift_right_logical3A_636, %and3A_753] : memref<64x32xf32, #tpu.memory_space<vmem>>[vector<16xi32>, vector<16xi32>], vector<16xf32>,
        %scatter3A_755 = arith.constant 1 : i32
        %scatter3A_756 = arith.constant 0 : i32
        %scatter3A_757 = arith.constant 0 : i32
        %scatter3A_758 = arith.constant 0 : i32
        %scatter3A_759 = tpu.memref_slice %arg15[%scatter3A_755, %scatter3A_756, %scatter3A_757, %scatter3A_758] : memref<2x2x112x48xf32, #tpu.memory_space<vmem>> -> memref<1x1x112x48xf32, #tpu.memory_space<vmem>>
        %scatter3A_760 = tpu.memref_squeeze %scatter3A_759 : memref<1x1x112x48xf32, #tpu.memory_space<vmem>> -> memref<112x48xf32, #tpu.memory_space<vmem>>
        tpu.vector_store_idx %scatter3A_760[%add3A_645, %and3A_753], %gather3A_754 : memref<112x48xf32, #tpu.memory_space<vmem>>[vector<16xi32>, vector<16xi32>], vector<16xf32>,
        %add3A_761 = arith.constant 9 : i32
        %add3A_762 = vector.broadcast %add3A_761 : i32 to vector<16xi32>
        %add3A_763 = arith.addi %iota3A, %add3A_762 : vector<16xi32>
        %and3A_764 = arith.constant 31 : i32
        %and3A_765 = vector.broadcast %and3A_764 : i32 to vector<16xi32>
        %and3A_766 = arith.andi %add3A_763, %and3A_765 : vector<16xi32>
        %gather3A_767 = tpu.vector_load_idx %arg12[%shift_right_logical3A_636, %and3A_766] : memref<64x32xf32, #tpu.memory_space<vmem>>[vector<16xi32>, vector<16xi32>], vector<16xf32>,
        %scatter3A_768 = arith.constant 1 : i32
        %scatter3A_769 = arith.constant 0 : i32
        %scatter3A_770 = arith.constant 0 : i32
        %scatter3A_771 = arith.constant 0 : i32
        %scatter3A_772 = tpu.memref_slice %arg15[%scatter3A_768, %scatter3A_769, %scatter3A_770, %scatter3A_771] : memref<2x2x112x48xf32, #tpu.memory_space<vmem>> -> memref<1x1x112x48xf32, #tpu.memory_space<vmem>>
        %scatter3A_773 = tpu.memref_squeeze %scatter3A_772 : memref<1x1x112x48xf32, #tpu.memory_space<vmem>> -> memref<112x48xf32, #tpu.memory_space<vmem>>
        tpu.vector_store_idx %scatter3A_773[%add3A_645, %and3A_766], %gather3A_767 : memref<112x48xf32, #tpu.memory_space<vmem>>[vector<16xi32>, vector<16xi32>], vector<16xf32>,
        %add3A_774 = arith.constant 10 : i32
        %add3A_775 = vector.broadcast %add3A_774 : i32 to vector<16xi32>
        %add3A_776 = arith.addi %iota3A, %add3A_775 : vector<16xi32>
        %and3A_777 = arith.constant 31 : i32
        %and3A_778 = vector.broadcast %and3A_777 : i32 to vector<16xi32>
        %and3A_779 = arith.andi %add3A_776, %and3A_778 : vector<16xi32>
        %gather3A_780 = tpu.vector_load_idx %arg12[%shift_right_logical3A_636, %and3A_779] : memref<64x32xf32, #tpu.memory_space<vmem>>[vector<16xi32>, vector<16xi32>], vector<16xf32>,
        %scatter3A_781 = arith.constant 1 : i32
        %scatter3A_782 = arith.constant 0 : i32
        %scatter3A_783 = arith.constant 0 : i32
        %scatter3A_784 = arith.constant 0 : i32
        %scatter3A_785 = tpu.memref_slice %arg15[%scatter3A_781, %scatter3A_782, %scatter3A_783, %scatter3A_784] : memref<2x2x112x48xf32, #tpu.memory_space<vmem>> -> memref<1x1x112x48xf32, #tpu.memory_space<vmem>>
        %scatter3A_786 = tpu.memref_squeeze %scatter3A_785 : memref<1x1x112x48xf32, #tpu.memory_space<vmem>> -> memref<112x48xf32, #tpu.memory_space<vmem>>
        tpu.vector_store_idx %scatter3A_786[%add3A_645, %and3A_779], %gather3A_780 : memref<112x48xf32, #tpu.memory_space<vmem>>[vector<16xi32>, vector<16xi32>], vector<16xf32>,
        %add3A_787 = arith.constant 11 : i32
        %add3A_788 = vector.broadcast %add3A_787 : i32 to vector<16xi32>
        %add3A_789 = arith.addi %iota3A, %add3A_788 : vector<16xi32>
        %and3A_790 = arith.constant 31 : i32
        %and3A_791 = vector.broadcast %and3A_790 : i32 to vector<16xi32>
        %and3A_792 = arith.andi %add3A_789, %and3A_791 : vector<16xi32>
        %gather3A_793 = tpu.vector_load_idx %arg12[%shift_right_logical3A_636, %and3A_792] : memref<64x32xf32, #tpu.memory_space<vmem>>[vector<16xi32>, vector<16xi32>], vector<16xf32>,
        %scatter3A_794 = arith.constant 1 : i32
        %scatter3A_795 = arith.constant 0 : i32
        %scatter3A_796 = arith.constant 0 : i32
        %scatter3A_797 = arith.constant 0 : i32
        %scatter3A_798 = tpu.memref_slice %arg15[%scatter3A_794, %scatter3A_795, %scatter3A_796, %scatter3A_797] : memref<2x2x112x48xf32, #tpu.memory_space<vmem>> -> memref<1x1x112x48xf32, #tpu.memory_space<vmem>>
        %scatter3A_799 = tpu.memref_squeeze %scatter3A_798 : memref<1x1x112x48xf32, #tpu.memory_space<vmem>> -> memref<112x48xf32, #tpu.memory_space<vmem>>
        tpu.vector_store_idx %scatter3A_799[%add3A_645, %and3A_792], %gather3A_793 : memref<112x48xf32, #tpu.memory_space<vmem>>[vector<16xi32>, vector<16xi32>], vector<16xf32>,
        %add3A_800 = arith.constant 12 : i32
        %add3A_801 = vector.broadcast %add3A_800 : i32 to vector<16xi32>
        %add3A_802 = arith.addi %iota3A, %add3A_801 : vector<16xi32>
        %and3A_803 = arith.constant 31 : i32
        %and3A_804 = vector.broadcast %and3A_803 : i32 to vector<16xi32>
        %and3A_805 = arith.andi %add3A_802, %and3A_804 : vector<16xi32>
        %gather3A_806 = tpu.vector_load_idx %arg12[%shift_right_logical3A_636, %and3A_805] : memref<64x32xf32, #tpu.memory_space<vmem>>[vector<16xi32>, vector<16xi32>], vector<16xf32>,
        %scatter3A_807 = arith.constant 1 : i32
        %scatter3A_808 = arith.constant 0 : i32
        %scatter3A_809 = arith.constant 0 : i32
        %scatter3A_810 = arith.constant 0 : i32
        %scatter3A_811 = tpu.memref_slice %arg15[%scatter3A_807, %scatter3A_808, %scatter3A_809, %scatter3A_810] : memref<2x2x112x48xf32, #tpu.memory_space<vmem>> -> memref<1x1x112x48xf32, #tpu.memory_space<vmem>>
        %scatter3A_812 = tpu.memref_squeeze %scatter3A_811 : memref<1x1x112x48xf32, #tpu.memory_space<vmem>> -> memref<112x48xf32, #tpu.memory_space<vmem>>
        tpu.vector_store_idx %scatter3A_812[%add3A_645, %and3A_805], %gather3A_806 : memref<112x48xf32, #tpu.memory_space<vmem>>[vector<16xi32>, vector<16xi32>], vector<16xf32>,
        %add3A_813 = arith.constant 13 : i32
        %add3A_814 = vector.broadcast %add3A_813 : i32 to vector<16xi32>
        %add3A_815 = arith.addi %iota3A, %add3A_814 : vector<16xi32>
        %and3A_816 = arith.constant 31 : i32
        %and3A_817 = vector.broadcast %and3A_816 : i32 to vector<16xi32>
        %and3A_818 = arith.andi %add3A_815, %and3A_817 : vector<16xi32>
        %gather3A_819 = tpu.vector_load_idx %arg12[%shift_right_logical3A_636, %and3A_818] : memref<64x32xf32, #tpu.memory_space<vmem>>[vector<16xi32>, vector<16xi32>], vector<16xf32>,
        %scatter3A_820 = arith.constant 1 : i32
        %scatter3A_821 = arith.constant 0 : i32
        %scatter3A_822 = arith.constant 0 : i32
        %scatter3A_823 = arith.constant 0 : i32
        %scatter3A_824 = tpu.memref_slice %arg15[%scatter3A_820, %scatter3A_821, %scatter3A_822, %scatter3A_823] : memref<2x2x112x48xf32, #tpu.memory_space<vmem>> -> memref<1x1x112x48xf32, #tpu.memory_space<vmem>>
        %scatter3A_825 = tpu.memref_squeeze %scatter3A_824 : memref<1x1x112x48xf32, #tpu.memory_space<vmem>> -> memref<112x48xf32, #tpu.memory_space<vmem>>
        tpu.vector_store_idx %scatter3A_825[%add3A_645, %and3A_818], %gather3A_819 : memref<112x48xf32, #tpu.memory_space<vmem>>[vector<16xi32>, vector<16xi32>], vector<16xf32>,
        %add3A_826 = arith.constant 14 : i32
        %add3A_827 = vector.broadcast %add3A_826 : i32 to vector<16xi32>
        %add3A_828 = arith.addi %iota3A, %add3A_827 : vector<16xi32>
        %and3A_829 = arith.constant 31 : i32
        %and3A_830 = vector.broadcast %and3A_829 : i32 to vector<16xi32>
        %and3A_831 = arith.andi %add3A_828, %and3A_830 : vector<16xi32>
        %gather3A_832 = tpu.vector_load_idx %arg12[%shift_right_logical3A_636, %and3A_831] : memref<64x32xf32, #tpu.memory_space<vmem>>[vector<16xi32>, vector<16xi32>], vector<16xf32>,
        %scatter3A_833 = arith.constant 1 : i32
        %scatter3A_834 = arith.constant 0 : i32
        %scatter3A_835 = arith.constant 0 : i32
        %scatter3A_836 = arith.constant 0 : i32
        %scatter3A_837 = tpu.memref_slice %arg15[%scatter3A_833, %scatter3A_834, %scatter3A_835, %scatter3A_836] : memref<2x2x112x48xf32, #tpu.memory_space<vmem>> -> memref<1x1x112x48xf32, #tpu.memory_space<vmem>>
        %scatter3A_838 = tpu.memref_squeeze %scatter3A_837 : memref<1x1x112x48xf32, #tpu.memory_space<vmem>> -> memref<112x48xf32, #tpu.memory_space<vmem>>
        tpu.vector_store_idx %scatter3A_838[%add3A_645, %and3A_831], %gather3A_832 : memref<112x48xf32, #tpu.memory_space<vmem>>[vector<16xi32>, vector<16xi32>], vector<16xf32>,
        %add3A_839 = arith.constant 15 : i32
        %add3A_840 = vector.broadcast %add3A_839 : i32 to vector<16xi32>
        %add3A_841 = arith.addi %iota3A, %add3A_840 : vector<16xi32>
        %and3A_842 = arith.constant 31 : i32
        %and3A_843 = vector.broadcast %and3A_842 : i32 to vector<16xi32>
        %and3A_844 = arith.andi %add3A_841, %and3A_843 : vector<16xi32>
        %gather3A_845 = tpu.vector_load_idx %arg12[%shift_right_logical3A_636, %and3A_844] : memref<64x32xf32, #tpu.memory_space<vmem>>[vector<16xi32>, vector<16xi32>], vector<16xf32>,
        %scatter3A_846 = arith.constant 1 : i32
        %scatter3A_847 = arith.constant 0 : i32
        %scatter3A_848 = arith.constant 0 : i32
        %scatter3A_849 = arith.constant 0 : i32
        %scatter3A_850 = tpu.memref_slice %arg15[%scatter3A_846, %scatter3A_847, %scatter3A_848, %scatter3A_849] : memref<2x2x112x48xf32, #tpu.memory_space<vmem>> -> memref<1x1x112x48xf32, #tpu.memory_space<vmem>>
        %scatter3A_851 = tpu.memref_squeeze %scatter3A_850 : memref<1x1x112x48xf32, #tpu.memory_space<vmem>> -> memref<112x48xf32, #tpu.memory_space<vmem>>
        tpu.vector_store_idx %scatter3A_851[%add3A_645, %and3A_844], %gather3A_845 : memref<112x48xf32, #tpu.memory_space<vmem>>[vector<16xi32>, vector<16xi32>], vector<16xf32>,
        %add3A_852 = arith.constant 16 : i32
        %add3A_853 = vector.broadcast %add3A_852 : i32 to vector<16xi32>
        %add3A_854 = arith.addi %iota3A, %add3A_853 : vector<16xi32>
        %and3A_855 = arith.constant 31 : i32
        %and3A_856 = vector.broadcast %and3A_855 : i32 to vector<16xi32>
        %and3A_857 = arith.andi %add3A_854, %and3A_856 : vector<16xi32>
        %gather3A_858 = tpu.vector_load_idx %arg12[%shift_right_logical3A_636, %and3A_857] : memref<64x32xf32, #tpu.memory_space<vmem>>[vector<16xi32>, vector<16xi32>], vector<16xf32>,
        %scatter3A_859 = arith.constant 1 : i32
        %scatter3A_860 = arith.constant 0 : i32
        %scatter3A_861 = arith.constant 0 : i32
        %scatter3A_862 = arith.constant 0 : i32
        %scatter3A_863 = tpu.memref_slice %arg15[%scatter3A_859, %scatter3A_860, %scatter3A_861, %scatter3A_862] : memref<2x2x112x48xf32, #tpu.memory_space<vmem>> -> memref<1x1x112x48xf32, #tpu.memory_space<vmem>>
        %scatter3A_864 = tpu.memref_squeeze %scatter3A_863 : memref<1x1x112x48xf32, #tpu.memory_space<vmem>> -> memref<112x48xf32, #tpu.memory_space<vmem>>
        tpu.vector_store_idx %scatter3A_864[%add3A_645, %and3A_857], %gather3A_858 : memref<112x48xf32, #tpu.memory_space<vmem>>[vector<16xi32>, vector<16xi32>], vector<16xf32>,
        %add3A_865 = arith.constant 17 : i32
        %add3A_866 = vector.broadcast %add3A_865 : i32 to vector<16xi32>
        %add3A_867 = arith.addi %iota3A, %add3A_866 : vector<16xi32>
        %and3A_868 = arith.constant 31 : i32
        %and3A_869 = vector.broadcast %and3A_868 : i32 to vector<16xi32>
        %and3A_870 = arith.andi %add3A_867, %and3A_869 : vector<16xi32>
        %gather3A_871 = tpu.vector_load_idx %arg12[%shift_right_logical3A_636, %and3A_870] : memref<64x32xf32, #tpu.memory_space<vmem>>[vector<16xi32>, vector<16xi32>], vector<16xf32>,
        %scatter3A_872 = arith.constant 1 : i32
        %scatter3A_873 = arith.constant 0 : i32
        %scatter3A_874 = arith.constant 0 : i32
        %scatter3A_875 = arith.constant 0 : i32
        %scatter3A_876 = tpu.memref_slice %arg15[%scatter3A_872, %scatter3A_873, %scatter3A_874, %scatter3A_875] : memref<2x2x112x48xf32, #tpu.memory_space<vmem>> -> memref<1x1x112x48xf32, #tpu.memory_space<vmem>>
        %scatter3A_877 = tpu.memref_squeeze %scatter3A_876 : memref<1x1x112x48xf32, #tpu.memory_space<vmem>> -> memref<112x48xf32, #tpu.memory_space<vmem>>
        tpu.vector_store_idx %scatter3A_877[%add3A_645, %and3A_870], %gather3A_871 : memref<112x48xf32, #tpu.memory_space<vmem>>[vector<16xi32>, vector<16xi32>], vector<16xf32>,
        %add3A_878 = arith.constant 18 : i32
        %add3A_879 = vector.broadcast %add3A_878 : i32 to vector<16xi32>
        %add3A_880 = arith.addi %iota3A, %add3A_879 : vector<16xi32>
        %and3A_881 = arith.constant 31 : i32
        %and3A_882 = vector.broadcast %and3A_881 : i32 to vector<16xi32>
        %and3A_883 = arith.andi %add3A_880, %and3A_882 : vector<16xi32>
        %gather3A_884 = tpu.vector_load_idx %arg12[%shift_right_logical3A_636, %and3A_883] : memref<64x32xf32, #tpu.memory_space<vmem>>[vector<16xi32>, vector<16xi32>], vector<16xf32>,
        %scatter3A_885 = arith.constant 1 : i32
        %scatter3A_886 = arith.constant 0 : i32
        %scatter3A_887 = arith.constant 0 : i32
        %scatter3A_888 = arith.constant 0 : i32
        %scatter3A_889 = tpu.memref_slice %arg15[%scatter3A_885, %scatter3A_886, %scatter3A_887, %scatter3A_888] : memref<2x2x112x48xf32, #tpu.memory_space<vmem>> -> memref<1x1x112x48xf32, #tpu.memory_space<vmem>>
        %scatter3A_890 = tpu.memref_squeeze %scatter3A_889 : memref<1x1x112x48xf32, #tpu.memory_space<vmem>> -> memref<112x48xf32, #tpu.memory_space<vmem>>
        tpu.vector_store_idx %scatter3A_890[%add3A_645, %and3A_883], %gather3A_884 : memref<112x48xf32, #tpu.memory_space<vmem>>[vector<16xi32>, vector<16xi32>], vector<16xf32>,
        %add3A_891 = arith.constant 19 : i32
        %add3A_892 = vector.broadcast %add3A_891 : i32 to vector<16xi32>
        %add3A_893 = arith.addi %iota3A, %add3A_892 : vector<16xi32>
        %and3A_894 = arith.constant 31 : i32
        %and3A_895 = vector.broadcast %and3A_894 : i32 to vector<16xi32>
        %and3A_896 = arith.andi %add3A_893, %and3A_895 : vector<16xi32>
        %gather3A_897 = tpu.vector_load_idx %arg12[%shift_right_logical3A_636, %and3A_896] : memref<64x32xf32, #tpu.memory_space<vmem>>[vector<16xi32>, vector<16xi32>], vector<16xf32>,
        %scatter3A_898 = arith.constant 1 : i32
        %scatter3A_899 = arith.constant 0 : i32
        %scatter3A_900 = arith.constant 0 : i32
        %scatter3A_901 = arith.constant 0 : i32
        %scatter3A_902 = tpu.memref_slice %arg15[%scatter3A_898, %scatter3A_899, %scatter3A_900, %scatter3A_901] : memref<2x2x112x48xf32, #tpu.memory_space<vmem>> -> memref<1x1x112x48xf32, #tpu.memory_space<vmem>>
        %scatter3A_903 = tpu.memref_squeeze %scatter3A_902 : memref<1x1x112x48xf32, #tpu.memory_space<vmem>> -> memref<112x48xf32, #tpu.memory_space<vmem>>
        tpu.vector_store_idx %scatter3A_903[%add3A_645, %and3A_896], %gather3A_897 : memref<112x48xf32, #tpu.memory_space<vmem>>[vector<16xi32>, vector<16xi32>], vector<16xf32>,
        %add3A_904 = arith.constant 20 : i32
        %add3A_905 = vector.broadcast %add3A_904 : i32 to vector<16xi32>
        %add3A_906 = arith.addi %iota3A, %add3A_905 : vector<16xi32>
        %and3A_907 = arith.constant 31 : i32
        %and3A_908 = vector.broadcast %and3A_907 : i32 to vector<16xi32>
        %and3A_909 = arith.andi %add3A_906, %and3A_908 : vector<16xi32>
        %gather3A_910 = tpu.vector_load_idx %arg12[%shift_right_logical3A_636, %and3A_909] : memref<64x32xf32, #tpu.memory_space<vmem>>[vector<16xi32>, vector<16xi32>], vector<16xf32>,
        %scatter3A_911 = arith.constant 1 : i32
        %scatter3A_912 = arith.constant 0 : i32
        %scatter3A_913 = arith.constant 0 : i32
        %scatter3A_914 = arith.constant 0 : i32
        %scatter3A_915 = tpu.memref_slice %arg15[%scatter3A_911, %scatter3A_912, %scatter3A_913, %scatter3A_914] : memref<2x2x112x48xf32, #tpu.memory_space<vmem>> -> memref<1x1x112x48xf32, #tpu.memory_space<vmem>>
        %scatter3A_916 = tpu.memref_squeeze %scatter3A_915 : memref<1x1x112x48xf32, #tpu.memory_space<vmem>> -> memref<112x48xf32, #tpu.memory_space<vmem>>
        tpu.vector_store_idx %scatter3A_916[%add3A_645, %and3A_909], %gather3A_910 : memref<112x48xf32, #tpu.memory_space<vmem>>[vector<16xi32>, vector<16xi32>], vector<16xf32>,
        %add3A_917 = arith.constant 21 : i32
        %add3A_918 = vector.broadcast %add3A_917 : i32 to vector<16xi32>
        %add3A_919 = arith.addi %iota3A, %add3A_918 : vector<16xi32>
        %and3A_920 = arith.constant 31 : i32
        %and3A_921 = vector.broadcast %and3A_920 : i32 to vector<16xi32>
        %and3A_922 = arith.andi %add3A_919, %and3A_921 : vector<16xi32>
        %gather3A_923 = tpu.vector_load_idx %arg12[%shift_right_logical3A_636, %and3A_922] : memref<64x32xf32, #tpu.memory_space<vmem>>[vector<16xi32>, vector<16xi32>], vector<16xf32>,
        %scatter3A_924 = arith.constant 1 : i32
        %scatter3A_925 = arith.constant 0 : i32
        %scatter3A_926 = arith.constant 0 : i32
        %scatter3A_927 = arith.constant 0 : i32
        %scatter3A_928 = tpu.memref_slice %arg15[%scatter3A_924, %scatter3A_925, %scatter3A_926, %scatter3A_927] : memref<2x2x112x48xf32, #tpu.memory_space<vmem>> -> memref<1x1x112x48xf32, #tpu.memory_space<vmem>>
        %scatter3A_929 = tpu.memref_squeeze %scatter3A_928 : memref<1x1x112x48xf32, #tpu.memory_space<vmem>> -> memref<112x48xf32, #tpu.memory_space<vmem>>
        tpu.vector_store_idx %scatter3A_929[%add3A_645, %and3A_922], %gather3A_923 : memref<112x48xf32, #tpu.memory_space<vmem>>[vector<16xi32>, vector<16xi32>], vector<16xf32>,
        %add3A_930 = arith.constant 22 : i32
        %add3A_931 = vector.broadcast %add3A_930 : i32 to vector<16xi32>
        %add3A_932 = arith.addi %iota3A, %add3A_931 : vector<16xi32>
        %and3A_933 = arith.constant 31 : i32
        %and3A_934 = vector.broadcast %and3A_933 : i32 to vector<16xi32>
        %and3A_935 = arith.andi %add3A_932, %and3A_934 : vector<16xi32>
        %gather3A_936 = tpu.vector_load_idx %arg12[%shift_right_logical3A_636, %and3A_935] : memref<64x32xf32, #tpu.memory_space<vmem>>[vector<16xi32>, vector<16xi32>], vector<16xf32>,
        %scatter3A_937 = arith.constant 1 : i32
        %scatter3A_938 = arith.constant 0 : i32
        %scatter3A_939 = arith.constant 0 : i32
        %scatter3A_940 = arith.constant 0 : i32
        %scatter3A_941 = tpu.memref_slice %arg15[%scatter3A_937, %scatter3A_938, %scatter3A_939, %scatter3A_940] : memref<2x2x112x48xf32, #tpu.memory_space<vmem>> -> memref<1x1x112x48xf32, #tpu.memory_space<vmem>>
        %scatter3A_942 = tpu.memref_squeeze %scatter3A_941 : memref<1x1x112x48xf32, #tpu.memory_space<vmem>> -> memref<112x48xf32, #tpu.memory_space<vmem>>
        tpu.vector_store_idx %scatter3A_942[%add3A_645, %and3A_935], %gather3A_936 : memref<112x48xf32, #tpu.memory_space<vmem>>[vector<16xi32>, vector<16xi32>], vector<16xf32>,
        %add3A_943 = arith.constant 23 : i32
        %add3A_944 = vector.broadcast %add3A_943 : i32 to vector<16xi32>
        %add3A_945 = arith.addi %iota3A, %add3A_944 : vector<16xi32>
        %and3A_946 = arith.constant 31 : i32
        %and3A_947 = vector.broadcast %and3A_946 : i32 to vector<16xi32>
        %and3A_948 = arith.andi %add3A_945, %and3A_947 : vector<16xi32>
        %gather3A_949 = tpu.vector_load_idx %arg12[%shift_right_logical3A_636, %and3A_948] : memref<64x32xf32, #tpu.memory_space<vmem>>[vector<16xi32>, vector<16xi32>], vector<16xf32>,
        %scatter3A_950 = arith.constant 1 : i32
        %scatter3A_951 = arith.constant 0 : i32
        %scatter3A_952 = arith.constant 0 : i32
        %scatter3A_953 = arith.constant 0 : i32
        %scatter3A_954 = tpu.memref_slice %arg15[%scatter3A_950, %scatter3A_951, %scatter3A_952, %scatter3A_953] : memref<2x2x112x48xf32, #tpu.memory_space<vmem>> -> memref<1x1x112x48xf32, #tpu.memory_space<vmem>>
        %scatter3A_955 = tpu.memref_squeeze %scatter3A_954 : memref<1x1x112x48xf32, #tpu.memory_space<vmem>> -> memref<112x48xf32, #tpu.memory_space<vmem>>
        tpu.vector_store_idx %scatter3A_955[%add3A_645, %and3A_948], %gather3A_949 : memref<112x48xf32, #tpu.memory_space<vmem>>[vector<16xi32>, vector<16xi32>], vector<16xf32>,
        %add3A_956 = arith.constant 24 : i32
        %add3A_957 = vector.broadcast %add3A_956 : i32 to vector<16xi32>
        %add3A_958 = arith.addi %iota3A, %add3A_957 : vector<16xi32>
        %and3A_959 = arith.constant 31 : i32
        %and3A_960 = vector.broadcast %and3A_959 : i32 to vector<16xi32>
        %and3A_961 = arith.andi %add3A_958, %and3A_960 : vector<16xi32>
        %gather3A_962 = tpu.vector_load_idx %arg12[%shift_right_logical3A_636, %and3A_961] : memref<64x32xf32, #tpu.memory_space<vmem>>[vector<16xi32>, vector<16xi32>], vector<16xf32>,
        %scatter3A_963 = arith.constant 1 : i32
        %scatter3A_964 = arith.constant 0 : i32
        %scatter3A_965 = arith.constant 0 : i32
        %scatter3A_966 = arith.constant 0 : i32
        %scatter3A_967 = tpu.memref_slice %arg15[%scatter3A_963, %scatter3A_964, %scatter3A_965, %scatter3A_966] : memref<2x2x112x48xf32, #tpu.memory_space<vmem>> -> memref<1x1x112x48xf32, #tpu.memory_space<vmem>>
        %scatter3A_968 = tpu.memref_squeeze %scatter3A_967 : memref<1x1x112x48xf32, #tpu.memory_space<vmem>> -> memref<112x48xf32, #tpu.memory_space<vmem>>
        tpu.vector_store_idx %scatter3A_968[%add3A_645, %and3A_961], %gather3A_962 : memref<112x48xf32, #tpu.memory_space<vmem>>[vector<16xi32>, vector<16xi32>], vector<16xf32>,
        %add3A_969 = arith.constant 25 : i32
        %add3A_970 = vector.broadcast %add3A_969 : i32 to vector<16xi32>
        %add3A_971 = arith.addi %iota3A, %add3A_970 : vector<16xi32>
        %and3A_972 = arith.constant 31 : i32
        %and3A_973 = vector.broadcast %and3A_972 : i32 to vector<16xi32>
        %and3A_974 = arith.andi %add3A_971, %and3A_973 : vector<16xi32>
        %gather3A_975 = tpu.vector_load_idx %arg12[%shift_right_logical3A_636, %and3A_974] : memref<64x32xf32, #tpu.memory_space<vmem>>[vector<16xi32>, vector<16xi32>], vector<16xf32>,
        %scatter3A_976 = arith.constant 1 : i32
        %scatter3A_977 = arith.constant 0 : i32
        %scatter3A_978 = arith.constant 0 : i32
        %scatter3A_979 = arith.constant 0 : i32
        %scatter3A_980 = tpu.memref_slice %arg15[%scatter3A_976, %scatter3A_977, %scatter3A_978, %scatter3A_979] : memref<2x2x112x48xf32, #tpu.memory_space<vmem>> -> memref<1x1x112x48xf32, #tpu.memory_space<vmem>>
        %scatter3A_981 = tpu.memref_squeeze %scatter3A_980 : memref<1x1x112x48xf32, #tpu.memory_space<vmem>> -> memref<112x48xf32, #tpu.memory_space<vmem>>
        tpu.vector_store_idx %scatter3A_981[%add3A_645, %and3A_974], %gather3A_975 : memref<112x48xf32, #tpu.memory_space<vmem>>[vector<16xi32>, vector<16xi32>], vector<16xf32>,
        %add3A_982 = arith.constant 26 : i32
        %add3A_983 = vector.broadcast %add3A_982 : i32 to vector<16xi32>
        %add3A_984 = arith.addi %iota3A, %add3A_983 : vector<16xi32>
        %and3A_985 = arith.constant 31 : i32
        %and3A_986 = vector.broadcast %and3A_985 : i32 to vector<16xi32>
        %and3A_987 = arith.andi %add3A_984, %and3A_986 : vector<16xi32>
        %gather3A_988 = tpu.vector_load_idx %arg12[%shift_right_logical3A_636, %and3A_987] : memref<64x32xf32, #tpu.memory_space<vmem>>[vector<16xi32>, vector<16xi32>], vector<16xf32>,
        %scatter3A_989 = arith.constant 1 : i32
        %scatter3A_990 = arith.constant 0 : i32
        %scatter3A_991 = arith.constant 0 : i32
        %scatter3A_992 = arith.constant 0 : i32
        %scatter3A_993 = tpu.memref_slice %arg15[%scatter3A_989, %scatter3A_990, %scatter3A_991, %scatter3A_992] : memref<2x2x112x48xf32, #tpu.memory_space<vmem>> -> memref<1x1x112x48xf32, #tpu.memory_space<vmem>>
        %scatter3A_994 = tpu.memref_squeeze %scatter3A_993 : memref<1x1x112x48xf32, #tpu.memory_space<vmem>> -> memref<112x48xf32, #tpu.memory_space<vmem>>
        tpu.vector_store_idx %scatter3A_994[%add3A_645, %and3A_987], %gather3A_988 : memref<112x48xf32, #tpu.memory_space<vmem>>[vector<16xi32>, vector<16xi32>], vector<16xf32>,
        %add3A_995 = arith.constant 27 : i32
        %add3A_996 = vector.broadcast %add3A_995 : i32 to vector<16xi32>
        %add3A_997 = arith.addi %iota3A, %add3A_996 : vector<16xi32>
        %and3A_998 = arith.constant 31 : i32
        %and3A_999 = vector.broadcast %and3A_998 : i32 to vector<16xi32>
        %and3A_1000 = arith.andi %add3A_997, %and3A_999 : vector<16xi32>
        %gather3A_1001 = tpu.vector_load_idx %arg12[%shift_right_logical3A_636, %and3A_1000] : memref<64x32xf32, #tpu.memory_space<vmem>>[vector<16xi32>, vector<16xi32>], vector<16xf32>,
        %scatter3A_1002 = arith.constant 1 : i32
        %scatter3A_1003 = arith.constant 0 : i32
        %scatter3A_1004 = arith.constant 0 : i32
        %scatter3A_1005 = arith.constant 0 : i32
        %scatter3A_1006 = tpu.memref_slice %arg15[%scatter3A_1002, %scatter3A_1003, %scatter3A_1004, %scatter3A_1005] : memref<2x2x112x48xf32, #tpu.memory_space<vmem>> -> memref<1x1x112x48xf32, #tpu.memory_space<vmem>>
        %scatter3A_1007 = tpu.memref_squeeze %scatter3A_1006 : memref<1x1x112x48xf32, #tpu.memory_space<vmem>> -> memref<112x48xf32, #tpu.memory_space<vmem>>
        tpu.vector_store_idx %scatter3A_1007[%add3A_645, %and3A_1000], %gather3A_1001 : memref<112x48xf32, #tpu.memory_space<vmem>>[vector<16xi32>, vector<16xi32>], vector<16xf32>,
        %add3A_1008 = arith.constant 28 : i32
        %add3A_1009 = vector.broadcast %add3A_1008 : i32 to vector<16xi32>
        %add3A_1010 = arith.addi %iota3A, %add3A_1009 : vector<16xi32>
        %and3A_1011 = arith.constant 31 : i32
        %and3A_1012 = vector.broadcast %and3A_1011 : i32 to vector<16xi32>
        %and3A_1013 = arith.andi %add3A_1010, %and3A_1012 : vector<16xi32>
        %gather3A_1014 = tpu.vector_load_idx %arg12[%shift_right_logical3A_636, %and3A_1013] : memref<64x32xf32, #tpu.memory_space<vmem>>[vector<16xi32>, vector<16xi32>], vector<16xf32>,
        %scatter3A_1015 = arith.constant 1 : i32
        %scatter3A_1016 = arith.constant 0 : i32
        %scatter3A_1017 = arith.constant 0 : i32
        %scatter3A_1018 = arith.constant 0 : i32
        %scatter3A_1019 = tpu.memref_slice %arg15[%scatter3A_1015, %scatter3A_1016, %scatter3A_1017, %scatter3A_1018] : memref<2x2x112x48xf32, #tpu.memory_space<vmem>> -> memref<1x1x112x48xf32, #tpu.memory_space<vmem>>
        %scatter3A_1020 = tpu.memref_squeeze %scatter3A_1019 : memref<1x1x112x48xf32, #tpu.memory_space<vmem>> -> memref<112x48xf32, #tpu.memory_space<vmem>>
        tpu.vector_store_idx %scatter3A_1020[%add3A_645, %and3A_1013], %gather3A_1014 : memref<112x48xf32, #tpu.memory_space<vmem>>[vector<16xi32>, vector<16xi32>], vector<16xf32>,
        %add3A_1021 = arith.constant 29 : i32
        %add3A_1022 = vector.broadcast %add3A_1021 : i32 to vector<16xi32>
        %add3A_1023 = arith.addi %iota3A, %add3A_1022 : vector<16xi32>
        %and3A_1024 = arith.constant 31 : i32
        %and3A_1025 = vector.broadcast %and3A_1024 : i32 to vector<16xi32>
        %and3A_1026 = arith.andi %add3A_1023, %and3A_1025 : vector<16xi32>
        %gather3A_1027 = tpu.vector_load_idx %arg12[%shift_right_logical3A_636, %and3A_1026] : memref<64x32xf32, #tpu.memory_space<vmem>>[vector<16xi32>, vector<16xi32>], vector<16xf32>,
        %scatter3A_1028 = arith.constant 1 : i32
        %scatter3A_1029 = arith.constant 0 : i32
        %scatter3A_1030 = arith.constant 0 : i32
        %scatter3A_1031 = arith.constant 0 : i32
        %scatter3A_1032 = tpu.memref_slice %arg15[%scatter3A_1028, %scatter3A_1029, %scatter3A_1030, %scatter3A_1031] : memref<2x2x112x48xf32, #tpu.memory_space<vmem>> -> memref<1x1x112x48xf32, #tpu.memory_space<vmem>>
        %scatter3A_1033 = tpu.memref_squeeze %scatter3A_1032 : memref<1x1x112x48xf32, #tpu.memory_space<vmem>> -> memref<112x48xf32, #tpu.memory_space<vmem>>
        tpu.vector_store_idx %scatter3A_1033[%add3A_645, %and3A_1026], %gather3A_1027 : memref<112x48xf32, #tpu.memory_space<vmem>>[vector<16xi32>, vector<16xi32>], vector<16xf32>,
        %add3A_1034 = arith.constant 30 : i32
        %add3A_1035 = vector.broadcast %add3A_1034 : i32 to vector<16xi32>
        %add3A_1036 = arith.addi %iota3A, %add3A_1035 : vector<16xi32>
        %and3A_1037 = arith.constant 31 : i32
        %and3A_1038 = vector.broadcast %and3A_1037 : i32 to vector<16xi32>
        %and3A_1039 = arith.andi %add3A_1036, %and3A_1038 : vector<16xi32>
        %gather3A_1040 = tpu.vector_load_idx %arg12[%shift_right_logical3A_636, %and3A_1039] : memref<64x32xf32, #tpu.memory_space<vmem>>[vector<16xi32>, vector<16xi32>], vector<16xf32>,
        %scatter3A_1041 = arith.constant 1 : i32
        %scatter3A_1042 = arith.constant 0 : i32
        %scatter3A_1043 = arith.constant 0 : i32
        %scatter3A_1044 = arith.constant 0 : i32
        %scatter3A_1045 = tpu.memref_slice %arg15[%scatter3A_1041, %scatter3A_1042, %scatter3A_1043, %scatter3A_1044] : memref<2x2x112x48xf32, #tpu.memory_space<vmem>> -> memref<1x1x112x48xf32, #tpu.memory_space<vmem>>
        %scatter3A_1046 = tpu.memref_squeeze %scatter3A_1045 : memref<1x1x112x48xf32, #tpu.memory_space<vmem>> -> memref<112x48xf32, #tpu.memory_space<vmem>>
        tpu.vector_store_idx %scatter3A_1046[%add3A_645, %and3A_1039], %gather3A_1040 : memref<112x48xf32, #tpu.memory_space<vmem>>[vector<16xi32>, vector<16xi32>], vector<16xf32>,
        %add3A_1047 = arith.constant 31 : i32
        %add3A_1048 = vector.broadcast %add3A_1047 : i32 to vector<16xi32>
        %add3A_1049 = arith.addi %iota3A, %add3A_1048 : vector<16xi32>
        %and3A_1050 = arith.constant 31 : i32
        %and3A_1051 = vector.broadcast %and3A_1050 : i32 to vector<16xi32>
        %and3A_1052 = arith.andi %add3A_1049, %and3A_1051 : vector<16xi32>
        %gather3A_1053 = tpu.vector_load_idx %arg12[%shift_right_logical3A_636, %and3A_1052] : memref<64x32xf32, #tpu.memory_space<vmem>>[vector<16xi32>, vector<16xi32>], vector<16xf32>,
        %scatter3A_1054 = arith.constant 1 : i32
        %scatter3A_1055 = arith.constant 0 : i32
        %scatter3A_1056 = arith.constant 0 : i32
        %scatter3A_1057 = arith.constant 0 : i32
        %scatter3A_1058 = tpu.memref_slice %arg15[%scatter3A_1054, %scatter3A_1055, %scatter3A_1056, %scatter3A_1057] : memref<2x2x112x48xf32, #tpu.memory_space<vmem>> -> memref<1x1x112x48xf32, #tpu.memory_space<vmem>>
        %scatter3A_1059 = tpu.memref_squeeze %scatter3A_1058 : memref<1x1x112x48xf32, #tpu.memory_space<vmem>> -> memref<112x48xf32, #tpu.memory_space<vmem>>
        tpu.vector_store_idx %scatter3A_1059[%add3A_645, %and3A_1052], %gather3A_1053 : memref<112x48xf32, #tpu.memory_space<vmem>>[vector<16xi32>, vector<16xi32>], vector<16xf32>,
        %add3A_1060 = arith.constant 0 : i32
        %add3A_1061 = vector.broadcast %add3A_1060 : i32 to vector<16xi32>
        %add3A_1062 = arith.addi %iota3A, %add3A_1061 : vector<16xi32>
        %and3A_1063 = arith.constant 15 : i32
        %and3A_1064 = vector.broadcast %and3A_1063 : i32 to vector<16xi32>
        %and3A_1065 = arith.andi %add3A_1062, %and3A_1064 : vector<16xi32>
        %gather3A_1066 = tpu.vector_load_idx %arg13[%and3A_639, %and3A_1065] : memref<32x16xf32, #tpu.memory_space<vmem>>[vector<16xi32>, vector<16xi32>], vector<16xf32>,
        %add3A_1067 = arith.constant 32 : i32
        %add3A_1068 = vector.broadcast %add3A_1067 : i32 to vector<16xi32>
        %add3A_1069 = arith.addi %and3A_1065, %add3A_1068 : vector<16xi32>
        %scatter3A_1070 = arith.constant 1 : i32
        %scatter3A_1071 = arith.constant 0 : i32
        %scatter3A_1072 = arith.constant 0 : i32
        %scatter3A_1073 = arith.constant 0 : i32
        %scatter3A_1074 = tpu.memref_slice %arg15[%scatter3A_1070, %scatter3A_1071, %scatter3A_1072, %scatter3A_1073] : memref<2x2x112x48xf32, #tpu.memory_space<vmem>> -> memref<1x1x112x48xf32, #tpu.memory_space<vmem>>
        %scatter3A_1075 = tpu.memref_squeeze %scatter3A_1074 : memref<1x1x112x48xf32, #tpu.memory_space<vmem>> -> memref<112x48xf32, #tpu.memory_space<vmem>>
        tpu.vector_store_idx %scatter3A_1075[%add3A_645, %add3A_1069], %gather3A_1066 : memref<112x48xf32, #tpu.memory_space<vmem>>[vector<16xi32>, vector<16xi32>], vector<16xf32>,
        %add3A_1076 = arith.constant 1 : i32
        %add3A_1077 = vector.broadcast %add3A_1076 : i32 to vector<16xi32>
        %add3A_1078 = arith.addi %iota3A, %add3A_1077 : vector<16xi32>
        %and3A_1079 = arith.constant 15 : i32
        %and3A_1080 = vector.broadcast %and3A_1079 : i32 to vector<16xi32>
        %and3A_1081 = arith.andi %add3A_1078, %and3A_1080 : vector<16xi32>
        %gather3A_1082 = tpu.vector_load_idx %arg13[%and3A_639, %and3A_1081] : memref<32x16xf32, #tpu.memory_space<vmem>>[vector<16xi32>, vector<16xi32>], vector<16xf32>,
        %add3A_1083 = arith.constant 32 : i32
        %add3A_1084 = vector.broadcast %add3A_1083 : i32 to vector<16xi32>
        %add3A_1085 = arith.addi %and3A_1081, %add3A_1084 : vector<16xi32>
        %scatter3A_1086 = arith.constant 1 : i32
        %scatter3A_1087 = arith.constant 0 : i32
        %scatter3A_1088 = arith.constant 0 : i32
        %scatter3A_1089 = arith.constant 0 : i32
        %scatter3A_1090 = tpu.memref_slice %arg15[%scatter3A_1086, %scatter3A_1087, %scatter3A_1088, %scatter3A_1089] : memref<2x2x112x48xf32, #tpu.memory_space<vmem>> -> memref<1x1x112x48xf32, #tpu.memory_space<vmem>>
        %scatter3A_1091 = tpu.memref_squeeze %scatter3A_1090 : memref<1x1x112x48xf32, #tpu.memory_space<vmem>> -> memref<112x48xf32, #tpu.memory_space<vmem>>
        tpu.vector_store_idx %scatter3A_1091[%add3A_645, %add3A_1085], %gather3A_1082 : memref<112x48xf32, #tpu.memory_space<vmem>>[vector<16xi32>, vector<16xi32>], vector<16xf32>,
        %add3A_1092 = arith.constant 2 : i32
        %add3A_1093 = vector.broadcast %add3A_1092 : i32 to vector<16xi32>
        %add3A_1094 = arith.addi %iota3A, %add3A_1093 : vector<16xi32>
        %and3A_1095 = arith.constant 15 : i32
        %and3A_1096 = vector.broadcast %and3A_1095 : i32 to vector<16xi32>
        %and3A_1097 = arith.andi %add3A_1094, %and3A_1096 : vector<16xi32>
        %gather3A_1098 = tpu.vector_load_idx %arg13[%and3A_639, %and3A_1097] : memref<32x16xf32, #tpu.memory_space<vmem>>[vector<16xi32>, vector<16xi32>], vector<16xf32>,
        %add3A_1099 = arith.constant 32 : i32
        %add3A_1100 = vector.broadcast %add3A_1099 : i32 to vector<16xi32>
        %add3A_1101 = arith.addi %and3A_1097, %add3A_1100 : vector<16xi32>
        %scatter3A_1102 = arith.constant 1 : i32
        %scatter3A_1103 = arith.constant 0 : i32
        %scatter3A_1104 = arith.constant 0 : i32
        %scatter3A_1105 = arith.constant 0 : i32
        %scatter3A_1106 = tpu.memref_slice %arg15[%scatter3A_1102, %scatter3A_1103, %scatter3A_1104, %scatter3A_1105] : memref<2x2x112x48xf32, #tpu.memory_space<vmem>> -> memref<1x1x112x48xf32, #tpu.memory_space<vmem>>
        %scatter3A_1107 = tpu.memref_squeeze %scatter3A_1106 : memref<1x1x112x48xf32, #tpu.memory_space<vmem>> -> memref<112x48xf32, #tpu.memory_space<vmem>>
        tpu.vector_store_idx %scatter3A_1107[%add3A_645, %add3A_1101], %gather3A_1098 : memref<112x48xf32, #tpu.memory_space<vmem>>[vector<16xi32>, vector<16xi32>], vector<16xf32>,
        %add3A_1108 = arith.constant 3 : i32
        %add3A_1109 = vector.broadcast %add3A_1108 : i32 to vector<16xi32>
        %add3A_1110 = arith.addi %iota3A, %add3A_1109 : vector<16xi32>
        %and3A_1111 = arith.constant 15 : i32
        %and3A_1112 = vector.broadcast %and3A_1111 : i32 to vector<16xi32>
        %and3A_1113 = arith.andi %add3A_1110, %and3A_1112 : vector<16xi32>
        %gather3A_1114 = tpu.vector_load_idx %arg13[%and3A_639, %and3A_1113] : memref<32x16xf32, #tpu.memory_space<vmem>>[vector<16xi32>, vector<16xi32>], vector<16xf32>,
        %add3A_1115 = arith.constant 32 : i32
        %add3A_1116 = vector.broadcast %add3A_1115 : i32 to vector<16xi32>
        %add3A_1117 = arith.addi %and3A_1113, %add3A_1116 : vector<16xi32>
        %scatter3A_1118 = arith.constant 1 : i32
        %scatter3A_1119 = arith.constant 0 : i32
        %scatter3A_1120 = arith.constant 0 : i32
        %scatter3A_1121 = arith.constant 0 : i32
        %scatter3A_1122 = tpu.memref_slice %arg15[%scatter3A_1118, %scatter3A_1119, %scatter3A_1120, %scatter3A_1121] : memref<2x2x112x48xf32, #tpu.memory_space<vmem>> -> memref<1x1x112x48xf32, #tpu.memory_space<vmem>>
        %scatter3A_1123 = tpu.memref_squeeze %scatter3A_1122 : memref<1x1x112x48xf32, #tpu.memory_space<vmem>> -> memref<112x48xf32, #tpu.memory_space<vmem>>
        tpu.vector_store_idx %scatter3A_1123[%add3A_645, %add3A_1117], %gather3A_1114 : memref<112x48xf32, #tpu.memory_space<vmem>>[vector<16xi32>, vector<16xi32>], vector<16xf32>,
        %add3A_1124 = arith.constant 4 : i32
        %add3A_1125 = vector.broadcast %add3A_1124 : i32 to vector<16xi32>
        %add3A_1126 = arith.addi %iota3A, %add3A_1125 : vector<16xi32>
        %and3A_1127 = arith.constant 15 : i32
        %and3A_1128 = vector.broadcast %and3A_1127 : i32 to vector<16xi32>
        %and3A_1129 = arith.andi %add3A_1126, %and3A_1128 : vector<16xi32>
        %gather3A_1130 = tpu.vector_load_idx %arg13[%and3A_639, %and3A_1129] : memref<32x16xf32, #tpu.memory_space<vmem>>[vector<16xi32>, vector<16xi32>], vector<16xf32>,
        %add3A_1131 = arith.constant 32 : i32
        %add3A_1132 = vector.broadcast %add3A_1131 : i32 to vector<16xi32>
        %add3A_1133 = arith.addi %and3A_1129, %add3A_1132 : vector<16xi32>
        %scatter3A_1134 = arith.constant 1 : i32
        %scatter3A_1135 = arith.constant 0 : i32
        %scatter3A_1136 = arith.constant 0 : i32
        %scatter3A_1137 = arith.constant 0 : i32
        %scatter3A_1138 = tpu.memref_slice %arg15[%scatter3A_1134, %scatter3A_1135, %scatter3A_1136, %scatter3A_1137] : memref<2x2x112x48xf32, #tpu.memory_space<vmem>> -> memref<1x1x112x48xf32, #tpu.memory_space<vmem>>
        %scatter3A_1139 = tpu.memref_squeeze %scatter3A_1138 : memref<1x1x112x48xf32, #tpu.memory_space<vmem>> -> memref<112x48xf32, #tpu.memory_space<vmem>>
        tpu.vector_store_idx %scatter3A_1139[%add3A_645, %add3A_1133], %gather3A_1130 : memref<112x48xf32, #tpu.memory_space<vmem>>[vector<16xi32>, vector<16xi32>], vector<16xf32>,
        %add3A_1140 = arith.constant 5 : i32
        %add3A_1141 = vector.broadcast %add3A_1140 : i32 to vector<16xi32>
        %add3A_1142 = arith.addi %iota3A, %add3A_1141 : vector<16xi32>
        %and3A_1143 = arith.constant 15 : i32
        %and3A_1144 = vector.broadcast %and3A_1143 : i32 to vector<16xi32>
        %and3A_1145 = arith.andi %add3A_1142, %and3A_1144 : vector<16xi32>
        %gather3A_1146 = tpu.vector_load_idx %arg13[%and3A_639, %and3A_1145] : memref<32x16xf32, #tpu.memory_space<vmem>>[vector<16xi32>, vector<16xi32>], vector<16xf32>,
        %add3A_1147 = arith.constant 32 : i32
        %add3A_1148 = vector.broadcast %add3A_1147 : i32 to vector<16xi32>
        %add3A_1149 = arith.addi %and3A_1145, %add3A_1148 : vector<16xi32>
        %scatter3A_1150 = arith.constant 1 : i32
        %scatter3A_1151 = arith.constant 0 : i32
        %scatter3A_1152 = arith.constant 0 : i32
        %scatter3A_1153 = arith.constant 0 : i32
        %scatter3A_1154 = tpu.memref_slice %arg15[%scatter3A_1150, %scatter3A_1151, %scatter3A_1152, %scatter3A_1153] : memref<2x2x112x48xf32, #tpu.memory_space<vmem>> -> memref<1x1x112x48xf32, #tpu.memory_space<vmem>>
        %scatter3A_1155 = tpu.memref_squeeze %scatter3A_1154 : memref<1x1x112x48xf32, #tpu.memory_space<vmem>> -> memref<112x48xf32, #tpu.memory_space<vmem>>
        tpu.vector_store_idx %scatter3A_1155[%add3A_645, %add3A_1149], %gather3A_1146 : memref<112x48xf32, #tpu.memory_space<vmem>>[vector<16xi32>, vector<16xi32>], vector<16xf32>,
        %add3A_1156 = arith.constant 6 : i32
        %add3A_1157 = vector.broadcast %add3A_1156 : i32 to vector<16xi32>
        %add3A_1158 = arith.addi %iota3A, %add3A_1157 : vector<16xi32>
        %and3A_1159 = arith.constant 15 : i32
        %and3A_1160 = vector.broadcast %and3A_1159 : i32 to vector<16xi32>
        %and3A_1161 = arith.andi %add3A_1158, %and3A_1160 : vector<16xi32>
        %gather3A_1162 = tpu.vector_load_idx %arg13[%and3A_639, %and3A_1161] : memref<32x16xf32, #tpu.memory_space<vmem>>[vector<16xi32>, vector<16xi32>], vector<16xf32>,
        %add3A_1163 = arith.constant 32 : i32
        %add3A_1164 = vector.broadcast %add3A_1163 : i32 to vector<16xi32>
        %add3A_1165 = arith.addi %and3A_1161, %add3A_1164 : vector<16xi32>
        %scatter3A_1166 = arith.constant 1 : i32
        %scatter3A_1167 = arith.constant 0 : i32
        %scatter3A_1168 = arith.constant 0 : i32
        %scatter3A_1169 = arith.constant 0 : i32
        %scatter3A_1170 = tpu.memref_slice %arg15[%scatter3A_1166, %scatter3A_1167, %scatter3A_1168, %scatter3A_1169] : memref<2x2x112x48xf32, #tpu.memory_space<vmem>> -> memref<1x1x112x48xf32, #tpu.memory_space<vmem>>
        %scatter3A_1171 = tpu.memref_squeeze %scatter3A_1170 : memref<1x1x112x48xf32, #tpu.memory_space<vmem>> -> memref<112x48xf32, #tpu.memory_space<vmem>>
        tpu.vector_store_idx %scatter3A_1171[%add3A_645, %add3A_1165], %gather3A_1162 : memref<112x48xf32, #tpu.memory_space<vmem>>[vector<16xi32>, vector<16xi32>], vector<16xf32>,
        %add3A_1172 = arith.constant 7 : i32
        %add3A_1173 = vector.broadcast %add3A_1172 : i32 to vector<16xi32>
        %add3A_1174 = arith.addi %iota3A, %add3A_1173 : vector<16xi32>
        %and3A_1175 = arith.constant 15 : i32
        %and3A_1176 = vector.broadcast %and3A_1175 : i32 to vector<16xi32>
        %and3A_1177 = arith.andi %add3A_1174, %and3A_1176 : vector<16xi32>
        %gather3A_1178 = tpu.vector_load_idx %arg13[%and3A_639, %and3A_1177] : memref<32x16xf32, #tpu.memory_space<vmem>>[vector<16xi32>, vector<16xi32>], vector<16xf32>,
        %add3A_1179 = arith.constant 32 : i32
        %add3A_1180 = vector.broadcast %add3A_1179 : i32 to vector<16xi32>
        %add3A_1181 = arith.addi %and3A_1177, %add3A_1180 : vector<16xi32>
        %scatter3A_1182 = arith.constant 1 : i32
        %scatter3A_1183 = arith.constant 0 : i32
        %scatter3A_1184 = arith.constant 0 : i32
        %scatter3A_1185 = arith.constant 0 : i32
        %scatter3A_1186 = tpu.memref_slice %arg15[%scatter3A_1182, %scatter3A_1183, %scatter3A_1184, %scatter3A_1185] : memref<2x2x112x48xf32, #tpu.memory_space<vmem>> -> memref<1x1x112x48xf32, #tpu.memory_space<vmem>>
        %scatter3A_1187 = tpu.memref_squeeze %scatter3A_1186 : memref<1x1x112x48xf32, #tpu.memory_space<vmem>> -> memref<112x48xf32, #tpu.memory_space<vmem>>
        tpu.vector_store_idx %scatter3A_1187[%add3A_645, %add3A_1181], %gather3A_1178 : memref<112x48xf32, #tpu.memory_space<vmem>>[vector<16xi32>, vector<16xi32>], vector<16xf32>,
        %add3A_1188 = arith.constant 8 : i32
        %add3A_1189 = vector.broadcast %add3A_1188 : i32 to vector<16xi32>
        %add3A_1190 = arith.addi %iota3A, %add3A_1189 : vector<16xi32>
        %and3A_1191 = arith.constant 15 : i32
        %and3A_1192 = vector.broadcast %and3A_1191 : i32 to vector<16xi32>
        %and3A_1193 = arith.andi %add3A_1190, %and3A_1192 : vector<16xi32>
        %gather3A_1194 = tpu.vector_load_idx %arg13[%and3A_639, %and3A_1193] : memref<32x16xf32, #tpu.memory_space<vmem>>[vector<16xi32>, vector<16xi32>], vector<16xf32>,
        %add3A_1195 = arith.constant 32 : i32
        %add3A_1196 = vector.broadcast %add3A_1195 : i32 to vector<16xi32>
        %add3A_1197 = arith.addi %and3A_1193, %add3A_1196 : vector<16xi32>
        %scatter3A_1198 = arith.constant 1 : i32
        %scatter3A_1199 = arith.constant 0 : i32
        %scatter3A_1200 = arith.constant 0 : i32
        %scatter3A_1201 = arith.constant 0 : i32
        %scatter3A_1202 = tpu.memref_slice %arg15[%scatter3A_1198, %scatter3A_1199, %scatter3A_1200, %scatter3A_1201] : memref<2x2x112x48xf32, #tpu.memory_space<vmem>> -> memref<1x1x112x48xf32, #tpu.memory_space<vmem>>
        %scatter3A_1203 = tpu.memref_squeeze %scatter3A_1202 : memref<1x1x112x48xf32, #tpu.memory_space<vmem>> -> memref<112x48xf32, #tpu.memory_space<vmem>>
        tpu.vector_store_idx %scatter3A_1203[%add3A_645, %add3A_1197], %gather3A_1194 : memref<112x48xf32, #tpu.memory_space<vmem>>[vector<16xi32>, vector<16xi32>], vector<16xf32>,
        %add3A_1204 = arith.constant 9 : i32
        %add3A_1205 = vector.broadcast %add3A_1204 : i32 to vector<16xi32>
        %add3A_1206 = arith.addi %iota3A, %add3A_1205 : vector<16xi32>
        %and3A_1207 = arith.constant 15 : i32
        %and3A_1208 = vector.broadcast %and3A_1207 : i32 to vector<16xi32>
        %and3A_1209 = arith.andi %add3A_1206, %and3A_1208 : vector<16xi32>
        %gather3A_1210 = tpu.vector_load_idx %arg13[%and3A_639, %and3A_1209] : memref<32x16xf32, #tpu.memory_space<vmem>>[vector<16xi32>, vector<16xi32>], vector<16xf32>,
        %add3A_1211 = arith.constant 32 : i32
        %add3A_1212 = vector.broadcast %add3A_1211 : i32 to vector<16xi32>
        %add3A_1213 = arith.addi %and3A_1209, %add3A_1212 : vector<16xi32>
        %scatter3A_1214 = arith.constant 1 : i32
        %scatter3A_1215 = arith.constant 0 : i32
        %scatter3A_1216 = arith.constant 0 : i32
        %scatter3A_1217 = arith.constant 0 : i32
        %scatter3A_1218 = tpu.memref_slice %arg15[%scatter3A_1214, %scatter3A_1215, %scatter3A_1216, %scatter3A_1217] : memref<2x2x112x48xf32, #tpu.memory_space<vmem>> -> memref<1x1x112x48xf32, #tpu.memory_space<vmem>>
        %scatter3A_1219 = tpu.memref_squeeze %scatter3A_1218 : memref<1x1x112x48xf32, #tpu.memory_space<vmem>> -> memref<112x48xf32, #tpu.memory_space<vmem>>
        tpu.vector_store_idx %scatter3A_1219[%add3A_645, %add3A_1213], %gather3A_1210 : memref<112x48xf32, #tpu.memory_space<vmem>>[vector<16xi32>, vector<16xi32>], vector<16xf32>,
        %add3A_1220 = arith.constant 10 : i32
        %add3A_1221 = vector.broadcast %add3A_1220 : i32 to vector<16xi32>
        %add3A_1222 = arith.addi %iota3A, %add3A_1221 : vector<16xi32>
        %and3A_1223 = arith.constant 15 : i32
        %and3A_1224 = vector.broadcast %and3A_1223 : i32 to vector<16xi32>
        %and3A_1225 = arith.andi %add3A_1222, %and3A_1224 : vector<16xi32>
        %gather3A_1226 = tpu.vector_load_idx %arg13[%and3A_639, %and3A_1225] : memref<32x16xf32, #tpu.memory_space<vmem>>[vector<16xi32>, vector<16xi32>], vector<16xf32>,
        %add3A_1227 = arith.constant 32 : i32
        %add3A_1228 = vector.broadcast %add3A_1227 : i32 to vector<16xi32>
        %add3A_1229 = arith.addi %and3A_1225, %add3A_1228 : vector<16xi32>
        %scatter3A_1230 = arith.constant 1 : i32
        %scatter3A_1231 = arith.constant 0 : i32
        %scatter3A_1232 = arith.constant 0 : i32
        %scatter3A_1233 = arith.constant 0 : i32
        %scatter3A_1234 = tpu.memref_slice %arg15[%scatter3A_1230, %scatter3A_1231, %scatter3A_1232, %scatter3A_1233] : memref<2x2x112x48xf32, #tpu.memory_space<vmem>> -> memref<1x1x112x48xf32, #tpu.memory_space<vmem>>
        %scatter3A_1235 = tpu.memref_squeeze %scatter3A_1234 : memref<1x1x112x48xf32, #tpu.memory_space<vmem>> -> memref<112x48xf32, #tpu.memory_space<vmem>>
        tpu.vector_store_idx %scatter3A_1235[%add3A_645, %add3A_1229], %gather3A_1226 : memref<112x48xf32, #tpu.memory_space<vmem>>[vector<16xi32>, vector<16xi32>], vector<16xf32>,
        %add3A_1236 = arith.constant 11 : i32
        %add3A_1237 = vector.broadcast %add3A_1236 : i32 to vector<16xi32>
        %add3A_1238 = arith.addi %iota3A, %add3A_1237 : vector<16xi32>
        %and3A_1239 = arith.constant 15 : i32
        %and3A_1240 = vector.broadcast %and3A_1239 : i32 to vector<16xi32>
        %and3A_1241 = arith.andi %add3A_1238, %and3A_1240 : vector<16xi32>
        %gather3A_1242 = tpu.vector_load_idx %arg13[%and3A_639, %and3A_1241] : memref<32x16xf32, #tpu.memory_space<vmem>>[vector<16xi32>, vector<16xi32>], vector<16xf32>,
        %add3A_1243 = arith.constant 32 : i32
        %add3A_1244 = vector.broadcast %add3A_1243 : i32 to vector<16xi32>
        %add3A_1245 = arith.addi %and3A_1241, %add3A_1244 : vector<16xi32>
        %scatter3A_1246 = arith.constant 1 : i32
        %scatter3A_1247 = arith.constant 0 : i32
        %scatter3A_1248 = arith.constant 0 : i32
        %scatter3A_1249 = arith.constant 0 : i32
        %scatter3A_1250 = tpu.memref_slice %arg15[%scatter3A_1246, %scatter3A_1247, %scatter3A_1248, %scatter3A_1249] : memref<2x2x112x48xf32, #tpu.memory_space<vmem>> -> memref<1x1x112x48xf32, #tpu.memory_space<vmem>>
        %scatter3A_1251 = tpu.memref_squeeze %scatter3A_1250 : memref<1x1x112x48xf32, #tpu.memory_space<vmem>> -> memref<112x48xf32, #tpu.memory_space<vmem>>
        tpu.vector_store_idx %scatter3A_1251[%add3A_645, %add3A_1245], %gather3A_1242 : memref<112x48xf32, #tpu.memory_space<vmem>>[vector<16xi32>, vector<16xi32>], vector<16xf32>,
        %add3A_1252 = arith.constant 12 : i32
        %add3A_1253 = vector.broadcast %add3A_1252 : i32 to vector<16xi32>
        %add3A_1254 = arith.addi %iota3A, %add3A_1253 : vector<16xi32>
        %and3A_1255 = arith.constant 15 : i32
        %and3A_1256 = vector.broadcast %and3A_1255 : i32 to vector<16xi32>
        %and3A_1257 = arith.andi %add3A_1254, %and3A_1256 : vector<16xi32>
        %gather3A_1258 = tpu.vector_load_idx %arg13[%and3A_639, %and3A_1257] : memref<32x16xf32, #tpu.memory_space<vmem>>[vector<16xi32>, vector<16xi32>], vector<16xf32>,
        %add3A_1259 = arith.constant 32 : i32
        %add3A_1260 = vector.broadcast %add3A_1259 : i32 to vector<16xi32>
        %add3A_1261 = arith.addi %and3A_1257, %add3A_1260 : vector<16xi32>
        %scatter3A_1262 = arith.constant 1 : i32
        %scatter3A_1263 = arith.constant 0 : i32
        %scatter3A_1264 = arith.constant 0 : i32
        %scatter3A_1265 = arith.constant 0 : i32
        %scatter3A_1266 = tpu.memref_slice %arg15[%scatter3A_1262, %scatter3A_1263, %scatter3A_1264, %scatter3A_1265] : memref<2x2x112x48xf32, #tpu.memory_space<vmem>> -> memref<1x1x112x48xf32, #tpu.memory_space<vmem>>
        %scatter3A_1267 = tpu.memref_squeeze %scatter3A_1266 : memref<1x1x112x48xf32, #tpu.memory_space<vmem>> -> memref<112x48xf32, #tpu.memory_space<vmem>>
        tpu.vector_store_idx %scatter3A_1267[%add3A_645, %add3A_1261], %gather3A_1258 : memref<112x48xf32, #tpu.memory_space<vmem>>[vector<16xi32>, vector<16xi32>], vector<16xf32>,
        %add3A_1268 = arith.constant 13 : i32
        %add3A_1269 = vector.broadcast %add3A_1268 : i32 to vector<16xi32>
        %add3A_1270 = arith.addi %iota3A, %add3A_1269 : vector<16xi32>
        %and3A_1271 = arith.constant 15 : i32
        %and3A_1272 = vector.broadcast %and3A_1271 : i32 to vector<16xi32>
        %and3A_1273 = arith.andi %add3A_1270, %and3A_1272 : vector<16xi32>
        %gather3A_1274 = tpu.vector_load_idx %arg13[%and3A_639, %and3A_1273] : memref<32x16xf32, #tpu.memory_space<vmem>>[vector<16xi32>, vector<16xi32>], vector<16xf32>,
        %add3A_1275 = arith.constant 32 : i32
        %add3A_1276 = vector.broadcast %add3A_1275 : i32 to vector<16xi32>
        %add3A_1277 = arith.addi %and3A_1273, %add3A_1276 : vector<16xi32>
        %scatter3A_1278 = arith.constant 1 : i32
        %scatter3A_1279 = arith.constant 0 : i32
        %scatter3A_1280 = arith.constant 0 : i32
        %scatter3A_1281 = arith.constant 0 : i32
        %scatter3A_1282 = tpu.memref_slice %arg15[%scatter3A_1278, %scatter3A_1279, %scatter3A_1280, %scatter3A_1281] : memref<2x2x112x48xf32, #tpu.memory_space<vmem>> -> memref<1x1x112x48xf32, #tpu.memory_space<vmem>>
        %scatter3A_1283 = tpu.memref_squeeze %scatter3A_1282 : memref<1x1x112x48xf32, #tpu.memory_space<vmem>> -> memref<112x48xf32, #tpu.memory_space<vmem>>
        tpu.vector_store_idx %scatter3A_1283[%add3A_645, %add3A_1277], %gather3A_1274 : memref<112x48xf32, #tpu.memory_space<vmem>>[vector<16xi32>, vector<16xi32>], vector<16xf32>,
        %add3A_1284 = arith.constant 14 : i32
        %add3A_1285 = vector.broadcast %add3A_1284 : i32 to vector<16xi32>
        %add3A_1286 = arith.addi %iota3A, %add3A_1285 : vector<16xi32>
        %and3A_1287 = arith.constant 15 : i32
        %and3A_1288 = vector.broadcast %and3A_1287 : i32 to vector<16xi32>
        %and3A_1289 = arith.andi %add3A_1286, %and3A_1288 : vector<16xi32>
        %gather3A_1290 = tpu.vector_load_idx %arg13[%and3A_639, %and3A_1289] : memref<32x16xf32, #tpu.memory_space<vmem>>[vector<16xi32>, vector<16xi32>], vector<16xf32>,
        %add3A_1291 = arith.constant 32 : i32
        %add3A_1292 = vector.broadcast %add3A_1291 : i32 to vector<16xi32>
        %add3A_1293 = arith.addi %and3A_1289, %add3A_1292 : vector<16xi32>
        %scatter3A_1294 = arith.constant 1 : i32
        %scatter3A_1295 = arith.constant 0 : i32
        %scatter3A_1296 = arith.constant 0 : i32
        %scatter3A_1297 = arith.constant 0 : i32
        %scatter3A_1298 = tpu.memref_slice %arg15[%scatter3A_1294, %scatter3A_1295, %scatter3A_1296, %scatter3A_1297] : memref<2x2x112x48xf32, #tpu.memory_space<vmem>> -> memref<1x1x112x48xf32, #tpu.memory_space<vmem>>
        %scatter3A_1299 = tpu.memref_squeeze %scatter3A_1298 : memref<1x1x112x48xf32, #tpu.memory_space<vmem>> -> memref<112x48xf32, #tpu.memory_space<vmem>>
        tpu.vector_store_idx %scatter3A_1299[%add3A_645, %add3A_1293], %gather3A_1290 : memref<112x48xf32, #tpu.memory_space<vmem>>[vector<16xi32>, vector<16xi32>], vector<16xf32>,
        %add3A_1300 = arith.constant 15 : i32
        %add3A_1301 = vector.broadcast %add3A_1300 : i32 to vector<16xi32>
        %add3A_1302 = arith.addi %iota3A, %add3A_1301 : vector<16xi32>
        %and3A_1303 = arith.constant 15 : i32
        %and3A_1304 = vector.broadcast %and3A_1303 : i32 to vector<16xi32>
        %and3A_1305 = arith.andi %add3A_1302, %and3A_1304 : vector<16xi32>
        %gather3A_1306 = tpu.vector_load_idx %arg13[%and3A_639, %and3A_1305] : memref<32x16xf32, #tpu.memory_space<vmem>>[vector<16xi32>, vector<16xi32>], vector<16xf32>,
        %add3A_1307 = arith.constant 32 : i32
        %add3A_1308 = vector.broadcast %add3A_1307 : i32 to vector<16xi32>
        %add3A_1309 = arith.addi %and3A_1305, %add3A_1308 : vector<16xi32>
        %scatter3A_1310 = arith.constant 1 : i32
        %scatter3A_1311 = arith.constant 0 : i32
        %scatter3A_1312 = arith.constant 0 : i32
        %scatter3A_1313 = arith.constant 0 : i32
        %scatter3A_1314 = tpu.memref_slice %arg15[%scatter3A_1310, %scatter3A_1311, %scatter3A_1312, %scatter3A_1313] : memref<2x2x112x48xf32, #tpu.memory_space<vmem>> -> memref<1x1x112x48xf32, #tpu.memory_space<vmem>>
        %scatter3A_1315 = tpu.memref_squeeze %scatter3A_1314 : memref<1x1x112x48xf32, #tpu.memory_space<vmem>> -> memref<112x48xf32, #tpu.memory_space<vmem>>
        tpu.vector_store_idx %scatter3A_1315[%add3A_645, %add3A_1309], %gather3A_1306 : memref<112x48xf32, #tpu.memory_space<vmem>>[vector<16xi32>, vector<16xi32>], vector<16xf32>,
      }
      %scan3A_480 = arith.constant 6 : i32
      %add3A_481 = arith.constant 2 : i32
      %add3A_482 = arith.addi %mul3A_2, %add3A_481 : i32
      %ge3A_483 = arith.cmpi sge, %add3A_428, %add3A_482 : i32
      %convert_element_type3A_484 = arith.extui %ge3A_483 : i1 to i32
      %cond3A_485 = arith.constant 0 : i32
      %cond3A_486 = arith.cmpi ne, %convert_element_type3A_484, %cond3A_485 : i32
      scf.if %cond3A_486 {
        %dma_wait3A_625 = arith.constant 1 : i32
        %dma_wait3A_626 = arith.constant 1 : i32
        %dma_wait3A_627 = arith.constant 1 : i32
        %dma_wait3A_628 = arith.constant 1 : i32
        %dma_wait3A_629 = arith.constant 0 : i32
        %dma_wait3A_630 = arith.constant 0 : i32
        %dma_wait3A_631 = tpu.memref_slice %arg14[%dma_wait3A_625, %dma_wait3A_626, %dma_wait3A_629, %dma_wait3A_630] : memref<2x2x104x128xf32, #tpu.memory_space<vmem>> -> memref<1x1x104x128xf32, #tpu.memory_space<vmem>>
        %dma_wait3A_632 = tpu.memref_squeeze %dma_wait3A_631 : memref<1x1x104x128xf32, #tpu.memory_space<vmem>> -> memref<104x128xf32, #tpu.memory_space<vmem>>
        %dma_wait3A_633 = arith.constant 96 : i32
        %dma_wait3A_634 = arith.constant 0 : i32
        %dma_wait3A_635 = tpu.memref_slice %arg7[%add3A_428, %dma_wait3A_633, %dma_wait3A_634] : memref<4096x200x176xf32, #tpu.memory_space<hbm>> -> memref<1x104x128xf32, #tpu.memory_space<hbm>>
        %dma_wait3A_636 = tpu.memref_squeeze %dma_wait3A_635 : memref<1x104x128xf32, #tpu.memory_space<hbm>> -> memref<104x128xf32, #tpu.memory_space<hbm>>
        %dma_wait3A_637 = tpu.memref_slice %arg18[%dma_wait3A_627, %dma_wait3A_628] : memref<2x2x!tpu.dma_semaphore, #tpu.memory_space<semaphore_mem>> -> memref<1x1x!tpu.dma_semaphore, #tpu.memory_space<semaphore_mem>>
        %dma_wait3A_638 = tpu.memref_squeeze %dma_wait3A_637 : memref<1x1x!tpu.dma_semaphore, #tpu.memory_space<semaphore_mem>> -> memref<!tpu.dma_semaphore, #tpu.memory_space<semaphore_mem>>
        %dma_wait3A_639 = arith.constant 96 : i32
        %dma_wait3A_640 = arith.constant 0 : i32
        %dma_wait3A_641 = tpu.memref_slice %arg7[%add3A_428, %dma_wait3A_639, %dma_wait3A_640] : memref<4096x200x176xf32, #tpu.memory_space<hbm>> -> memref<1x104x128xf32, #tpu.memory_space<hbm>>
        %dma_wait3A_642 = tpu.memref_squeeze %dma_wait3A_641 : memref<1x104x128xf32, #tpu.memory_space<hbm>> -> memref<104x128xf32, #tpu.memory_space<hbm>>
        %dma_wait3A_643 = arith.constant 0 : i32
        %dma_wait3A_644 = arith.constant 0 : i32
        %dma_wait3A_645 = tpu.memref_slice %arg14[%dma_wait3A_625, %dma_wait3A_626, %dma_wait3A_643, %dma_wait3A_644] : memref<2x2x104x128xf32, #tpu.memory_space<vmem>> -> memref<1x1x104x128xf32, #tpu.memory_space<vmem>>
        %dma_wait3A_646 = tpu.memref_squeeze %dma_wait3A_645 : memref<1x1x104x128xf32, #tpu.memory_space<vmem>> -> memref<104x128xf32, #tpu.memory_space<vmem>>
        tpu.wait_dma2 semaphore(%dma_wait3A_638 : memref<!tpu.dma_semaphore, #tpu.memory_space<semaphore_mem>>) src(%dma_wait3A_646 : memref<104x128xf32, #tpu.memory_space<vmem>>) dst(%dma_wait3A_642 : memref<104x128xf32, #tpu.memory_space<hbm>>)
        %dma_wait3A_647 = arith.constant 1 : i32
        %dma_wait3A_648 = arith.constant 1 : i32
        %dma_wait3A_649 = arith.constant 1 : i32
        %dma_wait3A_650 = arith.constant 1 : i32
        %dma_wait3A_651 = arith.constant 0 : i32
        %dma_wait3A_652 = arith.constant 0 : i32
        %dma_wait3A_653 = tpu.memref_slice %arg15[%dma_wait3A_647, %dma_wait3A_648, %dma_wait3A_651, %dma_wait3A_652] : memref<2x2x112x48xf32, #tpu.memory_space<vmem>> -> memref<1x1x104x48xf32, #tpu.memory_space<vmem>>
        %dma_wait3A_654 = tpu.memref_squeeze %dma_wait3A_653 : memref<1x1x104x48xf32, #tpu.memory_space<vmem>> -> memref<104x48xf32, #tpu.memory_space<vmem>>
        %dma_wait3A_655 = arith.constant 96 : i32
        %dma_wait3A_656 = arith.constant 128 : i32
        %dma_wait3A_657 = tpu.memref_slice %arg7[%add3A_428, %dma_wait3A_655, %dma_wait3A_656] : memref<4096x200x176xf32, #tpu.memory_space<hbm>> -> memref<1x104x48xf32, #tpu.memory_space<hbm>>
        %dma_wait3A_658 = tpu.memref_squeeze %dma_wait3A_657 : memref<1x104x48xf32, #tpu.memory_space<hbm>> -> memref<104x48xf32, #tpu.memory_space<hbm>>
        %dma_wait3A_659 = tpu.memref_slice %arg18[%dma_wait3A_649, %dma_wait3A_650] : memref<2x2x!tpu.dma_semaphore, #tpu.memory_space<semaphore_mem>> -> memref<1x1x!tpu.dma_semaphore, #tpu.memory_space<semaphore_mem>>
        %dma_wait3A_660 = tpu.memref_squeeze %dma_wait3A_659 : memref<1x1x!tpu.dma_semaphore, #tpu.memory_space<semaphore_mem>> -> memref<!tpu.dma_semaphore, #tpu.memory_space<semaphore_mem>>
        %dma_wait3A_661 = arith.constant 96 : i32
        %dma_wait3A_662 = arith.constant 128 : i32
        %dma_wait3A_663 = tpu.memref_slice %arg7[%add3A_428, %dma_wait3A_661, %dma_wait3A_662] : memref<4096x200x176xf32, #tpu.memory_space<hbm>> -> memref<1x104x48xf32, #tpu.memory_space<hbm>>
        %dma_wait3A_664 = tpu.memref_squeeze %dma_wait3A_663 : memref<1x104x48xf32, #tpu.memory_space<hbm>> -> memref<104x48xf32, #tpu.memory_space<hbm>>
        %dma_wait3A_665 = arith.constant 0 : i32
        %dma_wait3A_666 = arith.constant 0 : i32
        %dma_wait3A_667 = tpu.memref_slice %arg15[%dma_wait3A_647, %dma_wait3A_648, %dma_wait3A_665, %dma_wait3A_666] : memref<2x2x112x48xf32, #tpu.memory_space<vmem>> -> memref<1x1x104x48xf32, #tpu.memory_space<vmem>>
        %dma_wait3A_668 = tpu.memref_squeeze %dma_wait3A_667 : memref<1x1x104x48xf32, #tpu.memory_space<vmem>> -> memref<104x48xf32, #tpu.memory_space<vmem>>
        tpu.wait_dma2 semaphore(%dma_wait3A_660 : memref<!tpu.dma_semaphore, #tpu.memory_space<semaphore_mem>>) src(%dma_wait3A_668 : memref<104x48xf32, #tpu.memory_space<vmem>>) dst(%dma_wait3A_664 : memref<104x48xf32, #tpu.memory_space<hbm>>)
      } else {
      }
      %dma_start3A_487 = arith.constant 1 : i32
      %dma_start3A_488 = arith.constant 1 : i32
      %dma_start3A_489 = arith.constant 1 : i32
      %dma_start3A_490 = arith.constant 1 : i32
      %dma_start3A_491 = arith.constant 0 : i32
      %dma_start3A_492 = arith.constant 0 : i32
      %dma_start3A_493 = tpu.memref_slice %arg14[%dma_start3A_487, %dma_start3A_488, %dma_start3A_491, %dma_start3A_492] : memref<2x2x104x128xf32, #tpu.memory_space<vmem>> -> memref<1x1x104x128xf32, #tpu.memory_space<vmem>>
      %dma_start3A_494 = tpu.memref_squeeze %dma_start3A_493 : memref<1x1x104x128xf32, #tpu.memory_space<vmem>> -> memref<104x128xf32, #tpu.memory_space<vmem>>
      %dma_start3A_495 = arith.constant 96 : i32
      %dma_start3A_496 = tpu.memref_slice %arg9[%dma_start3A_495] : memref<200xi32, #tpu.memory_space<vmem>> -> memref<104xi32, #tpu.memory_space<vmem>>
      %dma_start3A_497 = arith.constant 0 : i32
      %dma_start3A_498 = arith.constant 0 : i32
      %dma_start3A_499 = tpu.memref_slice %arg4[%dma_start3A_497, %dma_start3A_498] : memref<100000x128xf32, #tpu.memory_space<hbm>> -> memref<100000x128xf32, #tpu.memory_space<hbm>>
      %dma_start3A_500 = tpu.memref_slice %arg17[%dma_start3A_489, %dma_start3A_490] : memref<2x2x!tpu.dma_semaphore, #tpu.memory_space<semaphore_mem>> -> memref<1x1x!tpu.dma_semaphore, #tpu.memory_space<semaphore_mem>>
      %dma_start3A_501 = tpu.memref_squeeze %dma_start3A_500 : memref<1x1x!tpu.dma_semaphore, #tpu.memory_space<semaphore_mem>> -> memref<!tpu.dma_semaphore, #tpu.memory_space<semaphore_mem>>
      tpu.enqueue_indirect_dma source(%dma_start3A_499 : memref<100000x128xf32, #tpu.memory_space<hbm>>) target(%dma_start3A_494 : memref<104x128xf32, #tpu.memory_space<vmem>>) offsets(%dma_start3A_496 : memref<104xi32, #tpu.memory_space<vmem>>) semaphore(%dma_start3A_501 : memref<!tpu.dma_semaphore, #tpu.memory_space<semaphore_mem>>)
      %scan3A_502 = arith.constant 0 : i32
      %scan3A_503 = arith.constant 7 : i32
      %scan3A_504 = arith.addi %scan3A_502, %scan3A_503 : i32
      %scan3A_505 = arith.constant 1 : i32
      scf.for %scan3A_625 = %scan3A_502 to %scan3A_504 step %scan3A_505  : i32 {
        %mul3A_626 = arith.constant 1 : i32
        %mul3A_627 = arith.muli %scan3A_625, %mul3A_626 : i32
        %add3A_628 = arith.constant 6 : i32
        %add3A_629 = arith.addi %add3A_628, %mul3A_627 : i32
        %mul3A_630 = arith.constant 16 : i32
        %mul3A_631 = arith.muli %add3A_629, %mul3A_630 : i32
        %get3A = arith.index_cast %mul3A_631 : i32 to index
        %get3A_632 = tpu.vector_load %arg11[%get3A] {strides = array<i32>} : memref<208xi32, #tpu.memory_space<vmem>>, vector<16xi32>,
        %and3A = arith.constant 2047 : i32
        %and3A_633 = vector.broadcast %and3A : i32 to vector<16xi32>
        %and3A_634 = arith.andi %get3A_632, %and3A_633 : vector<16xi32>
        %shift_right_logical3A = arith.constant 5 : i32
        %shift_right_logical3A_635 = vector.broadcast %shift_right_logical3A : i32 to vector<16xi32>
        %shift_right_logical3A_636 = arith.shrui %and3A_634, %shift_right_logical3A_635 : vector<16xi32>
        %and3A_637 = arith.constant 31 : i32
        %and3A_638 = vector.broadcast %and3A_637 : i32 to vector<16xi32>
        %and3A_639 = arith.andi %and3A_634, %and3A_638 : vector<16xi32>
        %mul3A_640 = arith.constant 16 : i32
        %mul3A_641 = arith.muli %add3A_629, %mul3A_640 : i32
        %sub3A_642 = arith.constant 96 : i32
        %sub3A_643 = arith.subi %mul3A_641, %sub3A_642 : i32
        %add3A_644 = vector.broadcast %sub3A_643 : i32 to vector<16xi32>
        %add3A_645 = arith.addi %add3A_644, %iota3A : vector<16xi32>
        %add3A_646 = arith.constant 0 : i32
        %add3A_647 = vector.broadcast %add3A_646 : i32 to vector<16xi32>
        %add3A_648 = arith.addi %iota3A, %add3A_647 : vector<16xi32>
        %and3A_649 = arith.constant 31 : i32
        %and3A_650 = vector.broadcast %and3A_649 : i32 to vector<16xi32>
        %and3A_651 = arith.andi %add3A_648, %and3A_650 : vector<16xi32>
        %gather3A = tpu.vector_load_idx %arg12[%shift_right_logical3A_636, %and3A_651] : memref<64x32xf32, #tpu.memory_space<vmem>>[vector<16xi32>, vector<16xi32>], vector<16xf32>,
        %scatter3A = arith.constant 1 : i32
        %scatter3A_652 = arith.constant 1 : i32
        %scatter3A_653 = arith.constant 0 : i32
        %scatter3A_654 = arith.constant 0 : i32
        %scatter3A_655 = tpu.memref_slice %arg15[%scatter3A, %scatter3A_652, %scatter3A_653, %scatter3A_654] : memref<2x2x112x48xf32, #tpu.memory_space<vmem>> -> memref<1x1x112x48xf32, #tpu.memory_space<vmem>>
        %scatter3A_656 = tpu.memref_squeeze %scatter3A_655 : memref<1x1x112x48xf32, #tpu.memory_space<vmem>> -> memref<112x48xf32, #tpu.memory_space<vmem>>
        tpu.vector_store_idx %scatter3A_656[%add3A_645, %and3A_651], %gather3A : memref<112x48xf32, #tpu.memory_space<vmem>>[vector<16xi32>, vector<16xi32>], vector<16xf32>,
        %add3A_657 = arith.constant 1 : i32
        %add3A_658 = vector.broadcast %add3A_657 : i32 to vector<16xi32>
        %add3A_659 = arith.addi %iota3A, %add3A_658 : vector<16xi32>
        %and3A_660 = arith.constant 31 : i32
        %and3A_661 = vector.broadcast %and3A_660 : i32 to vector<16xi32>
        %and3A_662 = arith.andi %add3A_659, %and3A_661 : vector<16xi32>
        %gather3A_663 = tpu.vector_load_idx %arg12[%shift_right_logical3A_636, %and3A_662] : memref<64x32xf32, #tpu.memory_space<vmem>>[vector<16xi32>, vector<16xi32>], vector<16xf32>,
        %scatter3A_664 = arith.constant 1 : i32
        %scatter3A_665 = arith.constant 1 : i32
        %scatter3A_666 = arith.constant 0 : i32
        %scatter3A_667 = arith.constant 0 : i32
        %scatter3A_668 = tpu.memref_slice %arg15[%scatter3A_664, %scatter3A_665, %scatter3A_666, %scatter3A_667] : memref<2x2x112x48xf32, #tpu.memory_space<vmem>> -> memref<1x1x112x48xf32, #tpu.memory_space<vmem>>
        %scatter3A_669 = tpu.memref_squeeze %scatter3A_668 : memref<1x1x112x48xf32, #tpu.memory_space<vmem>> -> memref<112x48xf32, #tpu.memory_space<vmem>>
        tpu.vector_store_idx %scatter3A_669[%add3A_645, %and3A_662], %gather3A_663 : memref<112x48xf32, #tpu.memory_space<vmem>>[vector<16xi32>, vector<16xi32>], vector<16xf32>,
        %add3A_670 = arith.constant 2 : i32
        %add3A_671 = vector.broadcast %add3A_670 : i32 to vector<16xi32>
        %add3A_672 = arith.addi %iota3A, %add3A_671 : vector<16xi32>
        %and3A_673 = arith.constant 31 : i32
        %and3A_674 = vector.broadcast %and3A_673 : i32 to vector<16xi32>
        %and3A_675 = arith.andi %add3A_672, %and3A_674 : vector<16xi32>
        %gather3A_676 = tpu.vector_load_idx %arg12[%shift_right_logical3A_636, %and3A_675] : memref<64x32xf32, #tpu.memory_space<vmem>>[vector<16xi32>, vector<16xi32>], vector<16xf32>,
        %scatter3A_677 = arith.constant 1 : i32
        %scatter3A_678 = arith.constant 1 : i32
        %scatter3A_679 = arith.constant 0 : i32
        %scatter3A_680 = arith.constant 0 : i32
        %scatter3A_681 = tpu.memref_slice %arg15[%scatter3A_677, %scatter3A_678, %scatter3A_679, %scatter3A_680] : memref<2x2x112x48xf32, #tpu.memory_space<vmem>> -> memref<1x1x112x48xf32, #tpu.memory_space<vmem>>
        %scatter3A_682 = tpu.memref_squeeze %scatter3A_681 : memref<1x1x112x48xf32, #tpu.memory_space<vmem>> -> memref<112x48xf32, #tpu.memory_space<vmem>>
        tpu.vector_store_idx %scatter3A_682[%add3A_645, %and3A_675], %gather3A_676 : memref<112x48xf32, #tpu.memory_space<vmem>>[vector<16xi32>, vector<16xi32>], vector<16xf32>,
        %add3A_683 = arith.constant 3 : i32
        %add3A_684 = vector.broadcast %add3A_683 : i32 to vector<16xi32>
        %add3A_685 = arith.addi %iota3A, %add3A_684 : vector<16xi32>
        %and3A_686 = arith.constant 31 : i32
        %and3A_687 = vector.broadcast %and3A_686 : i32 to vector<16xi32>
        %and3A_688 = arith.andi %add3A_685, %and3A_687 : vector<16xi32>
        %gather3A_689 = tpu.vector_load_idx %arg12[%shift_right_logical3A_636, %and3A_688] : memref<64x32xf32, #tpu.memory_space<vmem>>[vector<16xi32>, vector<16xi32>], vector<16xf32>,
        %scatter3A_690 = arith.constant 1 : i32
        %scatter3A_691 = arith.constant 1 : i32
        %scatter3A_692 = arith.constant 0 : i32
        %scatter3A_693 = arith.constant 0 : i32
        %scatter3A_694 = tpu.memref_slice %arg15[%scatter3A_690, %scatter3A_691, %scatter3A_692, %scatter3A_693] : memref<2x2x112x48xf32, #tpu.memory_space<vmem>> -> memref<1x1x112x48xf32, #tpu.memory_space<vmem>>
        %scatter3A_695 = tpu.memref_squeeze %scatter3A_694 : memref<1x1x112x48xf32, #tpu.memory_space<vmem>> -> memref<112x48xf32, #tpu.memory_space<vmem>>
        tpu.vector_store_idx %scatter3A_695[%add3A_645, %and3A_688], %gather3A_689 : memref<112x48xf32, #tpu.memory_space<vmem>>[vector<16xi32>, vector<16xi32>], vector<16xf32>,
        %add3A_696 = arith.constant 4 : i32
        %add3A_697 = vector.broadcast %add3A_696 : i32 to vector<16xi32>
        %add3A_698 = arith.addi %iota3A, %add3A_697 : vector<16xi32>
        %and3A_699 = arith.constant 31 : i32
        %and3A_700 = vector.broadcast %and3A_699 : i32 to vector<16xi32>
        %and3A_701 = arith.andi %add3A_698, %and3A_700 : vector<16xi32>
        %gather3A_702 = tpu.vector_load_idx %arg12[%shift_right_logical3A_636, %and3A_701] : memref<64x32xf32, #tpu.memory_space<vmem>>[vector<16xi32>, vector<16xi32>], vector<16xf32>,
        %scatter3A_703 = arith.constant 1 : i32
        %scatter3A_704 = arith.constant 1 : i32
        %scatter3A_705 = arith.constant 0 : i32
        %scatter3A_706 = arith.constant 0 : i32
        %scatter3A_707 = tpu.memref_slice %arg15[%scatter3A_703, %scatter3A_704, %scatter3A_705, %scatter3A_706] : memref<2x2x112x48xf32, #tpu.memory_space<vmem>> -> memref<1x1x112x48xf32, #tpu.memory_space<vmem>>
        %scatter3A_708 = tpu.memref_squeeze %scatter3A_707 : memref<1x1x112x48xf32, #tpu.memory_space<vmem>> -> memref<112x48xf32, #tpu.memory_space<vmem>>
        tpu.vector_store_idx %scatter3A_708[%add3A_645, %and3A_701], %gather3A_702 : memref<112x48xf32, #tpu.memory_space<vmem>>[vector<16xi32>, vector<16xi32>], vector<16xf32>,
        %add3A_709 = arith.constant 5 : i32
        %add3A_710 = vector.broadcast %add3A_709 : i32 to vector<16xi32>
        %add3A_711 = arith.addi %iota3A, %add3A_710 : vector<16xi32>
        %and3A_712 = arith.constant 31 : i32
        %and3A_713 = vector.broadcast %and3A_712 : i32 to vector<16xi32>
        %and3A_714 = arith.andi %add3A_711, %and3A_713 : vector<16xi32>
        %gather3A_715 = tpu.vector_load_idx %arg12[%shift_right_logical3A_636, %and3A_714] : memref<64x32xf32, #tpu.memory_space<vmem>>[vector<16xi32>, vector<16xi32>], vector<16xf32>,
        %scatter3A_716 = arith.constant 1 : i32
        %scatter3A_717 = arith.constant 1 : i32
        %scatter3A_718 = arith.constant 0 : i32
        %scatter3A_719 = arith.constant 0 : i32
        %scatter3A_720 = tpu.memref_slice %arg15[%scatter3A_716, %scatter3A_717, %scatter3A_718, %scatter3A_719] : memref<2x2x112x48xf32, #tpu.memory_space<vmem>> -> memref<1x1x112x48xf32, #tpu.memory_space<vmem>>
        %scatter3A_721 = tpu.memref_squeeze %scatter3A_720 : memref<1x1x112x48xf32, #tpu.memory_space<vmem>> -> memref<112x48xf32, #tpu.memory_space<vmem>>
        tpu.vector_store_idx %scatter3A_721[%add3A_645, %and3A_714], %gather3A_715 : memref<112x48xf32, #tpu.memory_space<vmem>>[vector<16xi32>, vector<16xi32>], vector<16xf32>,
        %add3A_722 = arith.constant 6 : i32
        %add3A_723 = vector.broadcast %add3A_722 : i32 to vector<16xi32>
        %add3A_724 = arith.addi %iota3A, %add3A_723 : vector<16xi32>
        %and3A_725 = arith.constant 31 : i32
        %and3A_726 = vector.broadcast %and3A_725 : i32 to vector<16xi32>
        %and3A_727 = arith.andi %add3A_724, %and3A_726 : vector<16xi32>
        %gather3A_728 = tpu.vector_load_idx %arg12[%shift_right_logical3A_636, %and3A_727] : memref<64x32xf32, #tpu.memory_space<vmem>>[vector<16xi32>, vector<16xi32>], vector<16xf32>,
        %scatter3A_729 = arith.constant 1 : i32
        %scatter3A_730 = arith.constant 1 : i32
        %scatter3A_731 = arith.constant 0 : i32
        %scatter3A_732 = arith.constant 0 : i32
        %scatter3A_733 = tpu.memref_slice %arg15[%scatter3A_729, %scatter3A_730, %scatter3A_731, %scatter3A_732] : memref<2x2x112x48xf32, #tpu.memory_space<vmem>> -> memref<1x1x112x48xf32, #tpu.memory_space<vmem>>
        %scatter3A_734 = tpu.memref_squeeze %scatter3A_733 : memref<1x1x112x48xf32, #tpu.memory_space<vmem>> -> memref<112x48xf32, #tpu.memory_space<vmem>>
        tpu.vector_store_idx %scatter3A_734[%add3A_645, %and3A_727], %gather3A_728 : memref<112x48xf32, #tpu.memory_space<vmem>>[vector<16xi32>, vector<16xi32>], vector<16xf32>,
        %add3A_735 = arith.constant 7 : i32
        %add3A_736 = vector.broadcast %add3A_735 : i32 to vector<16xi32>
        %add3A_737 = arith.addi %iota3A, %add3A_736 : vector<16xi32>
        %and3A_738 = arith.constant 31 : i32
        %and3A_739 = vector.broadcast %and3A_738 : i32 to vector<16xi32>
        %and3A_740 = arith.andi %add3A_737, %and3A_739 : vector<16xi32>
        %gather3A_741 = tpu.vector_load_idx %arg12[%shift_right_logical3A_636, %and3A_740] : memref<64x32xf32, #tpu.memory_space<vmem>>[vector<16xi32>, vector<16xi32>], vector<16xf32>,
        %scatter3A_742 = arith.constant 1 : i32
        %scatter3A_743 = arith.constant 1 : i32
        %scatter3A_744 = arith.constant 0 : i32
        %scatter3A_745 = arith.constant 0 : i32
        %scatter3A_746 = tpu.memref_slice %arg15[%scatter3A_742, %scatter3A_743, %scatter3A_744, %scatter3A_745] : memref<2x2x112x48xf32, #tpu.memory_space<vmem>> -> memref<1x1x112x48xf32, #tpu.memory_space<vmem>>
        %scatter3A_747 = tpu.memref_squeeze %scatter3A_746 : memref<1x1x112x48xf32, #tpu.memory_space<vmem>> -> memref<112x48xf32, #tpu.memory_space<vmem>>
        tpu.vector_store_idx %scatter3A_747[%add3A_645, %and3A_740], %gather3A_741 : memref<112x48xf32, #tpu.memory_space<vmem>>[vector<16xi32>, vector<16xi32>], vector<16xf32>,
        %add3A_748 = arith.constant 8 : i32
        %add3A_749 = vector.broadcast %add3A_748 : i32 to vector<16xi32>
        %add3A_750 = arith.addi %iota3A, %add3A_749 : vector<16xi32>
        %and3A_751 = arith.constant 31 : i32
        %and3A_752 = vector.broadcast %and3A_751 : i32 to vector<16xi32>
        %and3A_753 = arith.andi %add3A_750, %and3A_752 : vector<16xi32>
        %gather3A_754 = tpu.vector_load_idx %arg12[%shift_right_logical3A_636, %and3A_753] : memref<64x32xf32, #tpu.memory_space<vmem>>[vector<16xi32>, vector<16xi32>], vector<16xf32>,
        %scatter3A_755 = arith.constant 1 : i32
        %scatter3A_756 = arith.constant 1 : i32
        %scatter3A_757 = arith.constant 0 : i32
        %scatter3A_758 = arith.constant 0 : i32
        %scatter3A_759 = tpu.memref_slice %arg15[%scatter3A_755, %scatter3A_756, %scatter3A_757, %scatter3A_758] : memref<2x2x112x48xf32, #tpu.memory_space<vmem>> -> memref<1x1x112x48xf32, #tpu.memory_space<vmem>>
        %scatter3A_760 = tpu.memref_squeeze %scatter3A_759 : memref<1x1x112x48xf32, #tpu.memory_space<vmem>> -> memref<112x48xf32, #tpu.memory_space<vmem>>
        tpu.vector_store_idx %scatter3A_760[%add3A_645, %and3A_753], %gather3A_754 : memref<112x48xf32, #tpu.memory_space<vmem>>[vector<16xi32>, vector<16xi32>], vector<16xf32>,
        %add3A_761 = arith.constant 9 : i32
        %add3A_762 = vector.broadcast %add3A_761 : i32 to vector<16xi32>
        %add3A_763 = arith.addi %iota3A, %add3A_762 : vector<16xi32>
        %and3A_764 = arith.constant 31 : i32
        %and3A_765 = vector.broadcast %and3A_764 : i32 to vector<16xi32>
        %and3A_766 = arith.andi %add3A_763, %and3A_765 : vector<16xi32>
        %gather3A_767 = tpu.vector_load_idx %arg12[%shift_right_logical3A_636, %and3A_766] : memref<64x32xf32, #tpu.memory_space<vmem>>[vector<16xi32>, vector<16xi32>], vector<16xf32>,
        %scatter3A_768 = arith.constant 1 : i32
        %scatter3A_769 = arith.constant 1 : i32
        %scatter3A_770 = arith.constant 0 : i32
        %scatter3A_771 = arith.constant 0 : i32
        %scatter3A_772 = tpu.memref_slice %arg15[%scatter3A_768, %scatter3A_769, %scatter3A_770, %scatter3A_771] : memref<2x2x112x48xf32, #tpu.memory_space<vmem>> -> memref<1x1x112x48xf32, #tpu.memory_space<vmem>>
        %scatter3A_773 = tpu.memref_squeeze %scatter3A_772 : memref<1x1x112x48xf32, #tpu.memory_space<vmem>> -> memref<112x48xf32, #tpu.memory_space<vmem>>
        tpu.vector_store_idx %scatter3A_773[%add3A_645, %and3A_766], %gather3A_767 : memref<112x48xf32, #tpu.memory_space<vmem>>[vector<16xi32>, vector<16xi32>], vector<16xf32>,
        %add3A_774 = arith.constant 10 : i32
        %add3A_775 = vector.broadcast %add3A_774 : i32 to vector<16xi32>
        %add3A_776 = arith.addi %iota3A, %add3A_775 : vector<16xi32>
        %and3A_777 = arith.constant 31 : i32
        %and3A_778 = vector.broadcast %and3A_777 : i32 to vector<16xi32>
        %and3A_779 = arith.andi %add3A_776, %and3A_778 : vector<16xi32>
        %gather3A_780 = tpu.vector_load_idx %arg12[%shift_right_logical3A_636, %and3A_779] : memref<64x32xf32, #tpu.memory_space<vmem>>[vector<16xi32>, vector<16xi32>], vector<16xf32>,
        %scatter3A_781 = arith.constant 1 : i32
        %scatter3A_782 = arith.constant 1 : i32
        %scatter3A_783 = arith.constant 0 : i32
        %scatter3A_784 = arith.constant 0 : i32
        %scatter3A_785 = tpu.memref_slice %arg15[%scatter3A_781, %scatter3A_782, %scatter3A_783, %scatter3A_784] : memref<2x2x112x48xf32, #tpu.memory_space<vmem>> -> memref<1x1x112x48xf32, #tpu.memory_space<vmem>>
        %scatter3A_786 = tpu.memref_squeeze %scatter3A_785 : memref<1x1x112x48xf32, #tpu.memory_space<vmem>> -> memref<112x48xf32, #tpu.memory_space<vmem>>
        tpu.vector_store_idx %scatter3A_786[%add3A_645, %and3A_779], %gather3A_780 : memref<112x48xf32, #tpu.memory_space<vmem>>[vector<16xi32>, vector<16xi32>], vector<16xf32>,
        %add3A_787 = arith.constant 11 : i32
        %add3A_788 = vector.broadcast %add3A_787 : i32 to vector<16xi32>
        %add3A_789 = arith.addi %iota3A, %add3A_788 : vector<16xi32>
        %and3A_790 = arith.constant 31 : i32
        %and3A_791 = vector.broadcast %and3A_790 : i32 to vector<16xi32>
        %and3A_792 = arith.andi %add3A_789, %and3A_791 : vector<16xi32>
        %gather3A_793 = tpu.vector_load_idx %arg12[%shift_right_logical3A_636, %and3A_792] : memref<64x32xf32, #tpu.memory_space<vmem>>[vector<16xi32>, vector<16xi32>], vector<16xf32>,
        %scatter3A_794 = arith.constant 1 : i32
        %scatter3A_795 = arith.constant 1 : i32
        %scatter3A_796 = arith.constant 0 : i32
        %scatter3A_797 = arith.constant 0 : i32
        %scatter3A_798 = tpu.memref_slice %arg15[%scatter3A_794, %scatter3A_795, %scatter3A_796, %scatter3A_797] : memref<2x2x112x48xf32, #tpu.memory_space<vmem>> -> memref<1x1x112x48xf32, #tpu.memory_space<vmem>>
        %scatter3A_799 = tpu.memref_squeeze %scatter3A_798 : memref<1x1x112x48xf32, #tpu.memory_space<vmem>> -> memref<112x48xf32, #tpu.memory_space<vmem>>
        tpu.vector_store_idx %scatter3A_799[%add3A_645, %and3A_792], %gather3A_793 : memref<112x48xf32, #tpu.memory_space<vmem>>[vector<16xi32>, vector<16xi32>], vector<16xf32>,
        %add3A_800 = arith.constant 12 : i32
        %add3A_801 = vector.broadcast %add3A_800 : i32 to vector<16xi32>
        %add3A_802 = arith.addi %iota3A, %add3A_801 : vector<16xi32>
        %and3A_803 = arith.constant 31 : i32
        %and3A_804 = vector.broadcast %and3A_803 : i32 to vector<16xi32>
        %and3A_805 = arith.andi %add3A_802, %and3A_804 : vector<16xi32>
        %gather3A_806 = tpu.vector_load_idx %arg12[%shift_right_logical3A_636, %and3A_805] : memref<64x32xf32, #tpu.memory_space<vmem>>[vector<16xi32>, vector<16xi32>], vector<16xf32>,
        %scatter3A_807 = arith.constant 1 : i32
        %scatter3A_808 = arith.constant 1 : i32
        %scatter3A_809 = arith.constant 0 : i32
        %scatter3A_810 = arith.constant 0 : i32
        %scatter3A_811 = tpu.memref_slice %arg15[%scatter3A_807, %scatter3A_808, %scatter3A_809, %scatter3A_810] : memref<2x2x112x48xf32, #tpu.memory_space<vmem>> -> memref<1x1x112x48xf32, #tpu.memory_space<vmem>>
        %scatter3A_812 = tpu.memref_squeeze %scatter3A_811 : memref<1x1x112x48xf32, #tpu.memory_space<vmem>> -> memref<112x48xf32, #tpu.memory_space<vmem>>
        tpu.vector_store_idx %scatter3A_812[%add3A_645, %and3A_805], %gather3A_806 : memref<112x48xf32, #tpu.memory_space<vmem>>[vector<16xi32>, vector<16xi32>], vector<16xf32>,
        %add3A_813 = arith.constant 13 : i32
        %add3A_814 = vector.broadcast %add3A_813 : i32 to vector<16xi32>
        %add3A_815 = arith.addi %iota3A, %add3A_814 : vector<16xi32>
        %and3A_816 = arith.constant 31 : i32
        %and3A_817 = vector.broadcast %and3A_816 : i32 to vector<16xi32>
        %and3A_818 = arith.andi %add3A_815, %and3A_817 : vector<16xi32>
        %gather3A_819 = tpu.vector_load_idx %arg12[%shift_right_logical3A_636, %and3A_818] : memref<64x32xf32, #tpu.memory_space<vmem>>[vector<16xi32>, vector<16xi32>], vector<16xf32>,
        %scatter3A_820 = arith.constant 1 : i32
        %scatter3A_821 = arith.constant 1 : i32
        %scatter3A_822 = arith.constant 0 : i32
        %scatter3A_823 = arith.constant 0 : i32
        %scatter3A_824 = tpu.memref_slice %arg15[%scatter3A_820, %scatter3A_821, %scatter3A_822, %scatter3A_823] : memref<2x2x112x48xf32, #tpu.memory_space<vmem>> -> memref<1x1x112x48xf32, #tpu.memory_space<vmem>>
        %scatter3A_825 = tpu.memref_squeeze %scatter3A_824 : memref<1x1x112x48xf32, #tpu.memory_space<vmem>> -> memref<112x48xf32, #tpu.memory_space<vmem>>
        tpu.vector_store_idx %scatter3A_825[%add3A_645, %and3A_818], %gather3A_819 : memref<112x48xf32, #tpu.memory_space<vmem>>[vector<16xi32>, vector<16xi32>], vector<16xf32>,
        %add3A_826 = arith.constant 14 : i32
        %add3A_827 = vector.broadcast %add3A_826 : i32 to vector<16xi32>
        %add3A_828 = arith.addi %iota3A, %add3A_827 : vector<16xi32>
        %and3A_829 = arith.constant 31 : i32
        %and3A_830 = vector.broadcast %and3A_829 : i32 to vector<16xi32>
        %and3A_831 = arith.andi %add3A_828, %and3A_830 : vector<16xi32>
        %gather3A_832 = tpu.vector_load_idx %arg12[%shift_right_logical3A_636, %and3A_831] : memref<64x32xf32, #tpu.memory_space<vmem>>[vector<16xi32>, vector<16xi32>], vector<16xf32>,
        %scatter3A_833 = arith.constant 1 : i32
        %scatter3A_834 = arith.constant 1 : i32
        %scatter3A_835 = arith.constant 0 : i32
        %scatter3A_836 = arith.constant 0 : i32
        %scatter3A_837 = tpu.memref_slice %arg15[%scatter3A_833, %scatter3A_834, %scatter3A_835, %scatter3A_836] : memref<2x2x112x48xf32, #tpu.memory_space<vmem>> -> memref<1x1x112x48xf32, #tpu.memory_space<vmem>>
        %scatter3A_838 = tpu.memref_squeeze %scatter3A_837 : memref<1x1x112x48xf32, #tpu.memory_space<vmem>> -> memref<112x48xf32, #tpu.memory_space<vmem>>
        tpu.vector_store_idx %scatter3A_838[%add3A_645, %and3A_831], %gather3A_832 : memref<112x48xf32, #tpu.memory_space<vmem>>[vector<16xi32>, vector<16xi32>], vector<16xf32>,
        %add3A_839 = arith.constant 15 : i32
        %add3A_840 = vector.broadcast %add3A_839 : i32 to vector<16xi32>
        %add3A_841 = arith.addi %iota3A, %add3A_840 : vector<16xi32>
        %and3A_842 = arith.constant 31 : i32
        %and3A_843 = vector.broadcast %and3A_842 : i32 to vector<16xi32>
        %and3A_844 = arith.andi %add3A_841, %and3A_843 : vector<16xi32>
        %gather3A_845 = tpu.vector_load_idx %arg12[%shift_right_logical3A_636, %and3A_844] : memref<64x32xf32, #tpu.memory_space<vmem>>[vector<16xi32>, vector<16xi32>], vector<16xf32>,
        %scatter3A_846 = arith.constant 1 : i32
        %scatter3A_847 = arith.constant 1 : i32
        %scatter3A_848 = arith.constant 0 : i32
        %scatter3A_849 = arith.constant 0 : i32
        %scatter3A_850 = tpu.memref_slice %arg15[%scatter3A_846, %scatter3A_847, %scatter3A_848, %scatter3A_849] : memref<2x2x112x48xf32, #tpu.memory_space<vmem>> -> memref<1x1x112x48xf32, #tpu.memory_space<vmem>>
        %scatter3A_851 = tpu.memref_squeeze %scatter3A_850 : memref<1x1x112x48xf32, #tpu.memory_space<vmem>> -> memref<112x48xf32, #tpu.memory_space<vmem>>
        tpu.vector_store_idx %scatter3A_851[%add3A_645, %and3A_844], %gather3A_845 : memref<112x48xf32, #tpu.memory_space<vmem>>[vector<16xi32>, vector<16xi32>], vector<16xf32>,
        %add3A_852 = arith.constant 16 : i32
        %add3A_853 = vector.broadcast %add3A_852 : i32 to vector<16xi32>
        %add3A_854 = arith.addi %iota3A, %add3A_853 : vector<16xi32>
        %and3A_855 = arith.constant 31 : i32
        %and3A_856 = vector.broadcast %and3A_855 : i32 to vector<16xi32>
        %and3A_857 = arith.andi %add3A_854, %and3A_856 : vector<16xi32>
        %gather3A_858 = tpu.vector_load_idx %arg12[%shift_right_logical3A_636, %and3A_857] : memref<64x32xf32, #tpu.memory_space<vmem>>[vector<16xi32>, vector<16xi32>], vector<16xf32>,
        %scatter3A_859 = arith.constant 1 : i32
        %scatter3A_860 = arith.constant 1 : i32
        %scatter3A_861 = arith.constant 0 : i32
        %scatter3A_862 = arith.constant 0 : i32
        %scatter3A_863 = tpu.memref_slice %arg15[%scatter3A_859, %scatter3A_860, %scatter3A_861, %scatter3A_862] : memref<2x2x112x48xf32, #tpu.memory_space<vmem>> -> memref<1x1x112x48xf32, #tpu.memory_space<vmem>>
        %scatter3A_864 = tpu.memref_squeeze %scatter3A_863 : memref<1x1x112x48xf32, #tpu.memory_space<vmem>> -> memref<112x48xf32, #tpu.memory_space<vmem>>
        tpu.vector_store_idx %scatter3A_864[%add3A_645, %and3A_857], %gather3A_858 : memref<112x48xf32, #tpu.memory_space<vmem>>[vector<16xi32>, vector<16xi32>], vector<16xf32>,
        %add3A_865 = arith.constant 17 : i32
        %add3A_866 = vector.broadcast %add3A_865 : i32 to vector<16xi32>
        %add3A_867 = arith.addi %iota3A, %add3A_866 : vector<16xi32>
        %and3A_868 = arith.constant 31 : i32
        %and3A_869 = vector.broadcast %and3A_868 : i32 to vector<16xi32>
        %and3A_870 = arith.andi %add3A_867, %and3A_869 : vector<16xi32>
        %gather3A_871 = tpu.vector_load_idx %arg12[%shift_right_logical3A_636, %and3A_870] : memref<64x32xf32, #tpu.memory_space<vmem>>[vector<16xi32>, vector<16xi32>], vector<16xf32>,
        %scatter3A_872 = arith.constant 1 : i32
        %scatter3A_873 = arith.constant 1 : i32
        %scatter3A_874 = arith.constant 0 : i32
        %scatter3A_875 = arith.constant 0 : i32
        %scatter3A_876 = tpu.memref_slice %arg15[%scatter3A_872, %scatter3A_873, %scatter3A_874, %scatter3A_875] : memref<2x2x112x48xf32, #tpu.memory_space<vmem>> -> memref<1x1x112x48xf32, #tpu.memory_space<vmem>>
        %scatter3A_877 = tpu.memref_squeeze %scatter3A_876 : memref<1x1x112x48xf32, #tpu.memory_space<vmem>> -> memref<112x48xf32, #tpu.memory_space<vmem>>
        tpu.vector_store_idx %scatter3A_877[%add3A_645, %and3A_870], %gather3A_871 : memref<112x48xf32, #tpu.memory_space<vmem>>[vector<16xi32>, vector<16xi32>], vector<16xf32>,
        %add3A_878 = arith.constant 18 : i32
        %add3A_879 = vector.broadcast %add3A_878 : i32 to vector<16xi32>
        %add3A_880 = arith.addi %iota3A, %add3A_879 : vector<16xi32>
        %and3A_881 = arith.constant 31 : i32
        %and3A_882 = vector.broadcast %and3A_881 : i32 to vector<16xi32>
        %and3A_883 = arith.andi %add3A_880, %and3A_882 : vector<16xi32>
        %gather3A_884 = tpu.vector_load_idx %arg12[%shift_right_logical3A_636, %and3A_883] : memref<64x32xf32, #tpu.memory_space<vmem>>[vector<16xi32>, vector<16xi32>], vector<16xf32>,
        %scatter3A_885 = arith.constant 1 : i32
        %scatter3A_886 = arith.constant 1 : i32
        %scatter3A_887 = arith.constant 0 : i32
        %scatter3A_888 = arith.constant 0 : i32
        %scatter3A_889 = tpu.memref_slice %arg15[%scatter3A_885, %scatter3A_886, %scatter3A_887, %scatter3A_888] : memref<2x2x112x48xf32, #tpu.memory_space<vmem>> -> memref<1x1x112x48xf32, #tpu.memory_space<vmem>>
        %scatter3A_890 = tpu.memref_squeeze %scatter3A_889 : memref<1x1x112x48xf32, #tpu.memory_space<vmem>> -> memref<112x48xf32, #tpu.memory_space<vmem>>
        tpu.vector_store_idx %scatter3A_890[%add3A_645, %and3A_883], %gather3A_884 : memref<112x48xf32, #tpu.memory_space<vmem>>[vector<16xi32>, vector<16xi32>], vector<16xf32>,
        %add3A_891 = arith.constant 19 : i32
        %add3A_892 = vector.broadcast %add3A_891 : i32 to vector<16xi32>
        %add3A_893 = arith.addi %iota3A, %add3A_892 : vector<16xi32>
        %and3A_894 = arith.constant 31 : i32
        %and3A_895 = vector.broadcast %and3A_894 : i32 to vector<16xi32>
        %and3A_896 = arith.andi %add3A_893, %and3A_895 : vector<16xi32>
        %gather3A_897 = tpu.vector_load_idx %arg12[%shift_right_logical3A_636, %and3A_896] : memref<64x32xf32, #tpu.memory_space<vmem>>[vector<16xi32>, vector<16xi32>], vector<16xf32>,
        %scatter3A_898 = arith.constant 1 : i32
        %scatter3A_899 = arith.constant 1 : i32
        %scatter3A_900 = arith.constant 0 : i32
        %scatter3A_901 = arith.constant 0 : i32
        %scatter3A_902 = tpu.memref_slice %arg15[%scatter3A_898, %scatter3A_899, %scatter3A_900, %scatter3A_901] : memref<2x2x112x48xf32, #tpu.memory_space<vmem>> -> memref<1x1x112x48xf32, #tpu.memory_space<vmem>>
        %scatter3A_903 = tpu.memref_squeeze %scatter3A_902 : memref<1x1x112x48xf32, #tpu.memory_space<vmem>> -> memref<112x48xf32, #tpu.memory_space<vmem>>
        tpu.vector_store_idx %scatter3A_903[%add3A_645, %and3A_896], %gather3A_897 : memref<112x48xf32, #tpu.memory_space<vmem>>[vector<16xi32>, vector<16xi32>], vector<16xf32>,
        %add3A_904 = arith.constant 20 : i32
        %add3A_905 = vector.broadcast %add3A_904 : i32 to vector<16xi32>
        %add3A_906 = arith.addi %iota3A, %add3A_905 : vector<16xi32>
        %and3A_907 = arith.constant 31 : i32
        %and3A_908 = vector.broadcast %and3A_907 : i32 to vector<16xi32>
        %and3A_909 = arith.andi %add3A_906, %and3A_908 : vector<16xi32>
        %gather3A_910 = tpu.vector_load_idx %arg12[%shift_right_logical3A_636, %and3A_909] : memref<64x32xf32, #tpu.memory_space<vmem>>[vector<16xi32>, vector<16xi32>], vector<16xf32>,
        %scatter3A_911 = arith.constant 1 : i32
        %scatter3A_912 = arith.constant 1 : i32
        %scatter3A_913 = arith.constant 0 : i32
        %scatter3A_914 = arith.constant 0 : i32
        %scatter3A_915 = tpu.memref_slice %arg15[%scatter3A_911, %scatter3A_912, %scatter3A_913, %scatter3A_914] : memref<2x2x112x48xf32, #tpu.memory_space<vmem>> -> memref<1x1x112x48xf32, #tpu.memory_space<vmem>>
        %scatter3A_916 = tpu.memref_squeeze %scatter3A_915 : memref<1x1x112x48xf32, #tpu.memory_space<vmem>> -> memref<112x48xf32, #tpu.memory_space<vmem>>
        tpu.vector_store_idx %scatter3A_916[%add3A_645, %and3A_909], %gather3A_910 : memref<112x48xf32, #tpu.memory_space<vmem>>[vector<16xi32>, vector<16xi32>], vector<16xf32>,
        %add3A_917 = arith.constant 21 : i32
        %add3A_918 = vector.broadcast %add3A_917 : i32 to vector<16xi32>
        %add3A_919 = arith.addi %iota3A, %add3A_918 : vector<16xi32>
        %and3A_920 = arith.constant 31 : i32
        %and3A_921 = vector.broadcast %and3A_920 : i32 to vector<16xi32>
        %and3A_922 = arith.andi %add3A_919, %and3A_921 : vector<16xi32>
        %gather3A_923 = tpu.vector_load_idx %arg12[%shift_right_logical3A_636, %and3A_922] : memref<64x32xf32, #tpu.memory_space<vmem>>[vector<16xi32>, vector<16xi32>], vector<16xf32>,
        %scatter3A_924 = arith.constant 1 : i32
        %scatter3A_925 = arith.constant 1 : i32
        %scatter3A_926 = arith.constant 0 : i32
        %scatter3A_927 = arith.constant 0 : i32
        %scatter3A_928 = tpu.memref_slice %arg15[%scatter3A_924, %scatter3A_925, %scatter3A_926, %scatter3A_927] : memref<2x2x112x48xf32, #tpu.memory_space<vmem>> -> memref<1x1x112x48xf32, #tpu.memory_space<vmem>>
        %scatter3A_929 = tpu.memref_squeeze %scatter3A_928 : memref<1x1x112x48xf32, #tpu.memory_space<vmem>> -> memref<112x48xf32, #tpu.memory_space<vmem>>
        tpu.vector_store_idx %scatter3A_929[%add3A_645, %and3A_922], %gather3A_923 : memref<112x48xf32, #tpu.memory_space<vmem>>[vector<16xi32>, vector<16xi32>], vector<16xf32>,
        %add3A_930 = arith.constant 22 : i32
        %add3A_931 = vector.broadcast %add3A_930 : i32 to vector<16xi32>
        %add3A_932 = arith.addi %iota3A, %add3A_931 : vector<16xi32>
        %and3A_933 = arith.constant 31 : i32
        %and3A_934 = vector.broadcast %and3A_933 : i32 to vector<16xi32>
        %and3A_935 = arith.andi %add3A_932, %and3A_934 : vector<16xi32>
        %gather3A_936 = tpu.vector_load_idx %arg12[%shift_right_logical3A_636, %and3A_935] : memref<64x32xf32, #tpu.memory_space<vmem>>[vector<16xi32>, vector<16xi32>], vector<16xf32>,
        %scatter3A_937 = arith.constant 1 : i32
        %scatter3A_938 = arith.constant 1 : i32
        %scatter3A_939 = arith.constant 0 : i32
        %scatter3A_940 = arith.constant 0 : i32
        %scatter3A_941 = tpu.memref_slice %arg15[%scatter3A_937, %scatter3A_938, %scatter3A_939, %scatter3A_940] : memref<2x2x112x48xf32, #tpu.memory_space<vmem>> -> memref<1x1x112x48xf32, #tpu.memory_space<vmem>>
        %scatter3A_942 = tpu.memref_squeeze %scatter3A_941 : memref<1x1x112x48xf32, #tpu.memory_space<vmem>> -> memref<112x48xf32, #tpu.memory_space<vmem>>
        tpu.vector_store_idx %scatter3A_942[%add3A_645, %and3A_935], %gather3A_936 : memref<112x48xf32, #tpu.memory_space<vmem>>[vector<16xi32>, vector<16xi32>], vector<16xf32>,
        %add3A_943 = arith.constant 23 : i32
        %add3A_944 = vector.broadcast %add3A_943 : i32 to vector<16xi32>
        %add3A_945 = arith.addi %iota3A, %add3A_944 : vector<16xi32>
        %and3A_946 = arith.constant 31 : i32
        %and3A_947 = vector.broadcast %and3A_946 : i32 to vector<16xi32>
        %and3A_948 = arith.andi %add3A_945, %and3A_947 : vector<16xi32>
        %gather3A_949 = tpu.vector_load_idx %arg12[%shift_right_logical3A_636, %and3A_948] : memref<64x32xf32, #tpu.memory_space<vmem>>[vector<16xi32>, vector<16xi32>], vector<16xf32>,
        %scatter3A_950 = arith.constant 1 : i32
        %scatter3A_951 = arith.constant 1 : i32
        %scatter3A_952 = arith.constant 0 : i32
        %scatter3A_953 = arith.constant 0 : i32
        %scatter3A_954 = tpu.memref_slice %arg15[%scatter3A_950, %scatter3A_951, %scatter3A_952, %scatter3A_953] : memref<2x2x112x48xf32, #tpu.memory_space<vmem>> -> memref<1x1x112x48xf32, #tpu.memory_space<vmem>>
        %scatter3A_955 = tpu.memref_squeeze %scatter3A_954 : memref<1x1x112x48xf32, #tpu.memory_space<vmem>> -> memref<112x48xf32, #tpu.memory_space<vmem>>
        tpu.vector_store_idx %scatter3A_955[%add3A_645, %and3A_948], %gather3A_949 : memref<112x48xf32, #tpu.memory_space<vmem>>[vector<16xi32>, vector<16xi32>], vector<16xf32>,
        %add3A_956 = arith.constant 24 : i32
        %add3A_957 = vector.broadcast %add3A_956 : i32 to vector<16xi32>
        %add3A_958 = arith.addi %iota3A, %add3A_957 : vector<16xi32>
        %and3A_959 = arith.constant 31 : i32
        %and3A_960 = vector.broadcast %and3A_959 : i32 to vector<16xi32>
        %and3A_961 = arith.andi %add3A_958, %and3A_960 : vector<16xi32>
        %gather3A_962 = tpu.vector_load_idx %arg12[%shift_right_logical3A_636, %and3A_961] : memref<64x32xf32, #tpu.memory_space<vmem>>[vector<16xi32>, vector<16xi32>], vector<16xf32>,
        %scatter3A_963 = arith.constant 1 : i32
        %scatter3A_964 = arith.constant 1 : i32
        %scatter3A_965 = arith.constant 0 : i32
        %scatter3A_966 = arith.constant 0 : i32
        %scatter3A_967 = tpu.memref_slice %arg15[%scatter3A_963, %scatter3A_964, %scatter3A_965, %scatter3A_966] : memref<2x2x112x48xf32, #tpu.memory_space<vmem>> -> memref<1x1x112x48xf32, #tpu.memory_space<vmem>>
        %scatter3A_968 = tpu.memref_squeeze %scatter3A_967 : memref<1x1x112x48xf32, #tpu.memory_space<vmem>> -> memref<112x48xf32, #tpu.memory_space<vmem>>
        tpu.vector_store_idx %scatter3A_968[%add3A_645, %and3A_961], %gather3A_962 : memref<112x48xf32, #tpu.memory_space<vmem>>[vector<16xi32>, vector<16xi32>], vector<16xf32>,
        %add3A_969 = arith.constant 25 : i32
        %add3A_970 = vector.broadcast %add3A_969 : i32 to vector<16xi32>
        %add3A_971 = arith.addi %iota3A, %add3A_970 : vector<16xi32>
        %and3A_972 = arith.constant 31 : i32
        %and3A_973 = vector.broadcast %and3A_972 : i32 to vector<16xi32>
        %and3A_974 = arith.andi %add3A_971, %and3A_973 : vector<16xi32>
        %gather3A_975 = tpu.vector_load_idx %arg12[%shift_right_logical3A_636, %and3A_974] : memref<64x32xf32, #tpu.memory_space<vmem>>[vector<16xi32>, vector<16xi32>], vector<16xf32>,
        %scatter3A_976 = arith.constant 1 : i32
        %scatter3A_977 = arith.constant 1 : i32
        %scatter3A_978 = arith.constant 0 : i32
        %scatter3A_979 = arith.constant 0 : i32
        %scatter3A_980 = tpu.memref_slice %arg15[%scatter3A_976, %scatter3A_977, %scatter3A_978, %scatter3A_979] : memref<2x2x112x48xf32, #tpu.memory_space<vmem>> -> memref<1x1x112x48xf32, #tpu.memory_space<vmem>>
        %scatter3A_981 = tpu.memref_squeeze %scatter3A_980 : memref<1x1x112x48xf32, #tpu.memory_space<vmem>> -> memref<112x48xf32, #tpu.memory_space<vmem>>
        tpu.vector_store_idx %scatter3A_981[%add3A_645, %and3A_974], %gather3A_975 : memref<112x48xf32, #tpu.memory_space<vmem>>[vector<16xi32>, vector<16xi32>], vector<16xf32>,
        %add3A_982 = arith.constant 26 : i32
        %add3A_983 = vector.broadcast %add3A_982 : i32 to vector<16xi32>
        %add3A_984 = arith.addi %iota3A, %add3A_983 : vector<16xi32>
        %and3A_985 = arith.constant 31 : i32
        %and3A_986 = vector.broadcast %and3A_985 : i32 to vector<16xi32>
        %and3A_987 = arith.andi %add3A_984, %and3A_986 : vector<16xi32>
        %gather3A_988 = tpu.vector_load_idx %arg12[%shift_right_logical3A_636, %and3A_987] : memref<64x32xf32, #tpu.memory_space<vmem>>[vector<16xi32>, vector<16xi32>], vector<16xf32>,
        %scatter3A_989 = arith.constant 1 : i32
        %scatter3A_990 = arith.constant 1 : i32
        %scatter3A_991 = arith.constant 0 : i32
        %scatter3A_992 = arith.constant 0 : i32
        %scatter3A_993 = tpu.memref_slice %arg15[%scatter3A_989, %scatter3A_990, %scatter3A_991, %scatter3A_992] : memref<2x2x112x48xf32, #tpu.memory_space<vmem>> -> memref<1x1x112x48xf32, #tpu.memory_space<vmem>>
        %scatter3A_994 = tpu.memref_squeeze %scatter3A_993 : memref<1x1x112x48xf32, #tpu.memory_space<vmem>> -> memref<112x48xf32, #tpu.memory_space<vmem>>
        tpu.vector_store_idx %scatter3A_994[%add3A_645, %and3A_987], %gather3A_988 : memref<112x48xf32, #tpu.memory_space<vmem>>[vector<16xi32>, vector<16xi32>], vector<16xf32>,
        %add3A_995 = arith.constant 27 : i32
        %add3A_996 = vector.broadcast %add3A_995 : i32 to vector<16xi32>
        %add3A_997 = arith.addi %iota3A, %add3A_996 : vector<16xi32>
        %and3A_998 = arith.constant 31 : i32
        %and3A_999 = vector.broadcast %and3A_998 : i32 to vector<16xi32>
        %and3A_1000 = arith.andi %add3A_997, %and3A_999 : vector<16xi32>
        %gather3A_1001 = tpu.vector_load_idx %arg12[%shift_right_logical3A_636, %and3A_1000] : memref<64x32xf32, #tpu.memory_space<vmem>>[vector<16xi32>, vector<16xi32>], vector<16xf32>,
        %scatter3A_1002 = arith.constant 1 : i32
        %scatter3A_1003 = arith.constant 1 : i32
        %scatter3A_1004 = arith.constant 0 : i32
        %scatter3A_1005 = arith.constant 0 : i32
        %scatter3A_1006 = tpu.memref_slice %arg15[%scatter3A_1002, %scatter3A_1003, %scatter3A_1004, %scatter3A_1005] : memref<2x2x112x48xf32, #tpu.memory_space<vmem>> -> memref<1x1x112x48xf32, #tpu.memory_space<vmem>>
        %scatter3A_1007 = tpu.memref_squeeze %scatter3A_1006 : memref<1x1x112x48xf32, #tpu.memory_space<vmem>> -> memref<112x48xf32, #tpu.memory_space<vmem>>
        tpu.vector_store_idx %scatter3A_1007[%add3A_645, %and3A_1000], %gather3A_1001 : memref<112x48xf32, #tpu.memory_space<vmem>>[vector<16xi32>, vector<16xi32>], vector<16xf32>,
        %add3A_1008 = arith.constant 28 : i32
        %add3A_1009 = vector.broadcast %add3A_1008 : i32 to vector<16xi32>
        %add3A_1010 = arith.addi %iota3A, %add3A_1009 : vector<16xi32>
        %and3A_1011 = arith.constant 31 : i32
        %and3A_1012 = vector.broadcast %and3A_1011 : i32 to vector<16xi32>
        %and3A_1013 = arith.andi %add3A_1010, %and3A_1012 : vector<16xi32>
        %gather3A_1014 = tpu.vector_load_idx %arg12[%shift_right_logical3A_636, %and3A_1013] : memref<64x32xf32, #tpu.memory_space<vmem>>[vector<16xi32>, vector<16xi32>], vector<16xf32>,
        %scatter3A_1015 = arith.constant 1 : i32
        %scatter3A_1016 = arith.constant 1 : i32
        %scatter3A_1017 = arith.constant 0 : i32
        %scatter3A_1018 = arith.constant 0 : i32
        %scatter3A_1019 = tpu.memref_slice %arg15[%scatter3A_1015, %scatter3A_1016, %scatter3A_1017, %scatter3A_1018] : memref<2x2x112x48xf32, #tpu.memory_space<vmem>> -> memref<1x1x112x48xf32, #tpu.memory_space<vmem>>
        %scatter3A_1020 = tpu.memref_squeeze %scatter3A_1019 : memref<1x1x112x48xf32, #tpu.memory_space<vmem>> -> memref<112x48xf32, #tpu.memory_space<vmem>>
        tpu.vector_store_idx %scatter3A_1020[%add3A_645, %and3A_1013], %gather3A_1014 : memref<112x48xf32, #tpu.memory_space<vmem>>[vector<16xi32>, vector<16xi32>], vector<16xf32>,
        %add3A_1021 = arith.constant 29 : i32
        %add3A_1022 = vector.broadcast %add3A_1021 : i32 to vector<16xi32>
        %add3A_1023 = arith.addi %iota3A, %add3A_1022 : vector<16xi32>
        %and3A_1024 = arith.constant 31 : i32
        %and3A_1025 = vector.broadcast %and3A_1024 : i32 to vector<16xi32>
        %and3A_1026 = arith.andi %add3A_1023, %and3A_1025 : vector<16xi32>
        %gather3A_1027 = tpu.vector_load_idx %arg12[%shift_right_logical3A_636, %and3A_1026] : memref<64x32xf32, #tpu.memory_space<vmem>>[vector<16xi32>, vector<16xi32>], vector<16xf32>,
        %scatter3A_1028 = arith.constant 1 : i32
        %scatter3A_1029 = arith.constant 1 : i32
        %scatter3A_1030 = arith.constant 0 : i32
        %scatter3A_1031 = arith.constant 0 : i32
        %scatter3A_1032 = tpu.memref_slice %arg15[%scatter3A_1028, %scatter3A_1029, %scatter3A_1030, %scatter3A_1031] : memref<2x2x112x48xf32, #tpu.memory_space<vmem>> -> memref<1x1x112x48xf32, #tpu.memory_space<vmem>>
        %scatter3A_1033 = tpu.memref_squeeze %scatter3A_1032 : memref<1x1x112x48xf32, #tpu.memory_space<vmem>> -> memref<112x48xf32, #tpu.memory_space<vmem>>
        tpu.vector_store_idx %scatter3A_1033[%add3A_645, %and3A_1026], %gather3A_1027 : memref<112x48xf32, #tpu.memory_space<vmem>>[vector<16xi32>, vector<16xi32>], vector<16xf32>,
        %add3A_1034 = arith.constant 30 : i32
        %add3A_1035 = vector.broadcast %add3A_1034 : i32 to vector<16xi32>
        %add3A_1036 = arith.addi %iota3A, %add3A_1035 : vector<16xi32>
        %and3A_1037 = arith.constant 31 : i32
        %and3A_1038 = vector.broadcast %and3A_1037 : i32 to vector<16xi32>
        %and3A_1039 = arith.andi %add3A_1036, %and3A_1038 : vector<16xi32>
        %gather3A_1040 = tpu.vector_load_idx %arg12[%shift_right_logical3A_636, %and3A_1039] : memref<64x32xf32, #tpu.memory_space<vmem>>[vector<16xi32>, vector<16xi32>], vector<16xf32>,
        %scatter3A_1041 = arith.constant 1 : i32
        %scatter3A_1042 = arith.constant 1 : i32
        %scatter3A_1043 = arith.constant 0 : i32
        %scatter3A_1044 = arith.constant 0 : i32
        %scatter3A_1045 = tpu.memref_slice %arg15[%scatter3A_1041, %scatter3A_1042, %scatter3A_1043, %scatter3A_1044] : memref<2x2x112x48xf32, #tpu.memory_space<vmem>> -> memref<1x1x112x48xf32, #tpu.memory_space<vmem>>
        %scatter3A_1046 = tpu.memref_squeeze %scatter3A_1045 : memref<1x1x112x48xf32, #tpu.memory_space<vmem>> -> memref<112x48xf32, #tpu.memory_space<vmem>>
        tpu.vector_store_idx %scatter3A_1046[%add3A_645, %and3A_1039], %gather3A_1040 : memref<112x48xf32, #tpu.memory_space<vmem>>[vector<16xi32>, vector<16xi32>], vector<16xf32>,
        %add3A_1047 = arith.constant 31 : i32
        %add3A_1048 = vector.broadcast %add3A_1047 : i32 to vector<16xi32>
        %add3A_1049 = arith.addi %iota3A, %add3A_1048 : vector<16xi32>
        %and3A_1050 = arith.constant 31 : i32
        %and3A_1051 = vector.broadcast %and3A_1050 : i32 to vector<16xi32>
        %and3A_1052 = arith.andi %add3A_1049, %and3A_1051 : vector<16xi32>
        %gather3A_1053 = tpu.vector_load_idx %arg12[%shift_right_logical3A_636, %and3A_1052] : memref<64x32xf32, #tpu.memory_space<vmem>>[vector<16xi32>, vector<16xi32>], vector<16xf32>,
        %scatter3A_1054 = arith.constant 1 : i32
        %scatter3A_1055 = arith.constant 1 : i32
        %scatter3A_1056 = arith.constant 0 : i32
        %scatter3A_1057 = arith.constant 0 : i32
        %scatter3A_1058 = tpu.memref_slice %arg15[%scatter3A_1054, %scatter3A_1055, %scatter3A_1056, %scatter3A_1057] : memref<2x2x112x48xf32, #tpu.memory_space<vmem>> -> memref<1x1x112x48xf32, #tpu.memory_space<vmem>>
        %scatter3A_1059 = tpu.memref_squeeze %scatter3A_1058 : memref<1x1x112x48xf32, #tpu.memory_space<vmem>> -> memref<112x48xf32, #tpu.memory_space<vmem>>
        tpu.vector_store_idx %scatter3A_1059[%add3A_645, %and3A_1052], %gather3A_1053 : memref<112x48xf32, #tpu.memory_space<vmem>>[vector<16xi32>, vector<16xi32>], vector<16xf32>,
        %add3A_1060 = arith.constant 0 : i32
        %add3A_1061 = vector.broadcast %add3A_1060 : i32 to vector<16xi32>
        %add3A_1062 = arith.addi %iota3A, %add3A_1061 : vector<16xi32>
        %and3A_1063 = arith.constant 15 : i32
        %and3A_1064 = vector.broadcast %and3A_1063 : i32 to vector<16xi32>
        %and3A_1065 = arith.andi %add3A_1062, %and3A_1064 : vector<16xi32>
        %gather3A_1066 = tpu.vector_load_idx %arg13[%and3A_639, %and3A_1065] : memref<32x16xf32, #tpu.memory_space<vmem>>[vector<16xi32>, vector<16xi32>], vector<16xf32>,
        %add3A_1067 = arith.constant 32 : i32
        %add3A_1068 = vector.broadcast %add3A_1067 : i32 to vector<16xi32>
        %add3A_1069 = arith.addi %and3A_1065, %add3A_1068 : vector<16xi32>
        %scatter3A_1070 = arith.constant 1 : i32
        %scatter3A_1071 = arith.constant 1 : i32
        %scatter3A_1072 = arith.constant 0 : i32
        %scatter3A_1073 = arith.constant 0 : i32
        %scatter3A_1074 = tpu.memref_slice %arg15[%scatter3A_1070, %scatter3A_1071, %scatter3A_1072, %scatter3A_1073] : memref<2x2x112x48xf32, #tpu.memory_space<vmem>> -> memref<1x1x112x48xf32, #tpu.memory_space<vmem>>
        %scatter3A_1075 = tpu.memref_squeeze %scatter3A_1074 : memref<1x1x112x48xf32, #tpu.memory_space<vmem>> -> memref<112x48xf32, #tpu.memory_space<vmem>>
        tpu.vector_store_idx %scatter3A_1075[%add3A_645, %add3A_1069], %gather3A_1066 : memref<112x48xf32, #tpu.memory_space<vmem>>[vector<16xi32>, vector<16xi32>], vector<16xf32>,
        %add3A_1076 = arith.constant 1 : i32
        %add3A_1077 = vector.broadcast %add3A_1076 : i32 to vector<16xi32>
        %add3A_1078 = arith.addi %iota3A, %add3A_1077 : vector<16xi32>
        %and3A_1079 = arith.constant 15 : i32
        %and3A_1080 = vector.broadcast %and3A_1079 : i32 to vector<16xi32>
        %and3A_1081 = arith.andi %add3A_1078, %and3A_1080 : vector<16xi32>
        %gather3A_1082 = tpu.vector_load_idx %arg13[%and3A_639, %and3A_1081] : memref<32x16xf32, #tpu.memory_space<vmem>>[vector<16xi32>, vector<16xi32>], vector<16xf32>,
        %add3A_1083 = arith.constant 32 : i32
        %add3A_1084 = vector.broadcast %add3A_1083 : i32 to vector<16xi32>
        %add3A_1085 = arith.addi %and3A_1081, %add3A_1084 : vector<16xi32>
        %scatter3A_1086 = arith.constant 1 : i32
        %scatter3A_1087 = arith.constant 1 : i32
        %scatter3A_1088 = arith.constant 0 : i32
        %scatter3A_1089 = arith.constant 0 : i32
        %scatter3A_1090 = tpu.memref_slice %arg15[%scatter3A_1086, %scatter3A_1087, %scatter3A_1088, %scatter3A_1089] : memref<2x2x112x48xf32, #tpu.memory_space<vmem>> -> memref<1x1x112x48xf32, #tpu.memory_space<vmem>>
        %scatter3A_1091 = tpu.memref_squeeze %scatter3A_1090 : memref<1x1x112x48xf32, #tpu.memory_space<vmem>> -> memref<112x48xf32, #tpu.memory_space<vmem>>
        tpu.vector_store_idx %scatter3A_1091[%add3A_645, %add3A_1085], %gather3A_1082 : memref<112x48xf32, #tpu.memory_space<vmem>>[vector<16xi32>, vector<16xi32>], vector<16xf32>,
        %add3A_1092 = arith.constant 2 : i32
        %add3A_1093 = vector.broadcast %add3A_1092 : i32 to vector<16xi32>
        %add3A_1094 = arith.addi %iota3A, %add3A_1093 : vector<16xi32>
        %and3A_1095 = arith.constant 15 : i32
        %and3A_1096 = vector.broadcast %and3A_1095 : i32 to vector<16xi32>
        %and3A_1097 = arith.andi %add3A_1094, %and3A_1096 : vector<16xi32>
        %gather3A_1098 = tpu.vector_load_idx %arg13[%and3A_639, %and3A_1097] : memref<32x16xf32, #tpu.memory_space<vmem>>[vector<16xi32>, vector<16xi32>], vector<16xf32>,
        %add3A_1099 = arith.constant 32 : i32
        %add3A_1100 = vector.broadcast %add3A_1099 : i32 to vector<16xi32>
        %add3A_1101 = arith.addi %and3A_1097, %add3A_1100 : vector<16xi32>
        %scatter3A_1102 = arith.constant 1 : i32
        %scatter3A_1103 = arith.constant 1 : i32
        %scatter3A_1104 = arith.constant 0 : i32
        %scatter3A_1105 = arith.constant 0 : i32
        %scatter3A_1106 = tpu.memref_slice %arg15[%scatter3A_1102, %scatter3A_1103, %scatter3A_1104, %scatter3A_1105] : memref<2x2x112x48xf32, #tpu.memory_space<vmem>> -> memref<1x1x112x48xf32, #tpu.memory_space<vmem>>
        %scatter3A_1107 = tpu.memref_squeeze %scatter3A_1106 : memref<1x1x112x48xf32, #tpu.memory_space<vmem>> -> memref<112x48xf32, #tpu.memory_space<vmem>>
        tpu.vector_store_idx %scatter3A_1107[%add3A_645, %add3A_1101], %gather3A_1098 : memref<112x48xf32, #tpu.memory_space<vmem>>[vector<16xi32>, vector<16xi32>], vector<16xf32>,
        %add3A_1108 = arith.constant 3 : i32
        %add3A_1109 = vector.broadcast %add3A_1108 : i32 to vector<16xi32>
        %add3A_1110 = arith.addi %iota3A, %add3A_1109 : vector<16xi32>
        %and3A_1111 = arith.constant 15 : i32
        %and3A_1112 = vector.broadcast %and3A_1111 : i32 to vector<16xi32>
        %and3A_1113 = arith.andi %add3A_1110, %and3A_1112 : vector<16xi32>
        %gather3A_1114 = tpu.vector_load_idx %arg13[%and3A_639, %and3A_1113] : memref<32x16xf32, #tpu.memory_space<vmem>>[vector<16xi32>, vector<16xi32>], vector<16xf32>,
        %add3A_1115 = arith.constant 32 : i32
        %add3A_1116 = vector.broadcast %add3A_1115 : i32 to vector<16xi32>
        %add3A_1117 = arith.addi %and3A_1113, %add3A_1116 : vector<16xi32>
        %scatter3A_1118 = arith.constant 1 : i32
        %scatter3A_1119 = arith.constant 1 : i32
        %scatter3A_1120 = arith.constant 0 : i32
        %scatter3A_1121 = arith.constant 0 : i32
        %scatter3A_1122 = tpu.memref_slice %arg15[%scatter3A_1118, %scatter3A_1119, %scatter3A_1120, %scatter3A_1121] : memref<2x2x112x48xf32, #tpu.memory_space<vmem>> -> memref<1x1x112x48xf32, #tpu.memory_space<vmem>>
        %scatter3A_1123 = tpu.memref_squeeze %scatter3A_1122 : memref<1x1x112x48xf32, #tpu.memory_space<vmem>> -> memref<112x48xf32, #tpu.memory_space<vmem>>
        tpu.vector_store_idx %scatter3A_1123[%add3A_645, %add3A_1117], %gather3A_1114 : memref<112x48xf32, #tpu.memory_space<vmem>>[vector<16xi32>, vector<16xi32>], vector<16xf32>,
        %add3A_1124 = arith.constant 4 : i32
        %add3A_1125 = vector.broadcast %add3A_1124 : i32 to vector<16xi32>
        %add3A_1126 = arith.addi %iota3A, %add3A_1125 : vector<16xi32>
        %and3A_1127 = arith.constant 15 : i32
        %and3A_1128 = vector.broadcast %and3A_1127 : i32 to vector<16xi32>
        %and3A_1129 = arith.andi %add3A_1126, %and3A_1128 : vector<16xi32>
        %gather3A_1130 = tpu.vector_load_idx %arg13[%and3A_639, %and3A_1129] : memref<32x16xf32, #tpu.memory_space<vmem>>[vector<16xi32>, vector<16xi32>], vector<16xf32>,
        %add3A_1131 = arith.constant 32 : i32
        %add3A_1132 = vector.broadcast %add3A_1131 : i32 to vector<16xi32>
        %add3A_1133 = arith.addi %and3A_1129, %add3A_1132 : vector<16xi32>
        %scatter3A_1134 = arith.constant 1 : i32
        %scatter3A_1135 = arith.constant 1 : i32
        %scatter3A_1136 = arith.constant 0 : i32
        %scatter3A_1137 = arith.constant 0 : i32
        %scatter3A_1138 = tpu.memref_slice %arg15[%scatter3A_1134, %scatter3A_1135, %scatter3A_1136, %scatter3A_1137] : memref<2x2x112x48xf32, #tpu.memory_space<vmem>> -> memref<1x1x112x48xf32, #tpu.memory_space<vmem>>
        %scatter3A_1139 = tpu.memref_squeeze %scatter3A_1138 : memref<1x1x112x48xf32, #tpu.memory_space<vmem>> -> memref<112x48xf32, #tpu.memory_space<vmem>>
        tpu.vector_store_idx %scatter3A_1139[%add3A_645, %add3A_1133], %gather3A_1130 : memref<112x48xf32, #tpu.memory_space<vmem>>[vector<16xi32>, vector<16xi32>], vector<16xf32>,
        %add3A_1140 = arith.constant 5 : i32
        %add3A_1141 = vector.broadcast %add3A_1140 : i32 to vector<16xi32>
        %add3A_1142 = arith.addi %iota3A, %add3A_1141 : vector<16xi32>
        %and3A_1143 = arith.constant 15 : i32
        %and3A_1144 = vector.broadcast %and3A_1143 : i32 to vector<16xi32>
        %and3A_1145 = arith.andi %add3A_1142, %and3A_1144 : vector<16xi32>
        %gather3A_1146 = tpu.vector_load_idx %arg13[%and3A_639, %and3A_1145] : memref<32x16xf32, #tpu.memory_space<vmem>>[vector<16xi32>, vector<16xi32>], vector<16xf32>,
        %add3A_1147 = arith.constant 32 : i32
        %add3A_1148 = vector.broadcast %add3A_1147 : i32 to vector<16xi32>
        %add3A_1149 = arith.addi %and3A_1145, %add3A_1148 : vector<16xi32>
        %scatter3A_1150 = arith.constant 1 : i32
        %scatter3A_1151 = arith.constant 1 : i32
        %scatter3A_1152 = arith.constant 0 : i32
        %scatter3A_1153 = arith.constant 0 : i32
        %scatter3A_1154 = tpu.memref_slice %arg15[%scatter3A_1150, %scatter3A_1151, %scatter3A_1152, %scatter3A_1153] : memref<2x2x112x48xf32, #tpu.memory_space<vmem>> -> memref<1x1x112x48xf32, #tpu.memory_space<vmem>>
        %scatter3A_1155 = tpu.memref_squeeze %scatter3A_1154 : memref<1x1x112x48xf32, #tpu.memory_space<vmem>> -> memref<112x48xf32, #tpu.memory_space<vmem>>
        tpu.vector_store_idx %scatter3A_1155[%add3A_645, %add3A_1149], %gather3A_1146 : memref<112x48xf32, #tpu.memory_space<vmem>>[vector<16xi32>, vector<16xi32>], vector<16xf32>,
        %add3A_1156 = arith.constant 6 : i32
        %add3A_1157 = vector.broadcast %add3A_1156 : i32 to vector<16xi32>
        %add3A_1158 = arith.addi %iota3A, %add3A_1157 : vector<16xi32>
        %and3A_1159 = arith.constant 15 : i32
        %and3A_1160 = vector.broadcast %and3A_1159 : i32 to vector<16xi32>
        %and3A_1161 = arith.andi %add3A_1158, %and3A_1160 : vector<16xi32>
        %gather3A_1162 = tpu.vector_load_idx %arg13[%and3A_639, %and3A_1161] : memref<32x16xf32, #tpu.memory_space<vmem>>[vector<16xi32>, vector<16xi32>], vector<16xf32>,
        %add3A_1163 = arith.constant 32 : i32
        %add3A_1164 = vector.broadcast %add3A_1163 : i32 to vector<16xi32>
        %add3A_1165 = arith.addi %and3A_1161, %add3A_1164 : vector<16xi32>
        %scatter3A_1166 = arith.constant 1 : i32
        %scatter3A_1167 = arith.constant 1 : i32
        %scatter3A_1168 = arith.constant 0 : i32
        %scatter3A_1169 = arith.constant 0 : i32
        %scatter3A_1170 = tpu.memref_slice %arg15[%scatter3A_1166, %scatter3A_1167, %scatter3A_1168, %scatter3A_1169] : memref<2x2x112x48xf32, #tpu.memory_space<vmem>> -> memref<1x1x112x48xf32, #tpu.memory_space<vmem>>
        %scatter3A_1171 = tpu.memref_squeeze %scatter3A_1170 : memref<1x1x112x48xf32, #tpu.memory_space<vmem>> -> memref<112x48xf32, #tpu.memory_space<vmem>>
        tpu.vector_store_idx %scatter3A_1171[%add3A_645, %add3A_1165], %gather3A_1162 : memref<112x48xf32, #tpu.memory_space<vmem>>[vector<16xi32>, vector<16xi32>], vector<16xf32>,
        %add3A_1172 = arith.constant 7 : i32
        %add3A_1173 = vector.broadcast %add3A_1172 : i32 to vector<16xi32>
        %add3A_1174 = arith.addi %iota3A, %add3A_1173 : vector<16xi32>
        %and3A_1175 = arith.constant 15 : i32
        %and3A_1176 = vector.broadcast %and3A_1175 : i32 to vector<16xi32>
        %and3A_1177 = arith.andi %add3A_1174, %and3A_1176 : vector<16xi32>
        %gather3A_1178 = tpu.vector_load_idx %arg13[%and3A_639, %and3A_1177] : memref<32x16xf32, #tpu.memory_space<vmem>>[vector<16xi32>, vector<16xi32>], vector<16xf32>,
        %add3A_1179 = arith.constant 32 : i32
        %add3A_1180 = vector.broadcast %add3A_1179 : i32 to vector<16xi32>
        %add3A_1181 = arith.addi %and3A_1177, %add3A_1180 : vector<16xi32>
        %scatter3A_1182 = arith.constant 1 : i32
        %scatter3A_1183 = arith.constant 1 : i32
        %scatter3A_1184 = arith.constant 0 : i32
        %scatter3A_1185 = arith.constant 0 : i32
        %scatter3A_1186 = tpu.memref_slice %arg15[%scatter3A_1182, %scatter3A_1183, %scatter3A_1184, %scatter3A_1185] : memref<2x2x112x48xf32, #tpu.memory_space<vmem>> -> memref<1x1x112x48xf32, #tpu.memory_space<vmem>>
        %scatter3A_1187 = tpu.memref_squeeze %scatter3A_1186 : memref<1x1x112x48xf32, #tpu.memory_space<vmem>> -> memref<112x48xf32, #tpu.memory_space<vmem>>
        tpu.vector_store_idx %scatter3A_1187[%add3A_645, %add3A_1181], %gather3A_1178 : memref<112x48xf32, #tpu.memory_space<vmem>>[vector<16xi32>, vector<16xi32>], vector<16xf32>,
        %add3A_1188 = arith.constant 8 : i32
        %add3A_1189 = vector.broadcast %add3A_1188 : i32 to vector<16xi32>
        %add3A_1190 = arith.addi %iota3A, %add3A_1189 : vector<16xi32>
        %and3A_1191 = arith.constant 15 : i32
        %and3A_1192 = vector.broadcast %and3A_1191 : i32 to vector<16xi32>
        %and3A_1193 = arith.andi %add3A_1190, %and3A_1192 : vector<16xi32>
        %gather3A_1194 = tpu.vector_load_idx %arg13[%and3A_639, %and3A_1193] : memref<32x16xf32, #tpu.memory_space<vmem>>[vector<16xi32>, vector<16xi32>], vector<16xf32>,
        %add3A_1195 = arith.constant 32 : i32
        %add3A_1196 = vector.broadcast %add3A_1195 : i32 to vector<16xi32>
        %add3A_1197 = arith.addi %and3A_1193, %add3A_1196 : vector<16xi32>
        %scatter3A_1198 = arith.constant 1 : i32
        %scatter3A_1199 = arith.constant 1 : i32
        %scatter3A_1200 = arith.constant 0 : i32
        %scatter3A_1201 = arith.constant 0 : i32
        %scatter3A_1202 = tpu.memref_slice %arg15[%scatter3A_1198, %scatter3A_1199, %scatter3A_1200, %scatter3A_1201] : memref<2x2x112x48xf32, #tpu.memory_space<vmem>> -> memref<1x1x112x48xf32, #tpu.memory_space<vmem>>
        %scatter3A_1203 = tpu.memref_squeeze %scatter3A_1202 : memref<1x1x112x48xf32, #tpu.memory_space<vmem>> -> memref<112x48xf32, #tpu.memory_space<vmem>>
        tpu.vector_store_idx %scatter3A_1203[%add3A_645, %add3A_1197], %gather3A_1194 : memref<112x48xf32, #tpu.memory_space<vmem>>[vector<16xi32>, vector<16xi32>], vector<16xf32>,
        %add3A_1204 = arith.constant 9 : i32
        %add3A_1205 = vector.broadcast %add3A_1204 : i32 to vector<16xi32>
        %add3A_1206 = arith.addi %iota3A, %add3A_1205 : vector<16xi32>
        %and3A_1207 = arith.constant 15 : i32
        %and3A_1208 = vector.broadcast %and3A_1207 : i32 to vector<16xi32>
        %and3A_1209 = arith.andi %add3A_1206, %and3A_1208 : vector<16xi32>
        %gather3A_1210 = tpu.vector_load_idx %arg13[%and3A_639, %and3A_1209] : memref<32x16xf32, #tpu.memory_space<vmem>>[vector<16xi32>, vector<16xi32>], vector<16xf32>,
        %add3A_1211 = arith.constant 32 : i32
        %add3A_1212 = vector.broadcast %add3A_1211 : i32 to vector<16xi32>
        %add3A_1213 = arith.addi %and3A_1209, %add3A_1212 : vector<16xi32>
        %scatter3A_1214 = arith.constant 1 : i32
        %scatter3A_1215 = arith.constant 1 : i32
        %scatter3A_1216 = arith.constant 0 : i32
        %scatter3A_1217 = arith.constant 0 : i32
        %scatter3A_1218 = tpu.memref_slice %arg15[%scatter3A_1214, %scatter3A_1215, %scatter3A_1216, %scatter3A_1217] : memref<2x2x112x48xf32, #tpu.memory_space<vmem>> -> memref<1x1x112x48xf32, #tpu.memory_space<vmem>>
        %scatter3A_1219 = tpu.memref_squeeze %scatter3A_1218 : memref<1x1x112x48xf32, #tpu.memory_space<vmem>> -> memref<112x48xf32, #tpu.memory_space<vmem>>
        tpu.vector_store_idx %scatter3A_1219[%add3A_645, %add3A_1213], %gather3A_1210 : memref<112x48xf32, #tpu.memory_space<vmem>>[vector<16xi32>, vector<16xi32>], vector<16xf32>,
        %add3A_1220 = arith.constant 10 : i32
        %add3A_1221 = vector.broadcast %add3A_1220 : i32 to vector<16xi32>
        %add3A_1222 = arith.addi %iota3A, %add3A_1221 : vector<16xi32>
        %and3A_1223 = arith.constant 15 : i32
        %and3A_1224 = vector.broadcast %and3A_1223 : i32 to vector<16xi32>
        %and3A_1225 = arith.andi %add3A_1222, %and3A_1224 : vector<16xi32>
        %gather3A_1226 = tpu.vector_load_idx %arg13[%and3A_639, %and3A_1225] : memref<32x16xf32, #tpu.memory_space<vmem>>[vector<16xi32>, vector<16xi32>], vector<16xf32>,
        %add3A_1227 = arith.constant 32 : i32
        %add3A_1228 = vector.broadcast %add3A_1227 : i32 to vector<16xi32>
        %add3A_1229 = arith.addi %and3A_1225, %add3A_1228 : vector<16xi32>
        %scatter3A_1230 = arith.constant 1 : i32
        %scatter3A_1231 = arith.constant 1 : i32
        %scatter3A_1232 = arith.constant 0 : i32
        %scatter3A_1233 = arith.constant 0 : i32
        %scatter3A_1234 = tpu.memref_slice %arg15[%scatter3A_1230, %scatter3A_1231, %scatter3A_1232, %scatter3A_1233] : memref<2x2x112x48xf32, #tpu.memory_space<vmem>> -> memref<1x1x112x48xf32, #tpu.memory_space<vmem>>
        %scatter3A_1235 = tpu.memref_squeeze %scatter3A_1234 : memref<1x1x112x48xf32, #tpu.memory_space<vmem>> -> memref<112x48xf32, #tpu.memory_space<vmem>>
        tpu.vector_store_idx %scatter3A_1235[%add3A_645, %add3A_1229], %gather3A_1226 : memref<112x48xf32, #tpu.memory_space<vmem>>[vector<16xi32>, vector<16xi32>], vector<16xf32>,
        %add3A_1236 = arith.constant 11 : i32
        %add3A_1237 = vector.broadcast %add3A_1236 : i32 to vector<16xi32>
        %add3A_1238 = arith.addi %iota3A, %add3A_1237 : vector<16xi32>
        %and3A_1239 = arith.constant 15 : i32
        %and3A_1240 = vector.broadcast %and3A_1239 : i32 to vector<16xi32>
        %and3A_1241 = arith.andi %add3A_1238, %and3A_1240 : vector<16xi32>
        %gather3A_1242 = tpu.vector_load_idx %arg13[%and3A_639, %and3A_1241] : memref<32x16xf32, #tpu.memory_space<vmem>>[vector<16xi32>, vector<16xi32>], vector<16xf32>,
        %add3A_1243 = arith.constant 32 : i32
        %add3A_1244 = vector.broadcast %add3A_1243 : i32 to vector<16xi32>
        %add3A_1245 = arith.addi %and3A_1241, %add3A_1244 : vector<16xi32>
        %scatter3A_1246 = arith.constant 1 : i32
        %scatter3A_1247 = arith.constant 1 : i32
        %scatter3A_1248 = arith.constant 0 : i32
        %scatter3A_1249 = arith.constant 0 : i32
        %scatter3A_1250 = tpu.memref_slice %arg15[%scatter3A_1246, %scatter3A_1247, %scatter3A_1248, %scatter3A_1249] : memref<2x2x112x48xf32, #tpu.memory_space<vmem>> -> memref<1x1x112x48xf32, #tpu.memory_space<vmem>>
        %scatter3A_1251 = tpu.memref_squeeze %scatter3A_1250 : memref<1x1x112x48xf32, #tpu.memory_space<vmem>> -> memref<112x48xf32, #tpu.memory_space<vmem>>
        tpu.vector_store_idx %scatter3A_1251[%add3A_645, %add3A_1245], %gather3A_1242 : memref<112x48xf32, #tpu.memory_space<vmem>>[vector<16xi32>, vector<16xi32>], vector<16xf32>,
        %add3A_1252 = arith.constant 12 : i32
        %add3A_1253 = vector.broadcast %add3A_1252 : i32 to vector<16xi32>
        %add3A_1254 = arith.addi %iota3A, %add3A_1253 : vector<16xi32>
        %and3A_1255 = arith.constant 15 : i32
        %and3A_1256 = vector.broadcast %and3A_1255 : i32 to vector<16xi32>
        %and3A_1257 = arith.andi %add3A_1254, %and3A_1256 : vector<16xi32>
        %gather3A_1258 = tpu.vector_load_idx %arg13[%and3A_639, %and3A_1257] : memref<32x16xf32, #tpu.memory_space<vmem>>[vector<16xi32>, vector<16xi32>], vector<16xf32>,
        %add3A_1259 = arith.constant 32 : i32
        %add3A_1260 = vector.broadcast %add3A_1259 : i32 to vector<16xi32>
        %add3A_1261 = arith.addi %and3A_1257, %add3A_1260 : vector<16xi32>
        %scatter3A_1262 = arith.constant 1 : i32
        %scatter3A_1263 = arith.constant 1 : i32
        %scatter3A_1264 = arith.constant 0 : i32
        %scatter3A_1265 = arith.constant 0 : i32
        %scatter3A_1266 = tpu.memref_slice %arg15[%scatter3A_1262, %scatter3A_1263, %scatter3A_1264, %scatter3A_1265] : memref<2x2x112x48xf32, #tpu.memory_space<vmem>> -> memref<1x1x112x48xf32, #tpu.memory_space<vmem>>
        %scatter3A_1267 = tpu.memref_squeeze %scatter3A_1266 : memref<1x1x112x48xf32, #tpu.memory_space<vmem>> -> memref<112x48xf32, #tpu.memory_space<vmem>>
        tpu.vector_store_idx %scatter3A_1267[%add3A_645, %add3A_1261], %gather3A_1258 : memref<112x48xf32, #tpu.memory_space<vmem>>[vector<16xi32>, vector<16xi32>], vector<16xf32>,
        %add3A_1268 = arith.constant 13 : i32
        %add3A_1269 = vector.broadcast %add3A_1268 : i32 to vector<16xi32>
        %add3A_1270 = arith.addi %iota3A, %add3A_1269 : vector<16xi32>
        %and3A_1271 = arith.constant 15 : i32
        %and3A_1272 = vector.broadcast %and3A_1271 : i32 to vector<16xi32>
        %and3A_1273 = arith.andi %add3A_1270, %and3A_1272 : vector<16xi32>
        %gather3A_1274 = tpu.vector_load_idx %arg13[%and3A_639, %and3A_1273] : memref<32x16xf32, #tpu.memory_space<vmem>>[vector<16xi32>, vector<16xi32>], vector<16xf32>,
        %add3A_1275 = arith.constant 32 : i32
        %add3A_1276 = vector.broadcast %add3A_1275 : i32 to vector<16xi32>
        %add3A_1277 = arith.addi %and3A_1273, %add3A_1276 : vector<16xi32>
        %scatter3A_1278 = arith.constant 1 : i32
        %scatter3A_1279 = arith.constant 1 : i32
        %scatter3A_1280 = arith.constant 0 : i32
        %scatter3A_1281 = arith.constant 0 : i32
        %scatter3A_1282 = tpu.memref_slice %arg15[%scatter3A_1278, %scatter3A_1279, %scatter3A_1280, %scatter3A_1281] : memref<2x2x112x48xf32, #tpu.memory_space<vmem>> -> memref<1x1x112x48xf32, #tpu.memory_space<vmem>>
        %scatter3A_1283 = tpu.memref_squeeze %scatter3A_1282 : memref<1x1x112x48xf32, #tpu.memory_space<vmem>> -> memref<112x48xf32, #tpu.memory_space<vmem>>
        tpu.vector_store_idx %scatter3A_1283[%add3A_645, %add3A_1277], %gather3A_1274 : memref<112x48xf32, #tpu.memory_space<vmem>>[vector<16xi32>, vector<16xi32>], vector<16xf32>,
        %add3A_1284 = arith.constant 14 : i32
        %add3A_1285 = vector.broadcast %add3A_1284 : i32 to vector<16xi32>
        %add3A_1286 = arith.addi %iota3A, %add3A_1285 : vector<16xi32>
        %and3A_1287 = arith.constant 15 : i32
        %and3A_1288 = vector.broadcast %and3A_1287 : i32 to vector<16xi32>
        %and3A_1289 = arith.andi %add3A_1286, %and3A_1288 : vector<16xi32>
        %gather3A_1290 = tpu.vector_load_idx %arg13[%and3A_639, %and3A_1289] : memref<32x16xf32, #tpu.memory_space<vmem>>[vector<16xi32>, vector<16xi32>], vector<16xf32>,
        %add3A_1291 = arith.constant 32 : i32
        %add3A_1292 = vector.broadcast %add3A_1291 : i32 to vector<16xi32>
        %add3A_1293 = arith.addi %and3A_1289, %add3A_1292 : vector<16xi32>
        %scatter3A_1294 = arith.constant 1 : i32
        %scatter3A_1295 = arith.constant 1 : i32
        %scatter3A_1296 = arith.constant 0 : i32
        %scatter3A_1297 = arith.constant 0 : i32
        %scatter3A_1298 = tpu.memref_slice %arg15[%scatter3A_1294, %scatter3A_1295, %scatter3A_1296, %scatter3A_1297] : memref<2x2x112x48xf32, #tpu.memory_space<vmem>> -> memref<1x1x112x48xf32, #tpu.memory_space<vmem>>
        %scatter3A_1299 = tpu.memref_squeeze %scatter3A_1298 : memref<1x1x112x48xf32, #tpu.memory_space<vmem>> -> memref<112x48xf32, #tpu.memory_space<vmem>>
        tpu.vector_store_idx %scatter3A_1299[%add3A_645, %add3A_1293], %gather3A_1290 : memref<112x48xf32, #tpu.memory_space<vmem>>[vector<16xi32>, vector<16xi32>], vector<16xf32>,
        %add3A_1300 = arith.constant 15 : i32
        %add3A_1301 = vector.broadcast %add3A_1300 : i32 to vector<16xi32>
        %add3A_1302 = arith.addi %iota3A, %add3A_1301 : vector<16xi32>
        %and3A_1303 = arith.constant 15 : i32
        %and3A_1304 = vector.broadcast %and3A_1303 : i32 to vector<16xi32>
        %and3A_1305 = arith.andi %add3A_1302, %and3A_1304 : vector<16xi32>
        %gather3A_1306 = tpu.vector_load_idx %arg13[%and3A_639, %and3A_1305] : memref<32x16xf32, #tpu.memory_space<vmem>>[vector<16xi32>, vector<16xi32>], vector<16xf32>,
        %add3A_1307 = arith.constant 32 : i32
        %add3A_1308 = vector.broadcast %add3A_1307 : i32 to vector<16xi32>
        %add3A_1309 = arith.addi %and3A_1305, %add3A_1308 : vector<16xi32>
        %scatter3A_1310 = arith.constant 1 : i32
        %scatter3A_1311 = arith.constant 1 : i32
        %scatter3A_1312 = arith.constant 0 : i32
        %scatter3A_1313 = arith.constant 0 : i32
        %scatter3A_1314 = tpu.memref_slice %arg15[%scatter3A_1310, %scatter3A_1311, %scatter3A_1312, %scatter3A_1313] : memref<2x2x112x48xf32, #tpu.memory_space<vmem>> -> memref<1x1x112x48xf32, #tpu.memory_space<vmem>>
        %scatter3A_1315 = tpu.memref_squeeze %scatter3A_1314 : memref<1x1x112x48xf32, #tpu.memory_space<vmem>> -> memref<112x48xf32, #tpu.memory_space<vmem>>
        tpu.vector_store_idx %scatter3A_1315[%add3A_645, %add3A_1309], %gather3A_1306 : memref<112x48xf32, #tpu.memory_space<vmem>>[vector<16xi32>, vector<16xi32>], vector<16xf32>,
      }
      %scan3A_506 = arith.constant 7 : i32
      %dma_wait3A_507 = arith.constant 1 : i32
      %dma_wait3A_508 = arith.constant 0 : i32
      %dma_wait3A_509 = arith.constant 1 : i32
      %dma_wait3A_510 = arith.constant 0 : i32
      %dma_wait3A_511 = arith.constant 0 : i32
      %dma_wait3A_512 = arith.constant 0 : i32
      %dma_wait3A_513 = tpu.memref_slice %arg14[%dma_wait3A_507, %dma_wait3A_508, %dma_wait3A_511, %dma_wait3A_512] : memref<2x2x104x128xf32, #tpu.memory_space<vmem>> -> memref<1x1x96x128xf32, #tpu.memory_space<vmem>>
      %dma_wait3A_514 = tpu.memref_squeeze %dma_wait3A_513 : memref<1x1x96x128xf32, #tpu.memory_space<vmem>> -> memref<96x128xf32, #tpu.memory_space<vmem>>
      %dma_wait3A_515 = arith.constant 0 : i32
      %dma_wait3A_516 = tpu.memref_slice %arg9[%dma_wait3A_515] : memref<200xi32, #tpu.memory_space<vmem>> -> memref<96xi32, #tpu.memory_space<vmem>>
      %dma_wait3A_517 = arith.constant 0 : i32
      %dma_wait3A_518 = arith.constant 0 : i32
      %dma_wait3A_519 = tpu.memref_slice %arg4[%dma_wait3A_517, %dma_wait3A_518] : memref<100000x128xf32, #tpu.memory_space<hbm>> -> memref<100000x128xf32, #tpu.memory_space<hbm>>
      %dma_wait3A_520 = tpu.memref_slice %arg17[%dma_wait3A_509, %dma_wait3A_510] : memref<2x2x!tpu.dma_semaphore, #tpu.memory_space<semaphore_mem>> -> memref<1x1x!tpu.dma_semaphore, #tpu.memory_space<semaphore_mem>>
      %dma_wait3A_521 = tpu.memref_squeeze %dma_wait3A_520 : memref<1x1x!tpu.dma_semaphore, #tpu.memory_space<semaphore_mem>> -> memref<!tpu.dma_semaphore, #tpu.memory_space<semaphore_mem>>
      tpu.wait_indirect_dma semaphore(%dma_wait3A_521 : memref<!tpu.dma_semaphore, #tpu.memory_space<semaphore_mem>>) src(%dma_wait3A_519 : memref<100000x128xf32, #tpu.memory_space<hbm>>) dst(%dma_wait3A_514 : memref<96x128xf32, #tpu.memory_space<vmem>>)
      %dma_start3A_522 = arith.constant 1 : i32
      %dma_start3A_523 = arith.constant 0 : i32
      %dma_start3A_524 = arith.constant 1 : i32
      %dma_start3A_525 = arith.constant 0 : i32
      %dma_start3A_526 = arith.constant 0 : i32
      %dma_start3A_527 = arith.constant 0 : i32
      %dma_start3A_528 = tpu.memref_slice %arg14[%dma_start3A_522, %dma_start3A_523, %dma_start3A_526, %dma_start3A_527] : memref<2x2x104x128xf32, #tpu.memory_space<vmem>> -> memref<1x1x96x128xf32, #tpu.memory_space<vmem>>
      %dma_start3A_529 = tpu.memref_squeeze %dma_start3A_528 : memref<1x1x96x128xf32, #tpu.memory_space<vmem>> -> memref<96x128xf32, #tpu.memory_space<vmem>>
      %dma_start3A_530 = arith.constant 0 : i32
      %dma_start3A_531 = arith.constant 0 : i32
      %dma_start3A_532 = tpu.memref_slice %arg7[%add3A_428, %dma_start3A_530, %dma_start3A_531] : memref<4096x200x176xf32, #tpu.memory_space<hbm>> -> memref<1x96x128xf32, #tpu.memory_space<hbm>>
      %dma_start3A_533 = tpu.memref_squeeze %dma_start3A_532 : memref<1x96x128xf32, #tpu.memory_space<hbm>> -> memref<96x128xf32, #tpu.memory_space<hbm>>
      %dma_start3A_534 = tpu.memref_slice %arg18[%dma_start3A_524, %dma_start3A_525] : memref<2x2x!tpu.dma_semaphore, #tpu.memory_space<semaphore_mem>> -> memref<1x1x!tpu.dma_semaphore, #tpu.memory_space<semaphore_mem>>
      %dma_start3A_535 = tpu.memref_squeeze %dma_start3A_534 : memref<1x1x!tpu.dma_semaphore, #tpu.memory_space<semaphore_mem>> -> memref<!tpu.dma_semaphore, #tpu.memory_space<semaphore_mem>>
      %dma_start3A_536 = arith.constant 0 : i32
      %dma_start3A_537 = arith.constant 0 : i32
      %dma_start3A_538 = tpu.memref_slice %arg7[%add3A_428, %dma_start3A_536, %dma_start3A_537] : memref<4096x200x176xf32, #tpu.memory_space<hbm>> -> memref<1x96x128xf32, #tpu.memory_space<hbm>>
      %dma_start3A_539 = tpu.memref_squeeze %dma_start3A_538 : memref<1x96x128xf32, #tpu.memory_space<hbm>> -> memref<96x128xf32, #tpu.memory_space<hbm>>
      %dma_start3A_540 = arith.constant 0 : i32
      %dma_start3A_541 = arith.constant 0 : i32
      %dma_start3A_542 = tpu.memref_slice %arg14[%dma_start3A_522, %dma_start3A_523, %dma_start3A_540, %dma_start3A_541] : memref<2x2x104x128xf32, #tpu.memory_space<vmem>> -> memref<1x1x96x128xf32, #tpu.memory_space<vmem>>
      %dma_start3A_543 = tpu.memref_squeeze %dma_start3A_542 : memref<1x1x96x128xf32, #tpu.memory_space<vmem>> -> memref<96x128xf32, #tpu.memory_space<vmem>>
      tpu.enqueue_dma source(%dma_start3A_543 : memref<96x128xf32, #tpu.memory_space<vmem>>) target(%dma_start3A_539 : memref<96x128xf32, #tpu.memory_space<hbm>>) target_semaphore(%dma_start3A_535 : memref<!tpu.dma_semaphore, #tpu.memory_space<semaphore_mem>>)
      %dma_start3A_544 = arith.constant 1 : i32
      %dma_start3A_545 = arith.constant 0 : i32
      %dma_start3A_546 = arith.constant 1 : i32
      %dma_start3A_547 = arith.constant 0 : i32
      %dma_start3A_548 = arith.constant 0 : i32
      %dma_start3A_549 = arith.constant 0 : i32
      %dma_start3A_550 = tpu.memref_slice %arg15[%dma_start3A_544, %dma_start3A_545, %dma_start3A_548, %dma_start3A_549] : memref<2x2x112x48xf32, #tpu.memory_space<vmem>> -> memref<1x1x96x48xf32, #tpu.memory_space<vmem>>
      %dma_start3A_551 = tpu.memref_squeeze %dma_start3A_550 : memref<1x1x96x48xf32, #tpu.memory_space<vmem>> -> memref<96x48xf32, #tpu.memory_space<vmem>>
      %dma_start3A_552 = arith.constant 0 : i32
      %dma_start3A_553 = arith.constant 128 : i32
      %dma_start3A_554 = tpu.memref_slice %arg7[%add3A_428, %dma_start3A_552, %dma_start3A_553] : memref<4096x200x176xf32, #tpu.memory_space<hbm>> -> memref<1x96x48xf32, #tpu.memory_space<hbm>>
      %dma_start3A_555 = tpu.memref_squeeze %dma_start3A_554 : memref<1x96x48xf32, #tpu.memory_space<hbm>> -> memref<96x48xf32, #tpu.memory_space<hbm>>
      %dma_start3A_556 = tpu.memref_slice %arg18[%dma_start3A_546, %dma_start3A_547] : memref<2x2x!tpu.dma_semaphore, #tpu.memory_space<semaphore_mem>> -> memref<1x1x!tpu.dma_semaphore, #tpu.memory_space<semaphore_mem>>
      %dma_start3A_557 = tpu.memref_squeeze %dma_start3A_556 : memref<1x1x!tpu.dma_semaphore, #tpu.memory_space<semaphore_mem>> -> memref<!tpu.dma_semaphore, #tpu.memory_space<semaphore_mem>>
      %dma_start3A_558 = arith.constant 0 : i32
      %dma_start3A_559 = arith.constant 128 : i32
      %dma_start3A_560 = tpu.memref_slice %arg7[%add3A_428, %dma_start3A_558, %dma_start3A_559] : memref<4096x200x176xf32, #tpu.memory_space<hbm>> -> memref<1x96x48xf32, #tpu.memory_space<hbm>>
      %dma_start3A_561 = tpu.memref_squeeze %dma_start3A_560 : memref<1x96x48xf32, #tpu.memory_space<hbm>> -> memref<96x48xf32, #tpu.memory_space<hbm>>
      %dma_start3A_562 = arith.constant 0 : i32
      %dma_start3A_563 = arith.constant 0 : i32
      %dma_start3A_564 = tpu.memref_slice %arg15[%dma_start3A_544, %dma_start3A_545, %dma_start3A_562, %dma_start3A_563] : memref<2x2x112x48xf32, #tpu.memory_space<vmem>> -> memref<1x1x96x48xf32, #tpu.memory_space<vmem>>
      %dma_start3A_565 = tpu.memref_squeeze %dma_start3A_564 : memref<1x1x96x48xf32, #tpu.memory_space<vmem>> -> memref<96x48xf32, #tpu.memory_space<vmem>>
      tpu.enqueue_dma source(%dma_start3A_565 : memref<96x48xf32, #tpu.memory_space<vmem>>) target(%dma_start3A_561 : memref<96x48xf32, #tpu.memory_space<hbm>>) target_semaphore(%dma_start3A_557 : memref<!tpu.dma_semaphore, #tpu.memory_space<semaphore_mem>>)
      %dma_wait3A_566 = arith.constant 1 : i32
      %dma_wait3A_567 = arith.constant 1 : i32
      %dma_wait3A_568 = arith.constant 1 : i32
      %dma_wait3A_569 = arith.constant 1 : i32
      %dma_wait3A_570 = arith.constant 0 : i32
      %dma_wait3A_571 = arith.constant 0 : i32
      %dma_wait3A_572 = tpu.memref_slice %arg14[%dma_wait3A_566, %dma_wait3A_567, %dma_wait3A_570, %dma_wait3A_571] : memref<2x2x104x128xf32, #tpu.memory_space<vmem>> -> memref<1x1x104x128xf32, #tpu.memory_space<vmem>>
      %dma_wait3A_573 = tpu.memref_squeeze %dma_wait3A_572 : memref<1x1x104x128xf32, #tpu.memory_space<vmem>> -> memref<104x128xf32, #tpu.memory_space<vmem>>
      %dma_wait3A_574 = arith.constant 96 : i32
      %dma_wait3A_575 = tpu.memref_slice %arg9[%dma_wait3A_574] : memref<200xi32, #tpu.memory_space<vmem>> -> memref<104xi32, #tpu.memory_space<vmem>>
      %dma_wait3A_576 = arith.constant 0 : i32
      %dma_wait3A_577 = arith.constant 0 : i32
      %dma_wait3A_578 = tpu.memref_slice %arg4[%dma_wait3A_576, %dma_wait3A_577] : memref<100000x128xf32, #tpu.memory_space<hbm>> -> memref<100000x128xf32, #tpu.memory_space<hbm>>
      %dma_wait3A_579 = tpu.memref_slice %arg17[%dma_wait3A_568, %dma_wait3A_569] : memref<2x2x!tpu.dma_semaphore, #tpu.memory_space<semaphore_mem>> -> memref<1x1x!tpu.dma_semaphore, #tpu.memory_space<semaphore_mem>>
      %dma_wait3A_580 = tpu.memref_squeeze %dma_wait3A_579 : memref<1x1x!tpu.dma_semaphore, #tpu.memory_space<semaphore_mem>> -> memref<!tpu.dma_semaphore, #tpu.memory_space<semaphore_mem>>
      tpu.wait_indirect_dma semaphore(%dma_wait3A_580 : memref<!tpu.dma_semaphore, #tpu.memory_space<semaphore_mem>>) src(%dma_wait3A_578 : memref<100000x128xf32, #tpu.memory_space<hbm>>) dst(%dma_wait3A_573 : memref<104x128xf32, #tpu.memory_space<vmem>>)
      %dma_start3A_581 = arith.constant 1 : i32
      %dma_start3A_582 = arith.constant 1 : i32
      %dma_start3A_583 = arith.constant 1 : i32
      %dma_start3A_584 = arith.constant 1 : i32
      %dma_start3A_585 = arith.constant 0 : i32
      %dma_start3A_586 = arith.constant 0 : i32
      %dma_start3A_587 = tpu.memref_slice %arg14[%dma_start3A_581, %dma_start3A_582, %dma_start3A_585, %dma_start3A_586] : memref<2x2x104x128xf32, #tpu.memory_space<vmem>> -> memref<1x1x104x128xf32, #tpu.memory_space<vmem>>
      %dma_start3A_588 = tpu.memref_squeeze %dma_start3A_587 : memref<1x1x104x128xf32, #tpu.memory_space<vmem>> -> memref<104x128xf32, #tpu.memory_space<vmem>>
      %dma_start3A_589 = arith.constant 96 : i32
      %dma_start3A_590 = arith.constant 0 : i32
      %dma_start3A_591 = tpu.memref_slice %arg7[%add3A_428, %dma_start3A_589, %dma_start3A_590] : memref<4096x200x176xf32, #tpu.memory_space<hbm>> -> memref<1x104x128xf32, #tpu.memory_space<hbm>>
      %dma_start3A_592 = tpu.memref_squeeze %dma_start3A_591 : memref<1x104x128xf32, #tpu.memory_space<hbm>> -> memref<104x128xf32, #tpu.memory_space<hbm>>
      %dma_start3A_593 = tpu.memref_slice %arg18[%dma_start3A_583, %dma_start3A_584] : memref<2x2x!tpu.dma_semaphore, #tpu.memory_space<semaphore_mem>> -> memref<1x1x!tpu.dma_semaphore, #tpu.memory_space<semaphore_mem>>
      %dma_start3A_594 = tpu.memref_squeeze %dma_start3A_593 : memref<1x1x!tpu.dma_semaphore, #tpu.memory_space<semaphore_mem>> -> memref<!tpu.dma_semaphore, #tpu.memory_space<semaphore_mem>>
      %dma_start3A_595 = arith.constant 96 : i32
      %dma_start3A_596 = arith.constant 0 : i32
      %dma_start3A_597 = tpu.memref_slice %arg7[%add3A_428, %dma_start3A_595, %dma_start3A_596] : memref<4096x200x176xf32, #tpu.memory_space<hbm>> -> memref<1x104x128xf32, #tpu.memory_space<hbm>>
      %dma_start3A_598 = tpu.memref_squeeze %dma_start3A_597 : memref<1x104x128xf32, #tpu.memory_space<hbm>> -> memref<104x128xf32, #tpu.memory_space<hbm>>
      %dma_start3A_599 = arith.constant 0 : i32
      %dma_start3A_600 = arith.constant 0 : i32
      %dma_start3A_601 = tpu.memref_slice %arg14[%dma_start3A_581, %dma_start3A_582, %dma_start3A_599, %dma_start3A_600] : memref<2x2x104x128xf32, #tpu.memory_space<vmem>> -> memref<1x1x104x128xf32, #tpu.memory_space<vmem>>
      %dma_start3A_602 = tpu.memref_squeeze %dma_start3A_601 : memref<1x1x104x128xf32, #tpu.memory_space<vmem>> -> memref<104x128xf32, #tpu.memory_space<vmem>>
      tpu.enqueue_dma source(%dma_start3A_602 : memref<104x128xf32, #tpu.memory_space<vmem>>) target(%dma_start3A_598 : memref<104x128xf32, #tpu.memory_space<hbm>>) target_semaphore(%dma_start3A_594 : memref<!tpu.dma_semaphore, #tpu.memory_space<semaphore_mem>>)
      %dma_start3A_603 = arith.constant 1 : i32
      %dma_start3A_604 = arith.constant 1 : i32
      %dma_start3A_605 = arith.constant 1 : i32
      %dma_start3A_606 = arith.constant 1 : i32
      %dma_start3A_607 = arith.constant 0 : i32
      %dma_start3A_608 = arith.constant 0 : i32
      %dma_start3A_609 = tpu.memref_slice %arg15[%dma_start3A_603, %dma_start3A_604, %dma_start3A_607, %dma_start3A_608] : memref<2x2x112x48xf32, #tpu.memory_space<vmem>> -> memref<1x1x104x48xf32, #tpu.memory_space<vmem>>
      %dma_start3A_610 = tpu.memref_squeeze %dma_start3A_609 : memref<1x1x104x48xf32, #tpu.memory_space<vmem>> -> memref<104x48xf32, #tpu.memory_space<vmem>>
      %dma_start3A_611 = arith.constant 96 : i32
      %dma_start3A_612 = arith.constant 128 : i32
      %dma_start3A_613 = tpu.memref_slice %arg7[%add3A_428, %dma_start3A_611, %dma_start3A_612] : memref<4096x200x176xf32, #tpu.memory_space<hbm>> -> memref<1x104x48xf32, #tpu.memory_space<hbm>>
      %dma_start3A_614 = tpu.memref_squeeze %dma_start3A_613 : memref<1x104x48xf32, #tpu.memory_space<hbm>> -> memref<104x48xf32, #tpu.memory_space<hbm>>
      %dma_start3A_615 = tpu.memref_slice %arg18[%dma_start3A_605, %dma_start3A_606] : memref<2x2x!tpu.dma_semaphore, #tpu.memory_space<semaphore_mem>> -> memref<1x1x!tpu.dma_semaphore, #tpu.memory_space<semaphore_mem>>
      %dma_start3A_616 = tpu.memref_squeeze %dma_start3A_615 : memref<1x1x!tpu.dma_semaphore, #tpu.memory_space<semaphore_mem>> -> memref<!tpu.dma_semaphore, #tpu.memory_space<semaphore_mem>>
      %dma_start3A_617 = arith.constant 96 : i32
      %dma_start3A_618 = arith.constant 128 : i32
      %dma_start3A_619 = tpu.memref_slice %arg7[%add3A_428, %dma_start3A_617, %dma_start3A_618] : memref<4096x200x176xf32, #tpu.memory_space<hbm>> -> memref<1x104x48xf32, #tpu.memory_space<hbm>>
      %dma_start3A_620 = tpu.memref_squeeze %dma_start3A_619 : memref<1x104x48xf32, #tpu.memory_space<hbm>> -> memref<104x48xf32, #tpu.memory_space<hbm>>
      %dma_start3A_621 = arith.constant 0 : i32
      %dma_start3A_622 = arith.constant 0 : i32
      %dma_start3A_623 = tpu.memref_slice %arg15[%dma_start3A_603, %dma_start3A_604, %dma_start3A_621, %dma_start3A_622] : memref<2x2x112x48xf32, #tpu.memory_space<vmem>> -> memref<1x1x104x48xf32, #tpu.memory_space<vmem>>
      %dma_start3A_624 = tpu.memref_squeeze %dma_start3A_623 : memref<1x1x104x48xf32, #tpu.memory_space<vmem>> -> memref<104x48xf32, #tpu.memory_space<vmem>>
      tpu.enqueue_dma source(%dma_start3A_624 : memref<104x48xf32, #tpu.memory_space<vmem>>) target(%dma_start3A_620 : memref<104x48xf32, #tpu.memory_space<hbm>>) target_semaphore(%dma_start3A_616 : memref<!tpu.dma_semaphore, #tpu.memory_space<semaphore_mem>>)
    }
    %scan3A_23 = arith.constant 64 : i32
    %add3A_24 = arith.constant 128 : i32
    %add3A_25 = arith.addi %mul3A_2, %add3A_24 : i32
    %sub3A = arith.constant 2 : i32
    %sub3A_26 = arith.subi %add3A_25, %sub3A : i32
    %add3A_27 = arith.constant 0 : i32
    %add3A_28 = arith.addi %sub3A_26, %add3A_27 : i32
    %dma_wait3A = arith.constant 0 : i32
    %dma_wait3A_29 = arith.constant 0 : i32
    %dma_wait3A_30 = arith.constant 0 : i32
    %dma_wait3A_31 = arith.constant 0 : i32
    %dma_wait3A_32 = arith.constant 0 : i32
    %dma_wait3A_33 = arith.constant 0 : i32
    %dma_wait3A_34 = tpu.memref_slice %arg14[%dma_wait3A, %dma_wait3A_29, %dma_wait3A_32, %dma_wait3A_33] : memref<2x2x104x128xf32, #tpu.memory_space<vmem>> -> memref<1x1x96x128xf32, #tpu.memory_space<vmem>>
    %dma_wait3A_35 = tpu.memref_squeeze %dma_wait3A_34 : memref<1x1x96x128xf32, #tpu.memory_space<vmem>> -> memref<96x128xf32, #tpu.memory_space<vmem>>
    %dma_wait3A_36 = arith.constant 0 : i32
    %dma_wait3A_37 = arith.constant 0 : i32
    %dma_wait3A_38 = tpu.memref_slice %arg7[%add3A_28, %dma_wait3A_36, %dma_wait3A_37] : memref<4096x200x176xf32, #tpu.memory_space<hbm>> -> memref<1x96x128xf32, #tpu.memory_space<hbm>>
    %dma_wait3A_39 = tpu.memref_squeeze %dma_wait3A_38 : memref<1x96x128xf32, #tpu.memory_space<hbm>> -> memref<96x128xf32, #tpu.memory_space<hbm>>
    %dma_wait3A_40 = tpu.memref_slice %arg18[%dma_wait3A_30, %dma_wait3A_31] : memref<2x2x!tpu.dma_semaphore, #tpu.memory_space<semaphore_mem>> -> memref<1x1x!tpu.dma_semaphore, #tpu.memory_space<semaphore_mem>>
    %dma_wait3A_41 = tpu.memref_squeeze %dma_wait3A_40 : memref<1x1x!tpu.dma_semaphore, #tpu.memory_space<semaphore_mem>> -> memref<!tpu.dma_semaphore, #tpu.memory_space<semaphore_mem>>
    %dma_wait3A_42 = arith.constant 0 : i32
    %dma_wait3A_43 = arith.constant 0 : i32
    %dma_wait3A_44 = tpu.memref_slice %arg7[%add3A_28, %dma_wait3A_42, %dma_wait3A_43] : memref<4096x200x176xf32, #tpu.memory_space<hbm>> -> memref<1x96x128xf32, #tpu.memory_space<hbm>>
    %dma_wait3A_45 = tpu.memref_squeeze %dma_wait3A_44 : memref<1x96x128xf32, #tpu.memory_space<hbm>> -> memref<96x128xf32, #tpu.memory_space<hbm>>
    %dma_wait3A_46 = arith.constant 0 : i32
    %dma_wait3A_47 = arith.constant 0 : i32
    %dma_wait3A_48 = tpu.memref_slice %arg14[%dma_wait3A, %dma_wait3A_29, %dma_wait3A_46, %dma_wait3A_47] : memref<2x2x104x128xf32, #tpu.memory_space<vmem>> -> memref<1x1x96x128xf32, #tpu.memory_space<vmem>>
    %dma_wait3A_49 = tpu.memref_squeeze %dma_wait3A_48 : memref<1x1x96x128xf32, #tpu.memory_space<vmem>> -> memref<96x128xf32, #tpu.memory_space<vmem>>
    tpu.wait_dma2 semaphore(%dma_wait3A_41 : memref<!tpu.dma_semaphore, #tpu.memory_space<semaphore_mem>>) src(%dma_wait3A_49 : memref<96x128xf32, #tpu.memory_space<vmem>>) dst(%dma_wait3A_45 : memref<96x128xf32, #tpu.memory_space<hbm>>)
    %dma_wait3A_50 = arith.constant 0 : i32
    %dma_wait3A_51 = arith.constant 0 : i32
    %dma_wait3A_52 = arith.constant 0 : i32
    %dma_wait3A_53 = arith.constant 0 : i32
    %dma_wait3A_54 = arith.constant 0 : i32
    %dma_wait3A_55 = arith.constant 0 : i32
    %dma_wait3A_56 = tpu.memref_slice %arg15[%dma_wait3A_50, %dma_wait3A_51, %dma_wait3A_54, %dma_wait3A_55] : memref<2x2x112x48xf32, #tpu.memory_space<vmem>> -> memref<1x1x96x48xf32, #tpu.memory_space<vmem>>
    %dma_wait3A_57 = tpu.memref_squeeze %dma_wait3A_56 : memref<1x1x96x48xf32, #tpu.memory_space<vmem>> -> memref<96x48xf32, #tpu.memory_space<vmem>>
    %dma_wait3A_58 = arith.constant 0 : i32
    %dma_wait3A_59 = arith.constant 128 : i32
    %dma_wait3A_60 = tpu.memref_slice %arg7[%add3A_28, %dma_wait3A_58, %dma_wait3A_59] : memref<4096x200x176xf32, #tpu.memory_space<hbm>> -> memref<1x96x48xf32, #tpu.memory_space<hbm>>
    %dma_wait3A_61 = tpu.memref_squeeze %dma_wait3A_60 : memref<1x96x48xf32, #tpu.memory_space<hbm>> -> memref<96x48xf32, #tpu.memory_space<hbm>>
    %dma_wait3A_62 = tpu.memref_slice %arg18[%dma_wait3A_52, %dma_wait3A_53] : memref<2x2x!tpu.dma_semaphore, #tpu.memory_space<semaphore_mem>> -> memref<1x1x!tpu.dma_semaphore, #tpu.memory_space<semaphore_mem>>
    %dma_wait3A_63 = tpu.memref_squeeze %dma_wait3A_62 : memref<1x1x!tpu.dma_semaphore, #tpu.memory_space<semaphore_mem>> -> memref<!tpu.dma_semaphore, #tpu.memory_space<semaphore_mem>>
    %dma_wait3A_64 = arith.constant 0 : i32
    %dma_wait3A_65 = arith.constant 128 : i32
    %dma_wait3A_66 = tpu.memref_slice %arg7[%add3A_28, %dma_wait3A_64, %dma_wait3A_65] : memref<4096x200x176xf32, #tpu.memory_space<hbm>> -> memref<1x96x48xf32, #tpu.memory_space<hbm>>
    %dma_wait3A_67 = tpu.memref_squeeze %dma_wait3A_66 : memref<1x96x48xf32, #tpu.memory_space<hbm>> -> memref<96x48xf32, #tpu.memory_space<hbm>>
    %dma_wait3A_68 = arith.constant 0 : i32
    %dma_wait3A_69 = arith.constant 0 : i32
    %dma_wait3A_70 = tpu.memref_slice %arg15[%dma_wait3A_50, %dma_wait3A_51, %dma_wait3A_68, %dma_wait3A_69] : memref<2x2x112x48xf32, #tpu.memory_space<vmem>> -> memref<1x1x96x48xf32, #tpu.memory_space<vmem>>
    %dma_wait3A_71 = tpu.memref_squeeze %dma_wait3A_70 : memref<1x1x96x48xf32, #tpu.memory_space<vmem>> -> memref<96x48xf32, #tpu.memory_space<vmem>>
    tpu.wait_dma2 semaphore(%dma_wait3A_63 : memref<!tpu.dma_semaphore, #tpu.memory_space<semaphore_mem>>) src(%dma_wait3A_71 : memref<96x48xf32, #tpu.memory_space<vmem>>) dst(%dma_wait3A_67 : memref<96x48xf32, #tpu.memory_space<hbm>>)
    %add3A_72 = arith.constant 128 : i32
    %add3A_73 = arith.addi %mul3A_2, %add3A_72 : i32
    %sub3A_74 = arith.constant 2 : i32
    %sub3A_75 = arith.subi %add3A_73, %sub3A_74 : i32
    %add3A_76 = arith.constant 0 : i32
    %add3A_77 = arith.addi %sub3A_75, %add3A_76 : i32
    %dma_wait3A_78 = arith.constant 0 : i32
    %dma_wait3A_79 = arith.constant 1 : i32
    %dma_wait3A_80 = arith.constant 0 : i32
    %dma_wait3A_81 = arith.constant 1 : i32
    %dma_wait3A_82 = arith.constant 0 : i32
    %dma_wait3A_83 = arith.constant 0 : i32
    %dma_wait3A_84 = tpu.memref_slice %arg14[%dma_wait3A_78, %dma_wait3A_79, %dma_wait3A_82, %dma_wait3A_83] : memref<2x2x104x128xf32, #tpu.memory_space<vmem>> -> memref<1x1x104x128xf32, #tpu.memory_space<vmem>>
    %dma_wait3A_85 = tpu.memref_squeeze %dma_wait3A_84 : memref<1x1x104x128xf32, #tpu.memory_space<vmem>> -> memref<104x128xf32, #tpu.memory_space<vmem>>
    %dma_wait3A_86 = arith.constant 96 : i32
    %dma_wait3A_87 = arith.constant 0 : i32
    %dma_wait3A_88 = tpu.memref_slice %arg7[%add3A_77, %dma_wait3A_86, %dma_wait3A_87] : memref<4096x200x176xf32, #tpu.memory_space<hbm>> -> memref<1x104x128xf32, #tpu.memory_space<hbm>>
    %dma_wait3A_89 = tpu.memref_squeeze %dma_wait3A_88 : memref<1x104x128xf32, #tpu.memory_space<hbm>> -> memref<104x128xf32, #tpu.memory_space<hbm>>
    %dma_wait3A_90 = tpu.memref_slice %arg18[%dma_wait3A_80, %dma_wait3A_81] : memref<2x2x!tpu.dma_semaphore, #tpu.memory_space<semaphore_mem>> -> memref<1x1x!tpu.dma_semaphore, #tpu.memory_space<semaphore_mem>>
    %dma_wait3A_91 = tpu.memref_squeeze %dma_wait3A_90 : memref<1x1x!tpu.dma_semaphore, #tpu.memory_space<semaphore_mem>> -> memref<!tpu.dma_semaphore, #tpu.memory_space<semaphore_mem>>
    %dma_wait3A_92 = arith.constant 96 : i32
    %dma_wait3A_93 = arith.constant 0 : i32
    %dma_wait3A_94 = tpu.memref_slice %arg7[%add3A_77, %dma_wait3A_92, %dma_wait3A_93] : memref<4096x200x176xf32, #tpu.memory_space<hbm>> -> memref<1x104x128xf32, #tpu.memory_space<hbm>>
    %dma_wait3A_95 = tpu.memref_squeeze %dma_wait3A_94 : memref<1x104x128xf32, #tpu.memory_space<hbm>> -> memref<104x128xf32, #tpu.memory_space<hbm>>
    %dma_wait3A_96 = arith.constant 0 : i32
    %dma_wait3A_97 = arith.constant 0 : i32
    %dma_wait3A_98 = tpu.memref_slice %arg14[%dma_wait3A_78, %dma_wait3A_79, %dma_wait3A_96, %dma_wait3A_97] : memref<2x2x104x128xf32, #tpu.memory_space<vmem>> -> memref<1x1x104x128xf32, #tpu.memory_space<vmem>>
    %dma_wait3A_99 = tpu.memref_squeeze %dma_wait3A_98 : memref<1x1x104x128xf32, #tpu.memory_space<vmem>> -> memref<104x128xf32, #tpu.memory_space<vmem>>
    tpu.wait_dma2 semaphore(%dma_wait3A_91 : memref<!tpu.dma_semaphore, #tpu.memory_space<semaphore_mem>>) src(%dma_wait3A_99 : memref<104x128xf32, #tpu.memory_space<vmem>>) dst(%dma_wait3A_95 : memref<104x128xf32, #tpu.memory_space<hbm>>)
    %dma_wait3A_100 = arith.constant 0 : i32
    %dma_wait3A_101 = arith.constant 1 : i32
    %dma_wait3A_102 = arith.constant 0 : i32
    %dma_wait3A_103 = arith.constant 1 : i32
    %dma_wait3A_104 = arith.constant 0 : i32
    %dma_wait3A_105 = arith.constant 0 : i32
    %dma_wait3A_106 = tpu.memref_slice %arg15[%dma_wait3A_100, %dma_wait3A_101, %dma_wait3A_104, %dma_wait3A_105] : memref<2x2x112x48xf32, #tpu.memory_space<vmem>> -> memref<1x1x104x48xf32, #tpu.memory_space<vmem>>
    %dma_wait3A_107 = tpu.memref_squeeze %dma_wait3A_106 : memref<1x1x104x48xf32, #tpu.memory_space<vmem>> -> memref<104x48xf32, #tpu.memory_space<vmem>>
    %dma_wait3A_108 = arith.constant 96 : i32
    %dma_wait3A_109 = arith.constant 128 : i32
    %dma_wait3A_110 = tpu.memref_slice %arg7[%add3A_77, %dma_wait3A_108, %dma_wait3A_109] : memref<4096x200x176xf32, #tpu.memory_space<hbm>> -> memref<1x104x48xf32, #tpu.memory_space<hbm>>
    %dma_wait3A_111 = tpu.memref_squeeze %dma_wait3A_110 : memref<1x104x48xf32, #tpu.memory_space<hbm>> -> memref<104x48xf32, #tpu.memory_space<hbm>>
    %dma_wait3A_112 = tpu.memref_slice %arg18[%dma_wait3A_102, %dma_wait3A_103] : memref<2x2x!tpu.dma_semaphore, #tpu.memory_space<semaphore_mem>> -> memref<1x1x!tpu.dma_semaphore, #tpu.memory_space<semaphore_mem>>
    %dma_wait3A_113 = tpu.memref_squeeze %dma_wait3A_112 : memref<1x1x!tpu.dma_semaphore, #tpu.memory_space<semaphore_mem>> -> memref<!tpu.dma_semaphore, #tpu.memory_space<semaphore_mem>>
    %dma_wait3A_114 = arith.constant 96 : i32
    %dma_wait3A_115 = arith.constant 128 : i32
    %dma_wait3A_116 = tpu.memref_slice %arg7[%add3A_77, %dma_wait3A_114, %dma_wait3A_115] : memref<4096x200x176xf32, #tpu.memory_space<hbm>> -> memref<1x104x48xf32, #tpu.memory_space<hbm>>
    %dma_wait3A_117 = tpu.memref_squeeze %dma_wait3A_116 : memref<1x104x48xf32, #tpu.memory_space<hbm>> -> memref<104x48xf32, #tpu.memory_space<hbm>>
    %dma_wait3A_118 = arith.constant 0 : i32
    %dma_wait3A_119 = arith.constant 0 : i32
    %dma_wait3A_120 = tpu.memref_slice %arg15[%dma_wait3A_100, %dma_wait3A_101, %dma_wait3A_118, %dma_wait3A_119] : memref<2x2x112x48xf32, #tpu.memory_space<vmem>> -> memref<1x1x104x48xf32, #tpu.memory_space<vmem>>
    %dma_wait3A_121 = tpu.memref_squeeze %dma_wait3A_120 : memref<1x1x104x48xf32, #tpu.memory_space<vmem>> -> memref<104x48xf32, #tpu.memory_space<vmem>>
    tpu.wait_dma2 semaphore(%dma_wait3A_113 : memref<!tpu.dma_semaphore, #tpu.memory_space<semaphore_mem>>) src(%dma_wait3A_121 : memref<104x48xf32, #tpu.memory_space<vmem>>) dst(%dma_wait3A_117 : memref<104x48xf32, #tpu.memory_space<hbm>>)
    %add3A_122 = arith.constant 128 : i32
    %add3A_123 = arith.addi %mul3A_2, %add3A_122 : i32
    %sub3A_124 = arith.constant 2 : i32
    %sub3A_125 = arith.subi %add3A_123, %sub3A_124 : i32
    %add3A_126 = arith.constant 1 : i32
    %add3A_127 = arith.addi %sub3A_125, %add3A_126 : i32
    %dma_wait3A_128 = arith.constant 1 : i32
    %dma_wait3A_129 = arith.constant 0 : i32
    %dma_wait3A_130 = arith.constant 1 : i32
    %dma_wait3A_131 = arith.constant 0 : i32
    %dma_wait3A_132 = arith.constant 0 : i32
    %dma_wait3A_133 = arith.constant 0 : i32
    %dma_wait3A_134 = tpu.memref_slice %arg14[%dma_wait3A_128, %dma_wait3A_129, %dma_wait3A_132, %dma_wait3A_133] : memref<2x2x104x128xf32, #tpu.memory_space<vmem>> -> memref<1x1x96x128xf32, #tpu.memory_space<vmem>>
    %dma_wait3A_135 = tpu.memref_squeeze %dma_wait3A_134 : memref<1x1x96x128xf32, #tpu.memory_space<vmem>> -> memref<96x128xf32, #tpu.memory_space<vmem>>
    %dma_wait3A_136 = arith.constant 0 : i32
    %dma_wait3A_137 = arith.constant 0 : i32
    %dma_wait3A_138 = tpu.memref_slice %arg7[%add3A_127, %dma_wait3A_136, %dma_wait3A_137] : memref<4096x200x176xf32, #tpu.memory_space<hbm>> -> memref<1x96x128xf32, #tpu.memory_space<hbm>>
    %dma_wait3A_139 = tpu.memref_squeeze %dma_wait3A_138 : memref<1x96x128xf32, #tpu.memory_space<hbm>> -> memref<96x128xf32, #tpu.memory_space<hbm>>
    %dma_wait3A_140 = tpu.memref_slice %arg18[%dma_wait3A_130, %dma_wait3A_131] : memref<2x2x!tpu.dma_semaphore, #tpu.memory_space<semaphore_mem>> -> memref<1x1x!tpu.dma_semaphore, #tpu.memory_space<semaphore_mem>>
    %dma_wait3A_141 = tpu.memref_squeeze %dma_wait3A_140 : memref<1x1x!tpu.dma_semaphore, #tpu.memory_space<semaphore_mem>> -> memref<!tpu.dma_semaphore, #tpu.memory_space<semaphore_mem>>
    %dma_wait3A_142 = arith.constant 0 : i32
    %dma_wait3A_143 = arith.constant 0 : i32
    %dma_wait3A_144 = tpu.memref_slice %arg7[%add3A_127, %dma_wait3A_142, %dma_wait3A_143] : memref<4096x200x176xf32, #tpu.memory_space<hbm>> -> memref<1x96x128xf32, #tpu.memory_space<hbm>>
    %dma_wait3A_145 = tpu.memref_squeeze %dma_wait3A_144 : memref<1x96x128xf32, #tpu.memory_space<hbm>> -> memref<96x128xf32, #tpu.memory_space<hbm>>
    %dma_wait3A_146 = arith.constant 0 : i32
    %dma_wait3A_147 = arith.constant 0 : i32
    %dma_wait3A_148 = tpu.memref_slice %arg14[%dma_wait3A_128, %dma_wait3A_129, %dma_wait3A_146, %dma_wait3A_147] : memref<2x2x104x128xf32, #tpu.memory_space<vmem>> -> memref<1x1x96x128xf32, #tpu.memory_space<vmem>>
    %dma_wait3A_149 = tpu.memref_squeeze %dma_wait3A_148 : memref<1x1x96x128xf32, #tpu.memory_space<vmem>> -> memref<96x128xf32, #tpu.memory_space<vmem>>
    tpu.wait_dma2 semaphore(%dma_wait3A_141 : memref<!tpu.dma_semaphore, #tpu.memory_space<semaphore_mem>>) src(%dma_wait3A_149 : memref<96x128xf32, #tpu.memory_space<vmem>>) dst(%dma_wait3A_145 : memref<96x128xf32, #tpu.memory_space<hbm>>)
    %dma_wait3A_150 = arith.constant 1 : i32
    %dma_wait3A_151 = arith.constant 0 : i32
    %dma_wait3A_152 = arith.constant 1 : i32
    %dma_wait3A_153 = arith.constant 0 : i32
    %dma_wait3A_154 = arith.constant 0 : i32
    %dma_wait3A_155 = arith.constant 0 : i32
    %dma_wait3A_156 = tpu.memref_slice %arg15[%dma_wait3A_150, %dma_wait3A_151, %dma_wait3A_154, %dma_wait3A_155] : memref<2x2x112x48xf32, #tpu.memory_space<vmem>> -> memref<1x1x96x48xf32, #tpu.memory_space<vmem>>
    %dma_wait3A_157 = tpu.memref_squeeze %dma_wait3A_156 : memref<1x1x96x48xf32, #tpu.memory_space<vmem>> -> memref<96x48xf32, #tpu.memory_space<vmem>>
    %dma_wait3A_158 = arith.constant 0 : i32
    %dma_wait3A_159 = arith.constant 128 : i32
    %dma_wait3A_160 = tpu.memref_slice %arg7[%add3A_127, %dma_wait3A_158, %dma_wait3A_159] : memref<4096x200x176xf32, #tpu.memory_space<hbm>> -> memref<1x96x48xf32, #tpu.memory_space<hbm>>
    %dma_wait3A_161 = tpu.memref_squeeze %dma_wait3A_160 : memref<1x96x48xf32, #tpu.memory_space<hbm>> -> memref<96x48xf32, #tpu.memory_space<hbm>>
    %dma_wait3A_162 = tpu.memref_slice %arg18[%dma_wait3A_152, %dma_wait3A_153] : memref<2x2x!tpu.dma_semaphore, #tpu.memory_space<semaphore_mem>> -> memref<1x1x!tpu.dma_semaphore, #tpu.memory_space<semaphore_mem>>
    %dma_wait3A_163 = tpu.memref_squeeze %dma_wait3A_162 : memref<1x1x!tpu.dma_semaphore, #tpu.memory_space<semaphore_mem>> -> memref<!tpu.dma_semaphore, #tpu.memory_space<semaphore_mem>>
    %dma_wait3A_164 = arith.constant 0 : i32
    %dma_wait3A_165 = arith.constant 128 : i32
    %dma_wait3A_166 = tpu.memref_slice %arg7[%add3A_127, %dma_wait3A_164, %dma_wait3A_165] : memref<4096x200x176xf32, #tpu.memory_space<hbm>> -> memref<1x96x48xf32, #tpu.memory_space<hbm>>
    %dma_wait3A_167 = tpu.memref_squeeze %dma_wait3A_166 : memref<1x96x48xf32, #tpu.memory_space<hbm>> -> memref<96x48xf32, #tpu.memory_space<hbm>>
    %dma_wait3A_168 = arith.constant 0 : i32
    %dma_wait3A_169 = arith.constant 0 : i32
    %dma_wait3A_170 = tpu.memref_slice %arg15[%dma_wait3A_150, %dma_wait3A_151, %dma_wait3A_168, %dma_wait3A_169] : memref<2x2x112x48xf32, #tpu.memory_space<vmem>> -> memref<1x1x96x48xf32, #tpu.memory_space<vmem>>
    %dma_wait3A_171 = tpu.memref_squeeze %dma_wait3A_170 : memref<1x1x96x48xf32, #tpu.memory_space<vmem>> -> memref<96x48xf32, #tpu.memory_space<vmem>>
    tpu.wait_dma2 semaphore(%dma_wait3A_163 : memref<!tpu.dma_semaphore, #tpu.memory_space<semaphore_mem>>) src(%dma_wait3A_171 : memref<96x48xf32, #tpu.memory_space<vmem>>) dst(%dma_wait3A_167 : memref<96x48xf32, #tpu.memory_space<hbm>>)
    %add3A_172 = arith.constant 128 : i32
    %add3A_173 = arith.addi %mul3A_2, %add3A_172 : i32
    %sub3A_174 = arith.constant 2 : i32
    %sub3A_175 = arith.subi %add3A_173, %sub3A_174 : i32
    %add3A_176 = arith.constant 1 : i32
    %add3A_177 = arith.addi %sub3A_175, %add3A_176 : i32
    %dma_wait3A_178 = arith.constant 1 : i32
    %dma_wait3A_179 = arith.constant 1 : i32
    %dma_wait3A_180 = arith.constant 1 : i32
    %dma_wait3A_181 = arith.constant 1 : i32
    %dma_wait3A_182 = arith.constant 0 : i32
    %dma_wait3A_183 = arith.constant 0 : i32
    %dma_wait3A_184 = tpu.memref_slice %arg14[%dma_wait3A_178, %dma_wait3A_179, %dma_wait3A_182, %dma_wait3A_183] : memref<2x2x104x128xf32, #tpu.memory_space<vmem>> -> memref<1x1x104x128xf32, #tpu.memory_space<vmem>>
    %dma_wait3A_185 = tpu.memref_squeeze %dma_wait3A_184 : memref<1x1x104x128xf32, #tpu.memory_space<vmem>> -> memref<104x128xf32, #tpu.memory_space<vmem>>
    %dma_wait3A_186 = arith.constant 96 : i32
    %dma_wait3A_187 = arith.constant 0 : i32
    %dma_wait3A_188 = tpu.memref_slice %arg7[%add3A_177, %dma_wait3A_186, %dma_wait3A_187] : memref<4096x200x176xf32, #tpu.memory_space<hbm>> -> memref<1x104x128xf32, #tpu.memory_space<hbm>>
    %dma_wait3A_189 = tpu.memref_squeeze %dma_wait3A_188 : memref<1x104x128xf32, #tpu.memory_space<hbm>> -> memref<104x128xf32, #tpu.memory_space<hbm>>
    %dma_wait3A_190 = tpu.memref_slice %arg18[%dma_wait3A_180, %dma_wait3A_181] : memref<2x2x!tpu.dma_semaphore, #tpu.memory_space<semaphore_mem>> -> memref<1x1x!tpu.dma_semaphore, #tpu.memory_space<semaphore_mem>>
    %dma_wait3A_191 = tpu.memref_squeeze %dma_wait3A_190 : memref<1x1x!tpu.dma_semaphore, #tpu.memory_space<semaphore_mem>> -> memref<!tpu.dma_semaphore, #tpu.memory_space<semaphore_mem>>
    %dma_wait3A_192 = arith.constant 96 : i32
    %dma_wait3A_193 = arith.constant 0 : i32
    %dma_wait3A_194 = tpu.memref_slice %arg7[%add3A_177, %dma_wait3A_192, %dma_wait3A_193] : memref<4096x200x176xf32, #tpu.memory_space<hbm>> -> memref<1x104x128xf32, #tpu.memory_space<hbm>>
    %dma_wait3A_195 = tpu.memref_squeeze %dma_wait3A_194 : memref<1x104x128xf32, #tpu.memory_space<hbm>> -> memref<104x128xf32, #tpu.memory_space<hbm>>
    %dma_wait3A_196 = arith.constant 0 : i32
    %dma_wait3A_197 = arith.constant 0 : i32
    %dma_wait3A_198 = tpu.memref_slice %arg14[%dma_wait3A_178, %dma_wait3A_179, %dma_wait3A_196, %dma_wait3A_197] : memref<2x2x104x128xf32, #tpu.memory_space<vmem>> -> memref<1x1x104x128xf32, #tpu.memory_space<vmem>>
    %dma_wait3A_199 = tpu.memref_squeeze %dma_wait3A_198 : memref<1x1x104x128xf32, #tpu.memory_space<vmem>> -> memref<104x128xf32, #tpu.memory_space<vmem>>
    tpu.wait_dma2 semaphore(%dma_wait3A_191 : memref<!tpu.dma_semaphore, #tpu.memory_space<semaphore_mem>>) src(%dma_wait3A_199 : memref<104x128xf32, #tpu.memory_space<vmem>>) dst(%dma_wait3A_195 : memref<104x128xf32, #tpu.memory_space<hbm>>)
    %dma_wait3A_200 = arith.constant 1 : i32
    %dma_wait3A_201 = arith.constant 1 : i32
    %dma_wait3A_202 = arith.constant 1 : i32
    %dma_wait3A_203 = arith.constant 1 : i32
    %dma_wait3A_204 = arith.constant 0 : i32
    %dma_wait3A_205 = arith.constant 0 : i32
    %dma_wait3A_206 = tpu.memref_slice %arg15[%dma_wait3A_200, %dma_wait3A_201, %dma_wait3A_204, %dma_wait3A_205] : memref<2x2x112x48xf32, #tpu.memory_space<vmem>> -> memref<1x1x104x48xf32, #tpu.memory_space<vmem>>
    %dma_wait3A_207 = tpu.memref_squeeze %dma_wait3A_206 : memref<1x1x104x48xf32, #tpu.memory_space<vmem>> -> memref<104x48xf32, #tpu.memory_space<vmem>>
    %dma_wait3A_208 = arith.constant 96 : i32
    %dma_wait3A_209 = arith.constant 128 : i32
    %dma_wait3A_210 = tpu.memref_slice %arg7[%add3A_177, %dma_wait3A_208, %dma_wait3A_209] : memref<4096x200x176xf32, #tpu.memory_space<hbm>> -> memref<1x104x48xf32, #tpu.memory_space<hbm>>
    %dma_wait3A_211 = tpu.memref_squeeze %dma_wait3A_210 : memref<1x104x48xf32, #tpu.memory_space<hbm>> -> memref<104x48xf32, #tpu.memory_space<hbm>>
    %dma_wait3A_212 = tpu.memref_slice %arg18[%dma_wait3A_202, %dma_wait3A_203] : memref<2x2x!tpu.dma_semaphore, #tpu.memory_space<semaphore_mem>> -> memref<1x1x!tpu.dma_semaphore, #tpu.memory_space<semaphore_mem>>
    %dma_wait3A_213 = tpu.memref_squeeze %dma_wait3A_212 : memref<1x1x!tpu.dma_semaphore, #tpu.memory_space<semaphore_mem>> -> memref<!tpu.dma_semaphore, #tpu.memory_space<semaphore_mem>>
    %dma_wait3A_214 = arith.constant 96 : i32
    %dma_wait3A_215 = arith.constant 128 : i32
    %dma_wait3A_216 = tpu.memref_slice %arg7[%add3A_177, %dma_wait3A_214, %dma_wait3A_215] : memref<4096x200x176xf32, #tpu.memory_space<hbm>> -> memref<1x104x48xf32, #tpu.memory_space<hbm>>
    %dma_wait3A_217 = tpu.memref_squeeze %dma_wait3A_216 : memref<1x104x48xf32, #tpu.memory_space<hbm>> -> memref<104x48xf32, #tpu.memory_space<hbm>>
    %dma_wait3A_218 = arith.constant 0 : i32
    %dma_wait3A_219 = arith.constant 0 : i32
    %dma_wait3A_220 = tpu.memref_slice %arg15[%dma_wait3A_200, %dma_wait3A_201, %dma_wait3A_218, %dma_wait3A_219] : memref<2x2x112x48xf32, #tpu.memory_space<vmem>> -> memref<1x1x104x48xf32, #tpu.memory_space<vmem>>
    %dma_wait3A_221 = tpu.memref_squeeze %dma_wait3A_220 : memref<1x1x104x48xf32, #tpu.memory_space<vmem>> -> memref<104x48xf32, #tpu.memory_space<vmem>>
    tpu.wait_dma2 semaphore(%dma_wait3A_213 : memref<!tpu.dma_semaphore, #tpu.memory_space<semaphore_mem>>) src(%dma_wait3A_221 : memref<104x48xf32, #tpu.memory_space<vmem>>) dst(%dma_wait3A_217 : memref<104x48xf32, #tpu.memory_space<hbm>>)
    return
  }
}

</mosaic_0001>

<sc_bundles>
// kernel: kernel.3.cloned.1.call-start
scs
__scs_entry_jumppad:
0x0: {  	(pc) =	sbr.rel $0x88, $3  }
0x1: {  	(tag) =	ssettag $0x0;
	lr =	simm.s32 $0x1  }
0x2: {  	[smem:$0x3F9B] =	sst lr;
	_ =	strace $0xD0000000  }
0x3: {  	_ = 	snop  }
0x4: {  	_ = 	snop  }
0x5: {  	_ = 	snop  }
0x6: {  	_ = 	snop  }
0x7: {  	_ = 	snop  }
__scs_overlays_trampoline_lowered:
0x8: {  	[smem:$0x3FAA] =	sst s0  }
0x9: {  	[smem:$0x3FAB] =	sst s1  }
0xa: {  	[smem:$0x3FAC] =	sst s2  }
0xb: {  	[smem:$0x3FAD] =	sst s3  }
0xc: {  	[smem:$0x3FAE] =	sst s4  }
0xd: {  	[smem:$0x3FAF] =	sst s5  }
0xe: {  	[smem:$0x3FB0] =	sst s6  }
0xf: {  	[smem:$0x3FB1] =	sst s7  }
0x10: {  	[smem:$0x3FB2] =	sst s8  }
0x11: {  	[smem:$0x3FB3] =	sst s9;
	s0 =	simm.s32 @!p0 $0x0  }
0x12: {  	s1 =	sld [smem:$0x3F99];
	s0 =	simm.s32 @p0 $0x1  }
0x13: {  	[smem:$0x3FB4] =	sst s0;
	s0 =	simm.s32 @!p1 $0x0  }
0x14: {  	s2 =	sld [smem:$0x3F98];
	s0 =	simm.s32 @p1 $0x1  }
0x15: {  	[smem:$0x3FB5] =	sst s0;
	s0 =	simm.s32 @!p2 $0x0  }
0x16: {  	s3 =	sld [smem:$0x3FDB];
	s0 =	simm.s32 @p2 $0x1  }
0x17: {  	s4 =	simm.s32 $0x1BF5;
	[smem:$0x3FB7] =	sst s0  }
0x18: {  	s0 =	sld [smem:$0x3F9A];
	_ =	swait.ge [sflag:s4], $0x0  }
0x19: {  	s7 =	sld [smem:$0x3F9B]  }
0x1a: {  	s8 =	sadd.s32 $0xFFFFE003, lr  }
0x1b: {  	s9 =	sadd.s32 $0xFFFFFEF7, lr;
	s5 =	simm.s32 $0xFFFFFFFF;
	p2 =	slt.u32 s8, $0xFFFFF086  }
0x1c: {  	p1 =	slt.u32 s9, $0xF7A;
	s5 =	simm.s32 @!p2 $0x0  }
0x1d: {  	s5 =	simm.s32 @p1 $0x1;
	p0 =	seq.s32 s7, s2  }
0x1e: {  	s7 =	smul.u32 @!p0 $0xF7A, s2;
	p2 =	seq.s32 @!p0 s5, $0x0  }
0x1f: {  	s9 =	smul.u32 $0xF7A, s1;
	s8 =	simm.s32 @!p0 $0x1BF5;
	p2 =	por !p2, p0  }
0x20: {  	[sflag:s8] =	ssyncset.s32 @!p0 $0xFFFFF086;
	s6 =	sadd.s32 @!p0 s3, s7;
	s7 =	simm.s32 @!p0 $0x108  }
0x21: {  	s3 =	sadd.s32 s3, s9;
	s6 =	sadd.s32 @!p0 $0x88, s6;
	s7 =	simm.s32 @p2 $0x1082  }
0x22: {  	[simem:s7], [sflag:s8] =	dma.local @!p0 [hbm:s6], $0xF7A  }
0x23: {  	s9 =	sor.u32 $0xD0000000, s2;
	s6 =	simm.s32 $0x108;
	_ =	swait.ge @!p0 [sflag:s8], $0x0  }
0x24: {  	s3 =	sadd.s32 $0x88, s3;
	s6 =	simm.s32 @!p1 $0x1082;
	[sflag:s4] =	ssyncset.s32 $0xFFFFF086  }
0x25: {  	[simem:s6], [sflag:s4] =	dma.local [hbm:s3], $0xF7A  }
0x26: {  	[smem:$0x3F9B] =	sst s1;
	(tag) =	ssettag s2;
	_ =	strace s9  }
0x27: {  	s1 =	sld [smem:$0x3FAB]  }
0x28: {  	s2 =	sld [smem:$0x3FAC]  }
0x29: {  	s4 =	sld [smem:$0x3FAE]  }
0x2a: {  	p0 =	seq.s32 s5, $0x0;
	s5 =	sld [smem:$0x3FAF]  }
0x2b: {  	s6 =	sld [smem:$0x3FB0]  }
0x2c: {  	s7 =	sld [smem:$0x3FB1]  }
0x2d: {  	s3 =	simm.s32 $0x108;
	s8 =	sld [smem:$0x3FB2]  }
0x2e: {  	s3 =	simm.s32 @!p0 $0x1082;
	s9 =	sld [smem:$0x3FB3]  }
0x2f: {  	lr =	sadd.s32 s0, s3;
	s0 =	sld [smem:$0x3FAA]  }
0x30: {  	s3 =	sld [smem:$0x3FAD]  }
0x31: {  	[smem:$0x3FB6] =	sst s10  }
0x32: {  	s10 =	sld [smem:$0x3FB4];
	_ =	sdelay $0x3  }
0x33: {  	p0 =	seq.s32 s10, $0x1;
	s10 =	sld [smem:$0x3FB6];
	_ =	sdelay $0x3  }
0x34: {  	[smem:$0x3FB6] =	sst s10  }
0x35: {  	s10 =	sld [smem:$0x3FB5];
	_ =	sdelay $0x3  }
0x36: {  	p1 =	seq.s32 s10, $0x1;
	s10 =	sld [smem:$0x3FB6];
	_ =	sdelay $0x3  }
0x37: {  	[smem:$0x3FB6] =	sst s10  }
0x38: {  	s10 =	sld [smem:$0x3FB7]  }
0x39: {  	_ = 	snop;
	(pc) =	sbr.ind lr, $3  }
0x3a: {  	_ = 	snop  }
0x3b: {  	_ = 	snop  }
0x3c: {  	p2 =	seq.s32 s10, $0x1;
	s10 =	sld [smem:$0x3FB6]  }
0x3d: {  	_ =	shalt  }
0x3e: {  	_ =	shalt  }
0x3f: {  	_ =	shalt  }
0x40: {  	_ =	shalt  }
0x41: {  	_ =	shalt  }
0x42: {  	_ =	shalt  }
0x43: {  	_ =	shalt  }
0x44: {  	_ =	shalt  }
0x45: {  	_ =	shalt  }
0x46: {  	_ =	shalt  }
0x47: {  	_ =	shalt  }
0x48: {  	_ =	shalt  }
0x49: {  	_ =	shalt  }
0x4a: {  	_ =	shalt  }
0x4b: {  	_ =	shalt  }
0x4c: {  	_ =	shalt  }
0x4d: {  	_ =	shalt  }
0x4e: {  	_ =	shalt  }
0x4f: {  	_ =	shalt  }
0x50: {  	_ =	shalt  }
0x51: {  	_ =	shalt  }
0x52: {  	_ =	shalt  }
0x53: {  	_ =	shalt  }
0x54: {  	_ =	shalt  }
0x55: {  	_ =	shalt  }
0x56: {  	_ =	shalt  }
0x57: {  	_ =	shalt  }
0x58: {  	_ =	shalt  }
0x59: {  	_ =	shalt  }
0x5a: {  	_ =	shalt  }
0x5b: {  	_ =	shalt  }
0x5c: {  	_ =	shalt  }
0x5d: {  	_ =	shalt  }
0x5e: {  	_ =	shalt  }
0x5f: {  	_ =	shalt  }
0x60: {  	_ =	shalt  }
0x61: {  	_ =	shalt  }
0x62: {  	_ =	shalt  }
0x63: {  	_ =	shalt  }
0x64: {  	_ =	shalt  }
0x65: {  	_ =	shalt  }
0x66: {  	_ =	shalt  }
0x67: {  	_ =	shalt  }
0x68: {  	_ =	shalt  }
0x69: {  	_ =	shalt  }
0x6a: {  	_ =	shalt  }
0x6b: {  	_ =	shalt  }
0x6c: {  	_ =	shalt  }
0x6d: {  	_ =	shalt  }
0x6e: {  	_ =	shalt  }
0x6f: {  	_ =	shalt  }
0x70: {  	_ =	shalt  }
0x71: {  	_ =	shalt  }
0x72: {  	_ =	shalt  }
0x73: {  	_ =	shalt  }
0x74: {  	_ =	shalt  }
0x75: {  	_ =	shalt  }
0x76: {  	_ =	shalt  }
0x77: {  	_ =	shalt  }
0x78: {  	_ =	shalt  }
0x79: {  	_ =	shalt  }
0x7a: {  	_ =	shalt  }
0x7b: {  	_ =	shalt  }
0x7c: {  	_ =	shalt  }
0x7d: {  	_ =	shalt  }
0x7e: {  	_ =	shalt  }
0x7f: {  	_ =	shalt  }
0x80: {  	_ =	shalt  }
0x81: {  	_ =	shalt  }
0x82: {  	_ =	shalt  }
0x83: {  	_ =	shalt  }
0x84: {  	_ =	shalt  }
0x85: {  	_ =	shalt  }
0x86: {  	_ =	shalt  }
0x87: {  	_ =	shalt  }
.Lfunc_end0:
.L_simem_size_0:
called_computation_lowered:
.L_overlay_start_0:
0x88: {  	s2 =	sld [smem:$0x3FD9]  }
0x89: {  	s3 =	sld [smem:$0x3FFE];
	_ =	sdelay $0x1  }
0x8a: {  	s1 =	srdreg.scid  }
0x8b: {  	s0 =	sand.u32 $0x1, s1  }
0x8c: {  	s17 =	sshll.u32 s0, $0xA;
	s2 =	sadd.s32 s3, s2  }
0x8d: {  	s2 =	sadd.s32 s2, s17  }
0x8e: {  	[smem:$0x3FC2] =	sst s2  }
0x8f: {  	_ = 	snop  }
0x90: {  	s2 =	sld [smem:$0x3FC6]  }
0x91: {  	s18 =	sld [smem:$0x3FD0];
	(tm) =	ssettm $0x1  }
0x92: {  	s4 =	sld [smem:$0x3FFB];
	_ =	sdelay $0x3  }
0x93: {  	_ =	strace s4  }
0x94: {  	s4 =	sld [smem:$0x3FFC];
	_ =	sdelay $0x3  }
0x95: {  	_ =	strace s4  }
0x96: {  	s4 =	sld [smem:$0x3FFD];
	_ =	sdelay $0x3  }
0x97: {  	_ =	strace s4  }
0x98: {  	_ =	strace $0x8FFFFFFF  }
0x99: {  	s19 =	sld [smem:$0x3FDB];
	_ =	sdelay $0x1  }
0x9a: {  	s5 =	simm.s32 $_scs_section_size  }
0x9b: {  	s6 =	simm.s32 $_size__tile_overlayer_lowered;
	s7 =	simm.s32 $_tile_overlayer_lowered  }
0x9c: {  	s22 =	simm.s32 $0x1BFF;
	s21 =	sshll.u32 s7, $0x1;
	s4 =	sadd.s32 s5, s19  }
0x9d: {  	s8 =	simm.s32 $0x0;
	s20 =	sshll.u32 s6, $0x1;
	s6 =	sadd.s32 s21, s4  }
0x9e: {  	[timem:s8], [sflag:s22] =	dma.local [hbm:s6], s20  }
0x9f: {  	_ =	swait.ge [sflag:s22], s20  }
0xa0: {  	s5 =	ssub.s32 $0x0, s20;
	[sflag:s22] =	ssyncset.done $0x0  }
0xa1: {  	[sflag:s22] =	ssyncadd.s32 s5;
	_ =	sdelay $0x1  }
0xa2: {  	s23 =	simm.s32 $0x1B8B  }
0xa3: {  	_ =	swait.ge [sflag:s23], $0x1  }
0xa4: {  	[sflag:s23] =	ssyncset.done $0x0  }
0xa5: {  	s25 =	simm.s32 $0x1B8E;
	s24 =	sld [smem:$0x3FFE];
	[sflag:s23] =	ssyncadd.s32 $0xFFFFFFFF  }
0xa6: {  	s26 =	simm.s32 $execute0_lowered;
	[smem:$0x3FD2] =	sst s25  }
0xa7: {  	s6 =	sshll.u32 s26, $0x1;
	_ =	strace $0x80000046;
	[dreg:$0x1] =	wrdreg $0xFFFFFFFF  }
0xa8: {  	s28 =	simm.s32 $_size_execute0_lowered;
	s4 =	sadd.s32 s4, s6;
	[dreg:$0x0] =	wrdreg $0x0  }
0xa9: {  	s6 =	sshll.u32 s28, $0x1;
	[dreg:$0x2] =	wrdreg s4  }
0xaa: {  	[dreg:$0x3] =	wrdreg s6  }
0xab: {  	[dreg:$0x4] =	wrdreg $0xC0  }
0xac: {  	_ =	task [dreg:s8], $0x5FFFF  }
0xad: {  	[dreg:$0x1] =	wrdreg $0xFFFFFFFF  }
0xae: {  	[dreg:$0x0] =	wrdreg $0x60  }
0xaf: {  	[dreg:$0x2] =	wrdreg s18  }
0xb0: {  	[dreg:$0x3] =	wrdreg s24  }
0xb1: {  	[dreg:$0x4] =	wrdreg s2  }
0xb2: {  	[dreg:$0x5] =	wrdreg $0x9  }
0xb3: {  	_ =	task.clear_ibuf [dreg:s8], $0x6FFFF;
	_ =	strace $0x90000046  }
0xb4: {  	s29 =	simm.s32 $0x9;
	_ =	strace $0x80000048  }
0xb5: {  	_ =	swait.ge [sflag:s29], $0x1  }
0xb6: {  	[sflag:s29] =	ssyncadd.s32 $0xFFFFFFFF  }
0xb7: {  	_ =	strace $0x90000048  }
0xb8: {  	_ =	sfence  }
0xb9: {  	s30 =	sld [smem:$0x0];
	_ =	sdelay $0x2  }
0xba: {  	s31 =	sshll.u32 s1, $0xD;
	s1 =	sshrl.u32 s1, $0x2  }
0xbb: {  	s3 =	sand.u32 $0x4000, s31;
	s1 =	sadd.s32 s1, s30  }
0xbc: {  	s0 =	sor.u32 s3, s0;
	s1 =	sshll.u32 s1, $0x11  }
0xbd: {  	s0 =	sor.u32 s1, s0  }
0xbe: {  	s0 =	sadd.s32 $0x8F2B, s0  }
0xbf: {  	[sflag:s0] =	ssyncadd.remote.s32 $0x1  }
0xc0: {  	_ =	sfence.sel $0xFFFF  }
0xc1: {  	[dreg:$0x0] =	wrdreg $0xFFFFFFFF;
	(pc) =	sbr.abs _section_cstart, $3  }
0xc2: {  	[dreg:$0x1] =	wrdreg $0xFFFFFFFF  }
0xc3: {  	_ =	task.clear_ibuf [dreg:s8], $0x2FFFF;
	_ =	strace $0x9FFFFFFF  }
0xc4: {  	(tm) =	ssettm $0x7FFFFFFF  }
0xc5: {  	_ =	shalt  }
tec
execute0_lowered:
.L_overlay_start_1:
0x0: {  	(tag) =	ssettag $0x1  }
0x1: {  	v57 =	vlaneseq.u32;
	v1 =	vimm.s32 $0x14131211;
	v14 =	vimm.s32 $0x18171615  }
0x2: {  	vm0 =	vcmask $0x1F10;
	v16 =	vimm.s32 $0x1C1B1A19;
	v17 =	vimm.s32 $0x1F1E1D  }
0x3: {  	v39 =	vimm.s32 $0x15141312;
	v42 =	vimm.s32 $0x19181716;
	v18 =	vimm.s32 $0x1D1C1B1A  }
0x4: {  	v43 =	vimm.s32 $0x1001F1E;
	v44 =	vimm.s32 $0x16151413;
	v45 =	vimm.s32 $0x1A191817  }
0x5: {  	v46 =	vimm.s32 $0x1E1D1C1B;
	v47 =	vimm.s32 $0x201001F;
	v48 =	vimm.s32 $0x3020100  }
0x6: {  	v49 =	vimm.s32 $0x1F1E1D1C;
	v50 =	vimm.s32 $0x17161514;
	v31 =	vimm.s32 $0x1B1A1918  }
0x7: {  	v51 =	vimm.s32 $0x4030201;
	v36 =	vimm.s32 $0x5040302;
	v52 =	vimm.s32 $0x6050403  }
0x8: {  	v55 =	vimm.s32 $0x87654321;
	v58 =	vimm.s32 $0x98765432;
	v60 =	vimm.s32 $0xA9876543  }
0x9: {  	v62 =	vimm.s32 $0x32107654;
	vm1 =	vcmask $0x2F10;
	vm2 =	vcmask $0x3F30  }
0xa: {  	v12 =	vadd.s32 $0xA, v57;
	v1 =	vunpack.c.0.s8.s32 v1;
	v20 =	vunpack.c.0.s8.s32 v14  }
0xb: {  	v21 =	vunpack.c.0.s8.s32 v16;
	v23 =	vunpack.c.0.s8.s32 v17;
	v40 =	vunpack.c.0.s8.s32 v39  }
0xc: {  	v22 =	vunpack.c.0.s8.s32 v42;
	v24 =	vunpack.c.0.s8.s32 v18;
	v26 =	vunpack.c.0.s8.s32 v43  }
0xd: {  	v19 =	vunpack.c.0.s8.s32 v44;
	v25 =	vunpack.c.0.s8.s32 v45;
	v29 =	vunpack.c.0.s8.s32 v46  }
0xe: {  	v32 =	vunpack.c.0.s8.s32 v47;
	v30 =	vunpack.c.0.s8.s32 v49;
	v34 =	vunpack.c.0.s8.s32 v50  }
0xf: {  	v31 =	vunpack.c.0.s8.s32 v31;
	v35 =	vunpack.c.0.s8.s32 v51;
	v56 =	vunpack.c.l.s4.s8 v55  }
0x10: {  	v59 =	vunpack.c.l.s4.s8 v58;
	v1 =	vsel vm0, v20, v1;
	v27 =	vsel vm0, v23, v21  }
0x11: {  	v28 =	vsel vm0, v26, v24;
	v16 =	vcombine.low v1, v27;
	v1 =	vsel vm0, v22, v40  }
0x12: {  	v17 =	vcombine.low v1, v28;
	v1 =	vsel vm0, v25, v19;
	v19 =	vunpack.c.0.s8.s32 v48  }
0x13: {  	v61 =	vunpack.c.l.s4.s8 v60;
	v42 =	vimm.s32 $0x43218765;
	v33 =	vsel vm0, v32, v29  }
0x14: {  	v34 =	vsel vm0, v31, v34;
	v18 =	vcombine.low v1, v33;
	v1 =	vsel vm0, v19, v30  }
0x15: {  	v20 =	vsel vm0, v21, v20;
	v19 =	vcombine.low v34, v1;
	v1 =	vunpack.c.0.s8.s32 v36  }
0x16: {  	v21 =	vsel vm0, v24, v22;
	v22 =	vimm.s32 $0x76543210;
	v34 =	vunpack.c.0.s8.s32 v52  }
0x17: {  	v45 =	vimm.s32 $0xB0A0908;
	v54 =	vunpack.c.l.s4.s8 v22;
	v1 =	vsel vm0, v1, v26  }
0x18: {  	v53 =	vsel vm0, v29, v25;
	v21 =	vcombine.low v21, v1;
	v1 =	vsel vm0, v34, v32  }
0x19: {  	v46 =	vimm.s32 $0x54329876;
	v22 =	vcombine.low v53, v1;
	v1 =	vunpack.c.0.s8.s32 v54  }
0x1a: {  	v47 =	vimm.s32 $0xC0B0A09;
	v31 =	vsel vm0, v30, v31;
	v29 =	vunpack.c.l.s4.s8 v62  }
0x1b: {  	v2 =	vunpack.c.0.s8.s32 v61;
	v25 =	vcombine.low v31, v1;
	v31 =	vunpack.c.l.s4.s8 v42  }
0x1c: {  	v51 =	vimm.s32 $0x6543A987;
	v49 =	vunpack.c.0.s8.s32 v47;
	v35 =	vsel vm0, v35, v23  }
0x1d: {  	v29 =	vunpack.c.0.s8.s32 v29;
	v39 =	vand.u32 $0xF, v2;
	v31 =	vunpack.c.0.s8.s32 v31  }
0x1e: {  	v0 =	vunpack.c.0.s8.s32 v56;
	v14 =	vcombine.low v33, v39;
	v33 =	vunpack.c.l.s4.s8 v46  }
0x1f: {  	v56 =	vimm.s32 $0x10FEDCBA;
	v43 =	vand.u32 $0xF, v29;
	v48 =	vand.u32 $0xF, v31  }
0x20: {  	v50 =	vunpack.c.0.s8.s32 v33;
	v52 =	vimm.s32 $0xFEDCBA9;
	v23 =	vsel vm1, v48, v23  }
0x21: {  	v33 =	vunpack.c.l.s4.s8 v52;
	v29 =	vsel vm2, v49, v23;
	v23 =	vunpack.c.l.s4.s8 v51  }
0x22: {  	v55 =	vimm.s32 $0xE0D0C0B;
	v63 =	vunpack.c.0.s8.s32 v59;
	v58 =	vunpack.c.l.s4.s8 v56  }
0x23: {  	v34 =	vand.u32 $0xF, v0;
	v31 =	vunpack.c.0.s8.s32 v33;
	v23 =	vunpack.c.0.s8.s32 v23  }
0x24: {  	v20 =	vcombine.low v20, v35;
	v39 =	vunpack.c.0.s8.s32 v58;
	v27 =	vcombine.low v27, v34  }
0x25: {  	v34 =	vunpack.c.0.s8.s32 v55;
	v59 =	vcombine.low v0, v31;
	v23 =	vand.u32 $0xF, v23  }
0x26: {  	v35 =	vand.u32 $0xF, v63;
	v62 =	vcombine.low v63, v39;
	v23 =	vsel vm1, v23, v32  }
0x27: {  	[tilespmem:$0x1FC50] =	vst v0;
	v0 =	vand.u32 $0xF, v59;
	v34 =	vsel vm2, v34, v23;
	v23 =	vimm.s32 $0x2C2B2A29  }
0x28: {  	v40 =	vcombine.low v28, v35;
	[tilespmem:$0x1FC60] =	vst v0;
	v0 =	vunpack.c.0.s8.s32 v23;
	v23 =	vimm.s32 $0x202F2E2D  }
0x29: {  	[tilespmem:$0x1FC70] =	vst v63;
	v44 =	vsel vm1, v43, v30;
	v63 =	vunpack.c.0.s8.s32 v23;
	v23 =	vand.u32 $0xF, v62  }
0x2a: {  	v30 =	vunpack.c.0.s8.s32 v45;
	v53 =	vimm.s32 $0xD0C0B0A;
	[tilespmem:$0x1FC80] =	vst v23;
	v23 =	vimm.s32 $0x2D2C2B2A  }
0x2b: {  	v24 =	vand.u32 $0xF, v50;
	v54 =	vunpack.c.0.s8.s32 v53;
	v23 =	vunpack.c.0.s8.s32 v23  }
0x2c: {  	v28 =	vmovc v12;
	v12 =	vsel vm2, v30, v44;
	v44 =	vimm.s32 $0x21202F2E;
	v24 =	vsel vm1, v24, v26  }
0x2d: {  	v45 =	vimm.s32 $0x25242322;
	v24 =	vsel vm2, v54, v24;
	[tilespmem:$0x1FC90] =	vst v23;
	v23 =	vunpack.c.0.s8.s32 v44  }
0x2e: {  	[tilespmem:$0x1FC40] =	vst v24;
	v24 =	vunpack.c.0.s8.s32 v45  }
0x2f: {  	v53 =	vimm.s32 $0xFEDCBA98;
	[tilespmem:$0x1FCA0] =	vst v23;
	v23 =	vimm.s32 $0x210FEDCB  }
0x30: {  	[tilespmem:$0x1FCB0] =	vst v24;
	v24 =	vunpack.c.l.s4.s8 v53;
	v23 =	vunpack.c.l.s4.s8 v23;
	_ =	sdelay $0x1  }
0x31: {  	v46 =	vimm.s32 $0x29282726;
	v24 =	vunpack.c.0.s8.s32 v24;
	v23 =	vunpack.c.0.s8.s32 v23  }
0x32: {  	[tilespmem:$0x1FC30] =	vst v2;
	v47 =	vunpack.c.0.s8.s32 v46;
	v48 =	vimm.s32 $0x2E2D2C2B  }
0x33: {  	s9 =	rddreg [dreg:$0x0];
	v24 =	vand.u32 $0xF, v24;
	[tilespmem:$0x1FCD0] =	vst v23;
	v23 =	vunpack.c.0.s8.s32 v48  }
0x34: {  	s0 =	rddreg [dreg:$0x1];
	s2 =	simm.s32 $0x0;
	[tilespmem:$0x1FCC0] =	vst v47;
	v1 =	vcombine.low v24, v1  }
0x35: {  	[smem:$0x7FF] =	sst s2;
	[tilespmem:$0x1FCE0] =	vst v23  }
0x36: {  	s1 =	rddreg [dreg:$0x2];
	v60 =	vimm.s32 $0x24232221;
	_ =	strace $0x80000047;
	[tilespmem:$0x1FD80] =	vst v1  }
0x37: {  	v61 =	vimm.s32 $0x28272625;
	v42 =	vunpack.c.0.s8.s32 v60;
	[tilespmem:$0x1FDF0] =	vst v0  }
0x38: {  	v43 =	vunpack.c.0.s8.s32 v61;
	[tilespmem:$0x1FE00] =	vst v63  }
0x39: {  	[tilespmem:$0x1FE10] =	vst v42  }
0x3a: {  	[tilespmem:$0x1FE20] =	vst v43  }
0x3b: {  	[tilespmem:$0x1FE70] =	vst v31  }
0x3c: {  	[tilespmem:$0x1FE80] =	vst v39  }
0x3d: {  	[tilespmem:$0x1FE90] =	vst v34  }
0x3e: {  	[tilespmem:$0x1FEA0] =	vst v40  }
0x3f: {  	[tilespmem:$0x1FEB0] =	vst v14  }
0x40: {  	[tilespmem:$0x1FEC0] =	vst v25  }
0x41: {  	[tilespmem:$0x1FED0] =	vst v29  }
0x42: {  	[tilespmem:$0x1FEE0] =	vst v21  }
0x43: {  	[tilespmem:$0x1FEF0] =	vst v27  }
0x44: {  	v23 =	vimm.s32 $0x2221202F;
	[tilespmem:$0x1FF00] =	vst v12  }
0x45: {  	v23 =	vunpack.c.0.s8.s32 v23;
	[tilespmem:$0x1FF10] =	vst v19  }
0x46: {  	v49 =	vimm.s32 $0x26252423;
	[tilespmem:$0x1FF20] =	vst v22  }
0x47: {  	[tilespmem:$0x1FCF0] =	vst v23;
	v23 =	vunpack.c.0.s8.s32 v49  }
0x48: {  	v52 =	vimm.s32 $0x2A292827;
	v50 =	vimm.s32 $0x3210FEDC;
	[tilespmem:$0x1FF30] =	vst v17  }
0x49: {  	v26 =	vunpack.c.l.s4.s8 v50;
	[tilespmem:$0x1FD00] =	vst v23;
	v23 =	vunpack.c.0.s8.s32 v52  }
0x4a: {  	v51 =	vimm.s32 $0xBA987654;
	[tilespmem:$0x1FF40] =	vst v20  }
0x4b: {  	v38 =	vadd.s32 $0xE, v57;
	v32 =	vunpack.c.l.s4.s8 v51;
	[tilespmem:$0x1FD10] =	vst v23;
	v23 =	vunpack.c.0.s8.s32 v26  }
0x4c: {  	[tilespmem:$0x1FF50] =	vst v38  }
0x4d: {  	[tilespmem:$0x1FD20] =	vst v23;
	v23 =	vunpack.c.0.s8.s32 v32  }
0x4e: {  	v37 =	vadd.s32 $0xC, v57;
	[tilespmem:$0x1FF60] =	vst v18  }
0x4f: {  	v2 =	vmov v37;
	[tilespmem:$0x1FD30] =	vst v23;
	v23 =	vimm.s32 $0x2F2E2D2C  }
0x50: {  	[tilespmem:$0x1FF70] =	vst v2;
	v23 =	vunpack.c.0.s8.s32 v23  }
0x51: {  	[tilespmem:$0x1FF80] =	vst v16  }
0x52: {  	[tilespmem:$0x1FD40] =	vst v23;
	v23 =	vimm.s32 $0x23222120  }
0x53: {  	v15 =	vadd.s32 $0xD, v57;
	[tilespmem:$0x1FF90] =	vst v28;
	v23 =	vunpack.c.0.s8.s32 v23  }
0x54: {  	v54 =	vimm.s32 $0x27262524;
	[tilespmem:$0x1FFA0] =	vst v15  }
0x55: {  	v10 =	vadd.s32 $0x8, v57;
	[tilespmem:$0x1FD50] =	vst v23;
	v23 =	vunpack.c.0.s8.s32 v54  }
0x56: {  	v55 =	vimm.s32 $0x2B2A2928;
	[tilespmem:$0x1FFB0] =	vst v10  }
0x57: {  	s3 =	srdreg.scid;
	s4 =	stileid.u32;
	v13 =	vadd.s32 $0xB, v57;
	[tilespmem:$0x1FD60] =	vst v23;
	v23 =	vunpack.c.0.s8.s32 v55  }
0x58: {  	s15 =	simm.s32 $0x400;
	s17 =	simm.s32 $0x2400;
	s19 =	simm.s32 $0x100;
	[tilespmem:$0x1FFC0] =	vst v13  }
0x59: {  	s21 =	simm.s32 $0x1;
	s22 =	simm.s32 $0x3400;
	s28 =	simm.s32 $0x13C00;
	v11 =	vadd.s32 $0x9, v57;
	[tilespmem:$0x1FD70] =	vst v23;
	v23 =	vimm.s32 $0x43210FED  }
0x5a: {  	s30 =	simm.s32 $0x800;
	s18 =	simm.s32 $0x17400;
	s10 =	simm.s32 $0x1AC00;
	v7 =	vadd.s32 $0x5, v57;
	v9 =	vadd.s32 $0x7, v57;
	[tilespmem:$0x1FFD0] =	vst v11;
	v23 =	vunpack.c.l.s4.s8 v23  }
0x5b: {  	s29 =	simm.s32 $0x3;
	s31 =	simm.s32 $0x4;
	s11 =	simm.s32 $0x5;
	v56 =	vimm.s32 $0xCBA98765;
	v1 =	vimm.s32 $0xEDCBA987;
	v0 =	vsel vm0, v63, v0;
	[tilespmem:$0x1FFE0] =	vst v9  }
0x5c: {  	s14 =	simm.s32 $0x6;
	s3 =	sand.u32 $0x1, s3;
	s5 =	sadd.s32 $0xC00, s0;
	v63 =	vor.u32 $0x20, v57;
	[tilespmem:$0x1FFF0] =	vst v7;
	v26 =	vunpack.c.l.s4.s8 v56;
	v23 =	vunpack.c.0.s8.s32 v23  }
0x5d: {  	s4 =	sshll.u32 s4, $0x1;
	s6 =	sadd.s32 $0x800, s0;
	s7 =	sadd.s32 $0x600, s0;
	v58 =	vimm.s32 $0x543210FE;
	v1 =	vunpack.c.l.s4.s8 v1;
	[tilespmem:$0x1FE30] =	vst v63  }
0x5e: {  	s8 =	sadd.s32 $0x19C00, s0;
	s4 =	sor.u32 s3, s4;
	s3 =	ssub.s32 $0x2, s3;
	v32 =	vunpack.c.l.s4.s8 v58;
	[tilespmem:$0x1FD90] =	vst v23;
	v23 =	vunpack.c.0.s8.s32 v26  }
0x5f: {  	s13 =	sadd.s32 $0x19C80, s0;
	s23 =	smul.u32 $0xC80, s4;
	s24 =	sshrl.u32 s3, $0x1;
	v59 =	vimm.s32 $0xDCBA9876;
	[tilespmem:$0x1FE40] =	vst v0;
	v1 =	vunpack.c.0.s8.s32 v1  }
0x60: {  	s4 =	sshll.u32 s4, $0x7;
	s3 =	ssub.s32 s3, s24;
	v61 =	vunpack.c.l.s4.s8 v59;
	[dreg:$0x4] =	wrdreg s6;
	[tilespmem:$0x1FDA0] =	vst v23;
	v23 =	vunpack.c.0.s8.s32 v32  }
0x61: {  	s12 =	smov.u32 s4;
	s25 =	sadd.s32 s9, s23;
	v60 =	vimm.s32 $0x6543210F;
	[dreg:$0x5] =	wrdreg s7;
	[tilespmem:$0x1FDE0] =	vst v1  }
0x62: {  	s4 =	sadd.s32 $0x80, s4;
	s24 =	simm.s32 $0x10400;
	v62 =	vunpack.c.l.s4.s8 v60;
	[dreg:$0x6] =	wrdreg s25;
	v1 =	vsel vm0, v43, v42;
	[tilespmem:$0x1FDB0] =	vst v23;
	v23 =	vunpack.c.0.s8.s32 v61  }
0x63: {  	s26 =	smax.u32 s3, $0x1;
	s3 =	simm.s32 $0x9C00;
	[dreg:$0x8] =	wrdreg s4;
	[tilespmem:$0x1FE50] =	vst v1;
	v0 =	vcombine.low v1, v0  }
0x64: {  	v41 =	vmul.u32 $0x80, v57;
	v3 =	vadd.s32 $0x1, v57;
	s9 =	simm.s32 $0x0;
	s6 =	sadd.s32 s5, s23;
	[dreg:$0x9] =	wrdreg s26;
	[tilespmem:$0x1FDC0] =	vst v23;
	v23 =	vunpack.c.0.s8.s32 v62  }
0x65: {  	v4 =	vadd.s32 $0x2, v57;
	v5 =	vadd.s32 $0x3, v57;
	v6 =	vadd.s32 $0x4, v57;
	s23 =	simm.s32 $0x60;
	s25 =	simm.s32 $0x68;
	s26 =	simm.s32 $0x6800;
	[tilespmem:$0x1FE60] =	vst v0  }
0x66: {  	v8 =	vadd.s32 $0x6, v57;
	v35 =	vadd.s32 $0xF, v57;
	s4 =	simm.s32 $0x2;
	s7 =	simm.s32 $0xD000;
	[dreg:$0x7] =	wrdreg s6;
	[tilespmem:$0x1FDD0] =	vst v23;
	v23 =	vor.u32 $0x10, v57  }
.LBB2_1:
0x67: {  	[dreg:$0xa] =	wrdreg s9  }
0x68: {  	s0 =	rddreg [dreg:$0x4];
	s6 =	simm.s32 $0xB  }
0x69: {  	[tilespmem:s15], [sflag:$0xB] =	stream.linear.gather [hbm4b:s0+s2], $0x2000, $0x38;
	[tilespmem:$0x1E400] =	vst v63  }
0x6a: {  	_ =	swait.ge [sflag:s6], $0x2000  }
0x6b: {  	[sflag:s6] =	ssyncset.done $0x0  }
0x6c: {  	s20 =	rddreg [dreg:$0x5];
	[sflag:s6] =	ssyncadd.s32 $0xFFFFE000  }
0x6d: {  	[tilespmem:s17], [sflag:$0xB] =	stream.linear.gather [hbm4b:s20+s2], $0x1000, $0x38;
	[tilespmem:$0x1E400] =	vst v63  }
0x6e: {  	_ =	swait.ge [sflag:s6], $0x1000  }
0x6f: {  	[sflag:s6] =	ssyncset.done $0x0  }
0x70: {  	s9 =	rddreg [dreg:$0x6];
	[sflag:s6] =	ssyncadd.s32 $0xFFFFF000  }
0x71: {  	[tilespmem:s2], [sflag:$0x1] =	stream.linear.gather [hbm4b:s9+s2], $0xC8, $0x38;
	[tilespmem:$0x1E400] =	vst v63  }
0x72: {  	s20 =	simm.s32 $0x200;
	s16 =	rddreg [dreg:$0x7]  }
0x73: {  	[tilespmem:s20], [sflag:$0x1] =	stream.linear.gather [hbm4b:s16+s2], $0xC8, $0x38;
	[tilespmem:$0x1E400] =	vst v63  }
0x74: {  	s16 =	simm.s32 $0x0  }
.LBB2_2:
0x75: {  	s0 =	sshll.u32 s16, $0x1  }
0x76: {  	s6 =	sadd.s32 s12, s0  }
0x77: {  	s20 =	sor.u32 $0x1, s6  }
0x78: {  	s0 =	smul.u32 $0x19, s20  }
0x79: {  	s9 =	rddreg [dreg:$0x0]  }
0x7a: {  	s9 =	sadd.s32 s9, s0  }
0x7b: {  	[tilespmem:s19], [sflag:$0x2] =	stream.linear.gather [hbm4b:s9+s2], $0xC8, $0x38;
	[tilespmem:$0x1E400] =	vst v63  }
0x7c: {  	s0 =	sadd.s32 s5, s0;
	s9 =	simm.s32 $0x300  }
0x7d: {  	[tilespmem:s9], [sflag:$0x2] =	stream.linear.gather [hbm4b:s0+s2], $0xC8, $0x38;
	[tilespmem:$0x1E400] =	vst v63  }
0x7e: {  	_ =	swait.ge [sflag:s21], $0xC8  }
0x7f: {  	[sflag:s21] =	ssyncset.done $0x0  }
0x80: {  	[sflag:s21] =	ssyncadd.s32 $0xFFFFFF38  }
0x81: {  	_ =	swait.ge [sflag:s21], $0xC8  }
0x82: {  	p0 =	seq.s32 s16, $0x0;
	[sflag:s21] =	ssyncset.done $0x0  }
0x83: {  	s0 =	simm.s32 @!p0 $0x7;
	[sflag:s21] =	ssyncadd.s32 $0xFFFFFF38  }
0x84: {  	_ =	swait.ge @!p0 [sflag:s0], $0x3000  }
0x85: {  	[sflag:s0] =	ssyncset.done @!p0 $0x0  }
0x86: {  	[sflag:s0] =	ssyncadd.s32 @!p0 $0xFFFFD000  }
0x87: {  	_ =	swait.ge @!p0 [sflag:s0], $0x3000  }
0x88: {  	v2 =	vld [tilespmem:$0x1FC30]  }
0x89: {  	v34 =	vld [tilespmem:$0x1FC40]  }
0x8a: {  	v31 =	vld [tilespmem:$0x1FC90]  }
0x8b: {  	v33 =	vld [tilespmem:$0x1FCA0]  }
0x8c: {  	v28 =	vld [tilespmem:$0x1FCB0]  }
0x8d: {  	v29 =	vld [tilespmem:$0x1FCC0]  }
0x8e: {  	v25 =	vld [tilespmem:$0x1FCD0]  }
0x8f: {  	v27 =	vld [tilespmem:$0x1FCE0]  }
0x90: {  	v21 =	vld [tilespmem:$0x1FCF0]  }
0x91: {  	v22 =	vld [tilespmem:$0x1FD00]  }
0x92: {  	v19 =	vld [tilespmem:$0x1FD10]  }
0x93: {  	v20 =	vld [tilespmem:$0x1FD20]  }
0x94: {  	v17 =	vld [tilespmem:$0x1FD30]  }
0x95: {  	v18 =	vld [tilespmem:$0x1FD40]  }
0x96: {  	v15 =	vld [tilespmem:$0x1FD50]  }
0x97: {  	v16 =	vld [tilespmem:$0x1FD60]  }
0x98: {  	v13 =	vld [tilespmem:$0x1FD70]  }
0x99: {  	v14 =	vld [tilespmem:$0x1FD90]  }
0x9a: {  	v11 =	vld [tilespmem:$0x1FDA0]  }
0x9b: {  	v12 =	vld [tilespmem:$0x1FDB0]  }
0x9c: {  	[sflag:s0] =	ssyncset.done @!p0 $0x0;
	v9 =	vld [tilespmem:$0x1FDC0]  }
0x9d: {  	s9 =	simm.s32 $0x200;
	v10 =	vld [tilespmem:$0x1FDD0];
	[sflag:s0] =	ssyncadd.s32 @!p0 $0xFFFFD000;
	s0 =	simm.s32 $0x0  }
0x9e: {  	v7 =	vld [tilespmem:$0x1FDE0];
	[tilespmem:s22], [sflag:$0x3] =	stream.indirect.gather [hbm4b:s1+s23], $0x80, s0, s23, $0xb8  }
.LBB2_3:
0x9f: {  	v24 =	vld [tilespmem:s9+$0x0];
	_ =	sdelay $0x4  }
0xa0: {  	v1 =	vshll.u32 v24, $0x2  }
0xa1: {  	v26 =	vand.u32 $0x1F80, v1  }
0xa2: {  	v32 =	vor.u32 v57, v26;
	_ =	sdelay $0x1  }
0xa3: {  	v1 =	vmov s0  }
0xa4: {  	v1 =	vshll.u32 v1, $0x7  }
0xa5: {  	v1 =	vor.u32 v41, v1  }
0xa6: {  	v36 =	vor.u32 v57, v1;
	v32 =	vld.idx.msk [tilespmem:v32+s15+$0x0], $0xffff  }
0xa7: {  	v39 =	vor.u32 v3, v26;
	_ =	sdelay $0x3  }
0xa8: {  	[tilespmem:v36+s24+$0x0] =	vst.idx.msk $0xffff, v32  }
0xa9: {  	v51 =	vor.u32 v3, v1;
	v32 =	vld.idx.msk [tilespmem:v39+s15+$0x0], $0xffff  }
0xaa: {  	v52 =	vor.u32 v4, v26;
	_ =	sdelay $0x3  }
0xab: {  	[tilespmem:v51+s24+$0x0] =	vst.idx.msk $0xffff, v32  }
0xac: {  	v53 =	vor.u32 v4, v1;
	v32 =	vld.idx.msk [tilespmem:v52+s15+$0x0], $0xffff  }
0xad: {  	v54 =	vor.u32 v5, v26;
	_ =	sdelay $0x3  }
0xae: {  	[tilespmem:v53+s24+$0x0] =	vst.idx.msk $0xffff, v32  }
0xaf: {  	v55 =	vor.u32 v5, v1;
	v32 =	vld.idx.msk [tilespmem:v54+s15+$0x0], $0xffff  }
0xb0: {  	v56 =	vor.u32 v6, v26  }
0xb1: {  	v0 =	vld [tilespmem:$0x1FFF0];
	_ =	sdelay $0x2  }
0xb2: {  	[tilespmem:v55+s24+$0x0] =	vst.idx.msk $0xffff, v32  }
0xb3: {  	v58 =	vor.u32 v6, v1;
	v32 =	vld.idx.msk [tilespmem:v56+s15+$0x0], $0xffff  }
0xb4: {  	v59 =	vor.u32 v0, v26;
	_ =	sdelay $0x3  }
0xb5: {  	[tilespmem:v58+s24+$0x0] =	vst.idx.msk $0xffff, v32  }
0xb6: {  	v60 =	vor.u32 v0, v1;
	v32 =	vld.idx.msk [tilespmem:v59+s15+$0x0], $0xffff  }
0xb7: {  	v61 =	vor.u32 v8, v26  }
0xb8: {  	v0 =	vld [tilespmem:$0x1FFE0];
	_ =	sdelay $0x2  }
0xb9: {  	[tilespmem:v60+s24+$0x0] =	vst.idx.msk $0xffff, v32  }
0xba: {  	v62 =	vor.u32 v8, v1;
	v32 =	vld.idx.msk [tilespmem:v61+s15+$0x0], $0xffff  }
0xbb: {  	v63 =	vor.u32 v0, v26  }
0xbc: {  	v42 =	vor.u32 v0, v1;
	v0 =	vld [tilespmem:$0x1FFB0];
	_ =	sdelay $0x2  }
0xbd: {  	[tilespmem:v62+s24+$0x0] =	vst.idx.msk $0xffff, v32  }
0xbe: {  	v32 =	vld.idx.msk [tilespmem:v63+s15+$0x0], $0xffff  }
0xbf: {  	v43 =	vor.u32 v0, v26  }
0xc0: {  	v44 =	vor.u32 v0, v1;
	v0 =	vld [tilespmem:$0x1FFD0];
	_ =	sdelay $0x2  }
0xc1: {  	[tilespmem:v42+s24+$0x0] =	vst.idx.msk $0xffff, v32  }
0xc2: {  	v32 =	vld.idx.msk [tilespmem:v43+s15+$0x0], $0xffff  }
0xc3: {  	v45 =	vor.u32 v0, v26  }
0xc4: {  	v46 =	vor.u32 v0, v1;
	v0 =	vld [tilespmem:$0x1FF90];
	_ =	sdelay $0x2  }
0xc5: {  	[tilespmem:v44+s24+$0x0] =	vst.idx.msk $0xffff, v32  }
0xc6: {  	v32 =	vld.idx.msk [tilespmem:v45+s15+$0x0], $0xffff  }
0xc7: {  	v47 =	vor.u32 v0, v26  }
0xc8: {  	v48 =	vor.u32 v0, v1;
	v0 =	vld [tilespmem:$0x1FFC0];
	_ =	sdelay $0x2  }
0xc9: {  	[tilespmem:v46+s24+$0x0] =	vst.idx.msk $0xffff, v32  }
0xca: {  	v32 =	vld.idx.msk [tilespmem:v47+s15+$0x0], $0xffff  }
0xcb: {  	v49 =	vor.u32 v0, v26  }
0xcc: {  	v50 =	vor.u32 v0, v1;
	v0 =	vld [tilespmem:$0x1FF70];
	_ =	sdelay $0x2  }
0xcd: {  	[tilespmem:v48+s24+$0x0] =	vst.idx.msk $0xffff, v32  }
0xce: {  	v32 =	vld.idx.msk [tilespmem:v49+s15+$0x0], $0xffff  }
0xcf: {  	v51 =	vor.u32 v0, v26  }
0xd0: {  	v52 =	vor.u32 v0, v1;
	v0 =	vld [tilespmem:$0x1FFA0];
	_ =	sdelay $0x2  }
0xd1: {  	[tilespmem:v50+s24+$0x0] =	vst.idx.msk $0xffff, v32  }
0xd2: {  	v32 =	vld.idx.msk [tilespmem:v51+s15+$0x0], $0xffff  }
0xd3: {  	v53 =	vor.u32 v0, v26  }
0xd4: {  	v54 =	vor.u32 v0, v1;
	v0 =	vld [tilespmem:$0x1FF50];
	_ =	sdelay $0x2  }
0xd5: {  	[tilespmem:v52+s24+$0x0] =	vst.idx.msk $0xffff, v32  }
0xd6: {  	v32 =	vld.idx.msk [tilespmem:v53+s15+$0x0], $0xffff  }
0xd7: {  	v55 =	vor.u32 v0, v26;
	_ =	sdelay $0x3  }
0xd8: {  	[tilespmem:v54+s24+$0x0] =	vst.idx.msk $0xffff, v32  }
0xd9: {  	v56 =	vor.u32 v0, v1;
	v32 =	vld.idx.msk [tilespmem:v55+s15+$0x0], $0xffff  }
0xda: {  	v58 =	vor.u32 v35, v26;
	_ =	sdelay $0x3  }
0xdb: {  	[tilespmem:v56+s24+$0x0] =	vst.idx.msk $0xffff, v32  }
0xdc: {  	v59 =	vor.u32 v35, v1;
	v32 =	vld.idx.msk [tilespmem:v58+s15+$0x0], $0xffff  }
0xdd: {  	v60 =	vor.u32 v23, v26  }
0xde: {  	v0 =	vld [tilespmem:$0x1FF80];
	_ =	sdelay $0x2  }
0xdf: {  	[tilespmem:v59+s24+$0x0] =	vst.idx.msk $0xffff, v32  }
0xe0: {  	v61 =	vor.u32 v23, v1;
	v32 =	vld.idx.msk [tilespmem:v60+s15+$0x0], $0xffff  }
0xe1: {  	v62 =	vor.u32 v0, v26  }
0xe2: {  	v63 =	vor.u32 v0, v1;
	v0 =	vld [tilespmem:$0x1FF30];
	_ =	sdelay $0x2  }
0xe3: {  	[tilespmem:v61+s24+$0x0] =	vst.idx.msk $0xffff, v32  }
0xe4: {  	v32 =	vld.idx.msk [tilespmem:v62+s15+$0x0], $0xffff  }
0xe5: {  	v42 =	vor.u32 v0, v26  }
0xe6: {  	v43 =	vor.u32 v0, v1;
	v0 =	vld [tilespmem:$0x1FF60];
	_ =	sdelay $0x2  }
0xe7: {  	[tilespmem:v63+s24+$0x0] =	vst.idx.msk $0xffff, v32  }
0xe8: {  	v32 =	vld.idx.msk [tilespmem:v42+s15+$0x0], $0xffff  }
0xe9: {  	v44 =	vor.u32 v0, v26  }
0xea: {  	v45 =	vor.u32 v0, v1;
	v0 =	vld [tilespmem:$0x1FF10];
	_ =	sdelay $0x2  }
0xeb: {  	[tilespmem:v43+s24+$0x0] =	vst.idx.msk $0xffff, v32  }
0xec: {  	v32 =	vld.idx.msk [tilespmem:v44+s15+$0x0], $0xffff  }
0xed: {  	v46 =	vor.u32 v0, v26  }
0xee: {  	v47 =	vor.u32 v0, v1;
	v0 =	vld [tilespmem:$0x1FF40];
	_ =	sdelay $0x2  }
0xef: {  	[tilespmem:v45+s24+$0x0] =	vst.idx.msk $0xffff, v32  }
0xf0: {  	v32 =	vld.idx.msk [tilespmem:v46+s15+$0x0], $0xffff  }
0xf1: {  	v48 =	vor.u32 v0, v26  }
0xf2: {  	v49 =	vor.u32 v0, v1;
	v0 =	vld [tilespmem:$0x1FEE0];
	_ =	sdelay $0x2  }
0xf3: {  	[tilespmem:v47+s24+$0x0] =	vst.idx.msk $0xffff, v32  }
0xf4: {  	v32 =	vld.idx.msk [tilespmem:v48+s15+$0x0], $0xffff  }
0xf5: {  	v50 =	vor.u32 v0, v26  }
0xf6: {  	v51 =	vor.u32 v0, v1;
	v0 =	vld [tilespmem:$0x1FF20];
	_ =	sdelay $0x2  }
0xf7: {  	[tilespmem:v49+s24+$0x0] =	vst.idx.msk $0xffff, v32  }
0xf8: {  	v32 =	vld.idx.msk [tilespmem:v50+s15+$0x0], $0xffff  }
0xf9: {  	v52 =	vor.u32 v0, v26  }
0xfa: {  	v53 =	vor.u32 v0, v1;
	v0 =	vld [tilespmem:$0x1FEC0];
	_ =	sdelay $0x2  }
0xfb: {  	[tilespmem:v51+s24+$0x0] =	vst.idx.msk $0xffff, v32  }
0xfc: {  	v32 =	vld.idx.msk [tilespmem:v52+s15+$0x0], $0xffff  }
0xfd: {  	v54 =	vor.u32 v0, v26  }
0xfe: {  	v55 =	vor.u32 v0, v1;
	v0 =	vld [tilespmem:$0x1FEF0];
	_ =	sdelay $0x2  }
0xff: {  	[tilespmem:v53+s24+$0x0] =	vst.idx.msk $0xffff, v32  }
0x100: {  	v32 =	vld.idx.msk [tilespmem:v54+s15+$0x0], $0xffff  }
0x101: {  	v56 =	vor.u32 v0, v26  }
0x102: {  	v58 =	vor.u32 v0, v1;
	v0 =	vld [tilespmem:$0x1FEA0];
	_ =	sdelay $0x2  }
0x103: {  	[tilespmem:v55+s24+$0x0] =	vst.idx.msk $0xffff, v32  }
0x104: {  	v32 =	vld.idx.msk [tilespmem:v56+s15+$0x0], $0xffff  }
0x105: {  	v59 =	vor.u32 v0, v26  }
0x106: {  	v60 =	vor.u32 v0, v1;
	v0 =	vld [tilespmem:$0x1FEB0];
	_ =	sdelay $0x2  }
0x107: {  	[tilespmem:v58+s24+$0x0] =	vst.idx.msk $0xffff, v32  }
0x108: {  	v32 =	vld.idx.msk [tilespmem:v59+s15+$0x0], $0xffff  }
0x109: {  	v61 =	vor.u32 v0, v26  }
0x10a: {  	v62 =	vor.u32 v0, v1;
	v0 =	vld [tilespmem:$0x1FF00];
	_ =	sdelay $0x2  }
0x10b: {  	[tilespmem:v60+s24+$0x0] =	vst.idx.msk $0xffff, v32  }
0x10c: {  	v32 =	vld.idx.msk [tilespmem:v61+s15+$0x0], $0xffff  }
0x10d: {  	v63 =	vor.u32 v0, v26  }
0x10e: {  	v42 =	vor.u32 v0, v1;
	v0 =	vld [tilespmem:$0x1FED0];
	_ =	sdelay $0x2  }
0x10f: {  	[tilespmem:v62+s24+$0x0] =	vst.idx.msk $0xffff, v32  }
0x110: {  	v32 =	vld.idx.msk [tilespmem:v63+s15+$0x0], $0xffff  }
0x111: {  	v43 =	vor.u32 v0, v26;
	_ =	sdelay $0x3  }
0x112: {  	[tilespmem:v42+s24+$0x0] =	vst.idx.msk $0xffff, v32  }
0x113: {  	v44 =	vor.u32 v0, v1;
	v32 =	vld.idx.msk [tilespmem:v43+s15+$0x0], $0xffff  }
0x114: {  	v45 =	vor.u32 v34, v26  }
0x115: {  	v0 =	vld [tilespmem:$0x1FE90];
	_ =	sdelay $0x2  }
0x116: {  	[tilespmem:v44+s24+$0x0] =	vst.idx.msk $0xffff, v32  }
0x117: {  	v46 =	vor.u32 v34, v1;
	v32 =	vld.idx.msk [tilespmem:v45+s15+$0x0], $0xffff  }
0x118: {  	v26 =	vor.u32 v0, v26;
	_ =	sdelay $0x3  }
0x119: {  	v47 =	vor.u32 v0, v1;
	v0 =	vld [tilespmem:$0x1FE30];
	[tilespmem:v46+s24+$0x0] =	vst.idx.msk $0xffff, v32  }
0x11a: {  	v26 =	vld.idx.msk [tilespmem:v26+s15+$0x0], $0xffff;
	_ =	sdelay $0x1  }
0x11b: {  	v24 =	vshll.u32 v24, $0x7  }
0x11c: {  	v36 =	vand.u32 $0xF80, v24  }
0x11d: {  	v24 =	vor.u32 v57, v36  }
0x11e: {  	[tilespmem:v47+s24+$0x0] =	vst.idx.msk $0xffff, v26;
	v26 =	vor.u32 v0, v1;
	v0 =	vld [tilespmem:$0x1FC60];
	_ =	sdelay $0x3  }
0x11f: {  	v24 =	vld.idx.msk [tilespmem:v24+s17+$0x0], $0xffff  }
0x120: {  	v48 =	vor.u32 v0, v36;
	v0 =	vld [tilespmem:$0x1FE60];
	_ =	sdelay $0x4  }
0x121: {  	[tilespmem:v26+s24+$0x0] =	vst.idx.msk $0xffff, v24;
	v26 =	vor.u32 v0, v1;
	v0 =	vld [tilespmem:$0x1FC80];
	_ =	sdelay $0x3  }
0x122: {  	v24 =	vld.idx.msk [tilespmem:v48+s17+$0x0], $0xffff  }
0x123: {  	v49 =	vor.u32 v0, v36;
	_ =	sdelay $0x1  }
0x124: {  	v52 =	vsel vm0, v33, v31;
	v53 =	vsel vm0, v29, v28  }
0x125: {  	v40 =	vcombine.low v2, v25;
	v30 =	vcombine.low v53, v52  }
0x126: {  	[tilespmem:v26+s24+$0x0] =	vst.idx.msk $0xffff, v24  }
0x127: {  	v40 =	vand.u32 $0xF, v40;
	v50 =	vor.u32 v30, v1;
	v26 =	vld.idx.msk [tilespmem:v49+s17+$0x0], $0xffff  }
0x128: {  	v42 =	vor.u32 v40, v36;
	_ =	sdelay $0x1  }
0x129: {  	v54 =	vsel vm0, v21, v27;
	v55 =	vsel vm0, v19, v22  }
0x12a: {  	v37 =	vld [tilespmem:$0x1FE10];
	v43 =	vcombine.low v17, v20;
	v24 =	vcombine.low v55, v54  }
0x12b: {  	v0 =	vld [tilespmem:$0x1FE00];
	[tilespmem:v50+s24+$0x0] =	vst.idx.msk $0xffff, v26  }
0x12c: {  	v32 =	vand.u32 $0xF, v43;
	v44 =	vor.u32 v24, v1;
	v42 =	vld.idx.msk [tilespmem:v42+s17+$0x0], $0xffff  }
0x12d: {  	v43 =	vor.u32 v32, v36;
	_ =	sdelay $0x1  }
0x12e: {  	v51 =	vld [tilespmem:$0x1FE20];
	v56 =	vsel vm0, v15, v18;
	v58 =	vsel vm0, v13, v16  }
0x12f: {  	v45 =	vcombine.low v11, v14;
	v59 =	vsel vm0, v37, v0;
	v0 =	vld [tilespmem:$0x1FDF0];
	v26 =	vcombine.low v58, v56  }
0x130: {  	[tilespmem:v44+s24+$0x0] =	vst.idx.msk $0xffff, v42  }
0x131: {  	v46 =	vor.u32 v26, v1;
	v42 =	vand.u32 $0xF, v45;
	v44 =	vld.idx.msk [tilespmem:v43+s17+$0x0], $0xffff  }
0x132: {  	v45 =	vor.u32 v42, v36;
	_ =	sdelay $0x1  }
0x133: {  	v60 =	vsel vm0, v0, v51  }
0x134: {  	v47 =	vcombine.low v9, v12;
	v43 =	vcombine.low v60, v59  }
0x135: {  	[tilespmem:v46+s24+$0x0] =	vst.idx.msk $0xffff, v44  }
0x136: {  	v48 =	vor.u32 v43, v1;
	v44 =	vand.u32 $0xF, v47;
	v46 =	vld.idx.msk [tilespmem:v45+s17+$0x0], $0xffff  }
0x137: {  	v47 =	vor.u32 v44, v36;
	_ =	sdelay $0x1  }
0x138: {  	v61 =	vsel vm0, v28, v33;
	v62 =	vsel vm0, v31, v29  }
0x139: {  	v49 =	vcombine.low v7, v10;
	v45 =	vcombine.low v62, v61  }
0x13a: {  	v57 =	vld [tilespmem:$0x1FD80];
	[tilespmem:v48+s24+$0x0] =	vst.idx.msk $0xffff, v46  }
0x13b: {  	v50 =	vor.u32 v45, v1;
	v46 =	vand.u32 $0xF, v49;
	v48 =	vld.idx.msk [tilespmem:v47+s17+$0x0], $0xffff  }
0x13c: {  	v49 =	vor.u32 v46, v36;
	_ =	sdelay $0x1  }
0x13d: {  	v38 =	vsel vm0, v16, v15;
	v63 =	vsel vm0, v22, v21;
	v0 =	vmovc v41;
	v41 =	vsel vm0, v27, v19  }
0x13e: {  	v39 =	vsel vm0, v18, v13;
	v51 =	vor.u32 v57, v36;
	v57 =	vld [tilespmem:$0x1FC50];
	v47 =	vcombine.low v41, v63  }
0x13f: {  	[tilespmem:v50+s24+$0x0] =	vst.idx.msk $0xffff, v48;
	v48 =	vcombine.low v39, v38;
	v38 =	vld [tilespmem:$0x1FE70]  }
0x140: {  	v50 =	vor.u32 v47, v1;
	v49 =	vld.idx.msk [tilespmem:v49+s17+$0x0], $0xffff;
	_ =	sdelay $0x3  }
0x141: {  	v57 =	vcombine.low v38, v57;
	v38 =	vld [tilespmem:$0x1FE40]  }
0x142: {  	[tilespmem:v50+s24+$0x0] =	vst.idx.msk $0xffff, v49;
	v50 =	vld [tilespmem:$0x1FE50];
	_ =	sdelay $0x3  }
0x143: {  	v39 =	vld [tilespmem:$0x1FE80]  }
0x144: {  	v50 =	vcombine.low v38, v50;
	v38 =	vld [tilespmem:$0x1FC70]  }
0x145: {  	v37 =	vor.u32 v48, v1;
	v51 =	vld.idx.msk [tilespmem:v51+s17+$0x0], $0xffff;
	v49 =	vand.u32 $0xF, v57  }
0x146: {  	v57 =	vor.u32 v49, v36;
	_ =	sdelay $0x2  }
0x147: {  	v38 =	vcombine.low v39, v38  }
0x148: {  	[tilespmem:v37+s24+$0x0] =	vst.idx.msk $0xffff, v51  }
0x149: {  	v37 =	vld.idx.msk [tilespmem:v57+s17+$0x0], $0xffff;
	v57 =	vor.u32 v50, v1;
	v51 =	vand.u32 $0xF, v38  }
0x14a: {  	v38 =	vor.u32 v51, v36;
	_ =	sdelay $0x2  }
0x14b: {  	v52 =	vcombine.low v52, v53;
	v53 =	vcombine.low v25, v2  }
0x14c: {  	[tilespmem:v57+s24+$0x0] =	vst.idx.msk $0xffff, v37  }
0x14d: {  	v53 =	vand.u32 $0xF, v53;
	v37 =	vld.idx.msk [tilespmem:v38+s17+$0x0], $0xffff;
	v38 =	vor.u32 v52, v1  }
0x14e: {  	v39 =	vor.u32 v53, v36;
	_ =	sdelay $0x2  }
0x14f: {  	v54 =	vcombine.low v54, v55;
	v55 =	vcombine.low v20, v17  }
0x150: {  	[tilespmem:v38+s24+$0x0] =	vst.idx.msk $0xffff, v37  }
0x151: {  	v55 =	vand.u32 $0xF, v55;
	v38 =	vor.u32 v54, v1;
	v37 =	vld.idx.msk [tilespmem:v39+s17+$0x0], $0xffff  }
0x152: {  	v39 =	vor.u32 v55, v36;
	_ =	sdelay $0x2  }
0x153: {  	v56 =	vcombine.low v56, v58;
	v58 =	vcombine.low v14, v11  }
0x154: {  	[tilespmem:v38+s24+$0x0] =	vst.idx.msk $0xffff, v37  }
0x155: {  	v58 =	vand.u32 $0xF, v58;
	v38 =	vor.u32 v56, v1;
	v37 =	vld.idx.msk [tilespmem:v39+s17+$0x0], $0xffff  }
0x156: {  	v39 =	vor.u32 v58, v36;
	_ =	sdelay $0x2  }
0x157: {  	v59 =	vcombine.low v59, v60;
	v60 =	vcombine.low v12, v9  }
0x158: {  	[tilespmem:v38+s24+$0x0] =	vst.idx.msk $0xffff, v37  }
0x159: {  	v60 =	vand.u32 $0xF, v60;
	v38 =	vor.u32 v59, v1;
	v37 =	vld.idx.msk [tilespmem:v39+s17+$0x0], $0xffff  }
0x15a: {  	v39 =	vor.u32 v60, v36;
	_ =	sdelay $0x2  }
0x15b: {  	v61 =	vcombine.low v61, v62;
	v62 =	vcombine.low v10, v7  }
0x15c: {  	[tilespmem:v38+s24+$0x0] =	vst.idx.msk $0xffff, v37  }
0x15d: {  	v62 =	vand.u32 $0xF, v62;
	v38 =	vor.u32 v61, v1;
	v37 =	vld.idx.msk [tilespmem:v39+s17+$0x0], $0xffff  }
0x15e: {  	v36 =	vor.u32 v62, v36;
	_ =	sdelay $0x2  }
0x15f: {  	v63 =	vcombine.low v63, v41  }
0x160: {  	[tilespmem:v38+s24+$0x0] =	vst.idx.msk $0xffff, v37  }
0x161: {  	p1 =	sne.s32 s0, $0x50;
	v1 =	vor.u32 v63, v1;
	v36 =	vld.idx.msk [tilespmem:v36+s17+$0x0], $0xffff  }
.Ltmp0:
0x162: {  	_ = 	snop;
	(pc) =	sbr.rel @p1 .LBB2_3-.Ltmp0, $2  }
0x163: {  	_ =	sdelay $0x2  }
0x164: {  	s9 =	sadd.s32 $0x10, s9;
	s0 =	sadd.s32 $0x10, s0;
	v41 =	vmov v0;
	v57 =	vlaneseq.u32;
	[tilespmem:v1+s24+$0x0] =	vst.idx.msk $0xffff, v36  }
0x165: {  	s0 =	simm.s32 @!p0 $0x8  }
0x166: {  	_ =	swait.ge @!p0 [sflag:s0], $0x3400  }
0x167: {  	[sflag:s0] =	ssyncset.done @!p0 $0x0  }
0x168: {  	[sflag:s0] =	ssyncadd.s32 @!p0 $0xFFFFCC00  }
0x169: {  	_ =	swait.ge @!p0 [sflag:s0], $0x3400  }
0x16a: {  	v7 =	vld [tilespmem:$0x1FFF0]  }
0x16b: {  	v9 =	vld [tilespmem:$0x1FFE0]  }
0x16c: {  	v10 =	vld [tilespmem:$0x1FFB0]  }
0x16d: {  	v11 =	vld [tilespmem:$0x1FFD0]  }
0x16e: {  	v28 =	vld [tilespmem:$0x1FF90]  }
0x16f: {  	v13 =	vld [tilespmem:$0x1FFC0]  }
0x170: {  	v29 =	vld [tilespmem:$0x1FF70]  }
0x171: {  	v15 =	vld [tilespmem:$0x1FFA0]  }
0x172: {  	v16 =	vld [tilespmem:$0x1FF50]  }
0x173: {  	v17 =	vld [tilespmem:$0x1FF80]  }
0x174: {  	v18 =	vld [tilespmem:$0x1FF30]  }
0x175: {  	v19 =	vld [tilespmem:$0x1FF60]  }
0x176: {  	v20 =	vld [tilespmem:$0x1FF10]  }
0x177: {  	v21 =	vld [tilespmem:$0x1FF40]  }
0x178: {  	v22 =	vld [tilespmem:$0x1FEE0]  }
0x179: {  	v2 =	vld [tilespmem:$0x1FF20]  }
0x17a: {  	v25 =	vld [tilespmem:$0x1FEC0]  }
0x17b: {  	v27 =	vld [tilespmem:$0x1FEF0]  }
0x17c: {  	v12 =	vld [tilespmem:$0x1FEA0]  }
0x17d: {  	[sflag:s0] =	ssyncset.done @!p0 $0x0;
	v14 =	vld [tilespmem:$0x1FEB0]  }
0x17e: {  	s9 =	simm.s32 $0x260;
	v31 =	vld [tilespmem:$0x1FF00];
	[sflag:s0] =	ssyncadd.s32 @!p0 $0xFFFFCC00;
	s0 =	simm.s32 $0x0  }
0x17f: {  	v39 =	vmov v23;
	v23 =	vld [tilespmem:$0x1FED0];
	[tilespmem:s26], [sflag:$0x4] =	stream.indirect.gather [hbm4b:s1+s25], $0x80, s23, s25, $0xb8  }
.LBB2_5:
0x180: {  	v36 =	vld [tilespmem:s9+$0x0];
	_ =	sdelay $0x4  }
0x181: {  	v1 =	vshll.u32 v36, $0x2  }
0x182: {  	v37 =	vand.u32 $0x1F80, v1  }
0x183: {  	v38 =	vor.u32 v57, v37;
	_ =	sdelay $0x1  }
0x184: {  	v1 =	vmov s0  }
0x185: {  	v1 =	vshll.u32 v1, $0x7  }
0x186: {  	v1 =	vor.u32 v41, v1  }
0x187: {  	v41 =	vor.u32 v57, v1;
	v38 =	vld.idx.msk [tilespmem:v38+s15+$0x0], $0xffff  }
0x188: {  	v33 =	vor.u32 v3, v37;
	_ =	sdelay $0x3  }
0x189: {  	[tilespmem:v41+s28+$0x0] =	vst.idx.msk $0xffff, v38  }
0x18a: {  	v41 =	vor.u32 v3, v1;
	v38 =	vld.idx.msk [tilespmem:v33+s15+$0x0], $0xffff  }
0x18b: {  	v33 =	vor.u32 v4, v37;
	_ =	sdelay $0x3  }
0x18c: {  	[tilespmem:v41+s28+$0x0] =	vst.idx.msk $0xffff, v38  }
0x18d: {  	v41 =	vor.u32 v4, v1;
	v38 =	vld.idx.msk [tilespmem:v33+s15+$0x0], $0xffff  }
0x18e: {  	v33 =	vor.u32 v5, v37;
	_ =	sdelay $0x3  }
0x18f: {  	[tilespmem:v41+s28+$0x0] =	vst.idx.msk $0xffff, v38  }
0x190: {  	v41 =	vor.u32 v5, v1;
	v38 =	vld.idx.msk [tilespmem:v33+s15+$0x0], $0xffff  }
0x191: {  	v33 =	vor.u32 v6, v37;
	_ =	sdelay $0x3  }
0x192: {  	[tilespmem:v41+s28+$0x0] =	vst.idx.msk $0xffff, v38  }
0x193: {  	v41 =	vor.u32 v6, v1;
	v38 =	vld.idx.msk [tilespmem:v33+s15+$0x0], $0xffff  }
0x194: {  	v33 =	vor.u32 v7, v37;
	_ =	sdelay $0x3  }
0x195: {  	[tilespmem:v41+s28+$0x0] =	vst.idx.msk $0xffff, v38  }
0x196: {  	v41 =	vor.u32 v7, v1;
	v38 =	vld.idx.msk [tilespmem:v33+s15+$0x0], $0xffff  }
0x197: {  	v33 =	vor.u32 v8, v37;
	_ =	sdelay $0x3  }
0x198: {  	[tilespmem:v41+s28+$0x0] =	vst.idx.msk $0xffff, v38  }
0x199: {  	v41 =	vor.u32 v8, v1;
	v38 =	vld.idx.msk [tilespmem:v33+s15+$0x0], $0xffff  }
0x19a: {  	v33 =	vor.u32 v9, v37;
	_ =	sdelay $0x3  }
0x19b: {  	[tilespmem:v41+s28+$0x0] =	vst.idx.msk $0xffff, v38  }
0x19c: {  	v41 =	vor.u32 v9, v1;
	v38 =	vld.idx.msk [tilespmem:v33+s15+$0x0], $0xffff  }
0x19d: {  	v33 =	vor.u32 v10, v37;
	_ =	sdelay $0x3  }
0x19e: {  	[tilespmem:v41+s28+$0x0] =	vst.idx.msk $0xffff, v38  }
0x19f: {  	v41 =	vor.u32 v10, v1;
	v38 =	vld.idx.msk [tilespmem:v33+s15+$0x0], $0xffff  }
0x1a0: {  	v33 =	vor.u32 v11, v37;
	_ =	sdelay $0x3  }
0x1a1: {  	[tilespmem:v41+s28+$0x0] =	vst.idx.msk $0xffff, v38  }
0x1a2: {  	v41 =	vor.u32 v11, v1;
	v38 =	vld.idx.msk [tilespmem:v33+s15+$0x0], $0xffff  }
0x1a3: {  	v33 =	vor.u32 v28, v37;
	_ =	sdelay $0x3  }
0x1a4: {  	[tilespmem:v41+s28+$0x0] =	vst.idx.msk $0xffff, v38  }
0x1a5: {  	v41 =	vor.u32 v28, v1;
	v38 =	vld.idx.msk [tilespmem:v33+s15+$0x0], $0xffff  }
0x1a6: {  	v33 =	vor.u32 v13, v37;
	_ =	sdelay $0x3  }
0x1a7: {  	[tilespmem:v41+s28+$0x0] =	vst.idx.msk $0xffff, v38  }
0x1a8: {  	v41 =	vor.u32 v13, v1;
	v38 =	vld.idx.msk [tilespmem:v33+s15+$0x0], $0xffff  }
0x1a9: {  	v33 =	vor.u32 v29, v37;
	_ =	sdelay $0x3  }
0x1aa: {  	[tilespmem:v41+s28+$0x0] =	vst.idx.msk $0xffff, v38  }
0x1ab: {  	v41 =	vor.u32 v29, v1;
	v38 =	vld.idx.msk [tilespmem:v33+s15+$0x0], $0xffff  }
0x1ac: {  	v33 =	vor.u32 v15, v37;
	_ =	sdelay $0x3  }
0x1ad: {  	[tilespmem:v41+s28+$0x0] =	vst.idx.msk $0xffff, v38  }
0x1ae: {  	v41 =	vor.u32 v15, v1;
	v38 =	vld.idx.msk [tilespmem:v33+s15+$0x0], $0xffff  }
0x1af: {  	v33 =	vor.u32 v16, v37;
	_ =	sdelay $0x3  }
0x1b0: {  	[tilespmem:v41+s28+$0x0] =	vst.idx.msk $0xffff, v38  }
0x1b1: {  	v41 =	vor.u32 v16, v1;
	v38 =	vld.idx.msk [tilespmem:v33+s15+$0x0], $0xffff  }
0x1b2: {  	v33 =	vor.u32 v35, v37;
	_ =	sdelay $0x3  }
0x1b3: {  	[tilespmem:v41+s28+$0x0] =	vst.idx.msk $0xffff, v38  }
0x1b4: {  	v41 =	vor.u32 v35, v1;
	v38 =	vld.idx.msk [tilespmem:v33+s15+$0x0], $0xffff  }
0x1b5: {  	v33 =	vor.u32 v39, v37;
	_ =	sdelay $0x3  }
0x1b6: {  	[tilespmem:v41+s28+$0x0] =	vst.idx.msk $0xffff, v38  }
0x1b7: {  	v41 =	vor.u32 v39, v1;
	v38 =	vld.idx.msk [tilespmem:v33+s15+$0x0], $0xffff  }
0x1b8: {  	v33 =	vor.u32 v17, v37;
	_ =	sdelay $0x3  }
0x1b9: {  	[tilespmem:v41+s28+$0x0] =	vst.idx.msk $0xffff, v38  }
0x1ba: {  	v41 =	vor.u32 v17, v1;
	v38 =	vld.idx.msk [tilespmem:v33+s15+$0x0], $0xffff  }
0x1bb: {  	v33 =	vor.u32 v18, v37;
	_ =	sdelay $0x3  }
0x1bc: {  	[tilespmem:v41+s28+$0x0] =	vst.idx.msk $0xffff, v38  }
0x1bd: {  	v41 =	vor.u32 v18, v1;
	v38 =	vld.idx.msk [tilespmem:v33+s15+$0x0], $0xffff  }
0x1be: {  	v33 =	vor.u32 v19, v37;
	_ =	sdelay $0x3  }
0x1bf: {  	[tilespmem:v41+s28+$0x0] =	vst.idx.msk $0xffff, v38  }
0x1c0: {  	v41 =	vor.u32 v19, v1;
	v38 =	vld.idx.msk [tilespmem:v33+s15+$0x0], $0xffff  }
0x1c1: {  	v33 =	vor.u32 v20, v37;
	_ =	sdelay $0x3  }
0x1c2: {  	[tilespmem:v41+s28+$0x0] =	vst.idx.msk $0xffff, v38  }
0x1c3: {  	v41 =	vor.u32 v20, v1;
	v38 =	vld.idx.msk [tilespmem:v33+s15+$0x0], $0xffff  }
0x1c4: {  	v33 =	vor.u32 v21, v37;
	_ =	sdelay $0x3  }
0x1c5: {  	[tilespmem:v41+s28+$0x0] =	vst.idx.msk $0xffff, v38  }
0x1c6: {  	v41 =	vor.u32 v21, v1;
	v38 =	vld.idx.msk [tilespmem:v33+s15+$0x0], $0xffff  }
0x1c7: {  	v33 =	vor.u32 v22, v37;
	_ =	sdelay $0x3  }
0x1c8: {  	[tilespmem:v41+s28+$0x0] =	vst.idx.msk $0xffff, v38  }
0x1c9: {  	v41 =	vor.u32 v22, v1;
	v38 =	vld.idx.msk [tilespmem:v33+s15+$0x0], $0xffff  }
0x1ca: {  	v33 =	vor.u32 v2, v37;
	_ =	sdelay $0x3  }
0x1cb: {  	[tilespmem:v41+s28+$0x0] =	vst.idx.msk $0xffff, v38  }
0x1cc: {  	v41 =	vor.u32 v2, v1;
	v38 =	vld.idx.msk [tilespmem:v33+s15+$0x0], $0xffff  }
0x1cd: {  	v33 =	vor.u32 v25, v37;
	_ =	sdelay $0x3  }
0x1ce: {  	[tilespmem:v41+s28+$0x0] =	vst.idx.msk $0xffff, v38  }
0x1cf: {  	v41 =	vor.u32 v25, v1;
	v38 =	vld.idx.msk [tilespmem:v33+s15+$0x0], $0xffff  }
0x1d0: {  	v33 =	vor.u32 v27, v37;
	_ =	sdelay $0x3  }
0x1d1: {  	[tilespmem:v41+s28+$0x0] =	vst.idx.msk $0xffff, v38  }
0x1d2: {  	v41 =	vor.u32 v27, v1;
	v38 =	vld.idx.msk [tilespmem:v33+s15+$0x0], $0xffff  }
0x1d3: {  	v33 =	vor.u32 v12, v37;
	_ =	sdelay $0x3  }
0x1d4: {  	[tilespmem:v41+s28+$0x0] =	vst.idx.msk $0xffff, v38  }
0x1d5: {  	v41 =	vor.u32 v12, v1;
	v38 =	vld.idx.msk [tilespmem:v33+s15+$0x0], $0xffff  }
0x1d6: {  	v33 =	vor.u32 v14, v37;
	_ =	sdelay $0x3  }
0x1d7: {  	[tilespmem:v41+s28+$0x0] =	vst.idx.msk $0xffff, v38  }
0x1d8: {  	v41 =	vor.u32 v14, v1;
	v38 =	vld.idx.msk [tilespmem:v33+s15+$0x0], $0xffff  }
0x1d9: {  	v33 =	vor.u32 v31, v37;
	_ =	sdelay $0x3  }
0x1da: {  	[tilespmem:v41+s28+$0x0] =	vst.idx.msk $0xffff, v38  }
0x1db: {  	v41 =	vor.u32 v31, v1;
	v38 =	vld.idx.msk [tilespmem:v33+s15+$0x0], $0xffff  }
0x1dc: {  	v33 =	vor.u32 v23, v37;
	_ =	sdelay $0x3  }
0x1dd: {  	[tilespmem:v41+s28+$0x0] =	vst.idx.msk $0xffff, v38  }
0x1de: {  	v41 =	vor.u32 v23, v1;
	v38 =	vld.idx.msk [tilespmem:v33+s15+$0x0], $0xffff  }
0x1df: {  	v33 =	vor.u32 v34, v37;
	_ =	sdelay $0x3  }
0x1e0: {  	[tilespmem:v41+s28+$0x0] =	vst.idx.msk $0xffff, v38  }
0x1e1: {  	v38 =	vld.idx.msk [tilespmem:v33+s15+$0x0], $0xffff  }
0x1e2: {  	v33 =	vld [tilespmem:$0x1FE90];
	_ =	sdelay $0x3  }
0x1e3: {  	v41 =	vor.u32 v34, v1  }
0x1e4: {  	v37 =	vor.u32 v33, v37;
	_ =	sdelay $0x3  }
0x1e5: {  	v36 =	vshll.u32 v36, $0x7;
	[tilespmem:v41+s28+$0x0] =	vst.idx.msk $0xffff, v38  }
0x1e6: {  	v36 =	vand.u32 $0xF80, v36;
	v57 =	vlaneseq.u32;
	v38 =	vor.u32 v33, v1;
	v37 =	vld.idx.msk [tilespmem:v37+s15+$0x0], $0xffff  }
0x1e7: {  	v33 =	vor.u32 v57, v36;
	_ =	sdelay $0x3  }
0x1e8: {  	[tilespmem:v38+s28+$0x0] =	vst.idx.msk $0xffff, v37  }
0x1e9: {  	v37 =	vld.idx.msk [tilespmem:v33+s17+$0x0], $0xffff  }
0x1ea: {  	v33 =	vld [tilespmem:$0x1FE30]  }
0x1eb: {  	v41 =	vld [tilespmem:$0x1FC60];
	_ =	sdelay $0x3  }
0x1ec: {  	v38 =	vor.u32 v33, v1  }
0x1ed: {  	v33 =	vor.u32 v41, v36;
	_ =	sdelay $0x3  }
0x1ee: {  	[tilespmem:v38+s28+$0x0] =	vst.idx.msk $0xffff, v37  }
0x1ef: {  	v37 =	vld.idx.msk [tilespmem:v33+s17+$0x0], $0xffff  }
0x1f0: {  	v33 =	vld [tilespmem:$0x1FE60]  }
0x1f1: {  	v41 =	vld [tilespmem:$0x1FC80];
	_ =	sdelay $0x3  }
0x1f2: {  	v38 =	vor.u32 v33, v1  }
0x1f3: {  	v33 =	vor.u32 v41, v36;
	_ =	sdelay $0x3  }
0x1f4: {  	[tilespmem:v38+s28+$0x0] =	vst.idx.msk $0xffff, v37  }
0x1f5: {  	v38 =	vor.u32 v30, v1;
	v37 =	vld.idx.msk [tilespmem:v33+s17+$0x0], $0xffff  }
0x1f6: {  	v33 =	vor.u32 v40, v36;
	_ =	sdelay $0x3  }
0x1f7: {  	[tilespmem:v38+s28+$0x0] =	vst.idx.msk $0xffff, v37  }
0x1f8: {  	v38 =	vor.u32 v24, v1;
	v37 =	vld.idx.msk [tilespmem:v33+s17+$0x0], $0xffff  }
0x1f9: {  	v33 =	vor.u32 v32, v36;
	_ =	sdelay $0x3  }
0x1fa: {  	[tilespmem:v38+s28+$0x0] =	vst.idx.msk $0xffff, v37  }
0x1fb: {  	v38 =	vor.u32 v26, v1;
	v37 =	vld.idx.msk [tilespmem:v33+s17+$0x0], $0xffff  }
0x1fc: {  	v33 =	vor.u32 v42, v36;
	_ =	sdelay $0x3  }
0x1fd: {  	[tilespmem:v38+s28+$0x0] =	vst.idx.msk $0xffff, v37  }
0x1fe: {  	v38 =	vor.u32 v43, v1;
	v37 =	vld.idx.msk [tilespmem:v33+s17+$0x0], $0xffff  }
0x1ff: {  	v33 =	vor.u32 v44, v36;
	_ =	sdelay $0x3  }
0x200: {  	[tilespmem:v38+s28+$0x0] =	vst.idx.msk $0xffff, v37  }
0x201: {  	v38 =	vor.u32 v45, v1;
	v37 =	vld.idx.msk [tilespmem:v33+s17+$0x0], $0xffff  }
0x202: {  	v33 =	vor.u32 v46, v36;
	_ =	sdelay $0x3  }
0x203: {  	[tilespmem:v38+s28+$0x0] =	vst.idx.msk $0xffff, v37  }
0x204: {  	v37 =	vld.idx.msk [tilespmem:v33+s17+$0x0], $0xffff  }
0x205: {  	v33 =	vld [tilespmem:$0x1FD80];
	_ =	sdelay $0x3  }
0x206: {  	v38 =	vor.u32 v47, v1  }
0x207: {  	v41 =	vor.u32 v33, v36;
	_ =	sdelay $0x3  }
0x208: {  	[tilespmem:v38+s28+$0x0] =	vst.idx.msk $0xffff, v37  }
0x209: {  	v38 =	vor.u32 v48, v1;
	v37 =	vld.idx.msk [tilespmem:v41+s17+$0x0], $0xffff  }
0x20a: {  	v33 =	vor.u32 v49, v36;
	_ =	sdelay $0x3  }
0x20b: {  	[tilespmem:v38+s28+$0x0] =	vst.idx.msk $0xffff, v37  }
0x20c: {  	v38 =	vor.u32 v50, v1;
	v37 =	vld.idx.msk [tilespmem:v33+s17+$0x0], $0xffff  }
0x20d: {  	v33 =	vor.u32 v51, v36;
	_ =	sdelay $0x3  }
0x20e: {  	[tilespmem:v38+s28+$0x0] =	vst.idx.msk $0xffff, v37  }
0x20f: {  	v38 =	vor.u32 v52, v1;
	v37 =	vld.idx.msk [tilespmem:v33+s17+$0x0], $0xffff  }
0x210: {  	v33 =	vor.u32 v53, v36;
	_ =	sdelay $0x3  }
0x211: {  	[tilespmem:v38+s28+$0x0] =	vst.idx.msk $0xffff, v37  }
0x212: {  	v38 =	vor.u32 v54, v1;
	v37 =	vld.idx.msk [tilespmem:v33+s17+$0x0], $0xffff  }
0x213: {  	v33 =	vor.u32 v55, v36;
	_ =	sdelay $0x3  }
0x214: {  	[tilespmem:v38+s28+$0x0] =	vst.idx.msk $0xffff, v37  }
0x215: {  	v38 =	vor.u32 v56, v1;
	v37 =	vld.idx.msk [tilespmem:v33+s17+$0x0], $0xffff  }
0x216: {  	v33 =	vor.u32 v58, v36;
	_ =	sdelay $0x3  }
0x217: {  	[tilespmem:v38+s28+$0x0] =	vst.idx.msk $0xffff, v37  }
0x218: {  	v38 =	vor.u32 v59, v1;
	v37 =	vld.idx.msk [tilespmem:v33+s17+$0x0], $0xffff  }
0x219: {  	v33 =	vor.u32 v60, v36;
	_ =	sdelay $0x3  }
0x21a: {  	[tilespmem:v38+s28+$0x0] =	vst.idx.msk $0xffff, v37  }
0x21b: {  	v37 =	vld.idx.msk [tilespmem:v33+s17+$0x0], $0xffff;
	v33 =	vor.u32 v61, v1  }
0x21c: {  	v36 =	vor.u32 v62, v36;
	_ =	sdelay $0x3  }
0x21d: {  	[tilespmem:v33+s28+$0x0] =	vst.idx.msk $0xffff, v37  }
0x21e: {  	p1 =	sne.s32 s0, $0x60;
	v1 =	vor.u32 v63, v1;
	v36 =	vld.idx.msk [tilespmem:v36+s17+$0x0], $0xffff  }
.Ltmp1:
0x21f: {  	_ = 	snop;
	(pc) =	sbr.rel @p1 .LBB2_5-.Ltmp1, $2  }
0x220: {  	_ =	sdelay $0x2  }
0x221: {  	s9 =	sadd.s32 $0x10, s9;
	s0 =	sadd.s32 $0x10, s0;
	v41 =	vmov v0;
	[tilespmem:v1+s28+$0x0] =	vst.idx.msk $0xffff, v36  }
0x222: {  	s0 =	smul.u32 $0xC800, s6  }
0x223: {  	_ =	swait.ge [sflag:s29], $0x3000  }
0x224: {  	[sflag:s29] =	ssyncset.done $0x0;
	s0 =	sshrl.u32 s0, $0x3  }
0x225: {  	[sflag:s29] =	ssyncadd.s32 $0xFFFFD000;
	s9 =	sadd.s32 s8, s0  }
0x226: {  	[hbm4b:s9+s15] =	stream.strided.scatter [tilespmem:s22], [sflag:$0x7], $0x3000, s30, s15, $0x38;
	[tilespmem:$0x1E400] =	vst v63  }
0x227: {  	s0 =	sadd.s32 s0, s13  }
0x228: {  	[hbm4b:s0+s15] =	stream.strided.scatter [tilespmem:s24], [sflag:$0x7], $0x3000, s30, s15, $0x38;
	[tilespmem:$0x1E400] =	vst v63  }
0x229: {  	_ =	swait.ge [sflag:s31], $0x3400  }
0x22a: {  	[sflag:s31] =	ssyncset.done $0x0  }
0x22b: {  	s0 =	sadd.s32 $0xC00, s9;
	[sflag:s31] =	ssyncadd.s32 $0xFFFFCC00  }
0x22c: {  	[hbm4b:s0+s15] =	stream.strided.scatter [tilespmem:s26], [sflag:$0x8], $0x3400, s30, s15, $0x38;
	[tilespmem:$0x1E400] =	vst v63  }
0x22d: {  	s0 =	sadd.s32 $0x2, s6;
	s6 =	rddreg [dreg:$0x8]  }
0x22e: {  	p1 =	sge.u32 s0, s6  }
0x22f: {  	s9 =	sadd.s32 $0xC80, s9;
	s6 =	rddreg [dreg:$0x0];
	s0 =	smul.u32 @!p1 $0x19, s0  }
0x230: {  	[hbm4b:s9+s15] =	stream.strided.scatter [tilespmem:s28], [sflag:$0x8], $0x3400, s30, s15, $0x38;
	[tilespmem:$0x1E400] =	vst v63  }
0x231: {  	s9 =	simm.s32 @!p1 $0x0;
	s6 =	sadd.s32 @!p1 s6, s0  }
0x232: {  	[tilespmem:s9], [sflag:$0x1] =	stream.linear.gather @!p1 [hbm4b:s6+s9], $0xC8, $0x38;
	[tilespmem:$0x1E400] =	vst v63  }
0x233: {  	s0 =	sadd.s32 @!p1 s5, s0;
	s6 =	simm.s32 @!p1 $0x200  }
0x234: {  	[tilespmem:s6], [sflag:$0x1] =	stream.linear.gather @!p1 [hbm4b:s0+s9], $0xC8, $0x38;
	[tilespmem:$0x1E400] =	vst v63  }
0x235: {  	_ =	swait.ge [sflag:s4], $0xC8  }
0x236: {  	[sflag:s4] =	ssyncset.done $0x0  }
0x237: {  	[sflag:s4] =	ssyncadd.s32 $0xFFFFFF38  }
0x238: {  	_ =	swait.ge [sflag:s4], $0xC8  }
0x239: {  	[sflag:s4] =	ssyncset.done $0x0  }
0x23a: {  	s0 =	simm.s32 @!p0 $0x9;
	[sflag:s4] =	ssyncadd.s32 $0xFFFFFF38  }
0x23b: {  	_ =	swait.ge @!p0 [sflag:s0], $0x3000  }
0x23c: {  	[sflag:s0] =	ssyncset.done @!p0 $0x0  }
0x23d: {  	[sflag:s0] =	ssyncadd.s32 @!p0 $0xFFFFD000  }
0x23e: {  	_ =	swait.ge @!p0 [sflag:s0], $0x3000  }
0x23f: {  	[sflag:s0] =	ssyncset.done @!p0 $0x0  }
0x240: {  	s6 =	simm.s32 $0x300;
	[sflag:s0] =	ssyncadd.s32 @!p0 $0xFFFFD000;
	s0 =	simm.s32 $0x0  }
0x241: {  	v33 =	vmov v34;
	v34 =	vld [tilespmem:$0x1FE90];
	[tilespmem:s3], [sflag:$0x5] =	stream.indirect.gather [hbm4b:s1+s23], $0x80, s19, s23, $0xb8  }
.LBB2_7:
0x242: {  	v36 =	vld [tilespmem:s6+$0x0];
	_ =	sdelay $0x4  }
0x243: {  	v1 =	vshll.u32 v36, $0x2  }
0x244: {  	v37 =	vand.u32 $0x1F80, v1  }
0x245: {  	v38 =	vor.u32 v57, v37;
	_ =	sdelay $0x1  }
0x246: {  	v1 =	vmov s0  }
0x247: {  	v1 =	vshll.u32 v1, $0x7  }
0x248: {  	v1 =	vor.u32 v41, v1  }
0x249: {  	v41 =	vor.u32 v57, v1;
	v38 =	vld.idx.msk [tilespmem:v38+s15+$0x0], $0xffff  }
0x24a: {  	v57 =	vor.u32 v3, v37;
	_ =	sdelay $0x3  }
0x24b: {  	[tilespmem:v41+s18+$0x0] =	vst.idx.msk $0xffff, v38  }
0x24c: {  	v41 =	vor.u32 v3, v1;
	v38 =	vld.idx.msk [tilespmem:v57+s15+$0x0], $0xffff  }
0x24d: {  	v57 =	vor.u32 v4, v37;
	_ =	sdelay $0x3  }
0x24e: {  	[tilespmem:v41+s18+$0x0] =	vst.idx.msk $0xffff, v38  }
0x24f: {  	v41 =	vor.u32 v4, v1;
	v38 =	vld.idx.msk [tilespmem:v57+s15+$0x0], $0xffff  }
0x250: {  	v57 =	vor.u32 v5, v37;
	_ =	sdelay $0x3  }
0x251: {  	[tilespmem:v41+s18+$0x0] =	vst.idx.msk $0xffff, v38  }
0x252: {  	v41 =	vor.u32 v5, v1;
	v38 =	vld.idx.msk [tilespmem:v57+s15+$0x0], $0xffff  }
0x253: {  	v57 =	vor.u32 v6, v37;
	_ =	sdelay $0x3  }
0x254: {  	[tilespmem:v41+s18+$0x0] =	vst.idx.msk $0xffff, v38  }
0x255: {  	v41 =	vor.u32 v6, v1;
	v38 =	vld.idx.msk [tilespmem:v57+s15+$0x0], $0xffff  }
0x256: {  	v57 =	vor.u32 v7, v37;
	_ =	sdelay $0x3  }
0x257: {  	[tilespmem:v41+s18+$0x0] =	vst.idx.msk $0xffff, v38  }
0x258: {  	v41 =	vor.u32 v7, v1;
	v38 =	vld.idx.msk [tilespmem:v57+s15+$0x0], $0xffff  }
0x259: {  	v57 =	vor.u32 v8, v37;
	_ =	sdelay $0x3  }
0x25a: {  	[tilespmem:v41+s18+$0x0] =	vst.idx.msk $0xffff, v38  }
0x25b: {  	v41 =	vor.u32 v8, v1;
	v38 =	vld.idx.msk [tilespmem:v57+s15+$0x0], $0xffff  }
0x25c: {  	v57 =	vor.u32 v9, v37;
	_ =	sdelay $0x3  }
0x25d: {  	[tilespmem:v41+s18+$0x0] =	vst.idx.msk $0xffff, v38  }
0x25e: {  	v41 =	vor.u32 v9, v1;
	v38 =	vld.idx.msk [tilespmem:v57+s15+$0x0], $0xffff  }
0x25f: {  	v57 =	vor.u32 v10, v37;
	_ =	sdelay $0x3  }
0x260: {  	[tilespmem:v41+s18+$0x0] =	vst.idx.msk $0xffff, v38  }
0x261: {  	v41 =	vor.u32 v10, v1;
	v38 =	vld.idx.msk [tilespmem:v57+s15+$0x0], $0xffff  }
0x262: {  	v57 =	vor.u32 v11, v37;
	_ =	sdelay $0x3  }
0x263: {  	[tilespmem:v41+s18+$0x0] =	vst.idx.msk $0xffff, v38  }
0x264: {  	v41 =	vor.u32 v11, v1;
	v38 =	vld.idx.msk [tilespmem:v57+s15+$0x0], $0xffff  }
0x265: {  	v57 =	vor.u32 v28, v37;
	_ =	sdelay $0x3  }
0x266: {  	[tilespmem:v41+s18+$0x0] =	vst.idx.msk $0xffff, v38  }
0x267: {  	v41 =	vor.u32 v28, v1;
	v38 =	vld.idx.msk [tilespmem:v57+s15+$0x0], $0xffff  }
0x268: {  	v57 =	vor.u32 v13, v37;
	_ =	sdelay $0x3  }
0x269: {  	[tilespmem:v41+s18+$0x0] =	vst.idx.msk $0xffff, v38  }
0x26a: {  	v41 =	vor.u32 v13, v1;
	v38 =	vld.idx.msk [tilespmem:v57+s15+$0x0], $0xffff  }
0x26b: {  	v57 =	vor.u32 v29, v37;
	_ =	sdelay $0x3  }
0x26c: {  	[tilespmem:v41+s18+$0x0] =	vst.idx.msk $0xffff, v38  }
0x26d: {  	v41 =	vor.u32 v29, v1;
	v38 =	vld.idx.msk [tilespmem:v57+s15+$0x0], $0xffff  }
0x26e: {  	v57 =	vor.u32 v15, v37;
	_ =	sdelay $0x3  }
0x26f: {  	[tilespmem:v41+s18+$0x0] =	vst.idx.msk $0xffff, v38  }
0x270: {  	v41 =	vor.u32 v15, v1;
	v38 =	vld.idx.msk [tilespmem:v57+s15+$0x0], $0xffff  }
0x271: {  	v57 =	vor.u32 v16, v37;
	_ =	sdelay $0x3  }
0x272: {  	[tilespmem:v41+s18+$0x0] =	vst.idx.msk $0xffff, v38  }
0x273: {  	v41 =	vor.u32 v16, v1;
	v38 =	vld.idx.msk [tilespmem:v57+s15+$0x0], $0xffff  }
0x274: {  	v57 =	vor.u32 v35, v37;
	_ =	sdelay $0x3  }
0x275: {  	[tilespmem:v41+s18+$0x0] =	vst.idx.msk $0xffff, v38  }
0x276: {  	v41 =	vor.u32 v35, v1;
	v38 =	vld.idx.msk [tilespmem:v57+s15+$0x0], $0xffff  }
0x277: {  	v57 =	vor.u32 v39, v37;
	_ =	sdelay $0x3  }
0x278: {  	[tilespmem:v41+s18+$0x0] =	vst.idx.msk $0xffff, v38  }
0x279: {  	v41 =	vor.u32 v39, v1;
	v38 =	vld.idx.msk [tilespmem:v57+s15+$0x0], $0xffff  }
0x27a: {  	v57 =	vor.u32 v17, v37;
	_ =	sdelay $0x3  }
0x27b: {  	[tilespmem:v41+s18+$0x0] =	vst.idx.msk $0xffff, v38  }
0x27c: {  	v41 =	vor.u32 v17, v1;
	v38 =	vld.idx.msk [tilespmem:v57+s15+$0x0], $0xffff  }
0x27d: {  	v57 =	vor.u32 v18, v37;
	_ =	sdelay $0x3  }
0x27e: {  	[tilespmem:v41+s18+$0x0] =	vst.idx.msk $0xffff, v38  }
0x27f: {  	v41 =	vor.u32 v18, v1;
	v38 =	vld.idx.msk [tilespmem:v57+s15+$0x0], $0xffff  }
0x280: {  	v57 =	vor.u32 v19, v37;
	_ =	sdelay $0x3  }
0x281: {  	[tilespmem:v41+s18+$0x0] =	vst.idx.msk $0xffff, v38  }
0x282: {  	v41 =	vor.u32 v19, v1;
	v38 =	vld.idx.msk [tilespmem:v57+s15+$0x0], $0xffff  }
0x283: {  	v57 =	vor.u32 v20, v37;
	_ =	sdelay $0x3  }
0x284: {  	[tilespmem:v41+s18+$0x0] =	vst.idx.msk $0xffff, v38  }
0x285: {  	v41 =	vor.u32 v20, v1;
	v38 =	vld.idx.msk [tilespmem:v57+s15+$0x0], $0xffff  }
0x286: {  	v57 =	vor.u32 v21, v37;
	_ =	sdelay $0x3  }
0x287: {  	[tilespmem:v41+s18+$0x0] =	vst.idx.msk $0xffff, v38  }
0x288: {  	v41 =	vor.u32 v21, v1;
	v38 =	vld.idx.msk [tilespmem:v57+s15+$0x0], $0xffff  }
0x289: {  	v57 =	vor.u32 v22, v37;
	_ =	sdelay $0x3  }
0x28a: {  	[tilespmem:v41+s18+$0x0] =	vst.idx.msk $0xffff, v38  }
0x28b: {  	v41 =	vor.u32 v22, v1;
	v38 =	vld.idx.msk [tilespmem:v57+s15+$0x0], $0xffff  }
0x28c: {  	v57 =	vor.u32 v2, v37;
	_ =	sdelay $0x3  }
0x28d: {  	[tilespmem:v41+s18+$0x0] =	vst.idx.msk $0xffff, v38  }
0x28e: {  	v41 =	vor.u32 v2, v1;
	v38 =	vld.idx.msk [tilespmem:v57+s15+$0x0], $0xffff  }
0x28f: {  	v57 =	vor.u32 v25, v37;
	_ =	sdelay $0x3  }
0x290: {  	[tilespmem:v41+s18+$0x0] =	vst.idx.msk $0xffff, v38  }
0x291: {  	v41 =	vor.u32 v25, v1;
	v38 =	vld.idx.msk [tilespmem:v57+s15+$0x0], $0xffff  }
0x292: {  	v57 =	vor.u32 v27, v37;
	_ =	sdelay $0x3  }
0x293: {  	[tilespmem:v41+s18+$0x0] =	vst.idx.msk $0xffff, v38  }
0x294: {  	v41 =	vor.u32 v27, v1;
	v38 =	vld.idx.msk [tilespmem:v57+s15+$0x0], $0xffff  }
0x295: {  	v57 =	vor.u32 v12, v37;
	_ =	sdelay $0x3  }
0x296: {  	[tilespmem:v41+s18+$0x0] =	vst.idx.msk $0xffff, v38  }
0x297: {  	v41 =	vor.u32 v12, v1;
	v38 =	vld.idx.msk [tilespmem:v57+s15+$0x0], $0xffff  }
0x298: {  	v57 =	vor.u32 v14, v37;
	_ =	sdelay $0x3  }
0x299: {  	[tilespmem:v41+s18+$0x0] =	vst.idx.msk $0xffff, v38  }
0x29a: {  	v41 =	vor.u32 v14, v1;
	v38 =	vld.idx.msk [tilespmem:v57+s15+$0x0], $0xffff  }
0x29b: {  	v57 =	vor.u32 v31, v37;
	_ =	sdelay $0x3  }
0x29c: {  	[tilespmem:v41+s18+$0x0] =	vst.idx.msk $0xffff, v38  }
0x29d: {  	v41 =	vor.u32 v31, v1;
	v38 =	vld.idx.msk [tilespmem:v57+s15+$0x0], $0xffff  }
0x29e: {  	v57 =	vor.u32 v23, v37;
	_ =	sdelay $0x3  }
0x29f: {  	[tilespmem:v41+s18+$0x0] =	vst.idx.msk $0xffff, v38  }
0x2a0: {  	v41 =	vor.u32 v23, v1;
	v38 =	vld.idx.msk [tilespmem:v57+s15+$0x0], $0xffff  }
0x2a1: {  	v57 =	vor.u32 v33, v37;
	_ =	sdelay $0x3  }
0x2a2: {  	[tilespmem:v41+s18+$0x0] =	vst.idx.msk $0xffff, v38  }
0x2a3: {  	v41 =	vor.u32 v33, v1;
	v38 =	vld.idx.msk [tilespmem:v57+s15+$0x0], $0xffff  }
0x2a4: {  	v37 =	vor.u32 v34, v37;
	_ =	sdelay $0x3  }
0x2a5: {  	v36 =	vshll.u32 v36, $0x7;
	[tilespmem:v41+s18+$0x0] =	vst.idx.msk $0xffff, v38  }
0x2a6: {  	v36 =	vand.u32 $0xF80, v36;
	v57 =	vlaneseq.u32;
	v38 =	vor.u32 v34, v1;
	v37 =	vld.idx.msk [tilespmem:v37+s15+$0x0], $0xffff  }
0x2a7: {  	v41 =	vor.u32 v57, v36;
	_ =	sdelay $0x3  }
0x2a8: {  	[tilespmem:v38+s18+$0x0] =	vst.idx.msk $0xffff, v37  }
0x2a9: {  	v37 =	vld.idx.msk [tilespmem:v41+s17+$0x0], $0xffff  }
0x2aa: {  	v41 =	vld [tilespmem:$0x1FE30];
	_ =	sdelay $0x4  }
0x2ab: {  	v38 =	vor.u32 v41, v1;
	v41 =	vld [tilespmem:$0x1FC60];
	_ =	sdelay $0x4  }
0x2ac: {  	v41 =	vor.u32 v41, v36;
	_ =	sdelay $0x3  }
0x2ad: {  	[tilespmem:v38+s18+$0x0] =	vst.idx.msk $0xffff, v37  }
0x2ae: {  	v37 =	vld.idx.msk [tilespmem:v41+s17+$0x0], $0xffff  }
0x2af: {  	v41 =	vld [tilespmem:$0x1FE60];
	_ =	sdelay $0x4  }
0x2b0: {  	v38 =	vor.u32 v41, v1;
	v41 =	vld [tilespmem:$0x1FC80];
	_ =	sdelay $0x4  }
0x2b1: {  	v41 =	vor.u32 v41, v36;
	_ =	sdelay $0x3  }
0x2b2: {  	[tilespmem:v38+s18+$0x0] =	vst.idx.msk $0xffff, v37  }
0x2b3: {  	v38 =	vor.u32 v30, v1;
	v37 =	vld.idx.msk [tilespmem:v41+s17+$0x0], $0xffff  }
0x2b4: {  	v41 =	vor.u32 v40, v36;
	_ =	sdelay $0x3  }
0x2b5: {  	[tilespmem:v38+s18+$0x0] =	vst.idx.msk $0xffff, v37  }
0x2b6: {  	v38 =	vor.u32 v24, v1;
	v37 =	vld.idx.msk [tilespmem:v41+s17+$0x0], $0xffff  }
0x2b7: {  	v41 =	vor.u32 v32, v36;
	_ =	sdelay $0x3  }
0x2b8: {  	[tilespmem:v38+s18+$0x0] =	vst.idx.msk $0xffff, v37  }
0x2b9: {  	v38 =	vor.u32 v26, v1;
	v37 =	vld.idx.msk [tilespmem:v41+s17+$0x0], $0xffff  }
0x2ba: {  	v41 =	vor.u32 v42, v36;
	_ =	sdelay $0x3  }
0x2bb: {  	[tilespmem:v38+s18+$0x0] =	vst.idx.msk $0xffff, v37  }
0x2bc: {  	v38 =	vor.u32 v43, v1;
	v37 =	vld.idx.msk [tilespmem:v41+s17+$0x0], $0xffff  }
0x2bd: {  	v41 =	vor.u32 v44, v36;
	_ =	sdelay $0x3  }
0x2be: {  	[tilespmem:v38+s18+$0x0] =	vst.idx.msk $0xffff, v37  }
0x2bf: {  	v38 =	vor.u32 v45, v1;
	v37 =	vld.idx.msk [tilespmem:v41+s17+$0x0], $0xffff  }
0x2c0: {  	v41 =	vor.u32 v46, v36;
	_ =	sdelay $0x3  }
0x2c1: {  	[tilespmem:v38+s18+$0x0] =	vst.idx.msk $0xffff, v37  }
0x2c2: {  	v37 =	vld.idx.msk [tilespmem:v41+s17+$0x0], $0xffff  }
0x2c3: {  	v41 =	vld [tilespmem:$0x1FD80];
	_ =	sdelay $0x3  }
0x2c4: {  	v38 =	vor.u32 v47, v1  }
0x2c5: {  	v41 =	vor.u32 v41, v36;
	_ =	sdelay $0x3  }
0x2c6: {  	[tilespmem:v38+s18+$0x0] =	vst.idx.msk $0xffff, v37  }
0x2c7: {  	v38 =	vor.u32 v48, v1;
	v37 =	vld.idx.msk [tilespmem:v41+s17+$0x0], $0xffff  }
0x2c8: {  	v41 =	vor.u32 v49, v36;
	_ =	sdelay $0x3  }
0x2c9: {  	[tilespmem:v38+s18+$0x0] =	vst.idx.msk $0xffff, v37  }
0x2ca: {  	v38 =	vor.u32 v50, v1;
	v37 =	vld.idx.msk [tilespmem:v41+s17+$0x0], $0xffff  }
0x2cb: {  	v41 =	vor.u32 v51, v36;
	_ =	sdelay $0x3  }
0x2cc: {  	[tilespmem:v38+s18+$0x0] =	vst.idx.msk $0xffff, v37  }
0x2cd: {  	v38 =	vor.u32 v52, v1;
	v37 =	vld.idx.msk [tilespmem:v41+s17+$0x0], $0xffff  }
0x2ce: {  	v41 =	vor.u32 v53, v36;
	_ =	sdelay $0x3  }
0x2cf: {  	[tilespmem:v38+s18+$0x0] =	vst.idx.msk $0xffff, v37  }
0x2d0: {  	v38 =	vor.u32 v54, v1;
	v37 =	vld.idx.msk [tilespmem:v41+s17+$0x0], $0xffff  }
0x2d1: {  	v41 =	vor.u32 v55, v36;
	_ =	sdelay $0x3  }
0x2d2: {  	[tilespmem:v38+s18+$0x0] =	vst.idx.msk $0xffff, v37  }
0x2d3: {  	v38 =	vor.u32 v56, v1;
	v37 =	vld.idx.msk [tilespmem:v41+s17+$0x0], $0xffff  }
0x2d4: {  	v41 =	vor.u32 v58, v36;
	_ =	sdelay $0x3  }
0x2d5: {  	[tilespmem:v38+s18+$0x0] =	vst.idx.msk $0xffff, v37  }
0x2d6: {  	v38 =	vor.u32 v59, v1;
	v37 =	vld.idx.msk [tilespmem:v41+s17+$0x0], $0xffff  }
0x2d7: {  	v41 =	vor.u32 v60, v36;
	_ =	sdelay $0x3  }
0x2d8: {  	[tilespmem:v38+s18+$0x0] =	vst.idx.msk $0xffff, v37  }
0x2d9: {  	v38 =	vor.u32 v61, v1;
	v37 =	vld.idx.msk [tilespmem:v41+s17+$0x0], $0xffff  }
0x2da: {  	v36 =	vor.u32 v62, v36;
	_ =	sdelay $0x3  }
0x2db: {  	[tilespmem:v38+s18+$0x0] =	vst.idx.msk $0xffff, v37  }
0x2dc: {  	p1 =	sne.s32 s0, $0x50;
	v1 =	vor.u32 v63, v1;
	v36 =	vld.idx.msk [tilespmem:v36+s17+$0x0], $0xffff  }
.Ltmp2:
0x2dd: {  	_ = 	snop;
	(pc) =	sbr.rel @p1 .LBB2_7-.Ltmp2, $2  }
0x2de: {  	_ =	sdelay $0x2  }
0x2df: {  	s6 =	sadd.s32 $0x10, s6;
	s0 =	sadd.s32 $0x10, s0;
	v41 =	vmov v0;
	[tilespmem:v1+s18+$0x0] =	vst.idx.msk $0xffff, v36  }
0x2e0: {  	s0 =	simm.s32 @!p0 $0xA  }
0x2e1: {  	_ =	swait.ge @!p0 [sflag:s0], $0x3400  }
0x2e2: {  	[sflag:s0] =	ssyncset.done @!p0 $0x0  }
0x2e3: {  	[sflag:s0] =	ssyncadd.s32 @!p0 $0xFFFFCC00  }
0x2e4: {  	_ =	swait.ge @!p0 [sflag:s0], $0x3400  }
0x2e5: {  	s9 =	simm.s32 $0x160;
	[sflag:s0] =	ssyncset.done @!p0 $0x0  }
0x2e6: {  	s6 =	simm.s32 $0x360;
	[sflag:s0] =	ssyncadd.s32 @!p0 $0xFFFFCC00;
	s0 =	simm.s32 $0x0  }
0x2e7: {  	[tilespmem:s7], [sflag:$0x6] =	stream.indirect.gather [hbm4b:s1+s25], $0x80, s9, s25, $0xb8;
	[tilespmem:$0x1E400] =	vst v63  }
.LBB2_9:
0x2e8: {  	v36 =	vld [tilespmem:s6+$0x0];
	_ =	sdelay $0x4  }
0x2e9: {  	v1 =	vshll.u32 v36, $0x2  }
0x2ea: {  	v37 =	vand.u32 $0x1F80, v1  }
0x2eb: {  	v38 =	vor.u32 v57, v37;
	_ =	sdelay $0x1  }
0x2ec: {  	v1 =	vmov s0  }
0x2ed: {  	v1 =	vshll.u32 v1, $0x7  }
0x2ee: {  	v1 =	vor.u32 v41, v1  }
0x2ef: {  	v41 =	vor.u32 v57, v1;
	v38 =	vld.idx.msk [tilespmem:v38+s15+$0x0], $0xffff  }
0x2f0: {  	v57 =	vor.u32 v3, v37;
	_ =	sdelay $0x3  }
0x2f1: {  	[tilespmem:v41+s10+$0x0] =	vst.idx.msk $0xffff, v38  }
0x2f2: {  	v41 =	vor.u32 v3, v1;
	v38 =	vld.idx.msk [tilespmem:v57+s15+$0x0], $0xffff  }
0x2f3: {  	v57 =	vor.u32 v4, v37;
	_ =	sdelay $0x3  }
0x2f4: {  	[tilespmem:v41+s10+$0x0] =	vst.idx.msk $0xffff, v38  }
0x2f5: {  	v41 =	vor.u32 v4, v1;
	v38 =	vld.idx.msk [tilespmem:v57+s15+$0x0], $0xffff  }
0x2f6: {  	v57 =	vor.u32 v5, v37;
	_ =	sdelay $0x3  }
0x2f7: {  	[tilespmem:v41+s10+$0x0] =	vst.idx.msk $0xffff, v38  }
0x2f8: {  	v41 =	vor.u32 v5, v1;
	v38 =	vld.idx.msk [tilespmem:v57+s15+$0x0], $0xffff  }
0x2f9: {  	v57 =	vor.u32 v6, v37;
	_ =	sdelay $0x3  }
0x2fa: {  	[tilespmem:v41+s10+$0x0] =	vst.idx.msk $0xffff, v38  }
0x2fb: {  	v41 =	vor.u32 v6, v1;
	v38 =	vld.idx.msk [tilespmem:v57+s15+$0x0], $0xffff  }
0x2fc: {  	v57 =	vor.u32 v7, v37;
	_ =	sdelay $0x3  }
0x2fd: {  	[tilespmem:v41+s10+$0x0] =	vst.idx.msk $0xffff, v38  }
0x2fe: {  	v41 =	vor.u32 v7, v1;
	v38 =	vld.idx.msk [tilespmem:v57+s15+$0x0], $0xffff  }
0x2ff: {  	v57 =	vor.u32 v8, v37;
	_ =	sdelay $0x3  }
0x300: {  	[tilespmem:v41+s10+$0x0] =	vst.idx.msk $0xffff, v38  }
0x301: {  	v41 =	vor.u32 v8, v1;
	v38 =	vld.idx.msk [tilespmem:v57+s15+$0x0], $0xffff  }
0x302: {  	v57 =	vor.u32 v9, v37;
	_ =	sdelay $0x3  }
0x303: {  	[tilespmem:v41+s10+$0x0] =	vst.idx.msk $0xffff, v38  }
0x304: {  	v41 =	vor.u32 v9, v1;
	v38 =	vld.idx.msk [tilespmem:v57+s15+$0x0], $0xffff  }
0x305: {  	v57 =	vor.u32 v10, v37;
	_ =	sdelay $0x3  }
0x306: {  	[tilespmem:v41+s10+$0x0] =	vst.idx.msk $0xffff, v38  }
0x307: {  	v41 =	vor.u32 v10, v1;
	v38 =	vld.idx.msk [tilespmem:v57+s15+$0x0], $0xffff  }
0x308: {  	v57 =	vor.u32 v11, v37;
	_ =	sdelay $0x3  }
0x309: {  	[tilespmem:v41+s10+$0x0] =	vst.idx.msk $0xffff, v38  }
0x30a: {  	v41 =	vor.u32 v11, v1;
	v38 =	vld.idx.msk [tilespmem:v57+s15+$0x0], $0xffff  }
0x30b: {  	v57 =	vor.u32 v28, v37;
	_ =	sdelay $0x3  }
0x30c: {  	[tilespmem:v41+s10+$0x0] =	vst.idx.msk $0xffff, v38  }
0x30d: {  	v41 =	vor.u32 v28, v1;
	v38 =	vld.idx.msk [tilespmem:v57+s15+$0x0], $0xffff  }
0x30e: {  	v57 =	vor.u32 v13, v37;
	_ =	sdelay $0x3  }
0x30f: {  	[tilespmem:v41+s10+$0x0] =	vst.idx.msk $0xffff, v38  }
0x310: {  	v41 =	vor.u32 v13, v1;
	v38 =	vld.idx.msk [tilespmem:v57+s15+$0x0], $0xffff  }
0x311: {  	v57 =	vor.u32 v29, v37;
	_ =	sdelay $0x3  }
0x312: {  	[tilespmem:v41+s10+$0x0] =	vst.idx.msk $0xffff, v38  }
0x313: {  	v41 =	vor.u32 v29, v1;
	v38 =	vld.idx.msk [tilespmem:v57+s15+$0x0], $0xffff  }
0x314: {  	v57 =	vor.u32 v15, v37;
	_ =	sdelay $0x3  }
0x315: {  	[tilespmem:v41+s10+$0x0] =	vst.idx.msk $0xffff, v38  }
0x316: {  	v41 =	vor.u32 v15, v1;
	v38 =	vld.idx.msk [tilespmem:v57+s15+$0x0], $0xffff  }
0x317: {  	v57 =	vor.u32 v16, v37;
	_ =	sdelay $0x3  }
0x318: {  	[tilespmem:v41+s10+$0x0] =	vst.idx.msk $0xffff, v38  }
0x319: {  	v41 =	vor.u32 v16, v1;
	v38 =	vld.idx.msk [tilespmem:v57+s15+$0x0], $0xffff  }
0x31a: {  	v57 =	vor.u32 v35, v37;
	_ =	sdelay $0x3  }
0x31b: {  	[tilespmem:v41+s10+$0x0] =	vst.idx.msk $0xffff, v38  }
0x31c: {  	v41 =	vor.u32 v35, v1;
	v38 =	vld.idx.msk [tilespmem:v57+s15+$0x0], $0xffff  }
0x31d: {  	v57 =	vor.u32 v39, v37;
	_ =	sdelay $0x3  }
0x31e: {  	[tilespmem:v41+s10+$0x0] =	vst.idx.msk $0xffff, v38  }
0x31f: {  	v41 =	vor.u32 v39, v1;
	v38 =	vld.idx.msk [tilespmem:v57+s15+$0x0], $0xffff  }
0x320: {  	v57 =	vor.u32 v17, v37;
	_ =	sdelay $0x3  }
0x321: {  	[tilespmem:v41+s10+$0x0] =	vst.idx.msk $0xffff, v38  }
0x322: {  	v41 =	vor.u32 v17, v1;
	v38 =	vld.idx.msk [tilespmem:v57+s15+$0x0], $0xffff  }
0x323: {  	v57 =	vor.u32 v18, v37;
	_ =	sdelay $0x3  }
0x324: {  	[tilespmem:v41+s10+$0x0] =	vst.idx.msk $0xffff, v38  }
0x325: {  	v41 =	vor.u32 v18, v1;
	v38 =	vld.idx.msk [tilespmem:v57+s15+$0x0], $0xffff  }
0x326: {  	v57 =	vor.u32 v19, v37;
	_ =	sdelay $0x3  }
0x327: {  	[tilespmem:v41+s10+$0x0] =	vst.idx.msk $0xffff, v38  }
0x328: {  	v41 =	vor.u32 v19, v1;
	v38 =	vld.idx.msk [tilespmem:v57+s15+$0x0], $0xffff  }
0x329: {  	v57 =	vor.u32 v20, v37;
	_ =	sdelay $0x3  }
0x32a: {  	[tilespmem:v41+s10+$0x0] =	vst.idx.msk $0xffff, v38  }
0x32b: {  	v41 =	vor.u32 v20, v1;
	v38 =	vld.idx.msk [tilespmem:v57+s15+$0x0], $0xffff  }
0x32c: {  	v57 =	vor.u32 v21, v37;
	_ =	sdelay $0x3  }
0x32d: {  	[tilespmem:v41+s10+$0x0] =	vst.idx.msk $0xffff, v38  }
0x32e: {  	v41 =	vor.u32 v21, v1;
	v38 =	vld.idx.msk [tilespmem:v57+s15+$0x0], $0xffff  }
0x32f: {  	v57 =	vor.u32 v22, v37;
	_ =	sdelay $0x3  }
0x330: {  	[tilespmem:v41+s10+$0x0] =	vst.idx.msk $0xffff, v38  }
0x331: {  	v41 =	vor.u32 v22, v1;
	v38 =	vld.idx.msk [tilespmem:v57+s15+$0x0], $0xffff  }
0x332: {  	v57 =	vor.u32 v2, v37;
	_ =	sdelay $0x3  }
0x333: {  	[tilespmem:v41+s10+$0x0] =	vst.idx.msk $0xffff, v38  }
0x334: {  	v41 =	vor.u32 v2, v1;
	v38 =	vld.idx.msk [tilespmem:v57+s15+$0x0], $0xffff  }
0x335: {  	v57 =	vor.u32 v25, v37;
	_ =	sdelay $0x3  }
0x336: {  	[tilespmem:v41+s10+$0x0] =	vst.idx.msk $0xffff, v38  }
0x337: {  	v41 =	vor.u32 v25, v1;
	v38 =	vld.idx.msk [tilespmem:v57+s15+$0x0], $0xffff  }
0x338: {  	v57 =	vor.u32 v27, v37;
	_ =	sdelay $0x3  }
0x339: {  	[tilespmem:v41+s10+$0x0] =	vst.idx.msk $0xffff, v38  }
0x33a: {  	v41 =	vor.u32 v27, v1;
	v38 =	vld.idx.msk [tilespmem:v57+s15+$0x0], $0xffff  }
0x33b: {  	v57 =	vor.u32 v12, v37;
	_ =	sdelay $0x3  }
0x33c: {  	[tilespmem:v41+s10+$0x0] =	vst.idx.msk $0xffff, v38  }
0x33d: {  	v41 =	vor.u32 v12, v1;
	v38 =	vld.idx.msk [tilespmem:v57+s15+$0x0], $0xffff  }
0x33e: {  	v57 =	vor.u32 v14, v37;
	_ =	sdelay $0x3  }
0x33f: {  	[tilespmem:v41+s10+$0x0] =	vst.idx.msk $0xffff, v38  }
0x340: {  	v41 =	vor.u32 v14, v1;
	v38 =	vld.idx.msk [tilespmem:v57+s15+$0x0], $0xffff  }
0x341: {  	v57 =	vor.u32 v31, v37;
	_ =	sdelay $0x3  }
0x342: {  	[tilespmem:v41+s10+$0x0] =	vst.idx.msk $0xffff, v38  }
0x343: {  	v41 =	vor.u32 v31, v1;
	v38 =	vld.idx.msk [tilespmem:v57+s15+$0x0], $0xffff  }
0x344: {  	v57 =	vor.u32 v23, v37;
	_ =	sdelay $0x3  }
0x345: {  	[tilespmem:v41+s10+$0x0] =	vst.idx.msk $0xffff, v38  }
0x346: {  	v41 =	vor.u32 v23, v1;
	v38 =	vld.idx.msk [tilespmem:v57+s15+$0x0], $0xffff  }
0x347: {  	v57 =	vor.u32 v33, v37;
	_ =	sdelay $0x3  }
0x348: {  	[tilespmem:v41+s10+$0x0] =	vst.idx.msk $0xffff, v38  }
0x349: {  	v41 =	vor.u32 v33, v1;
	v38 =	vld.idx.msk [tilespmem:v57+s15+$0x0], $0xffff  }
0x34a: {  	v37 =	vor.u32 v34, v37;
	_ =	sdelay $0x3  }
0x34b: {  	v36 =	vshll.u32 v36, $0x7;
	[tilespmem:v41+s10+$0x0] =	vst.idx.msk $0xffff, v38  }
0x34c: {  	v36 =	vand.u32 $0xF80, v36;
	v57 =	vlaneseq.u32;
	v38 =	vor.u32 v34, v1;
	v37 =	vld.idx.msk [tilespmem:v37+s15+$0x0], $0xffff  }
0x34d: {  	v41 =	vor.u32 v57, v36;
	_ =	sdelay $0x3  }
0x34e: {  	[tilespmem:v38+s10+$0x0] =	vst.idx.msk $0xffff, v37  }
0x34f: {  	v37 =	vld.idx.msk [tilespmem:v41+s17+$0x0], $0xffff  }
0x350: {  	v41 =	vld [tilespmem:$0x1FE30];
	_ =	sdelay $0x4  }
0x351: {  	v38 =	vor.u32 v41, v1;
	v41 =	vld [tilespmem:$0x1FC60];
	_ =	sdelay $0x4  }
0x352: {  	v41 =	vor.u32 v41, v36;
	_ =	sdelay $0x3  }
0x353: {  	[tilespmem:v38+s10+$0x0] =	vst.idx.msk $0xffff, v37  }
0x354: {  	v37 =	vld.idx.msk [tilespmem:v41+s17+$0x0], $0xffff  }
0x355: {  	v41 =	vld [tilespmem:$0x1FE60];
	_ =	sdelay $0x4  }
0x356: {  	v38 =	vor.u32 v41, v1;
	v41 =	vld [tilespmem:$0x1FC80];
	_ =	sdelay $0x4  }
0x357: {  	v41 =	vor.u32 v41, v36;
	_ =	sdelay $0x3  }
0x358: {  	[tilespmem:v38+s10+$0x0] =	vst.idx.msk $0xffff, v37  }
0x359: {  	v38 =	vor.u32 v30, v1;
	v37 =	vld.idx.msk [tilespmem:v41+s17+$0x0], $0xffff  }
0x35a: {  	v41 =	vor.u32 v40, v36;
	_ =	sdelay $0x3  }
0x35b: {  	[tilespmem:v38+s10+$0x0] =	vst.idx.msk $0xffff, v37  }
0x35c: {  	v38 =	vor.u32 v24, v1;
	v37 =	vld.idx.msk [tilespmem:v41+s17+$0x0], $0xffff  }
0x35d: {  	v41 =	vor.u32 v32, v36;
	_ =	sdelay $0x3  }
0x35e: {  	[tilespmem:v38+s10+$0x0] =	vst.idx.msk $0xffff, v37  }
0x35f: {  	v38 =	vor.u32 v26, v1;
	v37 =	vld.idx.msk [tilespmem:v41+s17+$0x0], $0xffff  }
0x360: {  	v41 =	vor.u32 v42, v36;
	_ =	sdelay $0x3  }
0x361: {  	[tilespmem:v38+s10+$0x0] =	vst.idx.msk $0xffff, v37  }
0x362: {  	v38 =	vor.u32 v43, v1;
	v37 =	vld.idx.msk [tilespmem:v41+s17+$0x0], $0xffff  }
0x363: {  	v41 =	vor.u32 v44, v36;
	_ =	sdelay $0x3  }
0x364: {  	[tilespmem:v38+s10+$0x0] =	vst.idx.msk $0xffff, v37  }
0x365: {  	v38 =	vor.u32 v45, v1;
	v37 =	vld.idx.msk [tilespmem:v41+s17+$0x0], $0xffff  }
0x366: {  	v41 =	vor.u32 v46, v36;
	_ =	sdelay $0x3  }
0x367: {  	[tilespmem:v38+s10+$0x0] =	vst.idx.msk $0xffff, v37  }
0x368: {  	v37 =	vld.idx.msk [tilespmem:v41+s17+$0x0], $0xffff  }
0x369: {  	v41 =	vld [tilespmem:$0x1FD80];
	_ =	sdelay $0x3  }
0x36a: {  	v38 =	vor.u32 v47, v1  }
0x36b: {  	v41 =	vor.u32 v41, v36;
	_ =	sdelay $0x3  }
0x36c: {  	[tilespmem:v38+s10+$0x0] =	vst.idx.msk $0xffff, v37  }
0x36d: {  	v38 =	vor.u32 v48, v1;
	v37 =	vld.idx.msk [tilespmem:v41+s17+$0x0], $0xffff  }
0x36e: {  	v41 =	vor.u32 v49, v36;
	_ =	sdelay $0x3  }
0x36f: {  	[tilespmem:v38+s10+$0x0] =	vst.idx.msk $0xffff, v37  }
0x370: {  	v38 =	vor.u32 v50, v1;
	v37 =	vld.idx.msk [tilespmem:v41+s17+$0x0], $0xffff  }
0x371: {  	v41 =	vor.u32 v51, v36;
	_ =	sdelay $0x3  }
0x372: {  	[tilespmem:v38+s10+$0x0] =	vst.idx.msk $0xffff, v37  }
0x373: {  	v38 =	vor.u32 v52, v1;
	v37 =	vld.idx.msk [tilespmem:v41+s17+$0x0], $0xffff  }
0x374: {  	v41 =	vor.u32 v53, v36;
	_ =	sdelay $0x3  }
0x375: {  	[tilespmem:v38+s10+$0x0] =	vst.idx.msk $0xffff, v37  }
0x376: {  	v38 =	vor.u32 v54, v1;
	v37 =	vld.idx.msk [tilespmem:v41+s17+$0x0], $0xffff  }
0x377: {  	v41 =	vor.u32 v55, v36;
	_ =	sdelay $0x3  }
0x378: {  	[tilespmem:v38+s10+$0x0] =	vst.idx.msk $0xffff, v37  }
0x379: {  	v38 =	vor.u32 v56, v1;
	v37 =	vld.idx.msk [tilespmem:v41+s17+$0x0], $0xffff  }
0x37a: {  	v41 =	vor.u32 v58, v36;
	_ =	sdelay $0x3  }
0x37b: {  	[tilespmem:v38+s10+$0x0] =	vst.idx.msk $0xffff, v37  }
0x37c: {  	v38 =	vor.u32 v59, v1;
	v37 =	vld.idx.msk [tilespmem:v41+s17+$0x0], $0xffff  }
0x37d: {  	v41 =	vor.u32 v60, v36;
	_ =	sdelay $0x3  }
0x37e: {  	[tilespmem:v38+s10+$0x0] =	vst.idx.msk $0xffff, v37  }
0x37f: {  	v38 =	vor.u32 v61, v1;
	v37 =	vld.idx.msk [tilespmem:v41+s17+$0x0], $0xffff  }
0x380: {  	v36 =	vor.u32 v62, v36;
	_ =	sdelay $0x3  }
0x381: {  	[tilespmem:v38+s10+$0x0] =	vst.idx.msk $0xffff, v37  }
0x382: {  	p0 =	sne.s32 s0, $0x60;
	v1 =	vor.u32 v63, v1;
	v36 =	vld.idx.msk [tilespmem:v36+s17+$0x0], $0xffff  }
.Ltmp3:
0x383: {  	_ = 	snop;
	(pc) =	sbr.rel @p0 .LBB2_9-.Ltmp3, $2  }
0x384: {  	_ =	sdelay $0x2  }
0x385: {  	s6 =	sadd.s32 $0x10, s6;
	s0 =	sadd.s32 $0x10, s0;
	v41 =	vmov v0;
	[tilespmem:v1+s10+$0x0] =	vst.idx.msk $0xffff, v36  }
0x386: {  	s0 =	smul.u32 $0xC800, s20  }
0x387: {  	_ =	swait.ge [sflag:s11], $0x3000  }
0x388: {  	[sflag:s11] =	ssyncset.done $0x0;
	s0 =	sshrl.u32 s0, $0x3  }
0x389: {  	[sflag:s11] =	ssyncadd.s32 $0xFFFFD000;
	s6 =	sadd.s32 s8, s0  }
0x38a: {  	[hbm4b:s6+s15] =	stream.strided.scatter [tilespmem:s3], [sflag:$0x9], $0x3000, s30, s15, $0x38;
	[tilespmem:$0x1E400] =	vst v63  }
0x38b: {  	s16 =	sadd.s32 $0x1, s16;
	s0 =	sadd.s32 s0, s13  }
0x38c: {  	[hbm4b:s0+s15] =	stream.strided.scatter [tilespmem:s18], [sflag:$0x9], $0x3000, s30, s15, $0x38;
	[tilespmem:$0x1E400] =	vst v63  }
0x38d: {  	p0 =	sne.s32 s16, $0x40;
	_ =	swait.ge [sflag:s14], $0x3400  }
.Ltmp4:
0x38e: {  	[sflag:s14] =	ssyncset.done $0x0;
	(pc) =	sbr.rel @p0 .LBB2_2-.Ltmp4, $4  }
0x38f: {  	s9 =	sadd.s32 $0xC00, s6;
	[sflag:s14] =	ssyncadd.s32 $0xFFFFCC00  }
0x390: {  	[hbm4b:s9+s15] =	stream.strided.scatter [tilespmem:s7], [sflag:$0xA], $0x3400, s30, s15, $0x38;
	[tilespmem:$0x1E400] =	vst v63  }
0x391: {  	s20 =	sadd.s32 $0xC80, s6  }
0x392: {  	v23 =	vmov v39;
	[hbm4b:s20+s15] =	stream.strided.scatter [tilespmem:s10], [sflag:$0xA], $0x3400, s30, s15, $0x38;
	[tilespmem:$0x1E400] =	vst v63  }
0x393: {  	s0 =	simm.s32 $0x7  }
0x394: {  	_ =	swait.ge [sflag:s0], $0x3000  }
0x395: {  	[sflag:s0] =	ssyncset.done $0x0  }
0x396: {  	[sflag:s0] =	ssyncadd.s32 $0xFFFFD000  }
0x397: {  	_ =	swait.ge [sflag:s0], $0x3000  }
0x398: {  	[sflag:s0] =	ssyncset.done $0x0  }
0x399: {  	s9 =	simm.s32 $0x8;
	[sflag:s0] =	ssyncadd.s32 $0xFFFFD000  }
0x39a: {  	_ =	swait.ge [sflag:s9], $0x3400  }
0x39b: {  	[sflag:s9] =	ssyncset.done $0x0  }
0x39c: {  	[sflag:s9] =	ssyncadd.s32 $0xFFFFCC00  }
0x39d: {  	_ =	swait.ge [sflag:s9], $0x3400  }
0x39e: {  	[sflag:s9] =	ssyncset.done $0x0  }
0x39f: {  	s16 =	simm.s32 $0x9;
	[sflag:s9] =	ssyncadd.s32 $0xFFFFCC00  }
0x3a0: {  	_ =	swait.ge [sflag:s16], $0x3000  }
0x3a1: {  	[sflag:s16] =	ssyncset.done $0x0  }
0x3a2: {  	[sflag:s16] =	ssyncadd.s32 $0xFFFFD000  }
0x3a3: {  	_ =	swait.ge [sflag:s16], $0x3000  }
0x3a4: {  	[sflag:s16] =	ssyncset.done $0x0  }
0x3a5: {  	s6 =	simm.s32 $0xA;
	[sflag:s16] =	ssyncadd.s32 $0xFFFFD000  }
0x3a6: {  	_ =	swait.ge [sflag:s6], $0x3400  }
0x3a7: {  	[sflag:s6] =	ssyncset.done $0x0  }
0x3a8: {  	[sflag:s6] =	ssyncadd.s32 $0xFFFFCC00  }
0x3a9: {  	_ =	swait.ge [sflag:s6], $0x3400  }
0x3aa: {  	s9 =	rddreg [dreg:$0xa]  }
0x3ab: {  	s20 =	rddreg [dreg:$0x9];
	s9 =	sadd.s32 $0x1, s9  }
0x3ac: {  	p0 =	sne.s32 s9, s20  }
.Ltmp5:
0x3ad: {  	_ = 	snop;
	(pc) =	sbr.rel @p0 .LBB2_1-.Ltmp5, $3  }
0x3ae: {  	_ =	sdelay $0x1  }
0x3af: {  	[sflag:s6] =	ssyncset.done $0x0  }
0x3b0: {  	[sflag:s6] =	ssyncadd.s32 $0xFFFFCC00  }
0x3b1: {  	_ =	sfence.sel $0x180000  }
0x3b2: {  	[bflag:$0x0] =	sbarrier.arrive $0xFFFF  }
0x3b3: {  	_ =	strace $0x90000047  }
0x3b4: {  	s0 =	stileid.u32;
	[bflag:$0x2] =	sbarrier.arrive $0xFFFF  }
0x3b5: {  	p0 =	sne.s32 s0, $0x0;
	s0 =	rddreg [dreg:$0x3]  }
0x3b6: {  	s0 =	sadd.s32 @!p0 $0x100000, s0  }
0x3b7: {  	[sflag:s0] =	ssyncadd.tile.s32 @!p0 $0x1;
	_ =	shalt  }
.Lfunc_end2:
_tile_overlayer_lowered:
.L_overlay_start_2:
0x3b8: {  	(tag) =	ssettag $0x2  }
0x3b9: {  	s0 =	rddreg [dreg:$0x0];
	s2 =	stileid.u32  }
0x3ba: {  	s1 =	rddreg [dreg:$0x1];
	p0 =	sne.s32 s2, $0x0  }
0x3bb: {  	s3 =	rddreg [dreg:$0x2];
	[bflag:$0x3] =	sbarrier.arrive $0xFFFF;
	s2 =	simm.s32 @!p0 $0x1C0B  }
0x3bc: {  	[timem:s3], [sflag:s2] =	dma.local @!p0 [hbm:s0], s1  }
0x3bd: {  	s0 =	simm.s32 @!p0 $0xB  }
0x3be: {  	_ =	swait.ge @!p0 [sflag:s0], s1  }
0x3bf: {  	s1 =	ssub.s32 @!p0 $0x0, s1;
	[sflag:s0] =	ssyncset.done @!p0 $0x0  }
0x3c0: {  	[sflag:s0] =	ssyncadd.s32 @!p0 s1  }
0x3c1: {  	[bflag:$0x3] =	sbarrier.arrive $0xFFFF  }
0x3c2: {  	_ =	shalt  }

</sc_bundles>
